<compile_context>
chip_gen: v7x
topology: tpu7x:2x2x1
jax: 0.10.2.dev20260603
libtpu: 0.0.44.dev20260713+nightly
codegen_flags: <defaults>
</compile_context>

<pallas_src>
import jax
import jax.numpy as jnp
import numpy as np
from jax import lax
from jax.experimental import pallas as pl
from jax.experimental.pallas import tpu as pltpu

N_E = 8192
E_DIM = 256
V_PATCH = [1, 2, 3, 4, 5, 6, 8, 10, 13, 16]
QUANT_RESI = 0.5
BETA = 0.25
SHARE_K = 4
B = 16
H = 16
SN = len(V_PATCH)
N_TOK = B * H * H
PAD = 24
KB = 1024
CHUNK = 512


def _area_mat(in_s, out_s):
    M = np.zeros((out_s, in_s), np.float32)
    for i in range(out_s):
        s = (i * in_s) // out_s
        e = ((i + 1) * in_s + out_s - 1) // out_s
        M[i, s:e] = 1.0 / (e - s)
    return M


def _cub_w(x, a=-0.75):
    ax = abs(x)
    if ax <= 1.0:
        return (a + 2) * ax ** 3 - (a + 3) * ax ** 2 + 1.0
    if ax < 2.0:
        return a * ax ** 3 - 5 * a * ax ** 2 + 8 * a * ax - 4 * a
    return 0.0


def _up_mat(in_s, out_s):
    M = np.zeros((out_s, in_s), np.float32)
    for i in range(out_s):
        src = (i + 0.5) * in_s / out_s - 0.5
        fl = int(np.floor(src))
        for k in range(fl - 1, fl + 3):
            w = _cub_w(src - k)
            idx = min(max(k, 0), in_s - 1)
            M[i, idx] += w
    return M


def _pad8(n):
    return (n + 7) // 8 * 8


def _build_static():
    st = []
    for pn in V_PATCH[:-1]:
        pnsq = pn * pn
        P = _pad8(pnsq)
        M = _area_mat(H, pn)
        U = _up_mat(pn, H)
        d = {'pn': pn, 'P': P}
        if pn == 1:
            D0 = np.zeros((P, 256), np.float32)
            D0[0, :] = np.kron(M[0], M[0])
            d['dmats'] = [D0]
            U20 = np.zeros((256, P), np.float32)
            U20[:, 0] = np.kron(U[:, 0], U[:, 0])
            d['umats'] = [np.roll(U20, r, axis=0) for r in (0, -1, 1)]
        else:
            S1d = np.zeros((16 * pn, 256), np.float32)
            for w in range(16):
                for o in range(pn):
                    for h in range(16):
                        S1d[w * pn + o, h * 16 + w] = M[o, h]
            S2d = np.zeros((P, 16 * pn), np.float32)
            for o in range(pn):
                for p in range(pn):
                    for w in range(16):
                        S2d[o * pn + p, w * pn + o] = M[p, w]
            d['dmats'] = [S2d, S1d]
            S1u = np.zeros((16 * pn, P), np.float32)
            for w2 in range(pn):
                for o in range(16):
                    for h2 in range(pn):
                        S1u[w2 * 16 + o, h2 * pn + w2] = U[o, h2]
            S2u = np.zeros((256, 16 * pn), np.float32)
            for o in range(16):
                for p in range(16):
                    for w2 in range(pn):
                        S2u[o * 16 + p, w2 * 16 + o] = U[p, w2]
            d['umats'] = [np.roll(S2u, r, axis=0) for r in (0, -1, 1)] + [S1u]
        st.append(d)
    t = np.arange(N_TOK)
    y = (t % 256) // 16
    x = t % 16
    masks = np.zeros((N_TOK, 9), np.float32)
    for ky in range(3):
        for kx in range(3):
            ok = ((y + ky - 1 >= 0) & (y + ky - 1 < 16)
                  & (x + kx - 1 >= 0) & (x + kx - 1 < 16))
            masks[:, ky * 3 + kx] = ok.astype(np.float32)
    ticks = np.linspace(1.0 / 3 / SHARE_K, 1.0 - 1.0 / 3 / SHARE_K, SHARE_K)
    pis = [int(np.argmin(np.abs(ticks - si / (SN - 1)))) for si in range(SN)]
    return st, masks, pis


_ST, _MASKS, _PIS = _build_static()
_TPAD = [16 * d['P'] for d in _ST] + [N_TOK]


def _chunks(total, ch):
    out, c0 = [], 0
    while c0 < total:
        n = min(ch, total - c0)
        out.append((c0, n))
        c0 += n
    return out


def _recon_block(si, h_small_ref, umat_refs, wts_ref, bias_ref, masks_ref,
                 f_ref, frest_in, fhat_in, fr_out, fh_out, ssd_ref,
                 hc_ref, hl_ref, hr_ref, loss_sc):
    f32 = jnp.float32
    zm = jnp.zeros((PAD, E_DIM), f32)
    for hp in (hc_ref, hl_ref, hr_ref):
        hp[0:PAD, :] = zm
        hp[PAD + N_TOK:PAD + N_TOK + PAD, :] = zm
    if si == SN - 1:
        for (c0, ch) in _chunks(N_TOK, CHUNK):
            hc_ref[PAD + c0:PAD + c0 + ch, :] = h_small_ref[c0:c0 + ch, :]
        for (c0, ch) in _chunks(N_TOK, CHUNK):
            hl_ref[PAD + c0:PAD + c0 + ch, :] = \
                hc_ref[PAD + c0 + 1:PAD + c0 + ch + 1, :]
            hr_ref[PAD + c0:PAD + c0 + ch, :] = \
                hc_ref[PAD + c0 - 1:PAD + c0 + ch - 1, :]
    elif si == 0:
        u2c, u2l, u2r = umat_refs

        def up_body(b, _):
            row = h_small_ref[pl.ds(b * 8, 1), :]
            dst = pl.ds(PAD + b * 256, 256)
            hc_ref[dst, :] = u2c[:, 0:1] * row
            hl_ref[dst, :] = u2l[:, 0:1] * row
            hr_ref[dst, :] = u2r[:, 0:1] * row
            return 0
        lax.fori_loop(0, B, up_body, 0)
    else:
        u2c, u2l, u2r, s1u = umat_refs
        P = _ST[si]['P']

        def up_body(b, _):
            vb = h_small_ref[pl.ds(b * P, P), :]
            t1 = jnp.dot(s1u[...], vb, preferred_element_type=f32)
            dst = pl.ds(PAD + b * 256, 256)
            hc_ref[dst, :] = jnp.dot(u2c[...], t1, preferred_element_type=f32)
            hl_ref[dst, :] = jnp.dot(u2l[...], t1, preferred_element_type=f32)
            hr_ref[dst, :] = jnp.dot(u2r[...], t1, preferred_element_type=f32)
            return 0
        lax.fori_loop(0, B, up_body, 0)

    loss_sc[0] = jnp.float32(0.0)

    def conv_body(c, _):
        c0 = c * CHUNK
        acc = None
        for ky in range(3):
            for kx in range(3):
                tap = ky * 3 + kx
                srcp = (hr_ref, hc_ref, hl_ref)[kx]
                off = PAD + 16 * (ky - 1)
                sh = srcp[pl.ds(c0 + off, CHUNK), :]
                msk = masks_ref[pl.ds(c0, CHUNK), tap:tap + 1]
                t = jnp.dot(sh * msk, wts_ref[tap],
                            preferred_element_type=f32)
                acc = t if acc is None else acc + t
        conv = acc + jnp.broadcast_to(bias_ref[0:1, :], (CHUNK, E_DIM))
        hcc = hc_ref[pl.ds(c0 + PAD, CHUNK), :]
        hnew = hcc * 0.5 + conv * 0.5
        s = pl.ds(c0, CHUNK)
        fh = fhat_in[s, :] + hnew
        fh_out[s, :] = fh
        if fr_out is not None:
            fr_out[s, :] = frest_in[s, :] - hnew
        d = fh - f_ref[s, :]
        loss_sc[0] += jnp.sum(d * d)
        return 0
    lax.fori_loop(0, N_TOK // CHUNK, conv_body, 0)
    ssd_ref[:, :] = jnp.full((1, 1), loss_sc[0], f32)


def _search_block(si, src_ref, embn_ref, tok_ref, idx_ref, dmat_refs):
    f32 = jnp.float32
    if si == SN - 1:
        tsrc = src_ref
    elif si == 0:
        d0 = dmat_refs[0]

        def down_body(b, _):
            rb = src_ref[pl.ds(b * 256, 256), :]
            tok_ref[pl.ds(b * 8, 8), :] = jnp.dot(
                d0[...], rb, preferred_element_type=f32)
            return 0
        lax.fori_loop(0, B, down_body, 0)
        tsrc = tok_ref
    else:
        s2d, s1d = dmat_refs
        P = _ST[si]['P']

        def down_body(b, _):
            rb = src_ref[pl.ds(b * 256, 256), :]
            a1 = jnp.dot(s1d[...], rb, preferred_element_type=f32)
            tok_ref[pl.ds(b * P, P), :] = jnp.dot(
                s2d[...], a1, preferred_element_type=f32)
            return 0
        lax.fori_loop(0, B, down_body, 0)
        tsrc = tok_ref

    T = _TPAD[si]
    for (c0, ch) in _chunks(T, CHUNK):
        tok = tsrc[c0:c0 + ch, :]
        nrm = jnp.sqrt(jnp.sum(tok * tok, axis=1, keepdims=True))
        tokn = (tok / jnp.maximum(nrm, 1e-12)).astype(jnp.bfloat16)

        def tile_body(k, carry, tokn=tokn, ch=ch):
            m, sel = carry
            et = embn_ref[:, pl.ds(k * KB, KB)]
            L = jnp.dot(tokn, et, preferred_element_type=f32)
            mk = jnp.max(L, axis=1, keepdims=True)
            iot = lax.broadcasted_iota(jnp.int32, (ch, KB), 1)
            cand = jnp.where(L == mk, iot, jnp.int32(1 << 30))
            ak = jnp.min(cand, axis=1, keepdims=True)
            upd = mk > m
            return (jnp.where(upd, mk, m),
                    jnp.where(upd, ak + k * KB, sel))

        init = (jnp.full((ch, 1), -jnp.inf, f32),
                jnp.zeros((ch, 1), jnp.int32))
        _, sel = lax.fori_loop(0, N_E // KB, tile_body, init)
        idx_ref[c0:c0 + ch, :] = sel


def _make_stage(si):
    nu = 3 if si - 1 == 0 else 4
    nd = 1 if si == 0 else (0 if si == SN - 1 else 2)

    if si == 0:
        def body(*refs):
            (f_ref, embn_ref, d0_ref, idx_ref, tok_ref) = refs
            _search_block(0, f_ref, embn_ref, tok_ref, idx_ref, (d0_ref,))
        return body

    def body(*refs):
        i = 0
        frest_ref, fhat_ref, f_ref, hs_ref, embn_ref = refs[i:i + 5]; i += 5
        umats = refs[i:i + nu]; i += nu
        wts_ref, bias_ref, masks_ref = refs[i:i + 3]; i += 3
        dmats = refs[i:i + nd]; i += nd
        fr_out, fh_out, idx_ref, ssd_ref = refs[i:i + 4]; i += 4
        hc_ref, hl_ref, hr_ref, tok_ref, loss_sc = refs[i:i + 5]
        _recon_block(si - 1, hs_ref, umats, wts_ref, bias_ref, masks_ref,
                     f_ref, frest_ref, fhat_ref, fr_out, fh_out, ssd_ref,
                     hc_ref, hl_ref, hr_ref, loss_sc)
        _search_block(si, fr_out, embn_ref, tok_ref, idx_ref, dmats)
    return body


def _final_body(*refs):
    (fhat_ref, f_ref, hs_ref, wts_ref, bias_ref, masks_ref,
     fh_out, ssd_ref, hc_ref, hl_ref, hr_ref, loss_sc) = refs
    _recon_block(SN - 1, hs_ref, (), wts_ref, bias_ref, masks_ref,
                 f_ref, None, fhat_ref, None, fh_out, ssd_ref,
                 hc_ref, hl_ref, hr_ref, loss_sc)


def _enc_kernel(idx_ref, enc_ref, perp_ref, cnt_ref):
    i = pl.program_id(0)

    @pl.when(i == 0)
    def _():
        cnt_ref[:, :] = jnp.zeros((1, N_E), jnp.float32)

    iot = lax.broadcasted_iota(jnp.int32, (256, N_E), 1)
    oh = (iot == idx_ref[:, :]).astype(jnp.float32)
    enc_ref[:, :] = oh
    cnt_ref[:, :] += jnp.sum(oh, axis=0, keepdims=True)

    @pl.when(i == N_TOK // 256 - 1)
    def _():
        p = cnt_ref[:, :] * (1.0 / N_TOK)
        ent = jnp.sum(p * jnp.log(p + 1e-10))
        perp_ref[:, :] = jnp.full((1, 1), jnp.exp(-ent), jnp.float32)


_HPAD_SCR = pltpu.VMEM((N_TOK + 2 * PAD, E_DIM), jnp.float32)


@jax.jit
def kernel(f_BChw, embedding, phi_w, phi_b):
    f32 = jnp.float32
    f_tok = jnp.transpose(f_BChw, (0, 2, 3, 1)).reshape(N_TOK, E_DIM)
    emb_n = embedding / jnp.clip(
        jnp.linalg.norm(embedding, axis=1, keepdims=True), 1e-12)
    embn_T = emb_n.T.astype(jnp.bfloat16)
    wts = jnp.transpose(phi_w, (0, 3, 4, 2, 1)).reshape(SHARE_K * 9,
                                                        E_DIM, E_DIM)
    masks = jnp.asarray(_MASKS)
    sjnp = [{k: ([jnp.asarray(m) for m in d[k]] if isinstance(d[k], list)
                 else d[k]) for k in d} for d in _ST]

    idx0 = pl.pallas_call(
        _make_stage(0),
        out_shape=jax.ShapeDtypeStruct((_TPAD[0], 1), jnp.int32),
        scratch_shapes=[pltpu.VMEM((_TPAD[0], E_DIM), f32)],
    )(f_tok, embn_T, sjnp[0]['dmats'][0])

    f_rest = f_tok
    f_hat = jnp.zeros((N_TOK, E_DIM), f32)
    idx = idx0
    ssds = []
    for si in range(1, SN):
        prev = si - 1
        h_small = jnp.take(embedding, idx[:, 0], axis=0)
        pi = _PIS[prev]
        wts_p = wts[9 * pi:9 * pi + 9]
        bias_p = phi_b[pi:pi + 1, :]
        umats = sjnp[prev]['umats']
        dmats = sjnp[si]['dmats'] if si < SN - 1 else []
        f_rest, f_hat, idx, ssd = pl.pallas_call(
            _make_stage(si),
            out_shape=(
                jax.ShapeDtypeStruct((N_TOK, E_DIM), f32),
                jax.ShapeDtypeStruct((N_TOK, E_DIM), f32),
                jax.ShapeDtypeStruct((_TPAD[si], 1), jnp.int32),
                jax.ShapeDtypeStruct((1, 1), f32),
            ),
            scratch_shapes=[_HPAD_SCR, _HPAD_SCR, _HPAD_SCR,
                            pltpu.VMEM((_TPAD[si], E_DIM), f32),
                            pltpu.SMEM((1,), f32)],
            input_output_aliases={0: 0, 1: 1},
        )(f_rest, f_hat, f_tok, h_small, embn_T, *umats,
          wts_p, bias_p, masks, *dmats)
        ssds.append(ssd)

    h_small = jnp.take(embedding, idx[:, 0], axis=0)
    pi = _PIS[SN - 1]
    f_hat, ssd = pl.pallas_call(
        _final_body,
        out_shape=(jax.ShapeDtypeStruct((N_TOK, E_DIM), f32),
                   jax.ShapeDtypeStruct((1, 1), f32)),
        scratch_shapes=[_HPAD_SCR, _HPAD_SCR, _HPAD_SCR,
                        pltpu.SMEM((1,), f32)],
        input_output_aliases={0: 0},
    )(f_hat, f_tok, h_small, wts[9 * pi:9 * pi + 9],
      phi_b[pi:pi + 1, :], masks)
    ssds.append(ssd)

    loss = jnp.float32(0.0)
    for ssd in ssds:
        m = ssd[0, 0] * (1.0 / (N_TOK * E_DIM))
        loss = loss + BETA * m + m
    loss = loss / SN

    encodings, perp = pl.pallas_call(
        _enc_kernel,
        grid=(N_TOK // 256,),
        in_specs=[pl.BlockSpec((256, 1), lambda i: (i, 0))],
        out_specs=(pl.BlockSpec((256, N_E), lambda i: (i, 0)),
                   pl.BlockSpec((1, 1), lambda i: (0, 0))),
        out_shape=(jax.ShapeDtypeStruct((N_TOK, N_E), f32),
                   jax.ShapeDtypeStruct((1, 1), f32)),
        scratch_shapes=[pltpu.VMEM((1, N_E), f32)],
    )(idx)

    f_hat_out = f_hat.reshape(B, H, H, E_DIM).transpose(0, 3, 1, 2)
    last_idx = idx.reshape(N_TOK)
    return (f_hat_out, loss, (perp[0, 0], encodings, last_idx))

# --- scband reference (transcript-rebuilt; emitter-appended) ---
"""Pipeline reference for scband-multi-scale-residual-quantizer-10428180595131 (READ-ONLY COPY).

The authoritative reference and input builder live on the scoring server;
editing this copy changes nothing except your own understanding.
"""

import jax, jax.numpy as jnp
import numpy as np
import jax.lax as lax

N_E = 8192
E_DIM = 256
V_PATCH = [1, 2, 3, 4, 5, 6, 8, 10, 13, 16]
QUANT_RESI = 0.5
BETA = 0.25
SHARE_K = 4


def _area_matrix(in_s, out_s):
    M = np.zeros((out_s, in_s), np.float32)
    for i in range(out_s):
        s = (i * in_s) // out_s
        e = ((i + 1) * in_s + out_s - 1) // out_s
        M[i, s:e] = 1.0 / (e - s)
    return M


def _cubic_w(x, a=-0.75):
    ax = abs(x)
    if ax <= 1.0:
        return (a + 2) * ax ** 3 - (a + 3) * ax ** 2 + 1.0
    if ax < 2.0:
        return a * ax ** 3 - 5 * a * ax ** 2 + 8 * a * ax - 4 * a
    return 0.0


def _up_matrix(in_s, out_s):
    M = np.zeros((out_s, in_s), np.float32)
    for i in range(out_s):
        src = (i + 0.5) * in_s / out_s - 0.5
        fl = int(np.floor(src))
        for k in range(fl - 1, fl + 3):
            w = _cubic_w(src - k)
            idx = min(max(k, 0), in_s - 1)
            M[i, idx] += w
    return M


def setup_inputs(seed: int = 0):
    key = jax.random.key(seed)
    k1, k2, k3 = jax.random.split(key, 3)
    f_BChw = jax.random.normal(k1, (16, E_DIM, 16, 16), jnp.float32)
    embedding = jax.random.normal(k2, (N_E, E_DIM), jnp.float32)
    phi_w = jax.random.normal(k3, (SHARE_K, E_DIM, E_DIM, 3, 3), jnp.float32) * 0.02
    phi_b = jnp.zeros((SHARE_K, E_DIM), jnp.float32)
    return {"f_BChw": f_BChw, "embedding": embedding, "phi_w": phi_w, "phi_b": phi_b}


def _forward(f_BChw, embedding, phi_w, phi_b):
    f = f_BChw.astype(jnp.float32)
    B, C, H, W = f.shape
    SN = len(V_PATCH)
    ticks = np.linspace(1.0 / 3 / SHARE_K, 1.0 - 1.0 / 3 / SHARE_K, SHARE_K)
    r = abs(QUANT_RESI)
    f_ng = lax.stop_gradient(f)
    f_rest = f_ng
    f_hat = jnp.zeros_like(f)
    loss = jnp.float32(0.0)
    emb_ng = lax.stop_gradient(embedding)
    emb_n = emb_ng / jnp.clip(jnp.linalg.norm(emb_ng, axis=1, keepdims=True), 1e-12)
    last_idx = None
    for si, pn in enumerate(V_PATCH):
        if si != SN - 1:
            M = jnp.asarray(_area_matrix(H, pn))
            rest_small = jnp.einsum('oh,bchw,pw->bcop', M, f_rest, M)
        else:
            rest_small = f_rest
        rest_NC = rest_small.transpose(0, 2, 3, 1).reshape(-1, C)
        rest_n = rest_NC / jnp.clip(jnp.linalg.norm(rest_NC, axis=1, keepdims=True), 1e-12)
        idx_N = jnp.argmax(rest_n @ emb_n.T, axis=1)
        h_small = jnp.take(embedding, idx_N, axis=0).reshape(B, pn, pn, C).transpose(0, 3, 1, 2)
        if si != SN - 1:
            U = jnp.asarray(_up_matrix(pn, H))
            h = jnp.einsum('oh,bchw,pw->bcop', U, h_small, U)
        else:
            h = h_small
        pi = int(np.argmin(np.abs(ticks - si / (SN - 1))))
        conv = lax.conv_general_dilated(h, phi_w[pi], (1, 1), 'SAME', dimension_numbers=('NCHW', 'OIHW', 'NCHW'))
        conv = conv + phi_b[pi][None, :, None, None]
        h = h * (1.0 - r) + conv * r
        f_hat = f_hat + h
        f_rest = f_rest - h
        loss = loss + BETA * jnp.mean((lax.stop_gradient(f_hat) - f) ** 2) + jnp.mean((f_hat - f_ng) ** 2)
        last_idx = idx_N
    loss = loss / SN
    f_hat_out = lax.stop_gradient(f_hat) - f_ng + f
    return f_hat_out, loss, last_idx


def reference(f_BChw, embedding, phi_w, phi_b):
    f_hat, loss, last_idx = _forward(f_BChw, embedding, phi_w, phi_b)
    encodings = jax.nn.one_hot(last_idx, N_E, dtype=f_hat.dtype)
    avg_probs = jnp.mean(encodings, axis=0)
    perplexity = jnp.exp(-jnp.sum(avg_probs * jnp.log(avg_probs + 1e-10)))
    return (f_hat, loss, (perplexity, encodings, last_idx))

if __name__ == "__main__":
    import jax
    _d = setup_inputs()
    print(jax.jit(kernel)(*tuple(_d.values())))

</pallas_src>

<mosaic_0001>
module attributes {stable_mosaic.version = 14 : i64} {
  func.func @body(%arg0: memref<4096x256xf32, #tpu.memory_space<vmem>>, %arg1: memref<256x8192xbf16, #tpu.memory_space<vmem>>, %arg2: memref<8x256xf32, #tpu.memory_space<vmem>>, %arg3: memref<128x1xi32, #tpu.memory_space<vmem>>, %arg4: memref<128x256xf32, #tpu.memory_space<vmem>>) attributes {dimension_semantics = [], scalar_prefetch = 0 : i64, scratch_operands = 1 : i64, tpu.core_type = #tpu.core_type<tc>} {
    %scan3A = arith.constant 0 : i32
    %scan3A_0 = arith.constant 16 : i32
    %scan3A_1 = arith.addi %scan3A, %scan3A_0 : i32
    %scan3A_2 = arith.constant 1 : i32
    scf.for %scan3A_22 = %scan3A to %scan3A_1 step %scan3A_2  : i32 {
      %mul3A_23 = arith.constant 256 : i32
      %mul3A_24 = arith.muli %scan3A_22, %mul3A_23 : i32
      %get3A_25 = arith.index_cast %mul3A_24 : i32 to index
      %get3A_26 = arith.constant 0 : index
      %get3A_27 = vector.load %arg0[%get3A_25, %get3A_26] : memref<4096x256xf32, #tpu.memory_space<vmem>>, vector<256x256xf32>
      %get3A_28 = arith.constant 0 : index
      %get3A_29 = arith.constant 0 : index
      %get3A_30 = vector.load %arg2[%get3A_28, %get3A_29] : memref<8x256xf32, #tpu.memory_space<vmem>>, vector<8x256xf32>
      %dot_general3A = arith.constant dense<0.000000e+00> : vector<8x256xf32>
      %dot_general3A_31 = tpu.matmul %get3A_30, %get3A_27, %dot_general3A {dimension_numbers = #tpu.dot_dimension_numbers<[1], [0], [0], [1], [0, 0, 1, 1], [], []>, transpose_lhs_hint = false} : vector<8x256xf32>, vector<256x256xf32>, vector<8x256xf32> -> vector<8x256xf32>
      %mul3A_32 = arith.constant 8 : i32
      %mul3A_33 = arith.muli %scan3A_22, %mul3A_32 : i32
      %swap3A_34 = arith.index_cast %mul3A_33 : i32 to index
      %swap3A_35 = arith.constant 0 : index
      %swap3A_36 = vector.load %arg4[%swap3A_34, %swap3A_35] : memref<128x256xf32, #tpu.memory_space<vmem>>, vector<8x256xf32>
      tpu.vector_store %arg4[%swap3A_34, %swap3A_35], %dot_general3A_31 {strides = array<i32>} : memref<128x256xf32, #tpu.memory_space<vmem>>, vector<8x256xf32>,
    }
    %scan3A_3 = arith.constant 16 : i32
    %get3A = arith.constant 0 : index
    %get3A_4 = arith.constant 0 : index
    %get3A_5 = vector.load %arg4[%get3A, %get3A_4] : memref<128x256xf32, #tpu.memory_space<vmem>>, vector<128x256xf32>
    %mul3A = arith.mulf %get3A_5, %get3A_5 : vector<128x256xf32>
    %reduce_sum3A = arith.constant dense<0.000000e+00> : vector<128xf32>
    %reduce_sum3A_6 = vector.multi_reduction <add>, %mul3A, %reduce_sum3A [1] : vector<128x256xf32> to vector<128xf32>
    %broadcast_in_dim3A = vector.shape_cast %reduce_sum3A_6 : vector<128xf32> to vector<128x1xf32>
    %sqrt3A = math.sqrt %broadcast_in_dim3A : vector<128x1xf32>
    %max3A = arith.constant 9.99999996E-13 : f32
    %max3A_7 = vector.broadcast %max3A : f32 to vector<128x1xf32>
    %max3A_8 = arith.maximumf %sqrt3A, %max3A_7 : vector<128x1xf32>
    %div3A = vector.broadcast %max3A_8 : vector<128x1xf32> to vector<128x256xf32>
    %div3A_9 = arith.divf %get3A_5, %div3A : vector<128x256xf32>
    %convert_element_type3A = arith.truncf %div3A_9 : vector<128x256xf32> to vector<128x256xbf16>
    %broadcast_in_dim3A_10 = arith.constant 0xFF800000 : f32
    %broadcast_in_dim3A_11 = vector.broadcast %broadcast_in_dim3A_10 : f32 to vector<128x1xf32>
    %broadcast_in_dim3A_12 = arith.constant 0 : i32
    %broadcast_in_dim3A_13 = vector.broadcast %broadcast_in_dim3A_12 : i32 to vector<128x1xi32>
    %scan3A_14 = arith.constant 0 : i32
    %scan3A_15 = arith.constant 8 : i32
    %scan3A_16 = arith.addi %scan3A_14, %scan3A_15 : i32
    %scan3A_17 = arith.constant 1 : i32
    %scan3A_18:2 = scf.for %scan3A_22 = %scan3A_14 to %scan3A_16 step %scan3A_17 iter_args(%scan3A_23 = %broadcast_in_dim3A_11, %scan3A_24 = %broadcast_in_dim3A_13) -> (vector<128x1xf32>, vector<128x1xi32>)  : i32 {
      %mul3A_25 = arith.constant 1024 : i32
      %mul3A_26 = arith.muli %scan3A_22, %mul3A_25 : i32
      %get3A_27 = arith.constant 0 : index
      %get3A_28 = arith.index_cast %mul3A_26 : i32 to index
      %get3A_29 = vector.load %arg1[%get3A_27, %get3A_28] : memref<256x8192xbf16, #tpu.memory_space<vmem>>, vector<256x1024xbf16>
      %dot_general3A = arith.constant dense<0.000000e+00> : vector<128x1024xf32>
      %dot_general3A_30 = tpu.matmul %convert_element_type3A, %get3A_29, %dot_general3A {dimension_numbers = #tpu.dot_dimension_numbers<[1], [0], [0], [1], [0, 0, 1, 1], [], []>, transpose_lhs_hint = false} : vector<128x256xbf16>, vector<256x1024xbf16>, vector<128x1024xf32> -> vector<128x1024xf32>
      %reduce_max3A = arith.constant dense<0xFF800000> : vector<128xf32>
      %reduce_max3A_31 = vector.multi_reduction <maximumf>, %dot_general3A_30, %reduce_max3A [1] : vector<128x1024xf32> to vector<128xf32>
      %broadcast_in_dim3A_32 = vector.shape_cast %reduce_max3A_31 : vector<128xf32> to vector<128x1xf32>
      %iota3A = tpu.iota {dimensions = array<i32: 1>} : vector<128x1024xi32>
      %eq3A = vector.broadcast %broadcast_in_dim3A_32 : vector<128x1xf32> to vector<128x1024xf32>
      %eq3A_33 = arith.cmpf oeq, %dot_general3A_30, %eq3A : vector<128x1024xf32>
      %jit3A = arith.constant 1073741824 : i32
      %broadcast_in_dim3A_34 = vector.broadcast %jit3A : i32 to vector<128x1024xi32>
      %select_n3A = arith.select %eq3A_33, %iota3A, %broadcast_in_dim3A_34 : vector<128x1024xi1>, vector<128x1024xi32>
      %reduce_min3A = arith.constant dense<2147483647> : vector<128xi32>
      %reduce_min3A_35 = vector.multi_reduction <minsi>, %select_n3A, %reduce_min3A [1] : vector<128x1024xi32> to vector<128xi32>
      %broadcast_in_dim3A_36 = vector.shape_cast %reduce_min3A_35 : vector<128xi32> to vector<128x1xi32>
      %gt3A = arith.cmpf ogt, %broadcast_in_dim3A_32, %scan3A_23 : vector<128x1xf32>
      %select_n3A_37 = arith.select %gt3A, %broadcast_in_dim3A_32, %scan3A_23 : vector<128x1xi1>, vector<128x1xf32>
      %mul3A_38 = arith.constant 1024 : i32
      %mul3A_39 = arith.muli %scan3A_22, %mul3A_38 : i32
      %add3A = vector.broadcast %mul3A_39 : i32 to vector<128x1xi32>
      %add3A_40 = arith.addi %broadcast_in_dim3A_36, %add3A : vector<128x1xi32>
      %select_n3A_41 = arith.select %gt3A, %add3A_40, %scan3A_24 : vector<128x1xi1>, vector<128x1xi32>
      scf.yield %select_n3A_37, %select_n3A_41 : vector<128x1xf32>, vector<128x1xi32>
    }
    %scan3A_19 = arith.constant 8 : i32
    %swap3A = arith.constant 0 : index
    %swap3A_20 = arith.constant 0 : index
    %swap3A_21 = vector.load %arg3[%swap3A, %swap3A_20] : memref<128x1xi32, #tpu.memory_space<vmem>>, vector<128x1xi32>
    tpu.vector_store %arg3[%swap3A, %swap3A_20], %scan3A_18#1 {strides = array<i32>} : memref<128x1xi32, #tpu.memory_space<vmem>>, vector<128x1xi32>,
    return
  }
}

module attributes {stable_mosaic.version = 14 : i64} {
  func.func @body(%arg0: memref<4096x256xf32, #tpu.memory_space<vmem>>, %arg1: memref<4096x256xf32, #tpu.memory_space<vmem>>, %arg2: memref<4096x256xf32, #tpu.memory_space<vmem>>, %arg3: memref<128x256xf32, #tpu.memory_space<vmem>>, %arg4: memref<256x8192xbf16, #tpu.memory_space<vmem>>, %arg5: memref<256x8xf32, #tpu.memory_space<vmem>>, %arg6: memref<256x8xf32, #tpu.memory_space<vmem>>, %arg7: memref<256x8xf32, #tpu.memory_space<vmem>>, %arg8: memref<9x256x256xf32, #tpu.memory_space<vmem>>, %arg9: memref<1x256xf32, #tpu.memory_space<vmem>>, %arg10: memref<4096x9xf32, #tpu.memory_space<vmem>>, %arg11: memref<8x32xf32, #tpu.memory_space<vmem>>, %arg12: memref<32x256xf32, #tpu.memory_space<vmem>>, %arg13: memref<4096x256xf32, #tpu.memory_space<vmem>>, %arg14: memref<4096x256xf32, #tpu.memory_space<vmem>>, %arg15: memref<128x1xi32, #tpu.memory_space<vmem>>, %arg16: memref<1x1xf32, #tpu.memory_space<vmem>>, %arg17: memref<4144x256xf32, #tpu.memory_space<vmem>>, %arg18: memref<4144x256xf32, #tpu.memory_space<vmem>>, %arg19: memref<4144x256xf32, #tpu.memory_space<vmem>>, %arg20: memref<128x256xf32, #tpu.memory_space<vmem>>, %arg21: memref<1xf32, #tpu.memory_space<smem>>) attributes {dimension_semantics = [], scalar_prefetch = 0 : i64, scratch_operands = 5 : i64, tpu.core_type = #tpu.core_type<tc>} {
    %broadcast_in_dim3A = arith.constant 0.000000e+00 : f32
    %broadcast_in_dim3A_0 = vector.broadcast %broadcast_in_dim3A : f32 to vector<24x256xf32>
    %swap3A = arith.constant 0 : index
    %swap3A_1 = arith.constant 0 : index
    %swap3A_2 = vector.load %arg17[%swap3A, %swap3A_1] : memref<4144x256xf32, #tpu.memory_space<vmem>>, vector<24x256xf32>
    tpu.vector_store %arg17[%swap3A, %swap3A_1], %broadcast_in_dim3A_0 {strides = array<i32>} : memref<4144x256xf32, #tpu.memory_space<vmem>>, vector<24x256xf32>,
    %swap3A_3 = arith.constant 4120 : index
    %swap3A_4 = arith.constant 0 : index
    %swap3A_5 = vector.load %arg17[%swap3A_3, %swap3A_4] : memref<4144x256xf32, #tpu.memory_space<vmem>>, vector<24x256xf32>
    tpu.vector_store %arg17[%swap3A_3, %swap3A_4], %broadcast_in_dim3A_0 {strides = array<i32>} : memref<4144x256xf32, #tpu.memory_space<vmem>>, vector<24x256xf32>,
    %swap3A_6 = arith.constant 0 : index
    %swap3A_7 = arith.constant 0 : index
    %swap3A_8 = vector.load %arg18[%swap3A_6, %swap3A_7] : memref<4144x256xf32, #tpu.memory_space<vmem>>, vector<24x256xf32>
    tpu.vector_store %arg18[%swap3A_6, %swap3A_7], %broadcast_in_dim3A_0 {strides = array<i32>} : memref<4144x256xf32, #tpu.memory_space<vmem>>, vector<24x256xf32>,
    %swap3A_9 = arith.constant 4120 : index
    %swap3A_10 = arith.constant 0 : index
    %swap3A_11 = vector.load %arg18[%swap3A_9, %swap3A_10] : memref<4144x256xf32, #tpu.memory_space<vmem>>, vector<24x256xf32>
    tpu.vector_store %arg18[%swap3A_9, %swap3A_10], %broadcast_in_dim3A_0 {strides = array<i32>} : memref<4144x256xf32, #tpu.memory_space<vmem>>, vector<24x256xf32>,
    %swap3A_12 = arith.constant 0 : index
    %swap3A_13 = arith.constant 0 : index
    %swap3A_14 = vector.load %arg19[%swap3A_12, %swap3A_13] : memref<4144x256xf32, #tpu.memory_space<vmem>>, vector<24x256xf32>
    tpu.vector_store %arg19[%swap3A_12, %swap3A_13], %broadcast_in_dim3A_0 {strides = array<i32>} : memref<4144x256xf32, #tpu.memory_space<vmem>>, vector<24x256xf32>,
    %swap3A_15 = arith.constant 4120 : index
    %swap3A_16 = arith.constant 0 : index
    %swap3A_17 = vector.load %arg19[%swap3A_15, %swap3A_16] : memref<4144x256xf32, #tpu.memory_space<vmem>>, vector<24x256xf32>
    tpu.vector_store %arg19[%swap3A_15, %swap3A_16], %broadcast_in_dim3A_0 {strides = array<i32>} : memref<4144x256xf32, #tpu.memory_space<vmem>>, vector<24x256xf32>,
    %scan3A = arith.constant 0 : i32
    %scan3A_18 = arith.constant 16 : i32
    %scan3A_19 = arith.addi %scan3A, %scan3A_18 : i32
    %scan3A_20 = arith.constant 1 : i32
    scf.for %scan3A_61 = %scan3A to %scan3A_19 step %scan3A_20  : i32 {
      %mul3A_62 = arith.constant 8 : i32
      %mul3A_63 = arith.muli %scan3A_61, %mul3A_62 : i32
      %get3A_64 = arith.index_cast %mul3A_63 : i32 to index
      %get3A_65 = arith.constant 0 : index
      %get3A_66 = vector.load %arg3[%get3A_64, %get3A_65] : memref<128x256xf32, #tpu.memory_space<vmem>>, vector<1x256xf32>
      %mul3A_67 = arith.constant 256 : i32
      %mul3A_68 = arith.muli %scan3A_61, %mul3A_67 : i32
      %add3A = arith.constant 24 : i32
      %add3A_69 = arith.addi %add3A, %mul3A_68 : i32
      %get3A_70 = arith.constant 0 : index
      %get3A_71 = arith.constant 0 : index
      %get3A_72 = vector.load %arg5[%get3A_70, %get3A_71] : memref<256x8xf32, #tpu.memory_space<vmem>>, vector<256x1xf32>
      %mul3A_73 = vector.broadcast %get3A_72 : vector<256x1xf32> to vector<256x256xf32>
      %mul3A_74 = vector.broadcast %get3A_66 : vector<1x256xf32> to vector<256x256xf32>
      %mul3A_75 = arith.mulf %mul3A_73, %mul3A_74 : vector<256x256xf32>
      %swap3A_76 = arith.index_cast %add3A_69 : i32 to index
      %swap3A_77 = arith.constant 0 : index
      %swap3A_78 = vector.load %arg17[%swap3A_76, %swap3A_77] : memref<4144x256xf32, #tpu.memory_space<vmem>>, vector<256x256xf32>
      tpu.vector_store %arg17[%swap3A_76, %swap3A_77], %mul3A_75 {strides = array<i32>} : memref<4144x256xf32, #tpu.memory_space<vmem>>, vector<256x256xf32>,
      %get3A_79 = arith.constant 0 : index
      %get3A_80 = arith.constant 0 : index
      %get3A_81 = vector.load %arg6[%get3A_79, %get3A_80] : memref<256x8xf32, #tpu.memory_space<vmem>>, vector<256x1xf32>
      %mul3A_82 = vector.broadcast %get3A_81 : vector<256x1xf32> to vector<256x256xf32>
      %mul3A_83 = vector.broadcast %get3A_66 : vector<1x256xf32> to vector<256x256xf32>
      %mul3A_84 = arith.mulf %mul3A_82, %mul3A_83 : vector<256x256xf32>
      %swap3A_85 = arith.index_cast %add3A_69 : i32 to index
      %swap3A_86 = arith.constant 0 : index
      %swap3A_87 = vector.load %arg18[%swap3A_85, %swap3A_86] : memref<4144x256xf32, #tpu.memory_space<vmem>>, vector<256x256xf32>
      tpu.vector_store %arg18[%swap3A_85, %swap3A_86], %mul3A_84 {strides = array<i32>} : memref<4144x256xf32, #tpu.memory_space<vmem>>, vector<256x256xf32>,
      %get3A_88 = arith.constant 0 : index
      %get3A_89 = arith.constant 0 : index
      %get3A_90 = vector.load %arg7[%get3A_88, %get3A_89] : memref<256x8xf32, #tpu.memory_space<vmem>>, vector<256x1xf32>
      %mul3A_91 = vector.broadcast %get3A_90 : vector<256x1xf32> to vector<256x256xf32>
      %mul3A_92 = vector.broadcast %get3A_66 : vector<1x256xf32> to vector<256x256xf32>
      %mul3A_93 = arith.mulf %mul3A_91, %mul3A_92 : vector<256x256xf32>
      %swap3A_94 = arith.index_cast %add3A_69 : i32 to index
      %swap3A_95 = arith.constant 0 : index
      %swap3A_96 = vector.load %arg19[%swap3A_94, %swap3A_95] : memref<4144x256xf32, #tpu.memory_space<vmem>>, vector<256x256xf32>
      tpu.vector_store %arg19[%swap3A_94, %swap3A_95], %mul3A_93 {strides = array<i32>} : memref<4144x256xf32, #tpu.memory_space<vmem>>, vector<256x256xf32>,
    }
    %scan3A_21 = arith.constant 16 : i32
    %swap3A_22 = arith.constant 0.000000e+00 : f32
    %swap3A_23 = arith.constant 0 : index
    %swap3A_24 = memref.load %arg21[%swap3A_23] : memref<1xf32, #tpu.memory_space<smem>>
    memref.store %swap3A_22, %arg21[%swap3A_23] : memref<1xf32, #tpu.memory_space<smem>>
    %scan3A_25 = arith.constant 0 : i32
    %scan3A_26 = arith.constant 8 : i32
    %scan3A_27 = arith.addi %scan3A_25, %scan3A_26 : i32
    %scan3A_28 = arith.constant 1 : i32
    scf.for %scan3A_61 = %scan3A_25 to %scan3A_27 step %scan3A_28  : i32 {
      %mul3A_62 = arith.constant 512 : i32
      %mul3A_63 = arith.muli %scan3A_61, %mul3A_62 : i32
      %add3A = arith.constant 8 : i32
      %add3A_64 = arith.addi %mul3A_63, %add3A : i32
      %get3A_65 = arith.index_cast %add3A_64 : i32 to index
      %get3A_66 = arith.constant 0 : index
      %get3A_67 = vector.load %arg19[%get3A_65, %get3A_66] : memref<4144x256xf32, #tpu.memory_space<vmem>>, vector<512x256xf32>
      %get3A_68 = arith.index_cast %mul3A_63 : i32 to index
      %get3A_69 = arith.constant 0 : index
      %get3A_70 = vector.load %arg10[%get3A_68, %get3A_69] : memref<4096x9xf32, #tpu.memory_space<vmem>>, vector<512x1xf32>
      %mul3A_71 = vector.broadcast %get3A_70 : vector<512x1xf32> to vector<512x256xf32>
      %mul3A_72 = arith.mulf %get3A_67, %mul3A_71 : vector<512x256xf32>
      %get3A_73 = arith.constant 0 : index
      %get3A_74 = arith.constant 0 : index
      %get3A_75 = arith.constant 0 : index
      %get3A_76 = vector.load %arg8[%get3A_73, %get3A_74, %get3A_75] : memref<9x256x256xf32, #tpu.memory_space<vmem>>, vector<1x256x256xf32>
      %get3A_77 = vector.shape_cast %get3A_76 : vector<1x256x256xf32> to vector<256x256xf32>
      %dot_general3A = arith.constant dense<0.000000e+00> : vector<512x256xf32>
      %dot_general3A_78 = tpu.matmul %mul3A_72, %get3A_77, %dot_general3A {dimension_numbers = #tpu.dot_dimension_numbers<[1], [0], [0], [1], [0, 0, 1, 1], [], []>, transpose_lhs_hint = false} : vector<512x256xf32>, vector<256x256xf32>, vector<512x256xf32> -> vector<512x256xf32>
      %add3A_79 = arith.constant 8 : i32
      %add3A_80 = arith.addi %mul3A_63, %add3A_79 : i32
      %get3A_81 = arith.index_cast %add3A_80 : i32 to index
      %get3A_82 = arith.constant 0 : index
      %get3A_83 = vector.load %arg17[%get3A_81, %get3A_82] : memref<4144x256xf32, #tpu.memory_space<vmem>>, vector<512x256xf32>
      %get3A_84 = arith.index_cast %mul3A_63 : i32 to index
      %get3A_85 = arith.constant 1 : index
      %get3A_86 = vector.load %arg10[%get3A_84, %get3A_85] : memref<4096x9xf32, #tpu.memory_space<vmem>>, vector<512x1xf32>
      %mul3A_87 = vector.broadcast %get3A_86 : vector<512x1xf32> to vector<512x256xf32>
      %mul3A_88 = arith.mulf %get3A_83, %mul3A_87 : vector<512x256xf32>
      %get3A_89 = arith.constant 1 : index
      %get3A_90 = arith.constant 0 : index
      %get3A_91 = arith.constant 0 : index
      %get3A_92 = vector.load %arg8[%get3A_89, %get3A_90, %get3A_91] : memref<9x256x256xf32, #tpu.memory_space<vmem>>, vector<1x256x256xf32>
      %get3A_93 = vector.shape_cast %get3A_92 : vector<1x256x256xf32> to vector<256x256xf32>
      %dot_general3A_94 = arith.constant dense<0.000000e+00> : vector<512x256xf32>
      %dot_general3A_95 = tpu.matmul %mul3A_88, %get3A_93, %dot_general3A_94 {dimension_numbers = #tpu.dot_dimension_numbers<[1], [0], [0], [1], [0, 0, 1, 1], [], []>, transpose_lhs_hint = false} : vector<512x256xf32>, vector<256x256xf32>, vector<512x256xf32> -> vector<512x256xf32>
      %add3A_96 = arith.addf %dot_general3A_78, %dot_general3A_95 : vector<512x256xf32>
      %add3A_97 = arith.constant 8 : i32
      %add3A_98 = arith.addi %mul3A_63, %add3A_97 : i32
      %get3A_99 = arith.index_cast %add3A_98 : i32 to index
      %get3A_100 = arith.constant 0 : index
      %get3A_101 = vector.load %arg18[%get3A_99, %get3A_100] : memref<4144x256xf32, #tpu.memory_space<vmem>>, vector<512x256xf32>
      %get3A_102 = arith.index_cast %mul3A_63 : i32 to index
      %get3A_103 = arith.constant 2 : index
      %get3A_104 = vector.load %arg10[%get3A_102, %get3A_103] : memref<4096x9xf32, #tpu.memory_space<vmem>>, vector<512x1xf32>
      %mul3A_105 = vector.broadcast %get3A_104 : vector<512x1xf32> to vector<512x256xf32>
      %mul3A_106 = arith.mulf %get3A_101, %mul3A_105 : vector<512x256xf32>
      %get3A_107 = arith.constant 2 : index
      %get3A_108 = arith.constant 0 : index
      %get3A_109 = arith.constant 0 : index
      %get3A_110 = vector.load %arg8[%get3A_107, %get3A_108, %get3A_109] : memref<9x256x256xf32, #tpu.memory_space<vmem>>, vector<1x256x256xf32>
      %get3A_111 = vector.shape_cast %get3A_110 : vector<1x256x256xf32> to vector<256x256xf32>
      %dot_general3A_112 = arith.constant dense<0.000000e+00> : vector<512x256xf32>
      %dot_general3A_113 = tpu.matmul %mul3A_106, %get3A_111, %dot_general3A_112 {dimension_numbers = #tpu.dot_dimension_numbers<[1], [0], [0], [1], [0, 0, 1, 1], [], []>, transpose_lhs_hint = false} : vector<512x256xf32>, vector<256x256xf32>, vector<512x256xf32> -> vector<512x256xf32>
      %add3A_114 = arith.addf %add3A_96, %dot_general3A_113 : vector<512x256xf32>
      %add3A_115 = arith.constant 24 : i32
      %add3A_116 = arith.addi %mul3A_63, %add3A_115 : i32
      %get3A_117 = arith.index_cast %add3A_116 : i32 to index
      %get3A_118 = arith.constant 0 : index
      %get3A_119 = vector.load %arg19[%get3A_117, %get3A_118] : memref<4144x256xf32, #tpu.memory_space<vmem>>, vector<512x256xf32>
      %get3A_120 = arith.index_cast %mul3A_63 : i32 to index
      %get3A_121 = arith.constant 3 : index
      %get3A_122 = vector.load %arg10[%get3A_120, %get3A_121] : memref<4096x9xf32, #tpu.memory_space<vmem>>, vector<512x1xf32>
      %mul3A_123 = vector.broadcast %get3A_122 : vector<512x1xf32> to vector<512x256xf32>
      %mul3A_124 = arith.mulf %get3A_119, %mul3A_123 : vector<512x256xf32>
      %get3A_125 = arith.constant 3 : index
      %get3A_126 = arith.constant 0 : index
      %get3A_127 = arith.constant 0 : index
      %get3A_128 = vector.load %arg8[%get3A_125, %get3A_126, %get3A_127] : memref<9x256x256xf32, #tpu.memory_space<vmem>>, vector<1x256x256xf32>
      %get3A_129 = vector.shape_cast %get3A_128 : vector<1x256x256xf32> to vector<256x256xf32>
      %dot_general3A_130 = arith.constant dense<0.000000e+00> : vector<512x256xf32>
      %dot_general3A_131 = tpu.matmul %mul3A_124, %get3A_129, %dot_general3A_130 {dimension_numbers = #tpu.dot_dimension_numbers<[1], [0], [0], [1], [0, 0, 1, 1], [], []>, transpose_lhs_hint = false} : vector<512x256xf32>, vector<256x256xf32>, vector<512x256xf32> -> vector<512x256xf32>
      %add3A_132 = arith.addf %add3A_114, %dot_general3A_131 : vector<512x256xf32>
      %add3A_133 = arith.constant 24 : i32
      %add3A_134 = arith.addi %mul3A_63, %add3A_133 : i32
      %get3A_135 = arith.index_cast %add3A_134 : i32 to index
      %get3A_136 = arith.constant 0 : index
      %get3A_137 = vector.load %arg17[%get3A_135, %get3A_136] : memref<4144x256xf32, #tpu.memory_space<vmem>>, vector<512x256xf32>
      %get3A_138 = arith.index_cast %mul3A_63 : i32 to index
      %get3A_139 = arith.constant 4 : index
      %get3A_140 = vector.load %arg10[%get3A_138, %get3A_139] : memref<4096x9xf32, #tpu.memory_space<vmem>>, vector<512x1xf32>
      %mul3A_141 = vector.broadcast %get3A_140 : vector<512x1xf32> to vector<512x256xf32>
      %mul3A_142 = arith.mulf %get3A_137, %mul3A_141 : vector<512x256xf32>
      %get3A_143 = arith.constant 4 : index
      %get3A_144 = arith.constant 0 : index
      %get3A_145 = arith.constant 0 : index
      %get3A_146 = vector.load %arg8[%get3A_143, %get3A_144, %get3A_145] : memref<9x256x256xf32, #tpu.memory_space<vmem>>, vector<1x256x256xf32>
      %get3A_147 = vector.shape_cast %get3A_146 : vector<1x256x256xf32> to vector<256x256xf32>
      %dot_general3A_148 = arith.constant dense<0.000000e+00> : vector<512x256xf32>
      %dot_general3A_149 = tpu.matmul %mul3A_142, %get3A_147, %dot_general3A_148 {dimension_numbers = #tpu.dot_dimension_numbers<[1], [0], [0], [1], [0, 0, 1, 1], [], []>, transpose_lhs_hint = false} : vector<512x256xf32>, vector<256x256xf32>, vector<512x256xf32> -> vector<512x256xf32>
      %add3A_150 = arith.addf %add3A_132, %dot_general3A_149 : vector<512x256xf32>
      %add3A_151 = arith.constant 24 : i32
      %add3A_152 = arith.addi %mul3A_63, %add3A_151 : i32
      %get3A_153 = arith.index_cast %add3A_152 : i32 to index
      %get3A_154 = arith.constant 0 : index
      %get3A_155 = vector.load %arg18[%get3A_153, %get3A_154] : memref<4144x256xf32, #tpu.memory_space<vmem>>, vector<512x256xf32>
      %get3A_156 = arith.index_cast %mul3A_63 : i32 to index
      %get3A_157 = arith.constant 5 : index
      %get3A_158 = vector.load %arg10[%get3A_156, %get3A_157] : memref<4096x9xf32, #tpu.memory_space<vmem>>, vector<512x1xf32>
      %mul3A_159 = vector.broadcast %get3A_158 : vector<512x1xf32> to vector<512x256xf32>
      %mul3A_160 = arith.mulf %get3A_155, %mul3A_159 : vector<512x256xf32>
      %get3A_161 = arith.constant 5 : index
      %get3A_162 = arith.constant 0 : index
      %get3A_163 = arith.constant 0 : index
      %get3A_164 = vector.load %arg8[%get3A_161, %get3A_162, %get3A_163] : memref<9x256x256xf32, #tpu.memory_space<vmem>>, vector<1x256x256xf32>
      %get3A_165 = vector.shape_cast %get3A_164 : vector<1x256x256xf32> to vector<256x256xf32>
      %dot_general3A_166 = arith.constant dense<0.000000e+00> : vector<512x256xf32>
      %dot_general3A_167 = tpu.matmul %mul3A_160, %get3A_165, %dot_general3A_166 {dimension_numbers = #tpu.dot_dimension_numbers<[1], [0], [0], [1], [0, 0, 1, 1], [], []>, transpose_lhs_hint = false} : vector<512x256xf32>, vector<256x256xf32>, vector<512x256xf32> -> vector<512x256xf32>
      %add3A_168 = arith.addf %add3A_150, %dot_general3A_167 : vector<512x256xf32>
      %add3A_169 = arith.constant 40 : i32
      %add3A_170 = arith.addi %mul3A_63, %add3A_169 : i32
      %get3A_171 = arith.index_cast %add3A_170 : i32 to index
      %get3A_172 = arith.constant 0 : index
      %get3A_173 = vector.load %arg19[%get3A_171, %get3A_172] : memref<4144x256xf32, #tpu.memory_space<vmem>>, vector<512x256xf32>
      %get3A_174 = arith.index_cast %mul3A_63 : i32 to index
      %get3A_175 = arith.constant 6 : index
      %get3A_176 = vector.load %arg10[%get3A_174, %get3A_175] : memref<4096x9xf32, #tpu.memory_space<vmem>>, vector<512x1xf32>
      %mul3A_177 = vector.broadcast %get3A_176 : vector<512x1xf32> to vector<512x256xf32>
      %mul3A_178 = arith.mulf %get3A_173, %mul3A_177 : vector<512x256xf32>
      %get3A_179 = arith.constant 6 : index
      %get3A_180 = arith.constant 0 : index
      %get3A_181 = arith.constant 0 : index
      %get3A_182 = vector.load %arg8[%get3A_179, %get3A_180, %get3A_181] : memref<9x256x256xf32, #tpu.memory_space<vmem>>, vector<1x256x256xf32>
      %get3A_183 = vector.shape_cast %get3A_182 : vector<1x256x256xf32> to vector<256x256xf32>
      %dot_general3A_184 = arith.constant dense<0.000000e+00> : vector<512x256xf32>
      %dot_general3A_185 = tpu.matmul %mul3A_178, %get3A_183, %dot_general3A_184 {dimension_numbers = #tpu.dot_dimension_numbers<[1], [0], [0], [1], [0, 0, 1, 1], [], []>, transpose_lhs_hint = false} : vector<512x256xf32>, vector<256x256xf32>, vector<512x256xf32> -> vector<512x256xf32>
      %add3A_186 = arith.addf %add3A_168, %dot_general3A_185 : vector<512x256xf32>
      %add3A_187 = arith.constant 40 : i32
      %add3A_188 = arith.addi %mul3A_63, %add3A_187 : i32
      %get3A_189 = arith.index_cast %add3A_188 : i32 to index
      %get3A_190 = arith.constant 0 : index
      %get3A_191 = vector.load %arg17[%get3A_189, %get3A_190] : memref<4144x256xf32, #tpu.memory_space<vmem>>, vector<512x256xf32>
      %get3A_192 = arith.index_cast %mul3A_63 : i32 to index
      %get3A_193 = arith.constant 7 : index
      %get3A_194 = vector.load %arg10[%get3A_192, %get3A_193] : memref<4096x9xf32, #tpu.memory_space<vmem>>, vector<512x1xf32>
      %mul3A_195 = vector.broadcast %get3A_194 : vector<512x1xf32> to vector<512x256xf32>
      %mul3A_196 = arith.mulf %get3A_191, %mul3A_195 : vector<512x256xf32>
      %get3A_197 = arith.constant 7 : index
      %get3A_198 = arith.constant 0 : index
      %get3A_199 = arith.constant 0 : index
      %get3A_200 = vector.load %arg8[%get3A_197, %get3A_198, %get3A_199] : memref<9x256x256xf32, #tpu.memory_space<vmem>>, vector<1x256x256xf32>
      %get3A_201 = vector.shape_cast %get3A_200 : vector<1x256x256xf32> to vector<256x256xf32>
      %dot_general3A_202 = arith.constant dense<0.000000e+00> : vector<512x256xf32>
      %dot_general3A_203 = tpu.matmul %mul3A_196, %get3A_201, %dot_general3A_202 {dimension_numbers = #tpu.dot_dimension_numbers<[1], [0], [0], [1], [0, 0, 1, 1], [], []>, transpose_lhs_hint = false} : vector<512x256xf32>, vector<256x256xf32>, vector<512x256xf32> -> vector<512x256xf32>
      %add3A_204 = arith.addf %add3A_186, %dot_general3A_203 : vector<512x256xf32>
      %add3A_205 = arith.constant 40 : i32
      %add3A_206 = arith.addi %mul3A_63, %add3A_205 : i32
      %get3A_207 = arith.index_cast %add3A_206 : i32 to index
      %get3A_208 = arith.constant 0 : index
      %get3A_209 = vector.load %arg18[%get3A_207, %get3A_208] : memref<4144x256xf32, #tpu.memory_space<vmem>>, vector<512x256xf32>
      %get3A_210 = arith.index_cast %mul3A_63 : i32 to index
      %get3A_211 = arith.constant 8 : index
      %get3A_212 = vector.load %arg10[%get3A_210, %get3A_211] : memref<4096x9xf32, #tpu.memory_space<vmem>>, vector<512x1xf32>
      %mul3A_213 = vector.broadcast %get3A_212 : vector<512x1xf32> to vector<512x256xf32>
      %mul3A_214 = arith.mulf %get3A_209, %mul3A_213 : vector<512x256xf32>
      %get3A_215 = arith.constant 8 : index
      %get3A_216 = arith.constant 0 : index
      %get3A_217 = arith.constant 0 : index
      %get3A_218 = vector.load %arg8[%get3A_215, %get3A_216, %get3A_217] : memref<9x256x256xf32, #tpu.memory_space<vmem>>, vector<1x256x256xf32>
      %get3A_219 = vector.shape_cast %get3A_218 : vector<1x256x256xf32> to vector<256x256xf32>
      %dot_general3A_220 = arith.constant dense<0.000000e+00> : vector<512x256xf32>
      %dot_general3A_221 = tpu.matmul %mul3A_214, %get3A_219, %dot_general3A_220 {dimension_numbers = #tpu.dot_dimension_numbers<[1], [0], [0], [1], [0, 0, 1, 1], [], []>, transpose_lhs_hint = false} : vector<512x256xf32>, vector<256x256xf32>, vector<512x256xf32> -> vector<512x256xf32>
      %add3A_222 = arith.addf %add3A_204, %dot_general3A_221 : vector<512x256xf32>
      %get3A_223 = arith.constant 0 : index
      %get3A_224 = arith.constant 0 : index
      %get3A_225 = vector.load %arg9[%get3A_223, %get3A_224] : memref<1x256xf32, #tpu.memory_space<vmem>>, vector<1x256xf32>
      %broadcast_in_dim3A_226 = vector.shape_cast %get3A_225 : vector<1x256xf32> to vector<1x256xf32>
      %broadcast_in_dim3A_227 = vector.broadcast %broadcast_in_dim3A_226 : vector<1x256xf32> to vector<512x256xf32>
      %add3A_228 = arith.addf %add3A_222, %broadcast_in_dim3A_227 : vector<512x256xf32>
      %add3A_229 = arith.constant 24 : i32
      %add3A_230 = arith.addi %mul3A_63, %add3A_229 : i32
      %get3A_231 = arith.index_cast %add3A_230 : i32 to index
      %get3A_232 = arith.constant 0 : index
      %get3A_233 = vector.load %arg17[%get3A_231, %get3A_232] : memref<4144x256xf32, #tpu.memory_space<vmem>>, vector<512x256xf32>
      %mul3A_234 = arith.constant 5.000000e-01 : f32
      %mul3A_235 = vector.broadcast %mul3A_234 : f32 to vector<512x256xf32>
      %mul3A_236 = arith.mulf %get3A_233, %mul3A_235 : vector<512x256xf32>
      %mul3A_237 = arith.constant 5.000000e-01 : f32
      %mul3A_238 = vector.broadcast %mul3A_237 : f32 to vector<512x256xf32>
      %mul3A_239 = arith.mulf %add3A_228, %mul3A_238 : vector<512x256xf32>
      %add3A_240 = arith.addf %mul3A_236, %mul3A_239 : vector<512x256xf32>
      %get3A_241 = arith.index_cast %mul3A_63 : i32 to index
      %get3A_242 = arith.constant 0 : index
      %get3A_243 = vector.load %arg1[%get3A_241, %get3A_242] : memref<4096x256xf32, #tpu.memory_space<vmem>>, vector<512x256xf32>
      %add3A_244 = arith.addf %get3A_243, %add3A_240 : vector<512x256xf32>
      %swap3A_245 = arith.index_cast %mul3A_63 : i32 to index
      %swap3A_246 = arith.constant 0 : index
      %swap3A_247 = vector.load %arg14[%swap3A_245, %swap3A_246] : memref<4096x256xf32, #tpu.memory_space<vmem>>, vector<512x256xf32>
      tpu.vector_store %arg14[%swap3A_245, %swap3A_246], %add3A_244 {strides = array<i32>} : memref<4096x256xf32, #tpu.memory_space<vmem>>, vector<512x256xf32>,
      %get3A_248 = arith.index_cast %mul3A_63 : i32 to index
      %get3A_249 = arith.constant 0 : index
      %get3A_250 = vector.load %arg0[%get3A_248, %get3A_249] : memref<4096x256xf32, #tpu.memory_space<vmem>>, vector<512x256xf32>
      %sub3A = arith.subf %get3A_250, %add3A_240 : vector<512x256xf32>
      %swap3A_251 = arith.index_cast %mul3A_63 : i32 to index
      %swap3A_252 = arith.constant 0 : index
      %swap3A_253 = vector.load %arg13[%swap3A_251, %swap3A_252] : memref<4096x256xf32, #tpu.memory_space<vmem>>, vector<512x256xf32>
      tpu.vector_store %arg13[%swap3A_251, %swap3A_252], %sub3A {strides = array<i32>} : memref<4096x256xf32, #tpu.memory_space<vmem>>, vector<512x256xf32>,
      %get3A_254 = arith.index_cast %mul3A_63 : i32 to index
      %get3A_255 = arith.constant 0 : index
      %get3A_256 = vector.load %arg2[%get3A_254, %get3A_255] : memref<4096x256xf32, #tpu.memory_space<vmem>>, vector<512x256xf32>
      %sub3A_257 = arith.subf %add3A_244, %get3A_256 : vector<512x256xf32>
      %get3A_258 = arith.constant 0 : index
      %get3A_259 = memref.load %arg21[%get3A_258] : memref<1xf32, #tpu.memory_space<smem>>
      %mul3A_260 = arith.mulf %sub3A_257, %sub3A_257 : vector<512x256xf32>
      %reduce_sum3A_261 = vector.shape_cast %mul3A_260 : vector<512x256xf32> to vector<1x512x256xf32>
      %reduce_sum3A_262 = arith.constant dense<0.000000e+00> : vector<1xf32>
      %reduce_sum3A_263 = vector.multi_reduction <add>, %reduce_sum3A_261, %reduce_sum3A_262 [1, 2] : vector<1x512x256xf32> to vector<1xf32>
      %reduce_sum3A_264 = vector.shape_cast %reduce_sum3A_263 : vector<1xf32> to vector<1x1x1xf32>
      %reduce_sum3A_265 = vector.extract %reduce_sum3A_264[0, 0, 0] : f32 from vector<1x1x1xf32>
      %add3A_266 = arith.addf %get3A_259, %reduce_sum3A_265 : f32
      %swap3A_267 = arith.constant 0 : index
      %swap3A_268 = memref.load %arg21[%swap3A_267] : memref<1xf32, #tpu.memory_space<smem>>
      memref.store %add3A_266, %arg21[%swap3A_267] : memref<1xf32, #tpu.memory_space<smem>>
    }
    %scan3A_29 = arith.constant 8 : i32
    %get3A = arith.constant 0 : index
    %get3A_30 = memref.load %arg21[%get3A] : memref<1xf32, #tpu.memory_space<smem>>
    %broadcast_in_dim3A_31 = vector.broadcast %get3A_30 : f32 to vector<1x1xf32>
    %swap3A_32 = arith.constant 0 : index
    %swap3A_33 = arith.constant 0 : index
    %swap3A_34 = vector.load %arg16[%swap3A_32, %swap3A_33] : memref<1x1xf32, #tpu.memory_space<vmem>>, vector<1x1xf32>
    tpu.vector_store %arg16[%swap3A_32, %swap3A_33], %broadcast_in_dim3A_31 {strides = array<i32>} : memref<1x1xf32, #tpu.memory_space<vmem>>, vector<1x1xf32>,
    %scan3A_35 = arith.constant 0 : i32
    %scan3A_36 = arith.constant 16 : i32
    %scan3A_37 = arith.addi %scan3A_35, %scan3A_36 : i32
    %scan3A_38 = arith.constant 1 : i32
    scf.for %scan3A_61 = %scan3A_35 to %scan3A_37 step %scan3A_38  : i32 {
      %mul3A_62 = arith.constant 256 : i32
      %mul3A_63 = arith.muli %scan3A_61, %mul3A_62 : i32
      %get3A_64 = arith.index_cast %mul3A_63 : i32 to index
      %get3A_65 = arith.constant 0 : index
      %get3A_66 = vector.load %arg13[%get3A_64, %get3A_65] : memref<4096x256xf32, #tpu.memory_space<vmem>>, vector<256x256xf32>
      %get3A_67 = arith.constant 0 : index
      %get3A_68 = arith.constant 0 : index
      %get3A_69 = vector.load %arg12[%get3A_67, %get3A_68] : memref<32x256xf32, #tpu.memory_space<vmem>>, vector<32x256xf32>
      %dot_general3A = arith.constant dense<0.000000e+00> : vector<32x256xf32>
      %dot_general3A_70 = tpu.matmul %get3A_69, %get3A_66, %dot_general3A {dimension_numbers = #tpu.dot_dimension_numbers<[1], [0], [0], [1], [0, 0, 1, 1], [], []>, transpose_lhs_hint = false} : vector<32x256xf32>, vector<256x256xf32>, vector<32x256xf32> -> vector<32x256xf32>
      %get3A_71 = arith.constant 0 : index
      %get3A_72 = arith.constant 0 : index
      %get3A_73 = vector.load %arg11[%get3A_71, %get3A_72] : memref<8x32xf32, #tpu.memory_space<vmem>>, vector<8x32xf32>
      %dot_general3A_74 = arith.constant dense<0.000000e+00> : vector<8x256xf32>
      %dot_general3A_75 = tpu.matmul %get3A_73, %dot_general3A_70, %dot_general3A_74 {dimension_numbers = #tpu.dot_dimension_numbers<[1], [0], [0], [1], [0, 0, 1, 1], [], []>, transpose_lhs_hint = false} : vector<8x32xf32>, vector<32x256xf32>, vector<8x256xf32> -> vector<8x256xf32>
      %mul3A_76 = arith.constant 8 : i32
      %mul3A_77 = arith.muli %scan3A_61, %mul3A_76 : i32
      %swap3A_78 = arith.index_cast %mul3A_77 : i32 to index
      %swap3A_79 = arith.constant 0 : index
      %swap3A_80 = vector.load %arg20[%swap3A_78, %swap3A_79] : memref<128x256xf32, #tpu.memory_space<vmem>>, vector<8x256xf32>
      tpu.vector_store %arg20[%swap3A_78, %swap3A_79], %dot_general3A_75 {strides = array<i32>} : memref<128x256xf32, #tpu.memory_space<vmem>>, vector<8x256xf32>,
    }
    %scan3A_39 = arith.constant 16 : i32
    %get3A_40 = arith.constant 0 : index
    %get3A_41 = arith.constant 0 : index
    %get3A_42 = vector.load %arg20[%get3A_40, %get3A_41] : memref<128x256xf32, #tpu.memory_space<vmem>>, vector<128x256xf32>
    %mul3A = arith.mulf %get3A_42, %get3A_42 : vector<128x256xf32>
    %reduce_sum3A = arith.constant dense<0.000000e+00> : vector<128xf32>
    %reduce_sum3A_43 = vector.multi_reduction <add>, %mul3A, %reduce_sum3A [1] : vector<128x256xf32> to vector<128xf32>
    %broadcast_in_dim3A_44 = vector.shape_cast %reduce_sum3A_43 : vector<128xf32> to vector<128x1xf32>
    %sqrt3A = math.sqrt %broadcast_in_dim3A_44 : vector<128x1xf32>
    %max3A = arith.constant 9.99999996E-13 : f32
    %max3A_45 = vector.broadcast %max3A : f32 to vector<128x1xf32>
    %max3A_46 = arith.maximumf %sqrt3A, %max3A_45 : vector<128x1xf32>
    %div3A = vector.broadcast %max3A_46 : vector<128x1xf32> to vector<128x256xf32>
    %div3A_47 = arith.divf %get3A_42, %div3A : vector<128x256xf32>
    %convert_element_type3A = arith.truncf %div3A_47 : vector<128x256xf32> to vector<128x256xbf16>
    %broadcast_in_dim3A_48 = arith.constant 0xFF800000 : f32
    %broadcast_in_dim3A_49 = vector.broadcast %broadcast_in_dim3A_48 : f32 to vector<128x1xf32>
    %broadcast_in_dim3A_50 = arith.constant 0 : i32
    %broadcast_in_dim3A_51 = vector.broadcast %broadcast_in_dim3A_50 : i32 to vector<128x1xi32>
    %scan3A_52 = arith.constant 0 : i32
    %scan3A_53 = arith.constant 8 : i32
    %scan3A_54 = arith.addi %scan3A_52, %scan3A_53 : i32
    %scan3A_55 = arith.constant 1 : i32
    %scan3A_56:2 = scf.for %scan3A_61 = %scan3A_52 to %scan3A_54 step %scan3A_55 iter_args(%scan3A_62 = %broadcast_in_dim3A_49, %scan3A_63 = %broadcast_in_dim3A_51) -> (vector<128x1xf32>, vector<128x1xi32>)  : i32 {
      %mul3A_64 = arith.constant 1024 : i32
      %mul3A_65 = arith.muli %scan3A_61, %mul3A_64 : i32
      %get3A_66 = arith.constant 0 : index
      %get3A_67 = arith.index_cast %mul3A_65 : i32 to index
      %get3A_68 = vector.load %arg4[%get3A_66, %get3A_67] : memref<256x8192xbf16, #tpu.memory_space<vmem>>, vector<256x1024xbf16>
      %dot_general3A = arith.constant dense<0.000000e+00> : vector<128x1024xf32>
      %dot_general3A_69 = tpu.matmul %convert_element_type3A, %get3A_68, %dot_general3A {dimension_numbers = #tpu.dot_dimension_numbers<[1], [0], [0], [1], [0, 0, 1, 1], [], []>, transpose_lhs_hint = false} : vector<128x256xbf16>, vector<256x1024xbf16>, vector<128x1024xf32> -> vector<128x1024xf32>
      %reduce_max3A = arith.constant dense<0xFF800000> : vector<128xf32>
      %reduce_max3A_70 = vector.multi_reduction <maximumf>, %dot_general3A_69, %reduce_max3A [1] : vector<128x1024xf32> to vector<128xf32>
      %broadcast_in_dim3A_71 = vector.shape_cast %reduce_max3A_70 : vector<128xf32> to vector<128x1xf32>
      %iota3A = tpu.iota {dimensions = array<i32: 1>} : vector<128x1024xi32>
      %eq3A = vector.broadcast %broadcast_in_dim3A_71 : vector<128x1xf32> to vector<128x1024xf32>
      %eq3A_72 = arith.cmpf oeq, %dot_general3A_69, %eq3A : vector<128x1024xf32>
      %jit3A = arith.constant 1073741824 : i32
      %broadcast_in_dim3A_73 = vector.broadcast %jit3A : i32 to vector<128x1024xi32>
      %select_n3A = arith.select %eq3A_72, %iota3A, %broadcast_in_dim3A_73 : vector<128x1024xi1>, vector<128x1024xi32>
      %reduce_min3A = arith.constant dense<2147483647> : vector<128xi32>
      %reduce_min3A_74 = vector.multi_reduction <minsi>, %select_n3A, %reduce_min3A [1] : vector<128x1024xi32> to vector<128xi32>
      %broadcast_in_dim3A_75 = vector.shape_cast %reduce_min3A_74 : vector<128xi32> to vector<128x1xi32>
      %gt3A = arith.cmpf ogt, %broadcast_in_dim3A_71, %scan3A_62 : vector<128x1xf32>
      %select_n3A_76 = arith.select %gt3A, %broadcast_in_dim3A_71, %scan3A_62 : vector<128x1xi1>, vector<128x1xf32>
      %mul3A_77 = arith.constant 1024 : i32
      %mul3A_78 = arith.muli %scan3A_61, %mul3A_77 : i32
      %add3A = vector.broadcast %mul3A_78 : i32 to vector<128x1xi32>
      %add3A_79 = arith.addi %broadcast_in_dim3A_75, %add3A : vector<128x1xi32>
      %select_n3A_80 = arith.select %gt3A, %add3A_79, %scan3A_63 : vector<128x1xi1>, vector<128x1xi32>
      scf.yield %select_n3A_76, %select_n3A_80 : vector<128x1xf32>, vector<128x1xi32>
    }
    %scan3A_57 = arith.constant 8 : i32
    %swap3A_58 = arith.constant 0 : index
    %swap3A_59 = arith.constant 0 : index
    %swap3A_60 = vector.load %arg15[%swap3A_58, %swap3A_59] : memref<128x1xi32, #tpu.memory_space<vmem>>, vector<128x1xi32>
    tpu.vector_store %arg15[%swap3A_58, %swap3A_59], %scan3A_56#1 {strides = array<i32>} : memref<128x1xi32, #tpu.memory_space<vmem>>, vector<128x1xi32>,
    return
  }
}

module attributes {stable_mosaic.version = 14 : i64} {
  func.func @body(%arg0: memref<4096x256xf32, #tpu.memory_space<vmem>>, %arg1: memref<4096x256xf32, #tpu.memory_space<vmem>>, %arg2: memref<4096x256xf32, #tpu.memory_space<vmem>>, %arg3: memref<128x256xf32, #tpu.memory_space<vmem>>, %arg4: memref<256x8192xbf16, #tpu.memory_space<vmem>>, %arg5: memref<256x32xf32, #tpu.memory_space<vmem>>, %arg6: memref<256x32xf32, #tpu.memory_space<vmem>>, %arg7: memref<256x32xf32, #tpu.memory_space<vmem>>, %arg8: memref<32x8xf32, #tpu.memory_space<vmem>>, %arg9: memref<9x256x256xf32, #tpu.memory_space<vmem>>, %arg10: memref<1x256xf32, #tpu.memory_space<vmem>>, %arg11: memref<4096x9xf32, #tpu.memory_space<vmem>>, %arg12: memref<16x48xf32, #tpu.memory_space<vmem>>, %arg13: memref<48x256xf32, #tpu.memory_space<vmem>>, %arg14: memref<4096x256xf32, #tpu.memory_space<vmem>>, %arg15: memref<4096x256xf32, #tpu.memory_space<vmem>>, %arg16: memref<256x1xi32, #tpu.memory_space<vmem>>, %arg17: memref<1x1xf32, #tpu.memory_space<vmem>>, %arg18: memref<4144x256xf32, #tpu.memory_space<vmem>>, %arg19: memref<4144x256xf32, #tpu.memory_space<vmem>>, %arg20: memref<4144x256xf32, #tpu.memory_space<vmem>>, %arg21: memref<256x256xf32, #tpu.memory_space<vmem>>, %arg22: memref<1xf32, #tpu.memory_space<smem>>) attributes {dimension_semantics = [], scalar_prefetch = 0 : i64, scratch_operands = 5 : i64, tpu.core_type = #tpu.core_type<tc>} {
    %broadcast_in_dim3A = arith.constant 0.000000e+00 : f32
    %broadcast_in_dim3A_0 = vector.broadcast %broadcast_in_dim3A : f32 to vector<24x256xf32>
    %swap3A = arith.constant 0 : index
    %swap3A_1 = arith.constant 0 : index
    %swap3A_2 = vector.load %arg18[%swap3A, %swap3A_1] : memref<4144x256xf32, #tpu.memory_space<vmem>>, vector<24x256xf32>
    tpu.vector_store %arg18[%swap3A, %swap3A_1], %broadcast_in_dim3A_0 {strides = array<i32>} : memref<4144x256xf32, #tpu.memory_space<vmem>>, vector<24x256xf32>,
    %swap3A_3 = arith.constant 4120 : index
    %swap3A_4 = arith.constant 0 : index
    %swap3A_5 = vector.load %arg18[%swap3A_3, %swap3A_4] : memref<4144x256xf32, #tpu.memory_space<vmem>>, vector<24x256xf32>
    tpu.vector_store %arg18[%swap3A_3, %swap3A_4], %broadcast_in_dim3A_0 {strides = array<i32>} : memref<4144x256xf32, #tpu.memory_space<vmem>>, vector<24x256xf32>,
    %swap3A_6 = arith.constant 0 : index
    %swap3A_7 = arith.constant 0 : index
    %swap3A_8 = vector.load %arg19[%swap3A_6, %swap3A_7] : memref<4144x256xf32, #tpu.memory_space<vmem>>, vector<24x256xf32>
    tpu.vector_store %arg19[%swap3A_6, %swap3A_7], %broadcast_in_dim3A_0 {strides = array<i32>} : memref<4144x256xf32, #tpu.memory_space<vmem>>, vector<24x256xf32>,
    %swap3A_9 = arith.constant 4120 : index
    %swap3A_10 = arith.constant 0 : index
    %swap3A_11 = vector.load %arg19[%swap3A_9, %swap3A_10] : memref<4144x256xf32, #tpu.memory_space<vmem>>, vector<24x256xf32>
    tpu.vector_store %arg19[%swap3A_9, %swap3A_10], %broadcast_in_dim3A_0 {strides = array<i32>} : memref<4144x256xf32, #tpu.memory_space<vmem>>, vector<24x256xf32>,
    %swap3A_12 = arith.constant 0 : index
    %swap3A_13 = arith.constant 0 : index
    %swap3A_14 = vector.load %arg20[%swap3A_12, %swap3A_13] : memref<4144x256xf32, #tpu.memory_space<vmem>>, vector<24x256xf32>
    tpu.vector_store %arg20[%swap3A_12, %swap3A_13], %broadcast_in_dim3A_0 {strides = array<i32>} : memref<4144x256xf32, #tpu.memory_space<vmem>>, vector<24x256xf32>,
    %swap3A_15 = arith.constant 4120 : index
    %swap3A_16 = arith.constant 0 : index
    %swap3A_17 = vector.load %arg20[%swap3A_15, %swap3A_16] : memref<4144x256xf32, #tpu.memory_space<vmem>>, vector<24x256xf32>
    tpu.vector_store %arg20[%swap3A_15, %swap3A_16], %broadcast_in_dim3A_0 {strides = array<i32>} : memref<4144x256xf32, #tpu.memory_space<vmem>>, vector<24x256xf32>,
    %scan3A = arith.constant 0 : i32
    %scan3A_18 = arith.constant 16 : i32
    %scan3A_19 = arith.addi %scan3A, %scan3A_18 : i32
    %scan3A_20 = arith.constant 1 : i32
    scf.for %scan3A_61 = %scan3A to %scan3A_19 step %scan3A_20  : i32 {
      %mul3A_62 = arith.constant 8 : i32
      %mul3A_63 = arith.muli %scan3A_61, %mul3A_62 : i32
      %get3A_64 = arith.index_cast %mul3A_63 : i32 to index
      %get3A_65 = arith.constant 0 : index
      %get3A_66 = vector.load %arg3[%get3A_64, %get3A_65] : memref<128x256xf32, #tpu.memory_space<vmem>>, vector<8x256xf32>
      %get3A_67 = arith.constant 0 : index
      %get3A_68 = arith.constant 0 : index
      %get3A_69 = vector.load %arg8[%get3A_67, %get3A_68] : memref<32x8xf32, #tpu.memory_space<vmem>>, vector<32x8xf32>
      %dot_general3A = arith.constant dense<0.000000e+00> : vector<32x256xf32>
      %dot_general3A_70 = tpu.matmul %get3A_69, %get3A_66, %dot_general3A {dimension_numbers = #tpu.dot_dimension_numbers<[1], [0], [0], [1], [0, 0, 1, 1], [], []>, transpose_lhs_hint = false} : vector<32x8xf32>, vector<8x256xf32>, vector<32x256xf32> -> vector<32x256xf32>
      %mul3A_71 = arith.constant 256 : i32
      %mul3A_72 = arith.muli %scan3A_61, %mul3A_71 : i32
      %add3A = arith.constant 24 : i32
      %add3A_73 = arith.addi %add3A, %mul3A_72 : i32
      %get3A_74 = arith.constant 0 : index
      %get3A_75 = arith.constant 0 : index
      %get3A_76 = vector.load %arg5[%get3A_74, %get3A_75] : memref<256x32xf32, #tpu.memory_space<vmem>>, vector<256x32xf32>
      %dot_general3A_77 = arith.constant dense<0.000000e+00> : vector<256x256xf32>
      %dot_general3A_78 = tpu.matmul %get3A_76, %dot_general3A_70, %dot_general3A_77 {dimension_numbers = #tpu.dot_dimension_numbers<[1], [0], [0], [1], [0, 0, 1, 1], [], []>, transpose_lhs_hint = false} : vector<256x32xf32>, vector<32x256xf32>, vector<256x256xf32> -> vector<256x256xf32>
      %swap3A_79 = arith.index_cast %add3A_73 : i32 to index
      %swap3A_80 = arith.constant 0 : index
      %swap3A_81 = vector.load %arg18[%swap3A_79, %swap3A_80] : memref<4144x256xf32, #tpu.memory_space<vmem>>, vector<256x256xf32>
      tpu.vector_store %arg18[%swap3A_79, %swap3A_80], %dot_general3A_78 {strides = array<i32>} : memref<4144x256xf32, #tpu.memory_space<vmem>>, vector<256x256xf32>,
      %get3A_82 = arith.constant 0 : index
      %get3A_83 = arith.constant 0 : index
      %get3A_84 = vector.load %arg6[%get3A_82, %get3A_83] : memref<256x32xf32, #tpu.memory_space<vmem>>, vector<256x32xf32>
      %dot_general3A_85 = arith.constant dense<0.000000e+00> : vector<256x256xf32>
      %dot_general3A_86 = tpu.matmul %get3A_84, %dot_general3A_70, %dot_general3A_85 {dimension_numbers = #tpu.dot_dimension_numbers<[1], [0], [0], [1], [0, 0, 1, 1], [], []>, transpose_lhs_hint = false} : vector<256x32xf32>, vector<32x256xf32>, vector<256x256xf32> -> vector<256x256xf32>
      %swap3A_87 = arith.index_cast %add3A_73 : i32 to index
      %swap3A_88 = arith.constant 0 : index
      %swap3A_89 = vector.load %arg19[%swap3A_87, %swap3A_88] : memref<4144x256xf32, #tpu.memory_space<vmem>>, vector<256x256xf32>
      tpu.vector_store %arg19[%swap3A_87, %swap3A_88], %dot_general3A_86 {strides = array<i32>} : memref<4144x256xf32, #tpu.memory_space<vmem>>, vector<256x256xf32>,
      %get3A_90 = arith.constant 0 : index
      %get3A_91 = arith.constant 0 : index
      %get3A_92 = vector.load %arg7[%get3A_90, %get3A_91] : memref<256x32xf32, #tpu.memory_space<vmem>>, vector<256x32xf32>
      %dot_general3A_93 = arith.constant dense<0.000000e+00> : vector<256x256xf32>
      %dot_general3A_94 = tpu.matmul %get3A_92, %dot_general3A_70, %dot_general3A_93 {dimension_numbers = #tpu.dot_dimension_numbers<[1], [0], [0], [1], [0, 0, 1, 1], [], []>, transpose_lhs_hint = false} : vector<256x32xf32>, vector<32x256xf32>, vector<256x256xf32> -> vector<256x256xf32>
      %swap3A_95 = arith.index_cast %add3A_73 : i32 to index
      %swap3A_96 = arith.constant 0 : index
      %swap3A_97 = vector.load %arg20[%swap3A_95, %swap3A_96] : memref<4144x256xf32, #tpu.memory_space<vmem>>, vector<256x256xf32>
      tpu.vector_store %arg20[%swap3A_95, %swap3A_96], %dot_general3A_94 {strides = array<i32>} : memref<4144x256xf32, #tpu.memory_space<vmem>>, vector<256x256xf32>,
    }
    %scan3A_21 = arith.constant 16 : i32
    %swap3A_22 = arith.constant 0.000000e+00 : f32
    %swap3A_23 = arith.constant 0 : index
    %swap3A_24 = memref.load %arg22[%swap3A_23] : memref<1xf32, #tpu.memory_space<smem>>
    memref.store %swap3A_22, %arg22[%swap3A_23] : memref<1xf32, #tpu.memory_space<smem>>
    %scan3A_25 = arith.constant 0 : i32
    %scan3A_26 = arith.constant 8 : i32
    %scan3A_27 = arith.addi %scan3A_25, %scan3A_26 : i32
    %scan3A_28 = arith.constant 1 : i32
    scf.for %scan3A_61 = %scan3A_25 to %scan3A_27 step %scan3A_28  : i32 {
      %mul3A_62 = arith.constant 512 : i32
      %mul3A_63 = arith.muli %scan3A_61, %mul3A_62 : i32
      %add3A = arith.constant 8 : i32
      %add3A_64 = arith.addi %mul3A_63, %add3A : i32
      %get3A_65 = arith.index_cast %add3A_64 : i32 to index
      %get3A_66 = arith.constant 0 : index
      %get3A_67 = vector.load %arg20[%get3A_65, %get3A_66] : memref<4144x256xf32, #tpu.memory_space<vmem>>, vector<512x256xf32>
      %get3A_68 = arith.index_cast %mul3A_63 : i32 to index
      %get3A_69 = arith.constant 0 : index
      %get3A_70 = vector.load %arg11[%get3A_68, %get3A_69] : memref<4096x9xf32, #tpu.memory_space<vmem>>, vector<512x1xf32>
      %mul3A_71 = vector.broadcast %get3A_70 : vector<512x1xf32> to vector<512x256xf32>
      %mul3A_72 = arith.mulf %get3A_67, %mul3A_71 : vector<512x256xf32>
      %get3A_73 = arith.constant 0 : index
      %get3A_74 = arith.constant 0 : index
      %get3A_75 = arith.constant 0 : index
      %get3A_76 = vector.load %arg9[%get3A_73, %get3A_74, %get3A_75] : memref<9x256x256xf32, #tpu.memory_space<vmem>>, vector<1x256x256xf32>
      %get3A_77 = vector.shape_cast %get3A_76 : vector<1x256x256xf32> to vector<256x256xf32>
      %dot_general3A = arith.constant dense<0.000000e+00> : vector<512x256xf32>
      %dot_general3A_78 = tpu.matmul %mul3A_72, %get3A_77, %dot_general3A {dimension_numbers = #tpu.dot_dimension_numbers<[1], [0], [0], [1], [0, 0, 1, 1], [], []>, transpose_lhs_hint = false} : vector<512x256xf32>, vector<256x256xf32>, vector<512x256xf32> -> vector<512x256xf32>
      %add3A_79 = arith.constant 8 : i32
      %add3A_80 = arith.addi %mul3A_63, %add3A_79 : i32
      %get3A_81 = arith.index_cast %add3A_80 : i32 to index
      %get3A_82 = arith.constant 0 : index
      %get3A_83 = vector.load %arg18[%get3A_81, %get3A_82] : memref<4144x256xf32, #tpu.memory_space<vmem>>, vector<512x256xf32>
      %get3A_84 = arith.index_cast %mul3A_63 : i32 to index
      %get3A_85 = arith.constant 1 : index
      %get3A_86 = vector.load %arg11[%get3A_84, %get3A_85] : memref<4096x9xf32, #tpu.memory_space<vmem>>, vector<512x1xf32>
      %mul3A_87 = vector.broadcast %get3A_86 : vector<512x1xf32> to vector<512x256xf32>
      %mul3A_88 = arith.mulf %get3A_83, %mul3A_87 : vector<512x256xf32>
      %get3A_89 = arith.constant 1 : index
      %get3A_90 = arith.constant 0 : index
      %get3A_91 = arith.constant 0 : index
      %get3A_92 = vector.load %arg9[%get3A_89, %get3A_90, %get3A_91] : memref<9x256x256xf32, #tpu.memory_space<vmem>>, vector<1x256x256xf32>
      %get3A_93 = vector.shape_cast %get3A_92 : vector<1x256x256xf32> to vector<256x256xf32>
      %dot_general3A_94 = arith.constant dense<0.000000e+00> : vector<512x256xf32>
      %dot_general3A_95 = tpu.matmul %mul3A_88, %get3A_93, %dot_general3A_94 {dimension_numbers = #tpu.dot_dimension_numbers<[1], [0], [0], [1], [0, 0, 1, 1], [], []>, transpose_lhs_hint = false} : vector<512x256xf32>, vector<256x256xf32>, vector<512x256xf32> -> vector<512x256xf32>
      %add3A_96 = arith.addf %dot_general3A_78, %dot_general3A_95 : vector<512x256xf32>
      %add3A_97 = arith.constant 8 : i32
      %add3A_98 = arith.addi %mul3A_63, %add3A_97 : i32
      %get3A_99 = arith.index_cast %add3A_98 : i32 to index
      %get3A_100 = arith.constant 0 : index
      %get3A_101 = vector.load %arg19[%get3A_99, %get3A_100] : memref<4144x256xf32, #tpu.memory_space<vmem>>, vector<512x256xf32>
      %get3A_102 = arith.index_cast %mul3A_63 : i32 to index
      %get3A_103 = arith.constant 2 : index
      %get3A_104 = vector.load %arg11[%get3A_102, %get3A_103] : memref<4096x9xf32, #tpu.memory_space<vmem>>, vector<512x1xf32>
      %mul3A_105 = vector.broadcast %get3A_104 : vector<512x1xf32> to vector<512x256xf32>
      %mul3A_106 = arith.mulf %get3A_101, %mul3A_105 : vector<512x256xf32>
      %get3A_107 = arith.constant 2 : index
      %get3A_108 = arith.constant 0 : index
      %get3A_109 = arith.constant 0 : index
      %get3A_110 = vector.load %arg9[%get3A_107, %get3A_108, %get3A_109] : memref<9x256x256xf32, #tpu.memory_space<vmem>>, vector<1x256x256xf32>
      %get3A_111 = vector.shape_cast %get3A_110 : vector<1x256x256xf32> to vector<256x256xf32>
      %dot_general3A_112 = arith.constant dense<0.000000e+00> : vector<512x256xf32>
      %dot_general3A_113 = tpu.matmul %mul3A_106, %get3A_111, %dot_general3A_112 {dimension_numbers = #tpu.dot_dimension_numbers<[1], [0], [0], [1], [0, 0, 1, 1], [], []>, transpose_lhs_hint = false} : vector<512x256xf32>, vector<256x256xf32>, vector<512x256xf32> -> vector<512x256xf32>
      %add3A_114 = arith.addf %add3A_96, %dot_general3A_113 : vector<512x256xf32>
      %add3A_115 = arith.constant 24 : i32
      %add3A_116 = arith.addi %mul3A_63, %add3A_115 : i32
      %get3A_117 = arith.index_cast %add3A_116 : i32 to index
      %get3A_118 = arith.constant 0 : index
      %get3A_119 = vector.load %arg20[%get3A_117, %get3A_118] : memref<4144x256xf32, #tpu.memory_space<vmem>>, vector<512x256xf32>
      %get3A_120 = arith.index_cast %mul3A_63 : i32 to index
      %get3A_121 = arith.constant 3 : index
      %get3A_122 = vector.load %arg11[%get3A_120, %get3A_121] : memref<4096x9xf32, #tpu.memory_space<vmem>>, vector<512x1xf32>
      %mul3A_123 = vector.broadcast %get3A_122 : vector<512x1xf32> to vector<512x256xf32>
      %mul3A_124 = arith.mulf %get3A_119, %mul3A_123 : vector<512x256xf32>
      %get3A_125 = arith.constant 3 : index
      %get3A_126 = arith.constant 0 : index
      %get3A_127 = arith.constant 0 : index
      %get3A_128 = vector.load %arg9[%get3A_125, %get3A_126, %get3A_127] : memref<9x256x256xf32, #tpu.memory_space<vmem>>, vector<1x256x256xf32>
      %get3A_129 = vector.shape_cast %get3A_128 : vector<1x256x256xf32> to vector<256x256xf32>
      %dot_general3A_130 = arith.constant dense<0.000000e+00> : vector<512x256xf32>
      %dot_general3A_131 = tpu.matmul %mul3A_124, %get3A_129, %dot_general3A_130 {dimension_numbers = #tpu.dot_dimension_numbers<[1], [0], [0], [1], [0, 0, 1, 1], [], []>, transpose_lhs_hint = false} : vector<512x256xf32>, vector<256x256xf32>, vector<512x256xf32> -> vector<512x256xf32>
      %add3A_132 = arith.addf %add3A_114, %dot_general3A_131 : vector<512x256xf32>
      %add3A_133 = arith.constant 24 : i32
      %add3A_134 = arith.addi %mul3A_63, %add3A_133 : i32
      %get3A_135 = arith.index_cast %add3A_134 : i32 to index
      %get3A_136 = arith.constant 0 : index
      %get3A_137 = vector.load %arg18[%get3A_135, %get3A_136] : memref<4144x256xf32, #tpu.memory_space<vmem>>, vector<512x256xf32>
      %get3A_138 = arith.index_cast %mul3A_63 : i32 to index
      %get3A_139 = arith.constant 4 : index
      %get3A_140 = vector.load %arg11[%get3A_138, %get3A_139] : memref<4096x9xf32, #tpu.memory_space<vmem>>, vector<512x1xf32>
      %mul3A_141 = vector.broadcast %get3A_140 : vector<512x1xf32> to vector<512x256xf32>
      %mul3A_142 = arith.mulf %get3A_137, %mul3A_141 : vector<512x256xf32>
      %get3A_143 = arith.constant 4 : index
      %get3A_144 = arith.constant 0 : index
      %get3A_145 = arith.constant 0 : index
      %get3A_146 = vector.load %arg9[%get3A_143, %get3A_144, %get3A_145] : memref<9x256x256xf32, #tpu.memory_space<vmem>>, vector<1x256x256xf32>
      %get3A_147 = vector.shape_cast %get3A_146 : vector<1x256x256xf32> to vector<256x256xf32>
      %dot_general3A_148 = arith.constant dense<0.000000e+00> : vector<512x256xf32>
      %dot_general3A_149 = tpu.matmul %mul3A_142, %get3A_147, %dot_general3A_148 {dimension_numbers = #tpu.dot_dimension_numbers<[1], [0], [0], [1], [0, 0, 1, 1], [], []>, transpose_lhs_hint = false} : vector<512x256xf32>, vector<256x256xf32>, vector<512x256xf32> -> vector<512x256xf32>
      %add3A_150 = arith.addf %add3A_132, %dot_general3A_149 : vector<512x256xf32>
      %add3A_151 = arith.constant 24 : i32
      %add3A_152 = arith.addi %mul3A_63, %add3A_151 : i32
      %get3A_153 = arith.index_cast %add3A_152 : i32 to index
      %get3A_154 = arith.constant 0 : index
      %get3A_155 = vector.load %arg19[%get3A_153, %get3A_154] : memref<4144x256xf32, #tpu.memory_space<vmem>>, vector<512x256xf32>
      %get3A_156 = arith.index_cast %mul3A_63 : i32 to index
      %get3A_157 = arith.constant 5 : index
      %get3A_158 = vector.load %arg11[%get3A_156, %get3A_157] : memref<4096x9xf32, #tpu.memory_space<vmem>>, vector<512x1xf32>
      %mul3A_159 = vector.broadcast %get3A_158 : vector<512x1xf32> to vector<512x256xf32>
      %mul3A_160 = arith.mulf %get3A_155, %mul3A_159 : vector<512x256xf32>
      %get3A_161 = arith.constant 5 : index
      %get3A_162 = arith.constant 0 : index
      %get3A_163 = arith.constant 0 : index
      %get3A_164 = vector.load %arg9[%get3A_161, %get3A_162, %get3A_163] : memref<9x256x256xf32, #tpu.memory_space<vmem>>, vector<1x256x256xf32>
      %get3A_165 = vector.shape_cast %get3A_164 : vector<1x256x256xf32> to vector<256x256xf32>
      %dot_general3A_166 = arith.constant dense<0.000000e+00> : vector<512x256xf32>
      %dot_general3A_167 = tpu.matmul %mul3A_160, %get3A_165, %dot_general3A_166 {dimension_numbers = #tpu.dot_dimension_numbers<[1], [0], [0], [1], [0, 0, 1, 1], [], []>, transpose_lhs_hint = false} : vector<512x256xf32>, vector<256x256xf32>, vector<512x256xf32> -> vector<512x256xf32>
      %add3A_168 = arith.addf %add3A_150, %dot_general3A_167 : vector<512x256xf32>
      %add3A_169 = arith.constant 40 : i32
      %add3A_170 = arith.addi %mul3A_63, %add3A_169 : i32
      %get3A_171 = arith.index_cast %add3A_170 : i32 to index
      %get3A_172 = arith.constant 0 : index
      %get3A_173 = vector.load %arg20[%get3A_171, %get3A_172] : memref<4144x256xf32, #tpu.memory_space<vmem>>, vector<512x256xf32>
      %get3A_174 = arith.index_cast %mul3A_63 : i32 to index
      %get3A_175 = arith.constant 6 : index
      %get3A_176 = vector.load %arg11[%get3A_174, %get3A_175] : memref<4096x9xf32, #tpu.memory_space<vmem>>, vector<512x1xf32>
      %mul3A_177 = vector.broadcast %get3A_176 : vector<512x1xf32> to vector<512x256xf32>
      %mul3A_178 = arith.mulf %get3A_173, %mul3A_177 : vector<512x256xf32>
      %get3A_179 = arith.constant 6 : index
      %get3A_180 = arith.constant 0 : index
      %get3A_181 = arith.constant 0 : index
      %get3A_182 = vector.load %arg9[%get3A_179, %get3A_180, %get3A_181] : memref<9x256x256xf32, #tpu.memory_space<vmem>>, vector<1x256x256xf32>
      %get3A_183 = vector.shape_cast %get3A_182 : vector<1x256x256xf32> to vector<256x256xf32>
      %dot_general3A_184 = arith.constant dense<0.000000e+00> : vector<512x256xf32>
      %dot_general3A_185 = tpu.matmul %mul3A_178, %get3A_183, %dot_general3A_184 {dimension_numbers = #tpu.dot_dimension_numbers<[1], [0], [0], [1], [0, 0, 1, 1], [], []>, transpose_lhs_hint = false} : vector<512x256xf32>, vector<256x256xf32>, vector<512x256xf32> -> vector<512x256xf32>
      %add3A_186 = arith.addf %add3A_168, %dot_general3A_185 : vector<512x256xf32>
      %add3A_187 = arith.constant 40 : i32
      %add3A_188 = arith.addi %mul3A_63, %add3A_187 : i32
      %get3A_189 = arith.index_cast %add3A_188 : i32 to index
      %get3A_190 = arith.constant 0 : index
      %get3A_191 = vector.load %arg18[%get3A_189, %get3A_190] : memref<4144x256xf32, #tpu.memory_space<vmem>>, vector<512x256xf32>
      %get3A_192 = arith.index_cast %mul3A_63 : i32 to index
      %get3A_193 = arith.constant 7 : index
      %get3A_194 = vector.load %arg11[%get3A_192, %get3A_193] : memref<4096x9xf32, #tpu.memory_space<vmem>>, vector<512x1xf32>
      %mul3A_195 = vector.broadcast %get3A_194 : vector<512x1xf32> to vector<512x256xf32>
      %mul3A_196 = arith.mulf %get3A_191, %mul3A_195 : vector<512x256xf32>
      %get3A_197 = arith.constant 7 : index
      %get3A_198 = arith.constant 0 : index
      %get3A_199 = arith.constant 0 : index
      %get3A_200 = vector.load %arg9[%get3A_197, %get3A_198, %get3A_199] : memref<9x256x256xf32, #tpu.memory_space<vmem>>, vector<1x256x256xf32>
      %get3A_201 = vector.shape_cast %get3A_200 : vector<1x256x256xf32> to vector<256x256xf32>
      %dot_general3A_202 = arith.constant dense<0.000000e+00> : vector<512x256xf32>
      %dot_general3A_203 = tpu.matmul %mul3A_196, %get3A_201, %dot_general3A_202 {dimension_numbers = #tpu.dot_dimension_numbers<[1], [0], [0], [1], [0, 0, 1, 1], [], []>, transpose_lhs_hint = false} : vector<512x256xf32>, vector<256x256xf32>, vector<512x256xf32> -> vector<512x256xf32>
      %add3A_204 = arith.addf %add3A_186, %dot_general3A_203 : vector<512x256xf32>
      %add3A_205 = arith.constant 40 : i32
      %add3A_206 = arith.addi %mul3A_63, %add3A_205 : i32
      %get3A_207 = arith.index_cast %add3A_206 : i32 to index
      %get3A_208 = arith.constant 0 : index
      %get3A_209 = vector.load %arg19[%get3A_207, %get3A_208] : memref<4144x256xf32, #tpu.memory_space<vmem>>, vector<512x256xf32>
      %get3A_210 = arith.index_cast %mul3A_63 : i32 to index
      %get3A_211 = arith.constant 8 : index
      %get3A_212 = vector.load %arg11[%get3A_210, %get3A_211] : memref<4096x9xf32, #tpu.memory_space<vmem>>, vector<512x1xf32>
      %mul3A_213 = vector.broadcast %get3A_212 : vector<512x1xf32> to vector<512x256xf32>
      %mul3A_214 = arith.mulf %get3A_209, %mul3A_213 : vector<512x256xf32>
      %get3A_215 = arith.constant 8 : index
      %get3A_216 = arith.constant 0 : index
      %get3A_217 = arith.constant 0 : index
      %get3A_218 = vector.load %arg9[%get3A_215, %get3A_216, %get3A_217] : memref<9x256x256xf32, #tpu.memory_space<vmem>>, vector<1x256x256xf32>
      %get3A_219 = vector.shape_cast %get3A_218 : vector<1x256x256xf32> to vector<256x256xf32>
      %dot_general3A_220 = arith.constant dense<0.000000e+00> : vector<512x256xf32>
      %dot_general3A_221 = tpu.matmul %mul3A_214, %get3A_219, %dot_general3A_220 {dimension_numbers = #tpu.dot_dimension_numbers<[1], [0], [0], [1], [0, 0, 1, 1], [], []>, transpose_lhs_hint = false} : vector<512x256xf32>, vector<256x256xf32>, vector<512x256xf32> -> vector<512x256xf32>
      %add3A_222 = arith.addf %add3A_204, %dot_general3A_221 : vector<512x256xf32>
      %get3A_223 = arith.constant 0 : index
      %get3A_224 = arith.constant 0 : index
      %get3A_225 = vector.load %arg10[%get3A_223, %get3A_224] : memref<1x256xf32, #tpu.memory_space<vmem>>, vector<1x256xf32>
      %broadcast_in_dim3A_226 = vector.shape_cast %get3A_225 : vector<1x256xf32> to vector<1x256xf32>
      %broadcast_in_dim3A_227 = vector.broadcast %broadcast_in_dim3A_226 : vector<1x256xf32> to vector<512x256xf32>
      %add3A_228 = arith.addf %add3A_222, %broadcast_in_dim3A_227 : vector<512x256xf32>
      %add3A_229 = arith.constant 24 : i32
      %add3A_230 = arith.addi %mul3A_63, %add3A_229 : i32
      %get3A_231 = arith.index_cast %add3A_230 : i32 to index
      %get3A_232 = arith.constant 0 : index
      %get3A_233 = vector.load %arg18[%get3A_231, %get3A_232] : memref<4144x256xf32, #tpu.memory_space<vmem>>, vector<512x256xf32>
      %mul3A_234 = arith.constant 5.000000e-01 : f32
      %mul3A_235 = vector.broadcast %mul3A_234 : f32 to vector<512x256xf32>
      %mul3A_236 = arith.mulf %get3A_233, %mul3A_235 : vector<512x256xf32>
      %mul3A_237 = arith.constant 5.000000e-01 : f32
      %mul3A_238 = vector.broadcast %mul3A_237 : f32 to vector<512x256xf32>
      %mul3A_239 = arith.mulf %add3A_228, %mul3A_238 : vector<512x256xf32>
      %add3A_240 = arith.addf %mul3A_236, %mul3A_239 : vector<512x256xf32>
      %get3A_241 = arith.index_cast %mul3A_63 : i32 to index
      %get3A_242 = arith.constant 0 : index
      %get3A_243 = vector.load %arg1[%get3A_241, %get3A_242] : memref<4096x256xf32, #tpu.memory_space<vmem>>, vector<512x256xf32>
      %add3A_244 = arith.addf %get3A_243, %add3A_240 : vector<512x256xf32>
      %swap3A_245 = arith.index_cast %mul3A_63 : i32 to index
      %swap3A_246 = arith.constant 0 : index
      %swap3A_247 = vector.load %arg15[%swap3A_245, %swap3A_246] : memref<4096x256xf32, #tpu.memory_space<vmem>>, vector<512x256xf32>
      tpu.vector_store %arg15[%swap3A_245, %swap3A_246], %add3A_244 {strides = array<i32>} : memref<4096x256xf32, #tpu.memory_space<vmem>>, vector<512x256xf32>,
      %get3A_248 = arith.index_cast %mul3A_63 : i32 to index
      %get3A_249 = arith.constant 0 : index
      %get3A_250 = vector.load %arg0[%get3A_248, %get3A_249] : memref<4096x256xf32, #tpu.memory_space<vmem>>, vector<512x256xf32>
      %sub3A = arith.subf %get3A_250, %add3A_240 : vector<512x256xf32>
      %swap3A_251 = arith.index_cast %mul3A_63 : i32 to index
      %swap3A_252 = arith.constant 0 : index
      %swap3A_253 = vector.load %arg14[%swap3A_251, %swap3A_252] : memref<4096x256xf32, #tpu.memory_space<vmem>>, vector<512x256xf32>
      tpu.vector_store %arg14[%swap3A_251, %swap3A_252], %sub3A {strides = array<i32>} : memref<4096x256xf32, #tpu.memory_space<vmem>>, vector<512x256xf32>,
      %get3A_254 = arith.index_cast %mul3A_63 : i32 to index
      %get3A_255 = arith.constant 0 : index
      %get3A_256 = vector.load %arg2[%get3A_254, %get3A_255] : memref<4096x256xf32, #tpu.memory_space<vmem>>, vector<512x256xf32>
      %sub3A_257 = arith.subf %add3A_244, %get3A_256 : vector<512x256xf32>
      %get3A_258 = arith.constant 0 : index
      %get3A_259 = memref.load %arg22[%get3A_258] : memref<1xf32, #tpu.memory_space<smem>>
      %mul3A_260 = arith.mulf %sub3A_257, %sub3A_257 : vector<512x256xf32>
      %reduce_sum3A_261 = vector.shape_cast %mul3A_260 : vector<512x256xf32> to vector<1x512x256xf32>
      %reduce_sum3A_262 = arith.constant dense<0.000000e+00> : vector<1xf32>
      %reduce_sum3A_263 = vector.multi_reduction <add>, %reduce_sum3A_261, %reduce_sum3A_262 [1, 2] : vector<1x512x256xf32> to vector<1xf32>
      %reduce_sum3A_264 = vector.shape_cast %reduce_sum3A_263 : vector<1xf32> to vector<1x1x1xf32>
      %reduce_sum3A_265 = vector.extract %reduce_sum3A_264[0, 0, 0] : f32 from vector<1x1x1xf32>
      %add3A_266 = arith.addf %get3A_259, %reduce_sum3A_265 : f32
      %swap3A_267 = arith.constant 0 : index
      %swap3A_268 = memref.load %arg22[%swap3A_267] : memref<1xf32, #tpu.memory_space<smem>>
      memref.store %add3A_266, %arg22[%swap3A_267] : memref<1xf32, #tpu.memory_space<smem>>
    }
    %scan3A_29 = arith.constant 8 : i32
    %get3A = arith.constant 0 : index
    %get3A_30 = memref.load %arg22[%get3A] : memref<1xf32, #tpu.memory_space<smem>>
    %broadcast_in_dim3A_31 = vector.broadcast %get3A_30 : f32 to vector<1x1xf32>
    %swap3A_32 = arith.constant 0 : index
    %swap3A_33 = arith.constant 0 : index
    %swap3A_34 = vector.load %arg17[%swap3A_32, %swap3A_33] : memref<1x1xf32, #tpu.memory_space<vmem>>, vector<1x1xf32>
    tpu.vector_store %arg17[%swap3A_32, %swap3A_33], %broadcast_in_dim3A_31 {strides = array<i32>} : memref<1x1xf32, #tpu.memory_space<vmem>>, vector<1x1xf32>,
    %scan3A_35 = arith.constant 0 : i32
    %scan3A_36 = arith.constant 16 : i32
    %scan3A_37 = arith.addi %scan3A_35, %scan3A_36 : i32
    %scan3A_38 = arith.constant 1 : i32
    scf.for %scan3A_61 = %scan3A_35 to %scan3A_37 step %scan3A_38  : i32 {
      %mul3A_62 = arith.constant 256 : i32
      %mul3A_63 = arith.muli %scan3A_61, %mul3A_62 : i32
      %get3A_64 = arith.index_cast %mul3A_63 : i32 to index
      %get3A_65 = arith.constant 0 : index
      %get3A_66 = vector.load %arg14[%get3A_64, %get3A_65] : memref<4096x256xf32, #tpu.memory_space<vmem>>, vector<256x256xf32>
      %get3A_67 = arith.constant 0 : index
      %get3A_68 = arith.constant 0 : index
      %get3A_69 = vector.load %arg13[%get3A_67, %get3A_68] : memref<48x256xf32, #tpu.memory_space<vmem>>, vector<48x256xf32>
      %dot_general3A = arith.constant dense<0.000000e+00> : vector<48x256xf32>
      %dot_general3A_70 = tpu.matmul %get3A_69, %get3A_66, %dot_general3A {dimension_numbers = #tpu.dot_dimension_numbers<[1], [0], [0], [1], [0, 0, 1, 1], [], []>, transpose_lhs_hint = false} : vector<48x256xf32>, vector<256x256xf32>, vector<48x256xf32> -> vector<48x256xf32>
      %get3A_71 = arith.constant 0 : index
      %get3A_72 = arith.constant 0 : index
      %get3A_73 = vector.load %arg12[%get3A_71, %get3A_72] : memref<16x48xf32, #tpu.memory_space<vmem>>, vector<16x48xf32>
      %dot_general3A_74 = arith.constant dense<0.000000e+00> : vector<16x256xf32>
      %dot_general3A_75 = tpu.matmul %get3A_73, %dot_general3A_70, %dot_general3A_74 {dimension_numbers = #tpu.dot_dimension_numbers<[1], [0], [0], [1], [0, 0, 1, 1], [], []>, transpose_lhs_hint = false} : vector<16x48xf32>, vector<48x256xf32>, vector<16x256xf32> -> vector<16x256xf32>
      %mul3A_76 = arith.constant 16 : i32
      %mul3A_77 = arith.muli %scan3A_61, %mul3A_76 : i32
      %swap3A_78 = arith.index_cast %mul3A_77 : i32 to index
      %swap3A_79 = arith.constant 0 : index
      %swap3A_80 = vector.load %arg21[%swap3A_78, %swap3A_79] : memref<256x256xf32, #tpu.memory_space<vmem>>, vector<16x256xf32>
      tpu.vector_store %arg21[%swap3A_78, %swap3A_79], %dot_general3A_75 {strides = array<i32>} : memref<256x256xf32, #tpu.memory_space<vmem>>, vector<16x256xf32>,
    }
    %scan3A_39 = arith.constant 16 : i32
    %get3A_40 = arith.constant 0 : index
    %get3A_41 = arith.constant 0 : index
    %get3A_42 = vector.load %arg21[%get3A_40, %get3A_41] : memref<256x256xf32, #tpu.memory_space<vmem>>, vector<256x256xf32>
    %mul3A = arith.mulf %get3A_42, %get3A_42 : vector<256x256xf32>
    %reduce_sum3A = arith.constant dense<0.000000e+00> : vector<256xf32>
    %reduce_sum3A_43 = vector.multi_reduction <add>, %mul3A, %reduce_sum3A [1] : vector<256x256xf32> to vector<256xf32>
    %broadcast_in_dim3A_44 = vector.shape_cast %reduce_sum3A_43 : vector<256xf32> to vector<256x1xf32>
    %sqrt3A = math.sqrt %broadcast_in_dim3A_44 : vector<256x1xf32>
    %max3A = arith.constant 9.99999996E-13 : f32
    %max3A_45 = vector.broadcast %max3A : f32 to vector<256x1xf32>
    %max3A_46 = arith.maximumf %sqrt3A, %max3A_45 : vector<256x1xf32>
    %div3A = vector.broadcast %max3A_46 : vector<256x1xf32> to vector<256x256xf32>
    %div3A_47 = arith.divf %get3A_42, %div3A : vector<256x256xf32>
    %convert_element_type3A = arith.truncf %div3A_47 : vector<256x256xf32> to vector<256x256xbf16>
    %broadcast_in_dim3A_48 = arith.constant 0xFF800000 : f32
    %broadcast_in_dim3A_49 = vector.broadcast %broadcast_in_dim3A_48 : f32 to vector<256x1xf32>
    %broadcast_in_dim3A_50 = arith.constant 0 : i32
    %broadcast_in_dim3A_51 = vector.broadcast %broadcast_in_dim3A_50 : i32 to vector<256x1xi32>
    %scan3A_52 = arith.constant 0 : i32
    %scan3A_53 = arith.constant 8 : i32
    %scan3A_54 = arith.addi %scan3A_52, %scan3A_53 : i32
    %scan3A_55 = arith.constant 1 : i32
    %scan3A_56:2 = scf.for %scan3A_61 = %scan3A_52 to %scan3A_54 step %scan3A_55 iter_args(%scan3A_62 = %broadcast_in_dim3A_49, %scan3A_63 = %broadcast_in_dim3A_51) -> (vector<256x1xf32>, vector<256x1xi32>)  : i32 {
      %mul3A_64 = arith.constant 1024 : i32
      %mul3A_65 = arith.muli %scan3A_61, %mul3A_64 : i32
      %get3A_66 = arith.constant 0 : index
      %get3A_67 = arith.index_cast %mul3A_65 : i32 to index
      %get3A_68 = vector.load %arg4[%get3A_66, %get3A_67] : memref<256x8192xbf16, #tpu.memory_space<vmem>>, vector<256x1024xbf16>
      %dot_general3A = arith.constant dense<0.000000e+00> : vector<256x1024xf32>
      %dot_general3A_69 = tpu.matmul %convert_element_type3A, %get3A_68, %dot_general3A {dimension_numbers = #tpu.dot_dimension_numbers<[1], [0], [0], [1], [0, 0, 1, 1], [], []>, transpose_lhs_hint = false} : vector<256x256xbf16>, vector<256x1024xbf16>, vector<256x1024xf32> -> vector<256x1024xf32>
      %reduce_max3A = arith.constant dense<0xFF800000> : vector<256xf32>
      %reduce_max3A_70 = vector.multi_reduction <maximumf>, %dot_general3A_69, %reduce_max3A [1] : vector<256x1024xf32> to vector<256xf32>
      %broadcast_in_dim3A_71 = vector.shape_cast %reduce_max3A_70 : vector<256xf32> to vector<256x1xf32>
      %iota3A = tpu.iota {dimensions = array<i32: 1>} : vector<256x1024xi32>
      %eq3A = vector.broadcast %broadcast_in_dim3A_71 : vector<256x1xf32> to vector<256x1024xf32>
      %eq3A_72 = arith.cmpf oeq, %dot_general3A_69, %eq3A : vector<256x1024xf32>
      %jit3A = arith.constant 1073741824 : i32
      %broadcast_in_dim3A_73 = vector.broadcast %jit3A : i32 to vector<256x1024xi32>
      %select_n3A = arith.select %eq3A_72, %iota3A, %broadcast_in_dim3A_73 : vector<256x1024xi1>, vector<256x1024xi32>
      %reduce_min3A = arith.constant dense<2147483647> : vector<256xi32>
      %reduce_min3A_74 = vector.multi_reduction <minsi>, %select_n3A, %reduce_min3A [1] : vector<256x1024xi32> to vector<256xi32>
      %broadcast_in_dim3A_75 = vector.shape_cast %reduce_min3A_74 : vector<256xi32> to vector<256x1xi32>
      %gt3A = arith.cmpf ogt, %broadcast_in_dim3A_71, %scan3A_62 : vector<256x1xf32>
      %select_n3A_76 = arith.select %gt3A, %broadcast_in_dim3A_71, %scan3A_62 : vector<256x1xi1>, vector<256x1xf32>
      %mul3A_77 = arith.constant 1024 : i32
      %mul3A_78 = arith.muli %scan3A_61, %mul3A_77 : i32
      %add3A = vector.broadcast %mul3A_78 : i32 to vector<256x1xi32>
      %add3A_79 = arith.addi %broadcast_in_dim3A_75, %add3A : vector<256x1xi32>
      %select_n3A_80 = arith.select %gt3A, %add3A_79, %scan3A_63 : vector<256x1xi1>, vector<256x1xi32>
      scf.yield %select_n3A_76, %select_n3A_80 : vector<256x1xf32>, vector<256x1xi32>
    }
    %scan3A_57 = arith.constant 8 : i32
    %swap3A_58 = arith.constant 0 : index
    %swap3A_59 = arith.constant 0 : index
    %swap3A_60 = vector.load %arg16[%swap3A_58, %swap3A_59] : memref<256x1xi32, #tpu.memory_space<vmem>>, vector<256x1xi32>
    tpu.vector_store %arg16[%swap3A_58, %swap3A_59], %scan3A_56#1 {strides = array<i32>} : memref<256x1xi32, #tpu.memory_space<vmem>>, vector<256x1xi32>,
    return
  }
}

module attributes {stable_mosaic.version = 14 : i64} {
  func.func @body(%arg0: memref<4096x256xf32, #tpu.memory_space<vmem>>, %arg1: memref<4096x256xf32, #tpu.memory_space<vmem>>, %arg2: memref<4096x256xf32, #tpu.memory_space<vmem>>, %arg3: memref<256x256xf32, #tpu.memory_space<vmem>>, %arg4: memref<256x8192xbf16, #tpu.memory_space<vmem>>, %arg5: memref<256x48xf32, #tpu.memory_space<vmem>>, %arg6: memref<256x48xf32, #tpu.memory_space<vmem>>, %arg7: memref<256x48xf32, #tpu.memory_space<vmem>>, %arg8: memref<48x16xf32, #tpu.memory_space<vmem>>, %arg9: memref<9x256x256xf32, #tpu.memory_space<vmem>>, %arg10: memref<1x256xf32, #tpu.memory_space<vmem>>, %arg11: memref<4096x9xf32, #tpu.memory_space<vmem>>, %arg12: memref<16x64xf32, #tpu.memory_space<vmem>>, %arg13: memref<64x256xf32, #tpu.memory_space<vmem>>, %arg14: memref<4096x256xf32, #tpu.memory_space<vmem>>, %arg15: memref<4096x256xf32, #tpu.memory_space<vmem>>, %arg16: memref<256x1xi32, #tpu.memory_space<vmem>>, %arg17: memref<1x1xf32, #tpu.memory_space<vmem>>, %arg18: memref<4144x256xf32, #tpu.memory_space<vmem>>, %arg19: memref<4144x256xf32, #tpu.memory_space<vmem>>, %arg20: memref<4144x256xf32, #tpu.memory_space<vmem>>, %arg21: memref<256x256xf32, #tpu.memory_space<vmem>>, %arg22: memref<1xf32, #tpu.memory_space<smem>>) attributes {dimension_semantics = [], scalar_prefetch = 0 : i64, scratch_operands = 5 : i64, tpu.core_type = #tpu.core_type<tc>} {
    %broadcast_in_dim3A = arith.constant 0.000000e+00 : f32
    %broadcast_in_dim3A_0 = vector.broadcast %broadcast_in_dim3A : f32 to vector<24x256xf32>
    %swap3A = arith.constant 0 : index
    %swap3A_1 = arith.constant 0 : index
    %swap3A_2 = vector.load %arg18[%swap3A, %swap3A_1] : memref<4144x256xf32, #tpu.memory_space<vmem>>, vector<24x256xf32>
    tpu.vector_store %arg18[%swap3A, %swap3A_1], %broadcast_in_dim3A_0 {strides = array<i32>} : memref<4144x256xf32, #tpu.memory_space<vmem>>, vector<24x256xf32>,
    %swap3A_3 = arith.constant 4120 : index
    %swap3A_4 = arith.constant 0 : index
    %swap3A_5 = vector.load %arg18[%swap3A_3, %swap3A_4] : memref<4144x256xf32, #tpu.memory_space<vmem>>, vector<24x256xf32>
    tpu.vector_store %arg18[%swap3A_3, %swap3A_4], %broadcast_in_dim3A_0 {strides = array<i32>} : memref<4144x256xf32, #tpu.memory_space<vmem>>, vector<24x256xf32>,
    %swap3A_6 = arith.constant 0 : index
    %swap3A_7 = arith.constant 0 : index
    %swap3A_8 = vector.load %arg19[%swap3A_6, %swap3A_7] : memref<4144x256xf32, #tpu.memory_space<vmem>>, vector<24x256xf32>
    tpu.vector_store %arg19[%swap3A_6, %swap3A_7], %broadcast_in_dim3A_0 {strides = array<i32>} : memref<4144x256xf32, #tpu.memory_space<vmem>>, vector<24x256xf32>,
    %swap3A_9 = arith.constant 4120 : index
    %swap3A_10 = arith.constant 0 : index
    %swap3A_11 = vector.load %arg19[%swap3A_9, %swap3A_10] : memref<4144x256xf32, #tpu.memory_space<vmem>>, vector<24x256xf32>
    tpu.vector_store %arg19[%swap3A_9, %swap3A_10], %broadcast_in_dim3A_0 {strides = array<i32>} : memref<4144x256xf32, #tpu.memory_space<vmem>>, vector<24x256xf32>,
    %swap3A_12 = arith.constant 0 : index
    %swap3A_13 = arith.constant 0 : index
    %swap3A_14 = vector.load %arg20[%swap3A_12, %swap3A_13] : memref<4144x256xf32, #tpu.memory_space<vmem>>, vector<24x256xf32>
    tpu.vector_store %arg20[%swap3A_12, %swap3A_13], %broadcast_in_dim3A_0 {strides = array<i32>} : memref<4144x256xf32, #tpu.memory_space<vmem>>, vector<24x256xf32>,
    %swap3A_15 = arith.constant 4120 : index
    %swap3A_16 = arith.constant 0 : index
    %swap3A_17 = vector.load %arg20[%swap3A_15, %swap3A_16] : memref<4144x256xf32, #tpu.memory_space<vmem>>, vector<24x256xf32>
    tpu.vector_store %arg20[%swap3A_15, %swap3A_16], %broadcast_in_dim3A_0 {strides = array<i32>} : memref<4144x256xf32, #tpu.memory_space<vmem>>, vector<24x256xf32>,
    %scan3A = arith.constant 0 : i32
    %scan3A_18 = arith.constant 16 : i32
    %scan3A_19 = arith.addi %scan3A, %scan3A_18 : i32
    %scan3A_20 = arith.constant 1 : i32
    scf.for %scan3A_61 = %scan3A to %scan3A_19 step %scan3A_20  : i32 {
      %mul3A_62 = arith.constant 16 : i32
      %mul3A_63 = arith.muli %scan3A_61, %mul3A_62 : i32
      %get3A_64 = arith.index_cast %mul3A_63 : i32 to index
      %get3A_65 = arith.constant 0 : index
      %get3A_66 = vector.load %arg3[%get3A_64, %get3A_65] : memref<256x256xf32, #tpu.memory_space<vmem>>, vector<16x256xf32>
      %get3A_67 = arith.constant 0 : index
      %get3A_68 = arith.constant 0 : index
      %get3A_69 = vector.load %arg8[%get3A_67, %get3A_68] : memref<48x16xf32, #tpu.memory_space<vmem>>, vector<48x16xf32>
      %dot_general3A = arith.constant dense<0.000000e+00> : vector<48x256xf32>
      %dot_general3A_70 = tpu.matmul %get3A_69, %get3A_66, %dot_general3A {dimension_numbers = #tpu.dot_dimension_numbers<[1], [0], [0], [1], [0, 0, 1, 1], [], []>, transpose_lhs_hint = false} : vector<48x16xf32>, vector<16x256xf32>, vector<48x256xf32> -> vector<48x256xf32>
      %mul3A_71 = arith.constant 256 : i32
      %mul3A_72 = arith.muli %scan3A_61, %mul3A_71 : i32
      %add3A = arith.constant 24 : i32
      %add3A_73 = arith.addi %add3A, %mul3A_72 : i32
      %get3A_74 = arith.constant 0 : index
      %get3A_75 = arith.constant 0 : index
      %get3A_76 = vector.load %arg5[%get3A_74, %get3A_75] : memref<256x48xf32, #tpu.memory_space<vmem>>, vector<256x48xf32>
      %dot_general3A_77 = arith.constant dense<0.000000e+00> : vector<256x256xf32>
      %dot_general3A_78 = tpu.matmul %get3A_76, %dot_general3A_70, %dot_general3A_77 {dimension_numbers = #tpu.dot_dimension_numbers<[1], [0], [0], [1], [0, 0, 1, 1], [], []>, transpose_lhs_hint = false} : vector<256x48xf32>, vector<48x256xf32>, vector<256x256xf32> -> vector<256x256xf32>
      %swap3A_79 = arith.index_cast %add3A_73 : i32 to index
      %swap3A_80 = arith.constant 0 : index
      %swap3A_81 = vector.load %arg18[%swap3A_79, %swap3A_80] : memref<4144x256xf32, #tpu.memory_space<vmem>>, vector<256x256xf32>
      tpu.vector_store %arg18[%swap3A_79, %swap3A_80], %dot_general3A_78 {strides = array<i32>} : memref<4144x256xf32, #tpu.memory_space<vmem>>, vector<256x256xf32>,
      %get3A_82 = arith.constant 0 : index
      %get3A_83 = arith.constant 0 : index
      %get3A_84 = vector.load %arg6[%get3A_82, %get3A_83] : memref<256x48xf32, #tpu.memory_space<vmem>>, vector<256x48xf32>
      %dot_general3A_85 = arith.constant dense<0.000000e+00> : vector<256x256xf32>
      %dot_general3A_86 = tpu.matmul %get3A_84, %dot_general3A_70, %dot_general3A_85 {dimension_numbers = #tpu.dot_dimension_numbers<[1], [0], [0], [1], [0, 0, 1, 1], [], []>, transpose_lhs_hint = false} : vector<256x48xf32>, vector<48x256xf32>, vector<256x256xf32> -> vector<256x256xf32>
      %swap3A_87 = arith.index_cast %add3A_73 : i32 to index
      %swap3A_88 = arith.constant 0 : index
      %swap3A_89 = vector.load %arg19[%swap3A_87, %swap3A_88] : memref<4144x256xf32, #tpu.memory_space<vmem>>, vector<256x256xf32>
      tpu.vector_store %arg19[%swap3A_87, %swap3A_88], %dot_general3A_86 {strides = array<i32>} : memref<4144x256xf32, #tpu.memory_space<vmem>>, vector<256x256xf32>,
      %get3A_90 = arith.constant 0 : index
      %get3A_91 = arith.constant 0 : index
      %get3A_92 = vector.load %arg7[%get3A_90, %get3A_91] : memref<256x48xf32, #tpu.memory_space<vmem>>, vector<256x48xf32>
      %dot_general3A_93 = arith.constant dense<0.000000e+00> : vector<256x256xf32>
      %dot_general3A_94 = tpu.matmul %get3A_92, %dot_general3A_70, %dot_general3A_93 {dimension_numbers = #tpu.dot_dimension_numbers<[1], [0], [0], [1], [0, 0, 1, 1], [], []>, transpose_lhs_hint = false} : vector<256x48xf32>, vector<48x256xf32>, vector<256x256xf32> -> vector<256x256xf32>
      %swap3A_95 = arith.index_cast %add3A_73 : i32 to index
      %swap3A_96 = arith.constant 0 : index
      %swap3A_97 = vector.load %arg20[%swap3A_95, %swap3A_96] : memref<4144x256xf32, #tpu.memory_space<vmem>>, vector<256x256xf32>
      tpu.vector_store %arg20[%swap3A_95, %swap3A_96], %dot_general3A_94 {strides = array<i32>} : memref<4144x256xf32, #tpu.memory_space<vmem>>, vector<256x256xf32>,
    }
    %scan3A_21 = arith.constant 16 : i32
    %swap3A_22 = arith.constant 0.000000e+00 : f32
    %swap3A_23 = arith.constant 0 : index
    %swap3A_24 = memref.load %arg22[%swap3A_23] : memref<1xf32, #tpu.memory_space<smem>>
    memref.store %swap3A_22, %arg22[%swap3A_23] : memref<1xf32, #tpu.memory_space<smem>>
    %scan3A_25 = arith.constant 0 : i32
    %scan3A_26 = arith.constant 8 : i32
    %scan3A_27 = arith.addi %scan3A_25, %scan3A_26 : i32
    %scan3A_28 = arith.constant 1 : i32
    scf.for %scan3A_61 = %scan3A_25 to %scan3A_27 step %scan3A_28  : i32 {
      %mul3A_62 = arith.constant 512 : i32
      %mul3A_63 = arith.muli %scan3A_61, %mul3A_62 : i32
      %add3A = arith.constant 8 : i32
      %add3A_64 = arith.addi %mul3A_63, %add3A : i32
      %get3A_65 = arith.index_cast %add3A_64 : i32 to index
      %get3A_66 = arith.constant 0 : index
      %get3A_67 = vector.load %arg20[%get3A_65, %get3A_66] : memref<4144x256xf32, #tpu.memory_space<vmem>>, vector<512x256xf32>
      %get3A_68 = arith.index_cast %mul3A_63 : i32 to index
      %get3A_69 = arith.constant 0 : index
      %get3A_70 = vector.load %arg11[%get3A_68, %get3A_69] : memref<4096x9xf32, #tpu.memory_space<vmem>>, vector<512x1xf32>
      %mul3A_71 = vector.broadcast %get3A_70 : vector<512x1xf32> to vector<512x256xf32>
      %mul3A_72 = arith.mulf %get3A_67, %mul3A_71 : vector<512x256xf32>
      %get3A_73 = arith.constant 0 : index
      %get3A_74 = arith.constant 0 : index
      %get3A_75 = arith.constant 0 : index
      %get3A_76 = vector.load %arg9[%get3A_73, %get3A_74, %get3A_75] : memref<9x256x256xf32, #tpu.memory_space<vmem>>, vector<1x256x256xf32>
      %get3A_77 = vector.shape_cast %get3A_76 : vector<1x256x256xf32> to vector<256x256xf32>
      %dot_general3A = arith.constant dense<0.000000e+00> : vector<512x256xf32>
      %dot_general3A_78 = tpu.matmul %mul3A_72, %get3A_77, %dot_general3A {dimension_numbers = #tpu.dot_dimension_numbers<[1], [0], [0], [1], [0, 0, 1, 1], [], []>, transpose_lhs_hint = false} : vector<512x256xf32>, vector<256x256xf32>, vector<512x256xf32> -> vector<512x256xf32>
      %add3A_79 = arith.constant 8 : i32
      %add3A_80 = arith.addi %mul3A_63, %add3A_79 : i32
      %get3A_81 = arith.index_cast %add3A_80 : i32 to index
      %get3A_82 = arith.constant 0 : index
      %get3A_83 = vector.load %arg18[%get3A_81, %get3A_82] : memref<4144x256xf32, #tpu.memory_space<vmem>>, vector<512x256xf32>
      %get3A_84 = arith.index_cast %mul3A_63 : i32 to index
      %get3A_85 = arith.constant 1 : index
      %get3A_86 = vector.load %arg11[%get3A_84, %get3A_85] : memref<4096x9xf32, #tpu.memory_space<vmem>>, vector<512x1xf32>
      %mul3A_87 = vector.broadcast %get3A_86 : vector<512x1xf32> to vector<512x256xf32>
      %mul3A_88 = arith.mulf %get3A_83, %mul3A_87 : vector<512x256xf32>
      %get3A_89 = arith.constant 1 : index
      %get3A_90 = arith.constant 0 : index
      %get3A_91 = arith.constant 0 : index
      %get3A_92 = vector.load %arg9[%get3A_89, %get3A_90, %get3A_91] : memref<9x256x256xf32, #tpu.memory_space<vmem>>, vector<1x256x256xf32>
      %get3A_93 = vector.shape_cast %get3A_92 : vector<1x256x256xf32> to vector<256x256xf32>
      %dot_general3A_94 = arith.constant dense<0.000000e+00> : vector<512x256xf32>
      %dot_general3A_95 = tpu.matmul %mul3A_88, %get3A_93, %dot_general3A_94 {dimension_numbers = #tpu.dot_dimension_numbers<[1], [0], [0], [1], [0, 0, 1, 1], [], []>, transpose_lhs_hint = false} : vector<512x256xf32>, vector<256x256xf32>, vector<512x256xf32> -> vector<512x256xf32>
      %add3A_96 = arith.addf %dot_general3A_78, %dot_general3A_95 : vector<512x256xf32>
      %add3A_97 = arith.constant 8 : i32
      %add3A_98 = arith.addi %mul3A_63, %add3A_97 : i32
      %get3A_99 = arith.index_cast %add3A_98 : i32 to index
      %get3A_100 = arith.constant 0 : index
      %get3A_101 = vector.load %arg19[%get3A_99, %get3A_100] : memref<4144x256xf32, #tpu.memory_space<vmem>>, vector<512x256xf32>
      %get3A_102 = arith.index_cast %mul3A_63 : i32 to index
      %get3A_103 = arith.constant 2 : index
      %get3A_104 = vector.load %arg11[%get3A_102, %get3A_103] : memref<4096x9xf32, #tpu.memory_space<vmem>>, vector<512x1xf32>
      %mul3A_105 = vector.broadcast %get3A_104 : vector<512x1xf32> to vector<512x256xf32>
      %mul3A_106 = arith.mulf %get3A_101, %mul3A_105 : vector<512x256xf32>
      %get3A_107 = arith.constant 2 : index
      %get3A_108 = arith.constant 0 : index
      %get3A_109 = arith.constant 0 : index
      %get3A_110 = vector.load %arg9[%get3A_107, %get3A_108, %get3A_109] : memref<9x256x256xf32, #tpu.memory_space<vmem>>, vector<1x256x256xf32>
      %get3A_111 = vector.shape_cast %get3A_110 : vector<1x256x256xf32> to vector<256x256xf32>
      %dot_general3A_112 = arith.constant dense<0.000000e+00> : vector<512x256xf32>
      %dot_general3A_113 = tpu.matmul %mul3A_106, %get3A_111, %dot_general3A_112 {dimension_numbers = #tpu.dot_dimension_numbers<[1], [0], [0], [1], [0, 0, 1, 1], [], []>, transpose_lhs_hint = false} : vector<512x256xf32>, vector<256x256xf32>, vector<512x256xf32> -> vector<512x256xf32>
      %add3A_114 = arith.addf %add3A_96, %dot_general3A_113 : vector<512x256xf32>
      %add3A_115 = arith.constant 24 : i32
      %add3A_116 = arith.addi %mul3A_63, %add3A_115 : i32
      %get3A_117 = arith.index_cast %add3A_116 : i32 to index
      %get3A_118 = arith.constant 0 : index
      %get3A_119 = vector.load %arg20[%get3A_117, %get3A_118] : memref<4144x256xf32, #tpu.memory_space<vmem>>, vector<512x256xf32>
      %get3A_120 = arith.index_cast %mul3A_63 : i32 to index
      %get3A_121 = arith.constant 3 : index
      %get3A_122 = vector.load %arg11[%get3A_120, %get3A_121] : memref<4096x9xf32, #tpu.memory_space<vmem>>, vector<512x1xf32>
      %mul3A_123 = vector.broadcast %get3A_122 : vector<512x1xf32> to vector<512x256xf32>
      %mul3A_124 = arith.mulf %get3A_119, %mul3A_123 : vector<512x256xf32>
      %get3A_125 = arith.constant 3 : index
      %get3A_126 = arith.constant 0 : index
      %get3A_127 = arith.constant 0 : index
      %get3A_128 = vector.load %arg9[%get3A_125, %get3A_126, %get3A_127] : memref<9x256x256xf32, #tpu.memory_space<vmem>>, vector<1x256x256xf32>
      %get3A_129 = vector.shape_cast %get3A_128 : vector<1x256x256xf32> to vector<256x256xf32>
      %dot_general3A_130 = arith.constant dense<0.000000e+00> : vector<512x256xf32>
      %dot_general3A_131 = tpu.matmul %mul3A_124, %get3A_129, %dot_general3A_130 {dimension_numbers = #tpu.dot_dimension_numbers<[1], [0], [0], [1], [0, 0, 1, 1], [], []>, transpose_lhs_hint = false} : vector<512x256xf32>, vector<256x256xf32>, vector<512x256xf32> -> vector<512x256xf32>
      %add3A_132 = arith.addf %add3A_114, %dot_general3A_131 : vector<512x256xf32>
      %add3A_133 = arith.constant 24 : i32
      %add3A_134 = arith.addi %mul3A_63, %add3A_133 : i32
      %get3A_135 = arith.index_cast %add3A_134 : i32 to index
      %get3A_136 = arith.constant 0 : index
      %get3A_137 = vector.load %arg18[%get3A_135, %get3A_136] : memref<4144x256xf32, #tpu.memory_space<vmem>>, vector<512x256xf32>
      %get3A_138 = arith.index_cast %mul3A_63 : i32 to index
      %get3A_139 = arith.constant 4 : index
      %get3A_140 = vector.load %arg11[%get3A_138, %get3A_139] : memref<4096x9xf32, #tpu.memory_space<vmem>>, vector<512x1xf32>
      %mul3A_141 = vector.broadcast %get3A_140 : vector<512x1xf32> to vector<512x256xf32>
      %mul3A_142 = arith.mulf %get3A_137, %mul3A_141 : vector<512x256xf32>
      %get3A_143 = arith.constant 4 : index
      %get3A_144 = arith.constant 0 : index
      %get3A_145 = arith.constant 0 : index
      %get3A_146 = vector.load %arg9[%get3A_143, %get3A_144, %get3A_145] : memref<9x256x256xf32, #tpu.memory_space<vmem>>, vector<1x256x256xf32>
      %get3A_147 = vector.shape_cast %get3A_146 : vector<1x256x256xf32> to vector<256x256xf32>
      %dot_general3A_148 = arith.constant dense<0.000000e+00> : vector<512x256xf32>
      %dot_general3A_149 = tpu.matmul %mul3A_142, %get3A_147, %dot_general3A_148 {dimension_numbers = #tpu.dot_dimension_numbers<[1], [0], [0], [1], [0, 0, 1, 1], [], []>, transpose_lhs_hint = false} : vector<512x256xf32>, vector<256x256xf32>, vector<512x256xf32> -> vector<512x256xf32>
      %add3A_150 = arith.addf %add3A_132, %dot_general3A_149 : vector<512x256xf32>
      %add3A_151 = arith.constant 24 : i32
      %add3A_152 = arith.addi %mul3A_63, %add3A_151 : i32
      %get3A_153 = arith.index_cast %add3A_152 : i32 to index
      %get3A_154 = arith.constant 0 : index
      %get3A_155 = vector.load %arg19[%get3A_153, %get3A_154] : memref<4144x256xf32, #tpu.memory_space<vmem>>, vector<512x256xf32>
      %get3A_156 = arith.index_cast %mul3A_63 : i32 to index
      %get3A_157 = arith.constant 5 : index
      %get3A_158 = vector.load %arg11[%get3A_156, %get3A_157] : memref<4096x9xf32, #tpu.memory_space<vmem>>, vector<512x1xf32>
      %mul3A_159 = vector.broadcast %get3A_158 : vector<512x1xf32> to vector<512x256xf32>
      %mul3A_160 = arith.mulf %get3A_155, %mul3A_159 : vector<512x256xf32>
      %get3A_161 = arith.constant 5 : index
      %get3A_162 = arith.constant 0 : index
      %get3A_163 = arith.constant 0 : index
      %get3A_164 = vector.load %arg9[%get3A_161, %get3A_162, %get3A_163] : memref<9x256x256xf32, #tpu.memory_space<vmem>>, vector<1x256x256xf32>
      %get3A_165 = vector.shape_cast %get3A_164 : vector<1x256x256xf32> to vector<256x256xf32>
      %dot_general3A_166 = arith.constant dense<0.000000e+00> : vector<512x256xf32>
      %dot_general3A_167 = tpu.matmul %mul3A_160, %get3A_165, %dot_general3A_166 {dimension_numbers = #tpu.dot_dimension_numbers<[1], [0], [0], [1], [0, 0, 1, 1], [], []>, transpose_lhs_hint = false} : vector<512x256xf32>, vector<256x256xf32>, vector<512x256xf32> -> vector<512x256xf32>
      %add3A_168 = arith.addf %add3A_150, %dot_general3A_167 : vector<512x256xf32>
      %add3A_169 = arith.constant 40 : i32
      %add3A_170 = arith.addi %mul3A_63, %add3A_169 : i32
      %get3A_171 = arith.index_cast %add3A_170 : i32 to index
      %get3A_172 = arith.constant 0 : index
      %get3A_173 = vector.load %arg20[%get3A_171, %get3A_172] : memref<4144x256xf32, #tpu.memory_space<vmem>>, vector<512x256xf32>
      %get3A_174 = arith.index_cast %mul3A_63 : i32 to index
      %get3A_175 = arith.constant 6 : index
      %get3A_176 = vector.load %arg11[%get3A_174, %get3A_175] : memref<4096x9xf32, #tpu.memory_space<vmem>>, vector<512x1xf32>
      %mul3A_177 = vector.broadcast %get3A_176 : vector<512x1xf32> to vector<512x256xf32>
      %mul3A_178 = arith.mulf %get3A_173, %mul3A_177 : vector<512x256xf32>
      %get3A_179 = arith.constant 6 : index
      %get3A_180 = arith.constant 0 : index
      %get3A_181 = arith.constant 0 : index
      %get3A_182 = vector.load %arg9[%get3A_179, %get3A_180, %get3A_181] : memref<9x256x256xf32, #tpu.memory_space<vmem>>, vector<1x256x256xf32>
      %get3A_183 = vector.shape_cast %get3A_182 : vector<1x256x256xf32> to vector<256x256xf32>
      %dot_general3A_184 = arith.constant dense<0.000000e+00> : vector<512x256xf32>
      %dot_general3A_185 = tpu.matmul %mul3A_178, %get3A_183, %dot_general3A_184 {dimension_numbers = #tpu.dot_dimension_numbers<[1], [0], [0], [1], [0, 0, 1, 1], [], []>, transpose_lhs_hint = false} : vector<512x256xf32>, vector<256x256xf32>, vector<512x256xf32> -> vector<512x256xf32>
      %add3A_186 = arith.addf %add3A_168, %dot_general3A_185 : vector<512x256xf32>
      %add3A_187 = arith.constant 40 : i32
      %add3A_188 = arith.addi %mul3A_63, %add3A_187 : i32
      %get3A_189 = arith.index_cast %add3A_188 : i32 to index
      %get3A_190 = arith.constant 0 : index
      %get3A_191 = vector.load %arg18[%get3A_189, %get3A_190] : memref<4144x256xf32, #tpu.memory_space<vmem>>, vector<512x256xf32>
      %get3A_192 = arith.index_cast %mul3A_63 : i32 to index
      %get3A_193 = arith.constant 7 : index
      %get3A_194 = vector.load %arg11[%get3A_192, %get3A_193] : memref<4096x9xf32, #tpu.memory_space<vmem>>, vector<512x1xf32>
      %mul3A_195 = vector.broadcast %get3A_194 : vector<512x1xf32> to vector<512x256xf32>
      %mul3A_196 = arith.mulf %get3A_191, %mul3A_195 : vector<512x256xf32>
      %get3A_197 = arith.constant 7 : index
      %get3A_198 = arith.constant 0 : index
      %get3A_199 = arith.constant 0 : index
      %get3A_200 = vector.load %arg9[%get3A_197, %get3A_198, %get3A_199] : memref<9x256x256xf32, #tpu.memory_space<vmem>>, vector<1x256x256xf32>
      %get3A_201 = vector.shape_cast %get3A_200 : vector<1x256x256xf32> to vector<256x256xf32>
      %dot_general3A_202 = arith.constant dense<0.000000e+00> : vector<512x256xf32>
      %dot_general3A_203 = tpu.matmul %mul3A_196, %get3A_201, %dot_general3A_202 {dimension_numbers = #tpu.dot_dimension_numbers<[1], [0], [0], [1], [0, 0, 1, 1], [], []>, transpose_lhs_hint = false} : vector<512x256xf32>, vector<256x256xf32>, vector<512x256xf32> -> vector<512x256xf32>
      %add3A_204 = arith.addf %add3A_186, %dot_general3A_203 : vector<512x256xf32>
      %add3A_205 = arith.constant 40 : i32
      %add3A_206 = arith.addi %mul3A_63, %add3A_205 : i32
      %get3A_207 = arith.index_cast %add3A_206 : i32 to index
      %get3A_208 = arith.constant 0 : index
      %get3A_209 = vector.load %arg19[%get3A_207, %get3A_208] : memref<4144x256xf32, #tpu.memory_space<vmem>>, vector<512x256xf32>
      %get3A_210 = arith.index_cast %mul3A_63 : i32 to index
      %get3A_211 = arith.constant 8 : index
      %get3A_212 = vector.load %arg11[%get3A_210, %get3A_211] : memref<4096x9xf32, #tpu.memory_space<vmem>>, vector<512x1xf32>
      %mul3A_213 = vector.broadcast %get3A_212 : vector<512x1xf32> to vector<512x256xf32>
      %mul3A_214 = arith.mulf %get3A_209, %mul3A_213 : vector<512x256xf32>
      %get3A_215 = arith.constant 8 : index
      %get3A_216 = arith.constant 0 : index
      %get3A_217 = arith.constant 0 : index
      %get3A_218 = vector.load %arg9[%get3A_215, %get3A_216, %get3A_217] : memref<9x256x256xf32, #tpu.memory_space<vmem>>, vector<1x256x256xf32>
      %get3A_219 = vector.shape_cast %get3A_218 : vector<1x256x256xf32> to vector<256x256xf32>
      %dot_general3A_220 = arith.constant dense<0.000000e+00> : vector<512x256xf32>
      %dot_general3A_221 = tpu.matmul %mul3A_214, %get3A_219, %dot_general3A_220 {dimension_numbers = #tpu.dot_dimension_numbers<[1], [0], [0], [1], [0, 0, 1, 1], [], []>, transpose_lhs_hint = false} : vector<512x256xf32>, vector<256x256xf32>, vector<512x256xf32> -> vector<512x256xf32>
      %add3A_222 = arith.addf %add3A_204, %dot_general3A_221 : vector<512x256xf32>
      %get3A_223 = arith.constant 0 : index
      %get3A_224 = arith.constant 0 : index
      %get3A_225 = vector.load %arg10[%get3A_223, %get3A_224] : memref<1x256xf32, #tpu.memory_space<vmem>>, vector<1x256xf32>
      %broadcast_in_dim3A_226 = vector.shape_cast %get3A_225 : vector<1x256xf32> to vector<1x256xf32>
      %broadcast_in_dim3A_227 = vector.broadcast %broadcast_in_dim3A_226 : vector<1x256xf32> to vector<512x256xf32>
      %add3A_228 = arith.addf %add3A_222, %broadcast_in_dim3A_227 : vector<512x256xf32>
      %add3A_229 = arith.constant 24 : i32
      %add3A_230 = arith.addi %mul3A_63, %add3A_229 : i32
      %get3A_231 = arith.index_cast %add3A_230 : i32 to index
      %get3A_232 = arith.constant 0 : index
      %get3A_233 = vector.load %arg18[%get3A_231, %get3A_232] : memref<4144x256xf32, #tpu.memory_space<vmem>>, vector<512x256xf32>
      %mul3A_234 = arith.constant 5.000000e-01 : f32
      %mul3A_235 = vector.broadcast %mul3A_234 : f32 to vector<512x256xf32>
      %mul3A_236 = arith.mulf %get3A_233, %mul3A_235 : vector<512x256xf32>
      %mul3A_237 = arith.constant 5.000000e-01 : f32
      %mul3A_238 = vector.broadcast %mul3A_237 : f32 to vector<512x256xf32>
      %mul3A_239 = arith.mulf %add3A_228, %mul3A_238 : vector<512x256xf32>
      %add3A_240 = arith.addf %mul3A_236, %mul3A_239 : vector<512x256xf32>
      %get3A_241 = arith.index_cast %mul3A_63 : i32 to index
      %get3A_242 = arith.constant 0 : index
      %get3A_243 = vector.load %arg1[%get3A_241, %get3A_242] : memref<4096x256xf32, #tpu.memory_space<vmem>>, vector<512x256xf32>
      %add3A_244 = arith.addf %get3A_243, %add3A_240 : vector<512x256xf32>
      %swap3A_245 = arith.index_cast %mul3A_63 : i32 to index
      %swap3A_246 = arith.constant 0 : index
      %swap3A_247 = vector.load %arg15[%swap3A_245, %swap3A_246] : memref<4096x256xf32, #tpu.memory_space<vmem>>, vector<512x256xf32>
      tpu.vector_store %arg15[%swap3A_245, %swap3A_246], %add3A_244 {strides = array<i32>} : memref<4096x256xf32, #tpu.memory_space<vmem>>, vector<512x256xf32>,
      %get3A_248 = arith.index_cast %mul3A_63 : i32 to index
      %get3A_249 = arith.constant 0 : index
      %get3A_250 = vector.load %arg0[%get3A_248, %get3A_249] : memref<4096x256xf32, #tpu.memory_space<vmem>>, vector<512x256xf32>
      %sub3A = arith.subf %get3A_250, %add3A_240 : vector<512x256xf32>
      %swap3A_251 = arith.index_cast %mul3A_63 : i32 to index
      %swap3A_252 = arith.constant 0 : index
      %swap3A_253 = vector.load %arg14[%swap3A_251, %swap3A_252] : memref<4096x256xf32, #tpu.memory_space<vmem>>, vector<512x256xf32>
      tpu.vector_store %arg14[%swap3A_251, %swap3A_252], %sub3A {strides = array<i32>} : memref<4096x256xf32, #tpu.memory_space<vmem>>, vector<512x256xf32>,
      %get3A_254 = arith.index_cast %mul3A_63 : i32 to index
      %get3A_255 = arith.constant 0 : index
      %get3A_256 = vector.load %arg2[%get3A_254, %get3A_255] : memref<4096x256xf32, #tpu.memory_space<vmem>>, vector<512x256xf32>
      %sub3A_257 = arith.subf %add3A_244, %get3A_256 : vector<512x256xf32>
      %get3A_258 = arith.constant 0 : index
      %get3A_259 = memref.load %arg22[%get3A_258] : memref<1xf32, #tpu.memory_space<smem>>
      %mul3A_260 = arith.mulf %sub3A_257, %sub3A_257 : vector<512x256xf32>
      %reduce_sum3A_261 = vector.shape_cast %mul3A_260 : vector<512x256xf32> to vector<1x512x256xf32>
      %reduce_sum3A_262 = arith.constant dense<0.000000e+00> : vector<1xf32>
      %reduce_sum3A_263 = vector.multi_reduction <add>, %reduce_sum3A_261, %reduce_sum3A_262 [1, 2] : vector<1x512x256xf32> to vector<1xf32>
      %reduce_sum3A_264 = vector.shape_cast %reduce_sum3A_263 : vector<1xf32> to vector<1x1x1xf32>
      %reduce_sum3A_265 = vector.extract %reduce_sum3A_264[0, 0, 0] : f32 from vector<1x1x1xf32>
      %add3A_266 = arith.addf %get3A_259, %reduce_sum3A_265 : f32
      %swap3A_267 = arith.constant 0 : index
      %swap3A_268 = memref.load %arg22[%swap3A_267] : memref<1xf32, #tpu.memory_space<smem>>
      memref.store %add3A_266, %arg22[%swap3A_267] : memref<1xf32, #tpu.memory_space<smem>>
    }
    %scan3A_29 = arith.constant 8 : i32
    %get3A = arith.constant 0 : index
    %get3A_30 = memref.load %arg22[%get3A] : memref<1xf32, #tpu.memory_space<smem>>
    %broadcast_in_dim3A_31 = vector.broadcast %get3A_30 : f32 to vector<1x1xf32>
    %swap3A_32 = arith.constant 0 : index
    %swap3A_33 = arith.constant 0 : index
    %swap3A_34 = vector.load %arg17[%swap3A_32, %swap3A_33] : memref<1x1xf32, #tpu.memory_space<vmem>>, vector<1x1xf32>
    tpu.vector_store %arg17[%swap3A_32, %swap3A_33], %broadcast_in_dim3A_31 {strides = array<i32>} : memref<1x1xf32, #tpu.memory_space<vmem>>, vector<1x1xf32>,
    %scan3A_35 = arith.constant 0 : i32
    %scan3A_36 = arith.constant 16 : i32
    %scan3A_37 = arith.addi %scan3A_35, %scan3A_36 : i32
    %scan3A_38 = arith.constant 1 : i32
    scf.for %scan3A_61 = %scan3A_35 to %scan3A_37 step %scan3A_38  : i32 {
      %mul3A_62 = arith.constant 256 : i32
      %mul3A_63 = arith.muli %scan3A_61, %mul3A_62 : i32
      %get3A_64 = arith.index_cast %mul3A_63 : i32 to index
      %get3A_65 = arith.constant 0 : index
      %get3A_66 = vector.load %arg14[%get3A_64, %get3A_65] : memref<4096x256xf32, #tpu.memory_space<vmem>>, vector<256x256xf32>
      %get3A_67 = arith.constant 0 : index
      %get3A_68 = arith.constant 0 : index
      %get3A_69 = vector.load %arg13[%get3A_67, %get3A_68] : memref<64x256xf32, #tpu.memory_space<vmem>>, vector<64x256xf32>
      %dot_general3A = arith.constant dense<0.000000e+00> : vector<64x256xf32>
      %dot_general3A_70 = tpu.matmul %get3A_69, %get3A_66, %dot_general3A {dimension_numbers = #tpu.dot_dimension_numbers<[1], [0], [0], [1], [0, 0, 1, 1], [], []>, transpose_lhs_hint = false} : vector<64x256xf32>, vector<256x256xf32>, vector<64x256xf32> -> vector<64x256xf32>
      %get3A_71 = arith.constant 0 : index
      %get3A_72 = arith.constant 0 : index
      %get3A_73 = vector.load %arg12[%get3A_71, %get3A_72] : memref<16x64xf32, #tpu.memory_space<vmem>>, vector<16x64xf32>
      %dot_general3A_74 = arith.constant dense<0.000000e+00> : vector<16x256xf32>
      %dot_general3A_75 = tpu.matmul %get3A_73, %dot_general3A_70, %dot_general3A_74 {dimension_numbers = #tpu.dot_dimension_numbers<[1], [0], [0], [1], [0, 0, 1, 1], [], []>, transpose_lhs_hint = false} : vector<16x64xf32>, vector<64x256xf32>, vector<16x256xf32> -> vector<16x256xf32>
      %mul3A_76 = arith.constant 16 : i32
      %mul3A_77 = arith.muli %scan3A_61, %mul3A_76 : i32
      %swap3A_78 = arith.index_cast %mul3A_77 : i32 to index
      %swap3A_79 = arith.constant 0 : index
      %swap3A_80 = vector.load %arg21[%swap3A_78, %swap3A_79] : memref<256x256xf32, #tpu.memory_space<vmem>>, vector<16x256xf32>
      tpu.vector_store %arg21[%swap3A_78, %swap3A_79], %dot_general3A_75 {strides = array<i32>} : memref<256x256xf32, #tpu.memory_space<vmem>>, vector<16x256xf32>,
    }
    %scan3A_39 = arith.constant 16 : i32
    %get3A_40 = arith.constant 0 : index
    %get3A_41 = arith.constant 0 : index
    %get3A_42 = vector.load %arg21[%get3A_40, %get3A_41] : memref<256x256xf32, #tpu.memory_space<vmem>>, vector<256x256xf32>
    %mul3A = arith.mulf %get3A_42, %get3A_42 : vector<256x256xf32>
    %reduce_sum3A = arith.constant dense<0.000000e+00> : vector<256xf32>
    %reduce_sum3A_43 = vector.multi_reduction <add>, %mul3A, %reduce_sum3A [1] : vector<256x256xf32> to vector<256xf32>
    %broadcast_in_dim3A_44 = vector.shape_cast %reduce_sum3A_43 : vector<256xf32> to vector<256x1xf32>
    %sqrt3A = math.sqrt %broadcast_in_dim3A_44 : vector<256x1xf32>
    %max3A = arith.constant 9.99999996E-13 : f32
    %max3A_45 = vector.broadcast %max3A : f32 to vector<256x1xf32>
    %max3A_46 = arith.maximumf %sqrt3A, %max3A_45 : vector<256x1xf32>
    %div3A = vector.broadcast %max3A_46 : vector<256x1xf32> to vector<256x256xf32>
    %div3A_47 = arith.divf %get3A_42, %div3A : vector<256x256xf32>
    %convert_element_type3A = arith.truncf %div3A_47 : vector<256x256xf32> to vector<256x256xbf16>
    %broadcast_in_dim3A_48 = arith.constant 0xFF800000 : f32
    %broadcast_in_dim3A_49 = vector.broadcast %broadcast_in_dim3A_48 : f32 to vector<256x1xf32>
    %broadcast_in_dim3A_50 = arith.constant 0 : i32
    %broadcast_in_dim3A_51 = vector.broadcast %broadcast_in_dim3A_50 : i32 to vector<256x1xi32>
    %scan3A_52 = arith.constant 0 : i32
    %scan3A_53 = arith.constant 8 : i32
    %scan3A_54 = arith.addi %scan3A_52, %scan3A_53 : i32
    %scan3A_55 = arith.constant 1 : i32
    %scan3A_56:2 = scf.for %scan3A_61 = %scan3A_52 to %scan3A_54 step %scan3A_55 iter_args(%scan3A_62 = %broadcast_in_dim3A_49, %scan3A_63 = %broadcast_in_dim3A_51) -> (vector<256x1xf32>, vector<256x1xi32>)  : i32 {
      %mul3A_64 = arith.constant 1024 : i32
      %mul3A_65 = arith.muli %scan3A_61, %mul3A_64 : i32
      %get3A_66 = arith.constant 0 : index
      %get3A_67 = arith.index_cast %mul3A_65 : i32 to index
      %get3A_68 = vector.load %arg4[%get3A_66, %get3A_67] : memref<256x8192xbf16, #tpu.memory_space<vmem>>, vector<256x1024xbf16>
      %dot_general3A = arith.constant dense<0.000000e+00> : vector<256x1024xf32>
      %dot_general3A_69 = tpu.matmul %convert_element_type3A, %get3A_68, %dot_general3A {dimension_numbers = #tpu.dot_dimension_numbers<[1], [0], [0], [1], [0, 0, 1, 1], [], []>, transpose_lhs_hint = false} : vector<256x256xbf16>, vector<256x1024xbf16>, vector<256x1024xf32> -> vector<256x1024xf32>
      %reduce_max3A = arith.constant dense<0xFF800000> : vector<256xf32>
      %reduce_max3A_70 = vector.multi_reduction <maximumf>, %dot_general3A_69, %reduce_max3A [1] : vector<256x1024xf32> to vector<256xf32>
      %broadcast_in_dim3A_71 = vector.shape_cast %reduce_max3A_70 : vector<256xf32> to vector<256x1xf32>
      %iota3A = tpu.iota {dimensions = array<i32: 1>} : vector<256x1024xi32>
      %eq3A = vector.broadcast %broadcast_in_dim3A_71 : vector<256x1xf32> to vector<256x1024xf32>
      %eq3A_72 = arith.cmpf oeq, %dot_general3A_69, %eq3A : vector<256x1024xf32>
      %jit3A = arith.constant 1073741824 : i32
      %broadcast_in_dim3A_73 = vector.broadcast %jit3A : i32 to vector<256x1024xi32>
      %select_n3A = arith.select %eq3A_72, %iota3A, %broadcast_in_dim3A_73 : vector<256x1024xi1>, vector<256x1024xi32>
      %reduce_min3A = arith.constant dense<2147483647> : vector<256xi32>
      %reduce_min3A_74 = vector.multi_reduction <minsi>, %select_n3A, %reduce_min3A [1] : vector<256x1024xi32> to vector<256xi32>
      %broadcast_in_dim3A_75 = vector.shape_cast %reduce_min3A_74 : vector<256xi32> to vector<256x1xi32>
      %gt3A = arith.cmpf ogt, %broadcast_in_dim3A_71, %scan3A_62 : vector<256x1xf32>
      %select_n3A_76 = arith.select %gt3A, %broadcast_in_dim3A_71, %scan3A_62 : vector<256x1xi1>, vector<256x1xf32>
      %mul3A_77 = arith.constant 1024 : i32
      %mul3A_78 = arith.muli %scan3A_61, %mul3A_77 : i32
      %add3A = vector.broadcast %mul3A_78 : i32 to vector<256x1xi32>
      %add3A_79 = arith.addi %broadcast_in_dim3A_75, %add3A : vector<256x1xi32>
      %select_n3A_80 = arith.select %gt3A, %add3A_79, %scan3A_63 : vector<256x1xi1>, vector<256x1xi32>
      scf.yield %select_n3A_76, %select_n3A_80 : vector<256x1xf32>, vector<256x1xi32>
    }
    %scan3A_57 = arith.constant 8 : i32
    %swap3A_58 = arith.constant 0 : index
    %swap3A_59 = arith.constant 0 : index
    %swap3A_60 = vector.load %arg16[%swap3A_58, %swap3A_59] : memref<256x1xi32, #tpu.memory_space<vmem>>, vector<256x1xi32>
    tpu.vector_store %arg16[%swap3A_58, %swap3A_59], %scan3A_56#1 {strides = array<i32>} : memref<256x1xi32, #tpu.memory_space<vmem>>, vector<256x1xi32>,
    return
  }
}

module attributes {stable_mosaic.version = 14 : i64} {
  func.func @body(%arg0: memref<4096x256xf32, #tpu.memory_space<vmem>>, %arg1: memref<4096x256xf32, #tpu.memory_space<vmem>>, %arg2: memref<4096x256xf32, #tpu.memory_space<vmem>>, %arg3: memref<256x256xf32, #tpu.memory_space<vmem>>, %arg4: memref<256x8192xbf16, #tpu.memory_space<vmem>>, %arg5: memref<256x64xf32, #tpu.memory_space<vmem>>, %arg6: memref<256x64xf32, #tpu.memory_space<vmem>>, %arg7: memref<256x64xf32, #tpu.memory_space<vmem>>, %arg8: memref<64x16xf32, #tpu.memory_space<vmem>>, %arg9: memref<9x256x256xf32, #tpu.memory_space<vmem>>, %arg10: memref<1x256xf32, #tpu.memory_space<vmem>>, %arg11: memref<4096x9xf32, #tpu.memory_space<vmem>>, %arg12: memref<32x80xf32, #tpu.memory_space<vmem>>, %arg13: memref<80x256xf32, #tpu.memory_space<vmem>>, %arg14: memref<4096x256xf32, #tpu.memory_space<vmem>>, %arg15: memref<4096x256xf32, #tpu.memory_space<vmem>>, %arg16: memref<512x1xi32, #tpu.memory_space<vmem>>, %arg17: memref<1x1xf32, #tpu.memory_space<vmem>>, %arg18: memref<4144x256xf32, #tpu.memory_space<vmem>>, %arg19: memref<4144x256xf32, #tpu.memory_space<vmem>>, %arg20: memref<4144x256xf32, #tpu.memory_space<vmem>>, %arg21: memref<512x256xf32, #tpu.memory_space<vmem>>, %arg22: memref<1xf32, #tpu.memory_space<smem>>) attributes {dimension_semantics = [], scalar_prefetch = 0 : i64, scratch_operands = 5 : i64, tpu.core_type = #tpu.core_type<tc>} {
    %broadcast_in_dim3A = arith.constant 0.000000e+00 : f32
    %broadcast_in_dim3A_0 = vector.broadcast %broadcast_in_dim3A : f32 to vector<24x256xf32>
    %swap3A = arith.constant 0 : index
    %swap3A_1 = arith.constant 0 : index
    %swap3A_2 = vector.load %arg18[%swap3A, %swap3A_1] : memref<4144x256xf32, #tpu.memory_space<vmem>>, vector<24x256xf32>
    tpu.vector_store %arg18[%swap3A, %swap3A_1], %broadcast_in_dim3A_0 {strides = array<i32>} : memref<4144x256xf32, #tpu.memory_space<vmem>>, vector<24x256xf32>,
    %swap3A_3 = arith.constant 4120 : index
    %swap3A_4 = arith.constant 0 : index
    %swap3A_5 = vector.load %arg18[%swap3A_3, %swap3A_4] : memref<4144x256xf32, #tpu.memory_space<vmem>>, vector<24x256xf32>
    tpu.vector_store %arg18[%swap3A_3, %swap3A_4], %broadcast_in_dim3A_0 {strides = array<i32>} : memref<4144x256xf32, #tpu.memory_space<vmem>>, vector<24x256xf32>,
    %swap3A_6 = arith.constant 0 : index
    %swap3A_7 = arith.constant 0 : index
    %swap3A_8 = vector.load %arg19[%swap3A_6, %swap3A_7] : memref<4144x256xf32, #tpu.memory_space<vmem>>, vector<24x256xf32>
    tpu.vector_store %arg19[%swap3A_6, %swap3A_7], %broadcast_in_dim3A_0 {strides = array<i32>} : memref<4144x256xf32, #tpu.memory_space<vmem>>, vector<24x256xf32>,
    %swap3A_9 = arith.constant 4120 : index
    %swap3A_10 = arith.constant 0 : index
    %swap3A_11 = vector.load %arg19[%swap3A_9, %swap3A_10] : memref<4144x256xf32, #tpu.memory_space<vmem>>, vector<24x256xf32>
    tpu.vector_store %arg19[%swap3A_9, %swap3A_10], %broadcast_in_dim3A_0 {strides = array<i32>} : memref<4144x256xf32, #tpu.memory_space<vmem>>, vector<24x256xf32>,
    %swap3A_12 = arith.constant 0 : index
    %swap3A_13 = arith.constant 0 : index
    %swap3A_14 = vector.load %arg20[%swap3A_12, %swap3A_13] : memref<4144x256xf32, #tpu.memory_space<vmem>>, vector<24x256xf32>
    tpu.vector_store %arg20[%swap3A_12, %swap3A_13], %broadcast_in_dim3A_0 {strides = array<i32>} : memref<4144x256xf32, #tpu.memory_space<vmem>>, vector<24x256xf32>,
    %swap3A_15 = arith.constant 4120 : index
    %swap3A_16 = arith.constant 0 : index
    %swap3A_17 = vector.load %arg20[%swap3A_15, %swap3A_16] : memref<4144x256xf32, #tpu.memory_space<vmem>>, vector<24x256xf32>
    tpu.vector_store %arg20[%swap3A_15, %swap3A_16], %broadcast_in_dim3A_0 {strides = array<i32>} : memref<4144x256xf32, #tpu.memory_space<vmem>>, vector<24x256xf32>,
    %scan3A = arith.constant 0 : i32
    %scan3A_18 = arith.constant 16 : i32
    %scan3A_19 = arith.addi %scan3A, %scan3A_18 : i32
    %scan3A_20 = arith.constant 1 : i32
    scf.for %scan3A_61 = %scan3A to %scan3A_19 step %scan3A_20  : i32 {
      %mul3A_62 = arith.constant 16 : i32
      %mul3A_63 = arith.muli %scan3A_61, %mul3A_62 : i32
      %get3A_64 = arith.index_cast %mul3A_63 : i32 to index
      %get3A_65 = arith.constant 0 : index
      %get3A_66 = vector.load %arg3[%get3A_64, %get3A_65] : memref<256x256xf32, #tpu.memory_space<vmem>>, vector<16x256xf32>
      %get3A_67 = arith.constant 0 : index
      %get3A_68 = arith.constant 0 : index
      %get3A_69 = vector.load %arg8[%get3A_67, %get3A_68] : memref<64x16xf32, #tpu.memory_space<vmem>>, vector<64x16xf32>
      %dot_general3A = arith.constant dense<0.000000e+00> : vector<64x256xf32>
      %dot_general3A_70 = tpu.matmul %get3A_69, %get3A_66, %dot_general3A {dimension_numbers = #tpu.dot_dimension_numbers<[1], [0], [0], [1], [0, 0, 1, 1], [], []>, transpose_lhs_hint = false} : vector<64x16xf32>, vector<16x256xf32>, vector<64x256xf32> -> vector<64x256xf32>
      %mul3A_71 = arith.constant 256 : i32
      %mul3A_72 = arith.muli %scan3A_61, %mul3A_71 : i32
      %add3A = arith.constant 24 : i32
      %add3A_73 = arith.addi %add3A, %mul3A_72 : i32
      %get3A_74 = arith.constant 0 : index
      %get3A_75 = arith.constant 0 : index
      %get3A_76 = vector.load %arg5[%get3A_74, %get3A_75] : memref<256x64xf32, #tpu.memory_space<vmem>>, vector<256x64xf32>
      %dot_general3A_77 = arith.constant dense<0.000000e+00> : vector<256x256xf32>
      %dot_general3A_78 = tpu.matmul %get3A_76, %dot_general3A_70, %dot_general3A_77 {dimension_numbers = #tpu.dot_dimension_numbers<[1], [0], [0], [1], [0, 0, 1, 1], [], []>, transpose_lhs_hint = false} : vector<256x64xf32>, vector<64x256xf32>, vector<256x256xf32> -> vector<256x256xf32>
      %swap3A_79 = arith.index_cast %add3A_73 : i32 to index
      %swap3A_80 = arith.constant 0 : index
      %swap3A_81 = vector.load %arg18[%swap3A_79, %swap3A_80] : memref<4144x256xf32, #tpu.memory_space<vmem>>, vector<256x256xf32>
      tpu.vector_store %arg18[%swap3A_79, %swap3A_80], %dot_general3A_78 {strides = array<i32>} : memref<4144x256xf32, #tpu.memory_space<vmem>>, vector<256x256xf32>,
      %get3A_82 = arith.constant 0 : index
      %get3A_83 = arith.constant 0 : index
      %get3A_84 = vector.load %arg6[%get3A_82, %get3A_83] : memref<256x64xf32, #tpu.memory_space<vmem>>, vector<256x64xf32>
      %dot_general3A_85 = arith.constant dense<0.000000e+00> : vector<256x256xf32>
      %dot_general3A_86 = tpu.matmul %get3A_84, %dot_general3A_70, %dot_general3A_85 {dimension_numbers = #tpu.dot_dimension_numbers<[1], [0], [0], [1], [0, 0, 1, 1], [], []>, transpose_lhs_hint = false} : vector<256x64xf32>, vector<64x256xf32>, vector<256x256xf32> -> vector<256x256xf32>
      %swap3A_87 = arith.index_cast %add3A_73 : i32 to index
      %swap3A_88 = arith.constant 0 : index
      %swap3A_89 = vector.load %arg19[%swap3A_87, %swap3A_88] : memref<4144x256xf32, #tpu.memory_space<vmem>>, vector<256x256xf32>
      tpu.vector_store %arg19[%swap3A_87, %swap3A_88], %dot_general3A_86 {strides = array<i32>} : memref<4144x256xf32, #tpu.memory_space<vmem>>, vector<256x256xf32>,
      %get3A_90 = arith.constant 0 : index
      %get3A_91 = arith.constant 0 : index
      %get3A_92 = vector.load %arg7[%get3A_90, %get3A_91] : memref<256x64xf32, #tpu.memory_space<vmem>>, vector<256x64xf32>
      %dot_general3A_93 = arith.constant dense<0.000000e+00> : vector<256x256xf32>
      %dot_general3A_94 = tpu.matmul %get3A_92, %dot_general3A_70, %dot_general3A_93 {dimension_numbers = #tpu.dot_dimension_numbers<[1], [0], [0], [1], [0, 0, 1, 1], [], []>, transpose_lhs_hint = false} : vector<256x64xf32>, vector<64x256xf32>, vector<256x256xf32> -> vector<256x256xf32>
      %swap3A_95 = arith.index_cast %add3A_73 : i32 to index
      %swap3A_96 = arith.constant 0 : index
      %swap3A_97 = vector.load %arg20[%swap3A_95, %swap3A_96] : memref<4144x256xf32, #tpu.memory_space<vmem>>, vector<256x256xf32>
      tpu.vector_store %arg20[%swap3A_95, %swap3A_96], %dot_general3A_94 {strides = array<i32>} : memref<4144x256xf32, #tpu.memory_space<vmem>>, vector<256x256xf32>,
    }
    %scan3A_21 = arith.constant 16 : i32
    %swap3A_22 = arith.constant 0.000000e+00 : f32
    %swap3A_23 = arith.constant 0 : index
    %swap3A_24 = memref.load %arg22[%swap3A_23] : memref<1xf32, #tpu.memory_space<smem>>
    memref.store %swap3A_22, %arg22[%swap3A_23] : memref<1xf32, #tpu.memory_space<smem>>
    %scan3A_25 = arith.constant 0 : i32
    %scan3A_26 = arith.constant 8 : i32
    %scan3A_27 = arith.addi %scan3A_25, %scan3A_26 : i32
    %scan3A_28 = arith.constant 1 : i32
    scf.for %scan3A_61 = %scan3A_25 to %scan3A_27 step %scan3A_28  : i32 {
      %mul3A_62 = arith.constant 512 : i32
      %mul3A_63 = arith.muli %scan3A_61, %mul3A_62 : i32
      %add3A = arith.constant 8 : i32
      %add3A_64 = arith.addi %mul3A_63, %add3A : i32
      %get3A_65 = arith.index_cast %add3A_64 : i32 to index
      %get3A_66 = arith.constant 0 : index
      %get3A_67 = vector.load %arg20[%get3A_65, %get3A_66] : memref<4144x256xf32, #tpu.memory_space<vmem>>, vector<512x256xf32>
      %get3A_68 = arith.index_cast %mul3A_63 : i32 to index
      %get3A_69 = arith.constant 0 : index
      %get3A_70 = vector.load %arg11[%get3A_68, %get3A_69] : memref<4096x9xf32, #tpu.memory_space<vmem>>, vector<512x1xf32>
      %mul3A_71 = vector.broadcast %get3A_70 : vector<512x1xf32> to vector<512x256xf32>
      %mul3A_72 = arith.mulf %get3A_67, %mul3A_71 : vector<512x256xf32>
      %get3A_73 = arith.constant 0 : index
      %get3A_74 = arith.constant 0 : index
      %get3A_75 = arith.constant 0 : index
      %get3A_76 = vector.load %arg9[%get3A_73, %get3A_74, %get3A_75] : memref<9x256x256xf32, #tpu.memory_space<vmem>>, vector<1x256x256xf32>
      %get3A_77 = vector.shape_cast %get3A_76 : vector<1x256x256xf32> to vector<256x256xf32>
      %dot_general3A = arith.constant dense<0.000000e+00> : vector<512x256xf32>
      %dot_general3A_78 = tpu.matmul %mul3A_72, %get3A_77, %dot_general3A {dimension_numbers = #tpu.dot_dimension_numbers<[1], [0], [0], [1], [0, 0, 1, 1], [], []>, transpose_lhs_hint = false} : vector<512x256xf32>, vector<256x256xf32>, vector<512x256xf32> -> vector<512x256xf32>
      %add3A_79 = arith.constant 8 : i32
      %add3A_80 = arith.addi %mul3A_63, %add3A_79 : i32
      %get3A_81 = arith.index_cast %add3A_80 : i32 to index
      %get3A_82 = arith.constant 0 : index
      %get3A_83 = vector.load %arg18[%get3A_81, %get3A_82] : memref<4144x256xf32, #tpu.memory_space<vmem>>, vector<512x256xf32>
      %get3A_84 = arith.index_cast %mul3A_63 : i32 to index
      %get3A_85 = arith.constant 1 : index
      %get3A_86 = vector.load %arg11[%get3A_84, %get3A_85] : memref<4096x9xf32, #tpu.memory_space<vmem>>, vector<512x1xf32>
      %mul3A_87 = vector.broadcast %get3A_86 : vector<512x1xf32> to vector<512x256xf32>
      %mul3A_88 = arith.mulf %get3A_83, %mul3A_87 : vector<512x256xf32>
      %get3A_89 = arith.constant 1 : index
      %get3A_90 = arith.constant 0 : index
      %get3A_91 = arith.constant 0 : index
      %get3A_92 = vector.load %arg9[%get3A_89, %get3A_90, %get3A_91] : memref<9x256x256xf32, #tpu.memory_space<vmem>>, vector<1x256x256xf32>
      %get3A_93 = vector.shape_cast %get3A_92 : vector<1x256x256xf32> to vector<256x256xf32>
      %dot_general3A_94 = arith.constant dense<0.000000e+00> : vector<512x256xf32>
      %dot_general3A_95 = tpu.matmul %mul3A_88, %get3A_93, %dot_general3A_94 {dimension_numbers = #tpu.dot_dimension_numbers<[1], [0], [0], [1], [0, 0, 1, 1], [], []>, transpose_lhs_hint = false} : vector<512x256xf32>, vector<256x256xf32>, vector<512x256xf32> -> vector<512x256xf32>
      %add3A_96 = arith.addf %dot_general3A_78, %dot_general3A_95 : vector<512x256xf32>
      %add3A_97 = arith.constant 8 : i32
      %add3A_98 = arith.addi %mul3A_63, %add3A_97 : i32
      %get3A_99 = arith.index_cast %add3A_98 : i32 to index
      %get3A_100 = arith.constant 0 : index
      %get3A_101 = vector.load %arg19[%get3A_99, %get3A_100] : memref<4144x256xf32, #tpu.memory_space<vmem>>, vector<512x256xf32>
      %get3A_102 = arith.index_cast %mul3A_63 : i32 to index
      %get3A_103 = arith.constant 2 : index
      %get3A_104 = vector.load %arg11[%get3A_102, %get3A_103] : memref<4096x9xf32, #tpu.memory_space<vmem>>, vector<512x1xf32>
      %mul3A_105 = vector.broadcast %get3A_104 : vector<512x1xf32> to vector<512x256xf32>
      %mul3A_106 = arith.mulf %get3A_101, %mul3A_105 : vector<512x256xf32>
      %get3A_107 = arith.constant 2 : index
      %get3A_108 = arith.constant 0 : index
      %get3A_109 = arith.constant 0 : index
      %get3A_110 = vector.load %arg9[%get3A_107, %get3A_108, %get3A_109] : memref<9x256x256xf32, #tpu.memory_space<vmem>>, vector<1x256x256xf32>
      %get3A_111 = vector.shape_cast %get3A_110 : vector<1x256x256xf32> to vector<256x256xf32>
      %dot_general3A_112 = arith.constant dense<0.000000e+00> : vector<512x256xf32>
      %dot_general3A_113 = tpu.matmul %mul3A_106, %get3A_111, %dot_general3A_112 {dimension_numbers = #tpu.dot_dimension_numbers<[1], [0], [0], [1], [0, 0, 1, 1], [], []>, transpose_lhs_hint = false} : vector<512x256xf32>, vector<256x256xf32>, vector<512x256xf32> -> vector<512x256xf32>
      %add3A_114 = arith.addf %add3A_96, %dot_general3A_113 : vector<512x256xf32>
      %add3A_115 = arith.constant 24 : i32
      %add3A_116 = arith.addi %mul3A_63, %add3A_115 : i32
      %get3A_117 = arith.index_cast %add3A_116 : i32 to index
      %get3A_118 = arith.constant 0 : index
      %get3A_119 = vector.load %arg20[%get3A_117, %get3A_118] : memref<4144x256xf32, #tpu.memory_space<vmem>>, vector<512x256xf32>
      %get3A_120 = arith.index_cast %mul3A_63 : i32 to index
      %get3A_121 = arith.constant 3 : index
      %get3A_122 = vector.load %arg11[%get3A_120, %get3A_121] : memref<4096x9xf32, #tpu.memory_space<vmem>>, vector<512x1xf32>
      %mul3A_123 = vector.broadcast %get3A_122 : vector<512x1xf32> to vector<512x256xf32>
      %mul3A_124 = arith.mulf %get3A_119, %mul3A_123 : vector<512x256xf32>
      %get3A_125 = arith.constant 3 : index
      %get3A_126 = arith.constant 0 : index
      %get3A_127 = arith.constant 0 : index
      %get3A_128 = vector.load %arg9[%get3A_125, %get3A_126, %get3A_127] : memref<9x256x256xf32, #tpu.memory_space<vmem>>, vector<1x256x256xf32>
      %get3A_129 = vector.shape_cast %get3A_128 : vector<1x256x256xf32> to vector<256x256xf32>
      %dot_general3A_130 = arith.constant dense<0.000000e+00> : vector<512x256xf32>
      %dot_general3A_131 = tpu.matmul %mul3A_124, %get3A_129, %dot_general3A_130 {dimension_numbers = #tpu.dot_dimension_numbers<[1], [0], [0], [1], [0, 0, 1, 1], [], []>, transpose_lhs_hint = false} : vector<512x256xf32>, vector<256x256xf32>, vector<512x256xf32> -> vector<512x256xf32>
      %add3A_132 = arith.addf %add3A_114, %dot_general3A_131 : vector<512x256xf32>
      %add3A_133 = arith.constant 24 : i32
      %add3A_134 = arith.addi %mul3A_63, %add3A_133 : i32
      %get3A_135 = arith.index_cast %add3A_134 : i32 to index
      %get3A_136 = arith.constant 0 : index
      %get3A_137 = vector.load %arg18[%get3A_135, %get3A_136] : memref<4144x256xf32, #tpu.memory_space<vmem>>, vector<512x256xf32>
      %get3A_138 = arith.index_cast %mul3A_63 : i32 to index
      %get3A_139 = arith.constant 4 : index
      %get3A_140 = vector.load %arg11[%get3A_138, %get3A_139] : memref<4096x9xf32, #tpu.memory_space<vmem>>, vector<512x1xf32>
      %mul3A_141 = vector.broadcast %get3A_140 : vector<512x1xf32> to vector<512x256xf32>
      %mul3A_142 = arith.mulf %get3A_137, %mul3A_141 : vector<512x256xf32>
      %get3A_143 = arith.constant 4 : index
      %get3A_144 = arith.constant 0 : index
      %get3A_145 = arith.constant 0 : index
      %get3A_146 = vector.load %arg9[%get3A_143, %get3A_144, %get3A_145] : memref<9x256x256xf32, #tpu.memory_space<vmem>>, vector<1x256x256xf32>
      %get3A_147 = vector.shape_cast %get3A_146 : vector<1x256x256xf32> to vector<256x256xf32>
      %dot_general3A_148 = arith.constant dense<0.000000e+00> : vector<512x256xf32>
      %dot_general3A_149 = tpu.matmul %mul3A_142, %get3A_147, %dot_general3A_148 {dimension_numbers = #tpu.dot_dimension_numbers<[1], [0], [0], [1], [0, 0, 1, 1], [], []>, transpose_lhs_hint = false} : vector<512x256xf32>, vector<256x256xf32>, vector<512x256xf32> -> vector<512x256xf32>
      %add3A_150 = arith.addf %add3A_132, %dot_general3A_149 : vector<512x256xf32>
      %add3A_151 = arith.constant 24 : i32
      %add3A_152 = arith.addi %mul3A_63, %add3A_151 : i32
      %get3A_153 = arith.index_cast %add3A_152 : i32 to index
      %get3A_154 = arith.constant 0 : index
      %get3A_155 = vector.load %arg19[%get3A_153, %get3A_154] : memref<4144x256xf32, #tpu.memory_space<vmem>>, vector<512x256xf32>
      %get3A_156 = arith.index_cast %mul3A_63 : i32 to index
      %get3A_157 = arith.constant 5 : index
      %get3A_158 = vector.load %arg11[%get3A_156, %get3A_157] : memref<4096x9xf32, #tpu.memory_space<vmem>>, vector<512x1xf32>
      %mul3A_159 = vector.broadcast %get3A_158 : vector<512x1xf32> to vector<512x256xf32>
      %mul3A_160 = arith.mulf %get3A_155, %mul3A_159 : vector<512x256xf32>
      %get3A_161 = arith.constant 5 : index
      %get3A_162 = arith.constant 0 : index
      %get3A_163 = arith.constant 0 : index
      %get3A_164 = vector.load %arg9[%get3A_161, %get3A_162, %get3A_163] : memref<9x256x256xf32, #tpu.memory_space<vmem>>, vector<1x256x256xf32>
      %get3A_165 = vector.shape_cast %get3A_164 : vector<1x256x256xf32> to vector<256x256xf32>
      %dot_general3A_166 = arith.constant dense<0.000000e+00> : vector<512x256xf32>
      %dot_general3A_167 = tpu.matmul %mul3A_160, %get3A_165, %dot_general3A_166 {dimension_numbers = #tpu.dot_dimension_numbers<[1], [0], [0], [1], [0, 0, 1, 1], [], []>, transpose_lhs_hint = false} : vector<512x256xf32>, vector<256x256xf32>, vector<512x256xf32> -> vector<512x256xf32>
      %add3A_168 = arith.addf %add3A_150, %dot_general3A_167 : vector<512x256xf32>
      %add3A_169 = arith.constant 40 : i32
      %add3A_170 = arith.addi %mul3A_63, %add3A_169 : i32
      %get3A_171 = arith.index_cast %add3A_170 : i32 to index
      %get3A_172 = arith.constant 0 : index
      %get3A_173 = vector.load %arg20[%get3A_171, %get3A_172] : memref<4144x256xf32, #tpu.memory_space<vmem>>, vector<512x256xf32>
      %get3A_174 = arith.index_cast %mul3A_63 : i32 to index
      %get3A_175 = arith.constant 6 : index
      %get3A_176 = vector.load %arg11[%get3A_174, %get3A_175] : memref<4096x9xf32, #tpu.memory_space<vmem>>, vector<512x1xf32>
      %mul3A_177 = vector.broadcast %get3A_176 : vector<512x1xf32> to vector<512x256xf32>
      %mul3A_178 = arith.mulf %get3A_173, %mul3A_177 : vector<512x256xf32>
      %get3A_179 = arith.constant 6 : index
      %get3A_180 = arith.constant 0 : index
      %get3A_181 = arith.constant 0 : index
      %get3A_182 = vector.load %arg9[%get3A_179, %get3A_180, %get3A_181] : memref<9x256x256xf32, #tpu.memory_space<vmem>>, vector<1x256x256xf32>
      %get3A_183 = vector.shape_cast %get3A_182 : vector<1x256x256xf32> to vector<256x256xf32>
      %dot_general3A_184 = arith.constant dense<0.000000e+00> : vector<512x256xf32>
      %dot_general3A_185 = tpu.matmul %mul3A_178, %get3A_183, %dot_general3A_184 {dimension_numbers = #tpu.dot_dimension_numbers<[1], [0], [0], [1], [0, 0, 1, 1], [], []>, transpose_lhs_hint = false} : vector<512x256xf32>, vector<256x256xf32>, vector<512x256xf32> -> vector<512x256xf32>
      %add3A_186 = arith.addf %add3A_168, %dot_general3A_185 : vector<512x256xf32>
      %add3A_187 = arith.constant 40 : i32
      %add3A_188 = arith.addi %mul3A_63, %add3A_187 : i32
      %get3A_189 = arith.index_cast %add3A_188 : i32 to index
      %get3A_190 = arith.constant 0 : index
      %get3A_191 = vector.load %arg18[%get3A_189, %get3A_190] : memref<4144x256xf32, #tpu.memory_space<vmem>>, vector<512x256xf32>
      %get3A_192 = arith.index_cast %mul3A_63 : i32 to index
      %get3A_193 = arith.constant 7 : index
      %get3A_194 = vector.load %arg11[%get3A_192, %get3A_193] : memref<4096x9xf32, #tpu.memory_space<vmem>>, vector<512x1xf32>
      %mul3A_195 = vector.broadcast %get3A_194 : vector<512x1xf32> to vector<512x256xf32>
      %mul3A_196 = arith.mulf %get3A_191, %mul3A_195 : vector<512x256xf32>
      %get3A_197 = arith.constant 7 : index
      %get3A_198 = arith.constant 0 : index
      %get3A_199 = arith.constant 0 : index
      %get3A_200 = vector.load %arg9[%get3A_197, %get3A_198, %get3A_199] : memref<9x256x256xf32, #tpu.memory_space<vmem>>, vector<1x256x256xf32>
      %get3A_201 = vector.shape_cast %get3A_200 : vector<1x256x256xf32> to vector<256x256xf32>
      %dot_general3A_202 = arith.constant dense<0.000000e+00> : vector<512x256xf32>
      %dot_general3A_203 = tpu.matmul %mul3A_196, %get3A_201, %dot_general3A_202 {dimension_numbers = #tpu.dot_dimension_numbers<[1], [0], [0], [1], [0, 0, 1, 1], [], []>, transpose_lhs_hint = false} : vector<512x256xf32>, vector<256x256xf32>, vector<512x256xf32> -> vector<512x256xf32>
      %add3A_204 = arith.addf %add3A_186, %dot_general3A_203 : vector<512x256xf32>
      %add3A_205 = arith.constant 40 : i32
      %add3A_206 = arith.addi %mul3A_63, %add3A_205 : i32
      %get3A_207 = arith.index_cast %add3A_206 : i32 to index
      %get3A_208 = arith.constant 0 : index
      %get3A_209 = vector.load %arg19[%get3A_207, %get3A_208] : memref<4144x256xf32, #tpu.memory_space<vmem>>, vector<512x256xf32>
      %get3A_210 = arith.index_cast %mul3A_63 : i32 to index
      %get3A_211 = arith.constant 8 : index
      %get3A_212 = vector.load %arg11[%get3A_210, %get3A_211] : memref<4096x9xf32, #tpu.memory_space<vmem>>, vector<512x1xf32>
      %mul3A_213 = vector.broadcast %get3A_212 : vector<512x1xf32> to vector<512x256xf32>
      %mul3A_214 = arith.mulf %get3A_209, %mul3A_213 : vector<512x256xf32>
      %get3A_215 = arith.constant 8 : index
      %get3A_216 = arith.constant 0 : index
      %get3A_217 = arith.constant 0 : index
      %get3A_218 = vector.load %arg9[%get3A_215, %get3A_216, %get3A_217] : memref<9x256x256xf32, #tpu.memory_space<vmem>>, vector<1x256x256xf32>
      %get3A_219 = vector.shape_cast %get3A_218 : vector<1x256x256xf32> to vector<256x256xf32>
      %dot_general3A_220 = arith.constant dense<0.000000e+00> : vector<512x256xf32>
      %dot_general3A_221 = tpu.matmul %mul3A_214, %get3A_219, %dot_general3A_220 {dimension_numbers = #tpu.dot_dimension_numbers<[1], [0], [0], [1], [0, 0, 1, 1], [], []>, transpose_lhs_hint = false} : vector<512x256xf32>, vector<256x256xf32>, vector<512x256xf32> -> vector<512x256xf32>
      %add3A_222 = arith.addf %add3A_204, %dot_general3A_221 : vector<512x256xf32>
      %get3A_223 = arith.constant 0 : index
      %get3A_224 = arith.constant 0 : index
      %get3A_225 = vector.load %arg10[%get3A_223, %get3A_224] : memref<1x256xf32, #tpu.memory_space<vmem>>, vector<1x256xf32>
      %broadcast_in_dim3A_226 = vector.shape_cast %get3A_225 : vector<1x256xf32> to vector<1x256xf32>
      %broadcast_in_dim3A_227 = vector.broadcast %broadcast_in_dim3A_226 : vector<1x256xf32> to vector<512x256xf32>
      %add3A_228 = arith.addf %add3A_222, %broadcast_in_dim3A_227 : vector<512x256xf32>
      %add3A_229 = arith.constant 24 : i32
      %add3A_230 = arith.addi %mul3A_63, %add3A_229 : i32
      %get3A_231 = arith.index_cast %add3A_230 : i32 to index
      %get3A_232 = arith.constant 0 : index
      %get3A_233 = vector.load %arg18[%get3A_231, %get3A_232] : memref<4144x256xf32, #tpu.memory_space<vmem>>, vector<512x256xf32>
      %mul3A_234 = arith.constant 5.000000e-01 : f32
      %mul3A_235 = vector.broadcast %mul3A_234 : f32 to vector<512x256xf32>
      %mul3A_236 = arith.mulf %get3A_233, %mul3A_235 : vector<512x256xf32>
      %mul3A_237 = arith.constant 5.000000e-01 : f32
      %mul3A_238 = vector.broadcast %mul3A_237 : f32 to vector<512x256xf32>
      %mul3A_239 = arith.mulf %add3A_228, %mul3A_238 : vector<512x256xf32>
      %add3A_240 = arith.addf %mul3A_236, %mul3A_239 : vector<512x256xf32>
      %get3A_241 = arith.index_cast %mul3A_63 : i32 to index
      %get3A_242 = arith.constant 0 : index
      %get3A_243 = vector.load %arg1[%get3A_241, %get3A_242] : memref<4096x256xf32, #tpu.memory_space<vmem>>, vector<512x256xf32>
      %add3A_244 = arith.addf %get3A_243, %add3A_240 : vector<512x256xf32>
      %swap3A_245 = arith.index_cast %mul3A_63 : i32 to index
      %swap3A_246 = arith.constant 0 : index
      %swap3A_247 = vector.load %arg15[%swap3A_245, %swap3A_246] : memref<4096x256xf32, #tpu.memory_space<vmem>>, vector<512x256xf32>
      tpu.vector_store %arg15[%swap3A_245, %swap3A_246], %add3A_244 {strides = array<i32>} : memref<4096x256xf32, #tpu.memory_space<vmem>>, vector<512x256xf32>,
      %get3A_248 = arith.index_cast %mul3A_63 : i32 to index
      %get3A_249 = arith.constant 0 : index
      %get3A_250 = vector.load %arg0[%get3A_248, %get3A_249] : memref<4096x256xf32, #tpu.memory_space<vmem>>, vector<512x256xf32>
      %sub3A = arith.subf %get3A_250, %add3A_240 : vector<512x256xf32>
      %swap3A_251 = arith.index_cast %mul3A_63 : i32 to index
      %swap3A_252 = arith.constant 0 : index
      %swap3A_253 = vector.load %arg14[%swap3A_251, %swap3A_252] : memref<4096x256xf32, #tpu.memory_space<vmem>>, vector<512x256xf32>
      tpu.vector_store %arg14[%swap3A_251, %swap3A_252], %sub3A {strides = array<i32>} : memref<4096x256xf32, #tpu.memory_space<vmem>>, vector<512x256xf32>,
      %get3A_254 = arith.index_cast %mul3A_63 : i32 to index
      %get3A_255 = arith.constant 0 : index
      %get3A_256 = vector.load %arg2[%get3A_254, %get3A_255] : memref<4096x256xf32, #tpu.memory_space<vmem>>, vector<512x256xf32>
      %sub3A_257 = arith.subf %add3A_244, %get3A_256 : vector<512x256xf32>
      %get3A_258 = arith.constant 0 : index
      %get3A_259 = memref.load %arg22[%get3A_258] : memref<1xf32, #tpu.memory_space<smem>>
      %mul3A_260 = arith.mulf %sub3A_257, %sub3A_257 : vector<512x256xf32>
      %reduce_sum3A_261 = vector.shape_cast %mul3A_260 : vector<512x256xf32> to vector<1x512x256xf32>
      %reduce_sum3A_262 = arith.constant dense<0.000000e+00> : vector<1xf32>
      %reduce_sum3A_263 = vector.multi_reduction <add>, %reduce_sum3A_261, %reduce_sum3A_262 [1, 2] : vector<1x512x256xf32> to vector<1xf32>
      %reduce_sum3A_264 = vector.shape_cast %reduce_sum3A_263 : vector<1xf32> to vector<1x1x1xf32>
      %reduce_sum3A_265 = vector.extract %reduce_sum3A_264[0, 0, 0] : f32 from vector<1x1x1xf32>
      %add3A_266 = arith.addf %get3A_259, %reduce_sum3A_265 : f32
      %swap3A_267 = arith.constant 0 : index
      %swap3A_268 = memref.load %arg22[%swap3A_267] : memref<1xf32, #tpu.memory_space<smem>>
      memref.store %add3A_266, %arg22[%swap3A_267] : memref<1xf32, #tpu.memory_space<smem>>
    }
    %scan3A_29 = arith.constant 8 : i32
    %get3A = arith.constant 0 : index
    %get3A_30 = memref.load %arg22[%get3A] : memref<1xf32, #tpu.memory_space<smem>>
    %broadcast_in_dim3A_31 = vector.broadcast %get3A_30 : f32 to vector<1x1xf32>
    %swap3A_32 = arith.constant 0 : index
    %swap3A_33 = arith.constant 0 : index
    %swap3A_34 = vector.load %arg17[%swap3A_32, %swap3A_33] : memref<1x1xf32, #tpu.memory_space<vmem>>, vector<1x1xf32>
    tpu.vector_store %arg17[%swap3A_32, %swap3A_33], %broadcast_in_dim3A_31 {strides = array<i32>} : memref<1x1xf32, #tpu.memory_space<vmem>>, vector<1x1xf32>,
    %scan3A_35 = arith.constant 0 : i32
    %scan3A_36 = arith.constant 16 : i32
    %scan3A_37 = arith.addi %scan3A_35, %scan3A_36 : i32
    %scan3A_38 = arith.constant 1 : i32
    scf.for %scan3A_61 = %scan3A_35 to %scan3A_37 step %scan3A_38  : i32 {
      %mul3A_62 = arith.constant 256 : i32
      %mul3A_63 = arith.muli %scan3A_61, %mul3A_62 : i32
      %get3A_64 = arith.index_cast %mul3A_63 : i32 to index
      %get3A_65 = arith.constant 0 : index
      %get3A_66 = vector.load %arg14[%get3A_64, %get3A_65] : memref<4096x256xf32, #tpu.memory_space<vmem>>, vector<256x256xf32>
      %get3A_67 = arith.constant 0 : index
      %get3A_68 = arith.constant 0 : index
      %get3A_69 = vector.load %arg13[%get3A_67, %get3A_68] : memref<80x256xf32, #tpu.memory_space<vmem>>, vector<80x256xf32>
      %dot_general3A = arith.constant dense<0.000000e+00> : vector<80x256xf32>
      %dot_general3A_70 = tpu.matmul %get3A_69, %get3A_66, %dot_general3A {dimension_numbers = #tpu.dot_dimension_numbers<[1], [0], [0], [1], [0, 0, 1, 1], [], []>, transpose_lhs_hint = false} : vector<80x256xf32>, vector<256x256xf32>, vector<80x256xf32> -> vector<80x256xf32>
      %get3A_71 = arith.constant 0 : index
      %get3A_72 = arith.constant 0 : index
      %get3A_73 = vector.load %arg12[%get3A_71, %get3A_72] : memref<32x80xf32, #tpu.memory_space<vmem>>, vector<32x80xf32>
      %dot_general3A_74 = arith.constant dense<0.000000e+00> : vector<32x256xf32>
      %dot_general3A_75 = tpu.matmul %get3A_73, %dot_general3A_70, %dot_general3A_74 {dimension_numbers = #tpu.dot_dimension_numbers<[1], [0], [0], [1], [0, 0, 1, 1], [], []>, transpose_lhs_hint = false} : vector<32x80xf32>, vector<80x256xf32>, vector<32x256xf32> -> vector<32x256xf32>
      %mul3A_76 = arith.constant 32 : i32
      %mul3A_77 = arith.muli %scan3A_61, %mul3A_76 : i32
      %swap3A_78 = arith.index_cast %mul3A_77 : i32 to index
      %swap3A_79 = arith.constant 0 : index
      %swap3A_80 = vector.load %arg21[%swap3A_78, %swap3A_79] : memref<512x256xf32, #tpu.memory_space<vmem>>, vector<32x256xf32>
      tpu.vector_store %arg21[%swap3A_78, %swap3A_79], %dot_general3A_75 {strides = array<i32>} : memref<512x256xf32, #tpu.memory_space<vmem>>, vector<32x256xf32>,
    }
    %scan3A_39 = arith.constant 16 : i32
    %get3A_40 = arith.constant 0 : index
    %get3A_41 = arith.constant 0 : index
    %get3A_42 = vector.load %arg21[%get3A_40, %get3A_41] : memref<512x256xf32, #tpu.memory_space<vmem>>, vector<512x256xf32>
    %mul3A = arith.mulf %get3A_42, %get3A_42 : vector<512x256xf32>
    %reduce_sum3A = arith.constant dense<0.000000e+00> : vector<512xf32>
    %reduce_sum3A_43 = vector.multi_reduction <add>, %mul3A, %reduce_sum3A [1] : vector<512x256xf32> to vector<512xf32>
    %broadcast_in_dim3A_44 = vector.shape_cast %reduce_sum3A_43 : vector<512xf32> to vector<512x1xf32>
    %sqrt3A = math.sqrt %broadcast_in_dim3A_44 : vector<512x1xf32>
    %max3A = arith.constant 9.99999996E-13 : f32
    %max3A_45 = vector.broadcast %max3A : f32 to vector<512x1xf32>
    %max3A_46 = arith.maximumf %sqrt3A, %max3A_45 : vector<512x1xf32>
    %div3A = vector.broadcast %max3A_46 : vector<512x1xf32> to vector<512x256xf32>
    %div3A_47 = arith.divf %get3A_42, %div3A : vector<512x256xf32>
    %convert_element_type3A = arith.truncf %div3A_47 : vector<512x256xf32> to vector<512x256xbf16>
    %broadcast_in_dim3A_48 = arith.constant 0xFF800000 : f32
    %broadcast_in_dim3A_49 = vector.broadcast %broadcast_in_dim3A_48 : f32 to vector<512x1xf32>
    %broadcast_in_dim3A_50 = arith.constant 0 : i32
    %broadcast_in_dim3A_51 = vector.broadcast %broadcast_in_dim3A_50 : i32 to vector<512x1xi32>
    %scan3A_52 = arith.constant 0 : i32
    %scan3A_53 = arith.constant 8 : i32
    %scan3A_54 = arith.addi %scan3A_52, %scan3A_53 : i32
    %scan3A_55 = arith.constant 1 : i32
    %scan3A_56:2 = scf.for %scan3A_61 = %scan3A_52 to %scan3A_54 step %scan3A_55 iter_args(%scan3A_62 = %broadcast_in_dim3A_49, %scan3A_63 = %broadcast_in_dim3A_51) -> (vector<512x1xf32>, vector<512x1xi32>)  : i32 {
      %mul3A_64 = arith.constant 1024 : i32
      %mul3A_65 = arith.muli %scan3A_61, %mul3A_64 : i32
      %get3A_66 = arith.constant 0 : index
      %get3A_67 = arith.index_cast %mul3A_65 : i32 to index
      %get3A_68 = vector.load %arg4[%get3A_66, %get3A_67] : memref<256x8192xbf16, #tpu.memory_space<vmem>>, vector<256x1024xbf16>
      %dot_general3A = arith.constant dense<0.000000e+00> : vector<512x1024xf32>
      %dot_general3A_69 = tpu.matmul %convert_element_type3A, %get3A_68, %dot_general3A {dimension_numbers = #tpu.dot_dimension_numbers<[1], [0], [0], [1], [0, 0, 1, 1], [], []>, transpose_lhs_hint = false} : vector<512x256xbf16>, vector<256x1024xbf16>, vector<512x1024xf32> -> vector<512x1024xf32>
      %reduce_max3A = arith.constant dense<0xFF800000> : vector<512xf32>
      %reduce_max3A_70 = vector.multi_reduction <maximumf>, %dot_general3A_69, %reduce_max3A [1] : vector<512x1024xf32> to vector<512xf32>
      %broadcast_in_dim3A_71 = vector.shape_cast %reduce_max3A_70 : vector<512xf32> to vector<512x1xf32>
      %iota3A = tpu.iota {dimensions = array<i32: 1>} : vector<512x1024xi32>
      %eq3A = vector.broadcast %broadcast_in_dim3A_71 : vector<512x1xf32> to vector<512x1024xf32>
      %eq3A_72 = arith.cmpf oeq, %dot_general3A_69, %eq3A : vector<512x1024xf32>
      %jit3A = arith.constant 1073741824 : i32
      %broadcast_in_dim3A_73 = vector.broadcast %jit3A : i32 to vector<512x1024xi32>
      %select_n3A = arith.select %eq3A_72, %iota3A, %broadcast_in_dim3A_73 : vector<512x1024xi1>, vector<512x1024xi32>
      %reduce_min3A = arith.constant dense<2147483647> : vector<512xi32>
      %reduce_min3A_74 = vector.multi_reduction <minsi>, %select_n3A, %reduce_min3A [1] : vector<512x1024xi32> to vector<512xi32>
      %broadcast_in_dim3A_75 = vector.shape_cast %reduce_min3A_74 : vector<512xi32> to vector<512x1xi32>
      %gt3A = arith.cmpf ogt, %broadcast_in_dim3A_71, %scan3A_62 : vector<512x1xf32>
      %select_n3A_76 = arith.select %gt3A, %broadcast_in_dim3A_71, %scan3A_62 : vector<512x1xi1>, vector<512x1xf32>
      %mul3A_77 = arith.constant 1024 : i32
      %mul3A_78 = arith.muli %scan3A_61, %mul3A_77 : i32
      %add3A = vector.broadcast %mul3A_78 : i32 to vector<512x1xi32>
      %add3A_79 = arith.addi %broadcast_in_dim3A_75, %add3A : vector<512x1xi32>
      %select_n3A_80 = arith.select %gt3A, %add3A_79, %scan3A_63 : vector<512x1xi1>, vector<512x1xi32>
      scf.yield %select_n3A_76, %select_n3A_80 : vector<512x1xf32>, vector<512x1xi32>
    }
    %scan3A_57 = arith.constant 8 : i32
    %swap3A_58 = arith.constant 0 : index
    %swap3A_59 = arith.constant 0 : index
    %swap3A_60 = vector.load %arg16[%swap3A_58, %swap3A_59] : memref<512x1xi32, #tpu.memory_space<vmem>>, vector<512x1xi32>
    tpu.vector_store %arg16[%swap3A_58, %swap3A_59], %scan3A_56#1 {strides = array<i32>} : memref<512x1xi32, #tpu.memory_space<vmem>>, vector<512x1xi32>,
    return
  }
}

module attributes {stable_mosaic.version = 14 : i64} {
  func.func @body(%arg0: memref<4096x256xf32, #tpu.memory_space<vmem>>, %arg1: memref<4096x256xf32, #tpu.memory_space<vmem>>, %arg2: memref<4096x256xf32, #tpu.memory_space<vmem>>, %arg3: memref<512x256xf32, #tpu.memory_space<vmem>>, %arg4: memref<256x8192xbf16, #tpu.memory_space<vmem>>, %arg5: memref<256x80xf32, #tpu.memory_space<vmem>>, %arg6: memref<256x80xf32, #tpu.memory_space<vmem>>, %arg7: memref<256x80xf32, #tpu.memory_space<vmem>>, %arg8: memref<80x32xf32, #tpu.memory_space<vmem>>, %arg9: memref<9x256x256xf32, #tpu.memory_space<vmem>>, %arg10: memref<1x256xf32, #tpu.memory_space<vmem>>, %arg11: memref<4096x9xf32, #tpu.memory_space<vmem>>, %arg12: memref<40x96xf32, #tpu.memory_space<vmem>>, %arg13: memref<96x256xf32, #tpu.memory_space<vmem>>, %arg14: memref<4096x256xf32, #tpu.memory_space<vmem>>, %arg15: memref<4096x256xf32, #tpu.memory_space<vmem>>, %arg16: memref<640x1xi32, #tpu.memory_space<vmem>>, %arg17: memref<1x1xf32, #tpu.memory_space<vmem>>, %arg18: memref<4144x256xf32, #tpu.memory_space<vmem>>, %arg19: memref<4144x256xf32, #tpu.memory_space<vmem>>, %arg20: memref<4144x256xf32, #tpu.memory_space<vmem>>, %arg21: memref<640x256xf32, #tpu.memory_space<vmem>>, %arg22: memref<1xf32, #tpu.memory_space<smem>>) attributes {dimension_semantics = [], scalar_prefetch = 0 : i64, scratch_operands = 5 : i64, tpu.core_type = #tpu.core_type<tc>} {
    %broadcast_in_dim3A = arith.constant 0.000000e+00 : f32
    %broadcast_in_dim3A_0 = vector.broadcast %broadcast_in_dim3A : f32 to vector<24x256xf32>
    %swap3A = arith.constant 0 : index
    %swap3A_1 = arith.constant 0 : index
    %swap3A_2 = vector.load %arg18[%swap3A, %swap3A_1] : memref<4144x256xf32, #tpu.memory_space<vmem>>, vector<24x256xf32>
    tpu.vector_store %arg18[%swap3A, %swap3A_1], %broadcast_in_dim3A_0 {strides = array<i32>} : memref<4144x256xf32, #tpu.memory_space<vmem>>, vector<24x256xf32>,
    %swap3A_3 = arith.constant 4120 : index
    %swap3A_4 = arith.constant 0 : index
    %swap3A_5 = vector.load %arg18[%swap3A_3, %swap3A_4] : memref<4144x256xf32, #tpu.memory_space<vmem>>, vector<24x256xf32>
    tpu.vector_store %arg18[%swap3A_3, %swap3A_4], %broadcast_in_dim3A_0 {strides = array<i32>} : memref<4144x256xf32, #tpu.memory_space<vmem>>, vector<24x256xf32>,
    %swap3A_6 = arith.constant 0 : index
    %swap3A_7 = arith.constant 0 : index
    %swap3A_8 = vector.load %arg19[%swap3A_6, %swap3A_7] : memref<4144x256xf32, #tpu.memory_space<vmem>>, vector<24x256xf32>
    tpu.vector_store %arg19[%swap3A_6, %swap3A_7], %broadcast_in_dim3A_0 {strides = array<i32>} : memref<4144x256xf32, #tpu.memory_space<vmem>>, vector<24x256xf32>,
    %swap3A_9 = arith.constant 4120 : index
    %swap3A_10 = arith.constant 0 : index
    %swap3A_11 = vector.load %arg19[%swap3A_9, %swap3A_10] : memref<4144x256xf32, #tpu.memory_space<vmem>>, vector<24x256xf32>
    tpu.vector_store %arg19[%swap3A_9, %swap3A_10], %broadcast_in_dim3A_0 {strides = array<i32>} : memref<4144x256xf32, #tpu.memory_space<vmem>>, vector<24x256xf32>,
    %swap3A_12 = arith.constant 0 : index
    %swap3A_13 = arith.constant 0 : index
    %swap3A_14 = vector.load %arg20[%swap3A_12, %swap3A_13] : memref<4144x256xf32, #tpu.memory_space<vmem>>, vector<24x256xf32>
    tpu.vector_store %arg20[%swap3A_12, %swap3A_13], %broadcast_in_dim3A_0 {strides = array<i32>} : memref<4144x256xf32, #tpu.memory_space<vmem>>, vector<24x256xf32>,
    %swap3A_15 = arith.constant 4120 : index
    %swap3A_16 = arith.constant 0 : index
    %swap3A_17 = vector.load %arg20[%swap3A_15, %swap3A_16] : memref<4144x256xf32, #tpu.memory_space<vmem>>, vector<24x256xf32>
    tpu.vector_store %arg20[%swap3A_15, %swap3A_16], %broadcast_in_dim3A_0 {strides = array<i32>} : memref<4144x256xf32, #tpu.memory_space<vmem>>, vector<24x256xf32>,
    %scan3A = arith.constant 0 : i32
    %scan3A_18 = arith.constant 16 : i32
    %scan3A_19 = arith.addi %scan3A, %scan3A_18 : i32
    %scan3A_20 = arith.constant 1 : i32
    scf.for %scan3A_88 = %scan3A to %scan3A_19 step %scan3A_20  : i32 {
      %mul3A_89 = arith.constant 32 : i32
      %mul3A_90 = arith.muli %scan3A_88, %mul3A_89 : i32
      %get3A_91 = arith.index_cast %mul3A_90 : i32 to index
      %get3A_92 = arith.constant 0 : index
      %get3A_93 = vector.load %arg3[%get3A_91, %get3A_92] : memref<512x256xf32, #tpu.memory_space<vmem>>, vector<32x256xf32>
      %get3A_94 = arith.constant 0 : index
      %get3A_95 = arith.constant 0 : index
      %get3A_96 = vector.load %arg8[%get3A_94, %get3A_95] : memref<80x32xf32, #tpu.memory_space<vmem>>, vector<80x32xf32>
      %dot_general3A = arith.constant dense<0.000000e+00> : vector<80x256xf32>
      %dot_general3A_97 = tpu.matmul %get3A_96, %get3A_93, %dot_general3A {dimension_numbers = #tpu.dot_dimension_numbers<[1], [0], [0], [1], [0, 0, 1, 1], [], []>, transpose_lhs_hint = false} : vector<80x32xf32>, vector<32x256xf32>, vector<80x256xf32> -> vector<80x256xf32>
      %mul3A_98 = arith.constant 256 : i32
      %mul3A_99 = arith.muli %scan3A_88, %mul3A_98 : i32
      %add3A = arith.constant 24 : i32
      %add3A_100 = arith.addi %add3A, %mul3A_99 : i32
      %get3A_101 = arith.constant 0 : index
      %get3A_102 = arith.constant 0 : index
      %get3A_103 = vector.load %arg5[%get3A_101, %get3A_102] : memref<256x80xf32, #tpu.memory_space<vmem>>, vector<256x80xf32>
      %dot_general3A_104 = arith.constant dense<0.000000e+00> : vector<256x256xf32>
      %dot_general3A_105 = tpu.matmul %get3A_103, %dot_general3A_97, %dot_general3A_104 {dimension_numbers = #tpu.dot_dimension_numbers<[1], [0], [0], [1], [0, 0, 1, 1], [], []>, transpose_lhs_hint = false} : vector<256x80xf32>, vector<80x256xf32>, vector<256x256xf32> -> vector<256x256xf32>
      %swap3A_106 = arith.index_cast %add3A_100 : i32 to index
      %swap3A_107 = arith.constant 0 : index
      %swap3A_108 = vector.load %arg18[%swap3A_106, %swap3A_107] : memref<4144x256xf32, #tpu.memory_space<vmem>>, vector<256x256xf32>
      tpu.vector_store %arg18[%swap3A_106, %swap3A_107], %dot_general3A_105 {strides = array<i32>} : memref<4144x256xf32, #tpu.memory_space<vmem>>, vector<256x256xf32>,
      %get3A_109 = arith.constant 0 : index
      %get3A_110 = arith.constant 0 : index
      %get3A_111 = vector.load %arg6[%get3A_109, %get3A_110] : memref<256x80xf32, #tpu.memory_space<vmem>>, vector<256x80xf32>
      %dot_general3A_112 = arith.constant dense<0.000000e+00> : vector<256x256xf32>
      %dot_general3A_113 = tpu.matmul %get3A_111, %dot_general3A_97, %dot_general3A_112 {dimension_numbers = #tpu.dot_dimension_numbers<[1], [0], [0], [1], [0, 0, 1, 1], [], []>, transpose_lhs_hint = false} : vector<256x80xf32>, vector<80x256xf32>, vector<256x256xf32> -> vector<256x256xf32>
      %swap3A_114 = arith.index_cast %add3A_100 : i32 to index
      %swap3A_115 = arith.constant 0 : index
      %swap3A_116 = vector.load %arg19[%swap3A_114, %swap3A_115] : memref<4144x256xf32, #tpu.memory_space<vmem>>, vector<256x256xf32>
      tpu.vector_store %arg19[%swap3A_114, %swap3A_115], %dot_general3A_113 {strides = array<i32>} : memref<4144x256xf32, #tpu.memory_space<vmem>>, vector<256x256xf32>,
      %get3A_117 = arith.constant 0 : index
      %get3A_118 = arith.constant 0 : index
      %get3A_119 = vector.load %arg7[%get3A_117, %get3A_118] : memref<256x80xf32, #tpu.memory_space<vmem>>, vector<256x80xf32>
      %dot_general3A_120 = arith.constant dense<0.000000e+00> : vector<256x256xf32>
      %dot_general3A_121 = tpu.matmul %get3A_119, %dot_general3A_97, %dot_general3A_120 {dimension_numbers = #tpu.dot_dimension_numbers<[1], [0], [0], [1], [0, 0, 1, 1], [], []>, transpose_lhs_hint = false} : vector<256x80xf32>, vector<80x256xf32>, vector<256x256xf32> -> vector<256x256xf32>
      %swap3A_122 = arith.index_cast %add3A_100 : i32 to index
      %swap3A_123 = arith.constant 0 : index
      %swap3A_124 = vector.load %arg20[%swap3A_122, %swap3A_123] : memref<4144x256xf32, #tpu.memory_space<vmem>>, vector<256x256xf32>
      tpu.vector_store %arg20[%swap3A_122, %swap3A_123], %dot_general3A_121 {strides = array<i32>} : memref<4144x256xf32, #tpu.memory_space<vmem>>, vector<256x256xf32>,
    }
    %scan3A_21 = arith.constant 16 : i32
    %swap3A_22 = arith.constant 0.000000e+00 : f32
    %swap3A_23 = arith.constant 0 : index
    %swap3A_24 = memref.load %arg22[%swap3A_23] : memref<1xf32, #tpu.memory_space<smem>>
    memref.store %swap3A_22, %arg22[%swap3A_23] : memref<1xf32, #tpu.memory_space<smem>>
    %scan3A_25 = arith.constant 0 : i32
    %scan3A_26 = arith.constant 8 : i32
    %scan3A_27 = arith.addi %scan3A_25, %scan3A_26 : i32
    %scan3A_28 = arith.constant 1 : i32
    scf.for %scan3A_88 = %scan3A_25 to %scan3A_27 step %scan3A_28  : i32 {
      %mul3A_89 = arith.constant 512 : i32
      %mul3A_90 = arith.muli %scan3A_88, %mul3A_89 : i32
      %add3A = arith.constant 8 : i32
      %add3A_91 = arith.addi %mul3A_90, %add3A : i32
      %get3A_92 = arith.index_cast %add3A_91 : i32 to index
      %get3A_93 = arith.constant 0 : index
      %get3A_94 = vector.load %arg20[%get3A_92, %get3A_93] : memref<4144x256xf32, #tpu.memory_space<vmem>>, vector<512x256xf32>
      %get3A_95 = arith.index_cast %mul3A_90 : i32 to index
      %get3A_96 = arith.constant 0 : index
      %get3A_97 = vector.load %arg11[%get3A_95, %get3A_96] : memref<4096x9xf32, #tpu.memory_space<vmem>>, vector<512x1xf32>
      %mul3A_98 = vector.broadcast %get3A_97 : vector<512x1xf32> to vector<512x256xf32>
      %mul3A_99 = arith.mulf %get3A_94, %mul3A_98 : vector<512x256xf32>
      %get3A_100 = arith.constant 0 : index
      %get3A_101 = arith.constant 0 : index
      %get3A_102 = arith.constant 0 : index
      %get3A_103 = vector.load %arg9[%get3A_100, %get3A_101, %get3A_102] : memref<9x256x256xf32, #tpu.memory_space<vmem>>, vector<1x256x256xf32>
      %get3A_104 = vector.shape_cast %get3A_103 : vector<1x256x256xf32> to vector<256x256xf32>
      %dot_general3A = arith.constant dense<0.000000e+00> : vector<512x256xf32>
      %dot_general3A_105 = tpu.matmul %mul3A_99, %get3A_104, %dot_general3A {dimension_numbers = #tpu.dot_dimension_numbers<[1], [0], [0], [1], [0, 0, 1, 1], [], []>, transpose_lhs_hint = false} : vector<512x256xf32>, vector<256x256xf32>, vector<512x256xf32> -> vector<512x256xf32>
      %add3A_106 = arith.constant 8 : i32
      %add3A_107 = arith.addi %mul3A_90, %add3A_106 : i32
      %get3A_108 = arith.index_cast %add3A_107 : i32 to index
      %get3A_109 = arith.constant 0 : index
      %get3A_110 = vector.load %arg18[%get3A_108, %get3A_109] : memref<4144x256xf32, #tpu.memory_space<vmem>>, vector<512x256xf32>
      %get3A_111 = arith.index_cast %mul3A_90 : i32 to index
      %get3A_112 = arith.constant 1 : index
      %get3A_113 = vector.load %arg11[%get3A_111, %get3A_112] : memref<4096x9xf32, #tpu.memory_space<vmem>>, vector<512x1xf32>
      %mul3A_114 = vector.broadcast %get3A_113 : vector<512x1xf32> to vector<512x256xf32>
      %mul3A_115 = arith.mulf %get3A_110, %mul3A_114 : vector<512x256xf32>
      %get3A_116 = arith.constant 1 : index
      %get3A_117 = arith.constant 0 : index
      %get3A_118 = arith.constant 0 : index
      %get3A_119 = vector.load %arg9[%get3A_116, %get3A_117, %get3A_118] : memref<9x256x256xf32, #tpu.memory_space<vmem>>, vector<1x256x256xf32>
      %get3A_120 = vector.shape_cast %get3A_119 : vector<1x256x256xf32> to vector<256x256xf32>
      %dot_general3A_121 = arith.constant dense<0.000000e+00> : vector<512x256xf32>
      %dot_general3A_122 = tpu.matmul %mul3A_115, %get3A_120, %dot_general3A_121 {dimension_numbers = #tpu.dot_dimension_numbers<[1], [0], [0], [1], [0, 0, 1, 1], [], []>, transpose_lhs_hint = false} : vector<512x256xf32>, vector<256x256xf32>, vector<512x256xf32> -> vector<512x256xf32>
      %add3A_123 = arith.addf %dot_general3A_105, %dot_general3A_122 : vector<512x256xf32>
      %add3A_124 = arith.constant 8 : i32
      %add3A_125 = arith.addi %mul3A_90, %add3A_124 : i32
      %get3A_126 = arith.index_cast %add3A_125 : i32 to index
      %get3A_127 = arith.constant 0 : index
      %get3A_128 = vector.load %arg19[%get3A_126, %get3A_127] : memref<4144x256xf32, #tpu.memory_space<vmem>>, vector<512x256xf32>
      %get3A_129 = arith.index_cast %mul3A_90 : i32 to index
      %get3A_130 = arith.constant 2 : index
      %get3A_131 = vector.load %arg11[%get3A_129, %get3A_130] : memref<4096x9xf32, #tpu.memory_space<vmem>>, vector<512x1xf32>
      %mul3A_132 = vector.broadcast %get3A_131 : vector<512x1xf32> to vector<512x256xf32>
      %mul3A_133 = arith.mulf %get3A_128, %mul3A_132 : vector<512x256xf32>
      %get3A_134 = arith.constant 2 : index
      %get3A_135 = arith.constant 0 : index
      %get3A_136 = arith.constant 0 : index
      %get3A_137 = vector.load %arg9[%get3A_134, %get3A_135, %get3A_136] : memref<9x256x256xf32, #tpu.memory_space<vmem>>, vector<1x256x256xf32>
      %get3A_138 = vector.shape_cast %get3A_137 : vector<1x256x256xf32> to vector<256x256xf32>
      %dot_general3A_139 = arith.constant dense<0.000000e+00> : vector<512x256xf32>
      %dot_general3A_140 = tpu.matmul %mul3A_133, %get3A_138, %dot_general3A_139 {dimension_numbers = #tpu.dot_dimension_numbers<[1], [0], [0], [1], [0, 0, 1, 1], [], []>, transpose_lhs_hint = false} : vector<512x256xf32>, vector<256x256xf32>, vector<512x256xf32> -> vector<512x256xf32>
      %add3A_141 = arith.addf %add3A_123, %dot_general3A_140 : vector<512x256xf32>
      %add3A_142 = arith.constant 24 : i32
      %add3A_143 = arith.addi %mul3A_90, %add3A_142 : i32
      %get3A_144 = arith.index_cast %add3A_143 : i32 to index
      %get3A_145 = arith.constant 0 : index
      %get3A_146 = vector.load %arg20[%get3A_144, %get3A_145] : memref<4144x256xf32, #tpu.memory_space<vmem>>, vector<512x256xf32>
      %get3A_147 = arith.index_cast %mul3A_90 : i32 to index
      %get3A_148 = arith.constant 3 : index
      %get3A_149 = vector.load %arg11[%get3A_147, %get3A_148] : memref<4096x9xf32, #tpu.memory_space<vmem>>, vector<512x1xf32>
      %mul3A_150 = vector.broadcast %get3A_149 : vector<512x1xf32> to vector<512x256xf32>
      %mul3A_151 = arith.mulf %get3A_146, %mul3A_150 : vector<512x256xf32>
      %get3A_152 = arith.constant 3 : index
      %get3A_153 = arith.constant 0 : index
      %get3A_154 = arith.constant 0 : index
      %get3A_155 = vector.load %arg9[%get3A_152, %get3A_153, %get3A_154] : memref<9x256x256xf32, #tpu.memory_space<vmem>>, vector<1x256x256xf32>
      %get3A_156 = vector.shape_cast %get3A_155 : vector<1x256x256xf32> to vector<256x256xf32>
      %dot_general3A_157 = arith.constant dense<0.000000e+00> : vector<512x256xf32>
      %dot_general3A_158 = tpu.matmul %mul3A_151, %get3A_156, %dot_general3A_157 {dimension_numbers = #tpu.dot_dimension_numbers<[1], [0], [0], [1], [0, 0, 1, 1], [], []>, transpose_lhs_hint = false} : vector<512x256xf32>, vector<256x256xf32>, vector<512x256xf32> -> vector<512x256xf32>
      %add3A_159 = arith.addf %add3A_141, %dot_general3A_158 : vector<512x256xf32>
      %add3A_160 = arith.constant 24 : i32
      %add3A_161 = arith.addi %mul3A_90, %add3A_160 : i32
      %get3A_162 = arith.index_cast %add3A_161 : i32 to index
      %get3A_163 = arith.constant 0 : index
      %get3A_164 = vector.load %arg18[%get3A_162, %get3A_163] : memref<4144x256xf32, #tpu.memory_space<vmem>>, vector<512x256xf32>
      %get3A_165 = arith.index_cast %mul3A_90 : i32 to index
      %get3A_166 = arith.constant 4 : index
      %get3A_167 = vector.load %arg11[%get3A_165, %get3A_166] : memref<4096x9xf32, #tpu.memory_space<vmem>>, vector<512x1xf32>
      %mul3A_168 = vector.broadcast %get3A_167 : vector<512x1xf32> to vector<512x256xf32>
      %mul3A_169 = arith.mulf %get3A_164, %mul3A_168 : vector<512x256xf32>
      %get3A_170 = arith.constant 4 : index
      %get3A_171 = arith.constant 0 : index
      %get3A_172 = arith.constant 0 : index
      %get3A_173 = vector.load %arg9[%get3A_170, %get3A_171, %get3A_172] : memref<9x256x256xf32, #tpu.memory_space<vmem>>, vector<1x256x256xf32>
      %get3A_174 = vector.shape_cast %get3A_173 : vector<1x256x256xf32> to vector<256x256xf32>
      %dot_general3A_175 = arith.constant dense<0.000000e+00> : vector<512x256xf32>
      %dot_general3A_176 = tpu.matmul %mul3A_169, %get3A_174, %dot_general3A_175 {dimension_numbers = #tpu.dot_dimension_numbers<[1], [0], [0], [1], [0, 0, 1, 1], [], []>, transpose_lhs_hint = false} : vector<512x256xf32>, vector<256x256xf32>, vector<512x256xf32> -> vector<512x256xf32>
      %add3A_177 = arith.addf %add3A_159, %dot_general3A_176 : vector<512x256xf32>
      %add3A_178 = arith.constant 24 : i32
      %add3A_179 = arith.addi %mul3A_90, %add3A_178 : i32
      %get3A_180 = arith.index_cast %add3A_179 : i32 to index
      %get3A_181 = arith.constant 0 : index
      %get3A_182 = vector.load %arg19[%get3A_180, %get3A_181] : memref<4144x256xf32, #tpu.memory_space<vmem>>, vector<512x256xf32>
      %get3A_183 = arith.index_cast %mul3A_90 : i32 to index
      %get3A_184 = arith.constant 5 : index
      %get3A_185 = vector.load %arg11[%get3A_183, %get3A_184] : memref<4096x9xf32, #tpu.memory_space<vmem>>, vector<512x1xf32>
      %mul3A_186 = vector.broadcast %get3A_185 : vector<512x1xf32> to vector<512x256xf32>
      %mul3A_187 = arith.mulf %get3A_182, %mul3A_186 : vector<512x256xf32>
      %get3A_188 = arith.constant 5 : index
      %get3A_189 = arith.constant 0 : index
      %get3A_190 = arith.constant 0 : index
      %get3A_191 = vector.load %arg9[%get3A_188, %get3A_189, %get3A_190] : memref<9x256x256xf32, #tpu.memory_space<vmem>>, vector<1x256x256xf32>
      %get3A_192 = vector.shape_cast %get3A_191 : vector<1x256x256xf32> to vector<256x256xf32>
      %dot_general3A_193 = arith.constant dense<0.000000e+00> : vector<512x256xf32>
      %dot_general3A_194 = tpu.matmul %mul3A_187, %get3A_192, %dot_general3A_193 {dimension_numbers = #tpu.dot_dimension_numbers<[1], [0], [0], [1], [0, 0, 1, 1], [], []>, transpose_lhs_hint = false} : vector<512x256xf32>, vector<256x256xf32>, vector<512x256xf32> -> vector<512x256xf32>
      %add3A_195 = arith.addf %add3A_177, %dot_general3A_194 : vector<512x256xf32>
      %add3A_196 = arith.constant 40 : i32
      %add3A_197 = arith.addi %mul3A_90, %add3A_196 : i32
      %get3A_198 = arith.index_cast %add3A_197 : i32 to index
      %get3A_199 = arith.constant 0 : index
      %get3A_200 = vector.load %arg20[%get3A_198, %get3A_199] : memref<4144x256xf32, #tpu.memory_space<vmem>>, vector<512x256xf32>
      %get3A_201 = arith.index_cast %mul3A_90 : i32 to index
      %get3A_202 = arith.constant 6 : index
      %get3A_203 = vector.load %arg11[%get3A_201, %get3A_202] : memref<4096x9xf32, #tpu.memory_space<vmem>>, vector<512x1xf32>
      %mul3A_204 = vector.broadcast %get3A_203 : vector<512x1xf32> to vector<512x256xf32>
      %mul3A_205 = arith.mulf %get3A_200, %mul3A_204 : vector<512x256xf32>
      %get3A_206 = arith.constant 6 : index
      %get3A_207 = arith.constant 0 : index
      %get3A_208 = arith.constant 0 : index
      %get3A_209 = vector.load %arg9[%get3A_206, %get3A_207, %get3A_208] : memref<9x256x256xf32, #tpu.memory_space<vmem>>, vector<1x256x256xf32>
      %get3A_210 = vector.shape_cast %get3A_209 : vector<1x256x256xf32> to vector<256x256xf32>
      %dot_general3A_211 = arith.constant dense<0.000000e+00> : vector<512x256xf32>
      %dot_general3A_212 = tpu.matmul %mul3A_205, %get3A_210, %dot_general3A_211 {dimension_numbers = #tpu.dot_dimension_numbers<[1], [0], [0], [1], [0, 0, 1, 1], [], []>, transpose_lhs_hint = false} : vector<512x256xf32>, vector<256x256xf32>, vector<512x256xf32> -> vector<512x256xf32>
      %add3A_213 = arith.addf %add3A_195, %dot_general3A_212 : vector<512x256xf32>
      %add3A_214 = arith.constant 40 : i32
      %add3A_215 = arith.addi %mul3A_90, %add3A_214 : i32
      %get3A_216 = arith.index_cast %add3A_215 : i32 to index
      %get3A_217 = arith.constant 0 : index
      %get3A_218 = vector.load %arg18[%get3A_216, %get3A_217] : memref<4144x256xf32, #tpu.memory_space<vmem>>, vector<512x256xf32>
      %get3A_219 = arith.index_cast %mul3A_90 : i32 to index
      %get3A_220 = arith.constant 7 : index
      %get3A_221 = vector.load %arg11[%get3A_219, %get3A_220] : memref<4096x9xf32, #tpu.memory_space<vmem>>, vector<512x1xf32>
      %mul3A_222 = vector.broadcast %get3A_221 : vector<512x1xf32> to vector<512x256xf32>
      %mul3A_223 = arith.mulf %get3A_218, %mul3A_222 : vector<512x256xf32>
      %get3A_224 = arith.constant 7 : index
      %get3A_225 = arith.constant 0 : index
      %get3A_226 = arith.constant 0 : index
      %get3A_227 = vector.load %arg9[%get3A_224, %get3A_225, %get3A_226] : memref<9x256x256xf32, #tpu.memory_space<vmem>>, vector<1x256x256xf32>
      %get3A_228 = vector.shape_cast %get3A_227 : vector<1x256x256xf32> to vector<256x256xf32>
      %dot_general3A_229 = arith.constant dense<0.000000e+00> : vector<512x256xf32>
      %dot_general3A_230 = tpu.matmul %mul3A_223, %get3A_228, %dot_general3A_229 {dimension_numbers = #tpu.dot_dimension_numbers<[1], [0], [0], [1], [0, 0, 1, 1], [], []>, transpose_lhs_hint = false} : vector<512x256xf32>, vector<256x256xf32>, vector<512x256xf32> -> vector<512x256xf32>
      %add3A_231 = arith.addf %add3A_213, %dot_general3A_230 : vector<512x256xf32>
      %add3A_232 = arith.constant 40 : i32
      %add3A_233 = arith.addi %mul3A_90, %add3A_232 : i32
      %get3A_234 = arith.index_cast %add3A_233 : i32 to index
      %get3A_235 = arith.constant 0 : index
      %get3A_236 = vector.load %arg19[%get3A_234, %get3A_235] : memref<4144x256xf32, #tpu.memory_space<vmem>>, vector<512x256xf32>
      %get3A_237 = arith.index_cast %mul3A_90 : i32 to index
      %get3A_238 = arith.constant 8 : index
      %get3A_239 = vector.load %arg11[%get3A_237, %get3A_238] : memref<4096x9xf32, #tpu.memory_space<vmem>>, vector<512x1xf32>
      %mul3A_240 = vector.broadcast %get3A_239 : vector<512x1xf32> to vector<512x256xf32>
      %mul3A_241 = arith.mulf %get3A_236, %mul3A_240 : vector<512x256xf32>
      %get3A_242 = arith.constant 8 : index
      %get3A_243 = arith.constant 0 : index
      %get3A_244 = arith.constant 0 : index
      %get3A_245 = vector.load %arg9[%get3A_242, %get3A_243, %get3A_244] : memref<9x256x256xf32, #tpu.memory_space<vmem>>, vector<1x256x256xf32>
      %get3A_246 = vector.shape_cast %get3A_245 : vector<1x256x256xf32> to vector<256x256xf32>
      %dot_general3A_247 = arith.constant dense<0.000000e+00> : vector<512x256xf32>
      %dot_general3A_248 = tpu.matmul %mul3A_241, %get3A_246, %dot_general3A_247 {dimension_numbers = #tpu.dot_dimension_numbers<[1], [0], [0], [1], [0, 0, 1, 1], [], []>, transpose_lhs_hint = false} : vector<512x256xf32>, vector<256x256xf32>, vector<512x256xf32> -> vector<512x256xf32>
      %add3A_249 = arith.addf %add3A_231, %dot_general3A_248 : vector<512x256xf32>
      %get3A_250 = arith.constant 0 : index
      %get3A_251 = arith.constant 0 : index
      %get3A_252 = vector.load %arg10[%get3A_250, %get3A_251] : memref<1x256xf32, #tpu.memory_space<vmem>>, vector<1x256xf32>
      %broadcast_in_dim3A_253 = vector.shape_cast %get3A_252 : vector<1x256xf32> to vector<1x256xf32>
      %broadcast_in_dim3A_254 = vector.broadcast %broadcast_in_dim3A_253 : vector<1x256xf32> to vector<512x256xf32>
      %add3A_255 = arith.addf %add3A_249, %broadcast_in_dim3A_254 : vector<512x256xf32>
      %add3A_256 = arith.constant 24 : i32
      %add3A_257 = arith.addi %mul3A_90, %add3A_256 : i32
      %get3A_258 = arith.index_cast %add3A_257 : i32 to index
      %get3A_259 = arith.constant 0 : index
      %get3A_260 = vector.load %arg18[%get3A_258, %get3A_259] : memref<4144x256xf32, #tpu.memory_space<vmem>>, vector<512x256xf32>
      %mul3A_261 = arith.constant 5.000000e-01 : f32
      %mul3A_262 = vector.broadcast %mul3A_261 : f32 to vector<512x256xf32>
      %mul3A_263 = arith.mulf %get3A_260, %mul3A_262 : vector<512x256xf32>
      %mul3A_264 = arith.constant 5.000000e-01 : f32
      %mul3A_265 = vector.broadcast %mul3A_264 : f32 to vector<512x256xf32>
      %mul3A_266 = arith.mulf %add3A_255, %mul3A_265 : vector<512x256xf32>
      %add3A_267 = arith.addf %mul3A_263, %mul3A_266 : vector<512x256xf32>
      %get3A_268 = arith.index_cast %mul3A_90 : i32 to index
      %get3A_269 = arith.constant 0 : index
      %get3A_270 = vector.load %arg1[%get3A_268, %get3A_269] : memref<4096x256xf32, #tpu.memory_space<vmem>>, vector<512x256xf32>
      %add3A_271 = arith.addf %get3A_270, %add3A_267 : vector<512x256xf32>
      %swap3A_272 = arith.index_cast %mul3A_90 : i32 to index
      %swap3A_273 = arith.constant 0 : index
      %swap3A_274 = vector.load %arg15[%swap3A_272, %swap3A_273] : memref<4096x256xf32, #tpu.memory_space<vmem>>, vector<512x256xf32>
      tpu.vector_store %arg15[%swap3A_272, %swap3A_273], %add3A_271 {strides = array<i32>} : memref<4096x256xf32, #tpu.memory_space<vmem>>, vector<512x256xf32>,
      %get3A_275 = arith.index_cast %mul3A_90 : i32 to index
      %get3A_276 = arith.constant 0 : index
      %get3A_277 = vector.load %arg0[%get3A_275, %get3A_276] : memref<4096x256xf32, #tpu.memory_space<vmem>>, vector<512x256xf32>
      %sub3A = arith.subf %get3A_277, %add3A_267 : vector<512x256xf32>
      %swap3A_278 = arith.index_cast %mul3A_90 : i32 to index
      %swap3A_279 = arith.constant 0 : index
      %swap3A_280 = vector.load %arg14[%swap3A_278, %swap3A_279] : memref<4096x256xf32, #tpu.memory_space<vmem>>, vector<512x256xf32>
      tpu.vector_store %arg14[%swap3A_278, %swap3A_279], %sub3A {strides = array<i32>} : memref<4096x256xf32, #tpu.memory_space<vmem>>, vector<512x256xf32>,
      %get3A_281 = arith.index_cast %mul3A_90 : i32 to index
      %get3A_282 = arith.constant 0 : index
      %get3A_283 = vector.load %arg2[%get3A_281, %get3A_282] : memref<4096x256xf32, #tpu.memory_space<vmem>>, vector<512x256xf32>
      %sub3A_284 = arith.subf %add3A_271, %get3A_283 : vector<512x256xf32>
      %get3A_285 = arith.constant 0 : index
      %get3A_286 = memref.load %arg22[%get3A_285] : memref<1xf32, #tpu.memory_space<smem>>
      %mul3A_287 = arith.mulf %sub3A_284, %sub3A_284 : vector<512x256xf32>
      %reduce_sum3A_288 = vector.shape_cast %mul3A_287 : vector<512x256xf32> to vector<1x512x256xf32>
      %reduce_sum3A_289 = arith.constant dense<0.000000e+00> : vector<1xf32>
      %reduce_sum3A_290 = vector.multi_reduction <add>, %reduce_sum3A_288, %reduce_sum3A_289 [1, 2] : vector<1x512x256xf32> to vector<1xf32>
      %reduce_sum3A_291 = vector.shape_cast %reduce_sum3A_290 : vector<1xf32> to vector<1x1x1xf32>
      %reduce_sum3A_292 = vector.extract %reduce_sum3A_291[0, 0, 0] : f32 from vector<1x1x1xf32>
      %add3A_293 = arith.addf %get3A_286, %reduce_sum3A_292 : f32
      %swap3A_294 = arith.constant 0 : index
      %swap3A_295 = memref.load %arg22[%swap3A_294] : memref<1xf32, #tpu.memory_space<smem>>
      memref.store %add3A_293, %arg22[%swap3A_294] : memref<1xf32, #tpu.memory_space<smem>>
    }
    %scan3A_29 = arith.constant 8 : i32
    %get3A = arith.constant 0 : index
    %get3A_30 = memref.load %arg22[%get3A] : memref<1xf32, #tpu.memory_space<smem>>
    %broadcast_in_dim3A_31 = vector.broadcast %get3A_30 : f32 to vector<1x1xf32>
    %swap3A_32 = arith.constant 0 : index
    %swap3A_33 = arith.constant 0 : index
    %swap3A_34 = vector.load %arg17[%swap3A_32, %swap3A_33] : memref<1x1xf32, #tpu.memory_space<vmem>>, vector<1x1xf32>
    tpu.vector_store %arg17[%swap3A_32, %swap3A_33], %broadcast_in_dim3A_31 {strides = array<i32>} : memref<1x1xf32, #tpu.memory_space<vmem>>, vector<1x1xf32>,
    %scan3A_35 = arith.constant 0 : i32
    %scan3A_36 = arith.constant 16 : i32
    %scan3A_37 = arith.addi %scan3A_35, %scan3A_36 : i32
    %scan3A_38 = arith.constant 1 : i32
    scf.for %scan3A_88 = %scan3A_35 to %scan3A_37 step %scan3A_38  : i32 {
      %mul3A_89 = arith.constant 256 : i32
      %mul3A_90 = arith.muli %scan3A_88, %mul3A_89 : i32
      %get3A_91 = arith.index_cast %mul3A_90 : i32 to index
      %get3A_92 = arith.constant 0 : index
      %get3A_93 = vector.load %arg14[%get3A_91, %get3A_92] : memref<4096x256xf32, #tpu.memory_space<vmem>>, vector<256x256xf32>
      %get3A_94 = arith.constant 0 : index
      %get3A_95 = arith.constant 0 : index
      %get3A_96 = vector.load %arg13[%get3A_94, %get3A_95] : memref<96x256xf32, #tpu.memory_space<vmem>>, vector<96x256xf32>
      %dot_general3A = arith.constant dense<0.000000e+00> : vector<96x256xf32>
      %dot_general3A_97 = tpu.matmul %get3A_96, %get3A_93, %dot_general3A {dimension_numbers = #tpu.dot_dimension_numbers<[1], [0], [0], [1], [0, 0, 1, 1], [], []>, transpose_lhs_hint = false} : vector<96x256xf32>, vector<256x256xf32>, vector<96x256xf32> -> vector<96x256xf32>
      %get3A_98 = arith.constant 0 : index
      %get3A_99 = arith.constant 0 : index
      %get3A_100 = vector.load %arg12[%get3A_98, %get3A_99] : memref<40x96xf32, #tpu.memory_space<vmem>>, vector<40x96xf32>
      %dot_general3A_101 = arith.constant dense<0.000000e+00> : vector<40x256xf32>
      %dot_general3A_102 = tpu.matmul %get3A_100, %dot_general3A_97, %dot_general3A_101 {dimension_numbers = #tpu.dot_dimension_numbers<[1], [0], [0], [1], [0, 0, 1, 1], [], []>, transpose_lhs_hint = false} : vector<40x96xf32>, vector<96x256xf32>, vector<40x256xf32> -> vector<40x256xf32>
      %mul3A_103 = arith.constant 40 : i32
      %mul3A_104 = arith.muli %scan3A_88, %mul3A_103 : i32
      %swap3A_105 = arith.index_cast %mul3A_104 : i32 to index
      %swap3A_106 = arith.constant 0 : index
      %swap3A_107 = vector.load %arg21[%swap3A_105, %swap3A_106] : memref<640x256xf32, #tpu.memory_space<vmem>>, vector<40x256xf32>
      tpu.vector_store %arg21[%swap3A_105, %swap3A_106], %dot_general3A_102 {strides = array<i32>} : memref<640x256xf32, #tpu.memory_space<vmem>>, vector<40x256xf32>,
    }
    %scan3A_39 = arith.constant 16 : i32
    %get3A_40 = arith.constant 0 : index
    %get3A_41 = arith.constant 0 : index
    %get3A_42 = vector.load %arg21[%get3A_40, %get3A_41] : memref<640x256xf32, #tpu.memory_space<vmem>>, vector<512x256xf32>
    %mul3A = arith.mulf %get3A_42, %get3A_42 : vector<512x256xf32>
    %reduce_sum3A = arith.constant dense<0.000000e+00> : vector<512xf32>
    %reduce_sum3A_43 = vector.multi_reduction <add>, %mul3A, %reduce_sum3A [1] : vector<512x256xf32> to vector<512xf32>
    %broadcast_in_dim3A_44 = vector.shape_cast %reduce_sum3A_43 : vector<512xf32> to vector<512x1xf32>
    %sqrt3A = math.sqrt %broadcast_in_dim3A_44 : vector<512x1xf32>
    %max3A = arith.constant 9.99999996E-13 : f32
    %max3A_45 = vector.broadcast %max3A : f32 to vector<512x1xf32>
    %max3A_46 = arith.maximumf %sqrt3A, %max3A_45 : vector<512x1xf32>
    %div3A = vector.broadcast %max3A_46 : vector<512x1xf32> to vector<512x256xf32>
    %div3A_47 = arith.divf %get3A_42, %div3A : vector<512x256xf32>
    %convert_element_type3A = arith.truncf %div3A_47 : vector<512x256xf32> to vector<512x256xbf16>
    %broadcast_in_dim3A_48 = arith.constant 0xFF800000 : f32
    %broadcast_in_dim3A_49 = vector.broadcast %broadcast_in_dim3A_48 : f32 to vector<512x1xf32>
    %broadcast_in_dim3A_50 = arith.constant 0 : i32
    %broadcast_in_dim3A_51 = vector.broadcast %broadcast_in_dim3A_50 : i32 to vector<512x1xi32>
    %scan3A_52 = arith.constant 0 : i32
    %scan3A_53 = arith.constant 8 : i32
    %scan3A_54 = arith.addi %scan3A_52, %scan3A_53 : i32
    %scan3A_55 = arith.constant 1 : i32
    %scan3A_56:2 = scf.for %scan3A_88 = %scan3A_52 to %scan3A_54 step %scan3A_55 iter_args(%scan3A_89 = %broadcast_in_dim3A_49, %scan3A_90 = %broadcast_in_dim3A_51) -> (vector<512x1xf32>, vector<512x1xi32>)  : i32 {
      %mul3A_91 = arith.constant 1024 : i32
      %mul3A_92 = arith.muli %scan3A_88, %mul3A_91 : i32
      %get3A_93 = arith.constant 0 : index
      %get3A_94 = arith.index_cast %mul3A_92 : i32 to index
      %get3A_95 = vector.load %arg4[%get3A_93, %get3A_94] : memref<256x8192xbf16, #tpu.memory_space<vmem>>, vector<256x1024xbf16>
      %dot_general3A = arith.constant dense<0.000000e+00> : vector<512x1024xf32>
      %dot_general3A_96 = tpu.matmul %convert_element_type3A, %get3A_95, %dot_general3A {dimension_numbers = #tpu.dot_dimension_numbers<[1], [0], [0], [1], [0, 0, 1, 1], [], []>, transpose_lhs_hint = false} : vector<512x256xbf16>, vector<256x1024xbf16>, vector<512x1024xf32> -> vector<512x1024xf32>
      %reduce_max3A = arith.constant dense<0xFF800000> : vector<512xf32>
      %reduce_max3A_97 = vector.multi_reduction <maximumf>, %dot_general3A_96, %reduce_max3A [1] : vector<512x1024xf32> to vector<512xf32>
      %broadcast_in_dim3A_98 = vector.shape_cast %reduce_max3A_97 : vector<512xf32> to vector<512x1xf32>
      %iota3A = tpu.iota {dimensions = array<i32: 1>} : vector<512x1024xi32>
      %eq3A = vector.broadcast %broadcast_in_dim3A_98 : vector<512x1xf32> to vector<512x1024xf32>
      %eq3A_99 = arith.cmpf oeq, %dot_general3A_96, %eq3A : vector<512x1024xf32>
      %jit3A = arith.constant 1073741824 : i32
      %broadcast_in_dim3A_100 = vector.broadcast %jit3A : i32 to vector<512x1024xi32>
      %select_n3A = arith.select %eq3A_99, %iota3A, %broadcast_in_dim3A_100 : vector<512x1024xi1>, vector<512x1024xi32>
      %reduce_min3A = arith.constant dense<2147483647> : vector<512xi32>
      %reduce_min3A_101 = vector.multi_reduction <minsi>, %select_n3A, %reduce_min3A [1] : vector<512x1024xi32> to vector<512xi32>
      %broadcast_in_dim3A_102 = vector.shape_cast %reduce_min3A_101 : vector<512xi32> to vector<512x1xi32>
      %gt3A = arith.cmpf ogt, %broadcast_in_dim3A_98, %scan3A_89 : vector<512x1xf32>
      %select_n3A_103 = arith.select %gt3A, %broadcast_in_dim3A_98, %scan3A_89 : vector<512x1xi1>, vector<512x1xf32>
      %mul3A_104 = arith.constant 1024 : i32
      %mul3A_105 = arith.muli %scan3A_88, %mul3A_104 : i32
      %add3A = vector.broadcast %mul3A_105 : i32 to vector<512x1xi32>
      %add3A_106 = arith.addi %broadcast_in_dim3A_102, %add3A : vector<512x1xi32>
      %select_n3A_107 = arith.select %gt3A, %add3A_106, %scan3A_90 : vector<512x1xi1>, vector<512x1xi32>
      scf.yield %select_n3A_103, %select_n3A_107 : vector<512x1xf32>, vector<512x1xi32>
    }
    %scan3A_57 = arith.constant 8 : i32
    %swap3A_58 = arith.constant 0 : index
    %swap3A_59 = arith.constant 0 : index
    %swap3A_60 = vector.load %arg16[%swap3A_58, %swap3A_59] : memref<640x1xi32, #tpu.memory_space<vmem>>, vector<512x1xi32>
    tpu.vector_store %arg16[%swap3A_58, %swap3A_59], %scan3A_56#1 {strides = array<i32>} : memref<640x1xi32, #tpu.memory_space<vmem>>, vector<512x1xi32>,
    %get3A_61 = arith.constant 512 : index
    %get3A_62 = arith.constant 0 : index
    %get3A_63 = vector.load %arg21[%get3A_61, %get3A_62] : memref<640x256xf32, #tpu.memory_space<vmem>>, vector<128x256xf32>
    %mul3A_64 = arith.mulf %get3A_63, %get3A_63 : vector<128x256xf32>
    %reduce_sum3A_65 = arith.constant dense<0.000000e+00> : vector<128xf32>
    %reduce_sum3A_66 = vector.multi_reduction <add>, %mul3A_64, %reduce_sum3A_65 [1] : vector<128x256xf32> to vector<128xf32>
    %broadcast_in_dim3A_67 = vector.shape_cast %reduce_sum3A_66 : vector<128xf32> to vector<128x1xf32>
    %sqrt3A_68 = math.sqrt %broadcast_in_dim3A_67 : vector<128x1xf32>
    %max3A_69 = arith.constant 9.99999996E-13 : f32
    %max3A_70 = vector.broadcast %max3A_69 : f32 to vector<128x1xf32>
    %max3A_71 = arith.maximumf %sqrt3A_68, %max3A_70 : vector<128x1xf32>
    %div3A_72 = vector.broadcast %max3A_71 : vector<128x1xf32> to vector<128x256xf32>
    %div3A_73 = arith.divf %get3A_63, %div3A_72 : vector<128x256xf32>
    %convert_element_type3A_74 = arith.truncf %div3A_73 : vector<128x256xf32> to vector<128x256xbf16>
    %broadcast_in_dim3A_75 = arith.constant 0xFF800000 : f32
    %broadcast_in_dim3A_76 = vector.broadcast %broadcast_in_dim3A_75 : f32 to vector<128x1xf32>
    %broadcast_in_dim3A_77 = arith.constant 0 : i32
    %broadcast_in_dim3A_78 = vector.broadcast %broadcast_in_dim3A_77 : i32 to vector<128x1xi32>
    %scan3A_79 = arith.constant 0 : i32
    %scan3A_80 = arith.constant 8 : i32
    %scan3A_81 = arith.addi %scan3A_79, %scan3A_80 : i32
    %scan3A_82 = arith.constant 1 : i32
    %scan3A_83:2 = scf.for %scan3A_88 = %scan3A_79 to %scan3A_81 step %scan3A_82 iter_args(%scan3A_89 = %broadcast_in_dim3A_76, %scan3A_90 = %broadcast_in_dim3A_78) -> (vector<128x1xf32>, vector<128x1xi32>)  : i32 {
      %mul3A_91 = arith.constant 1024 : i32
      %mul3A_92 = arith.muli %scan3A_88, %mul3A_91 : i32
      %get3A_93 = arith.constant 0 : index
      %get3A_94 = arith.index_cast %mul3A_92 : i32 to index
      %get3A_95 = vector.load %arg4[%get3A_93, %get3A_94] : memref<256x8192xbf16, #tpu.memory_space<vmem>>, vector<256x1024xbf16>
      %dot_general3A = arith.constant dense<0.000000e+00> : vector<128x1024xf32>
      %dot_general3A_96 = tpu.matmul %convert_element_type3A_74, %get3A_95, %dot_general3A {dimension_numbers = #tpu.dot_dimension_numbers<[1], [0], [0], [1], [0, 0, 1, 1], [], []>, transpose_lhs_hint = false} : vector<128x256xbf16>, vector<256x1024xbf16>, vector<128x1024xf32> -> vector<128x1024xf32>
      %reduce_max3A = arith.constant dense<0xFF800000> : vector<128xf32>
      %reduce_max3A_97 = vector.multi_reduction <maximumf>, %dot_general3A_96, %reduce_max3A [1] : vector<128x1024xf32> to vector<128xf32>
      %broadcast_in_dim3A_98 = vector.shape_cast %reduce_max3A_97 : vector<128xf32> to vector<128x1xf32>
      %iota3A = tpu.iota {dimensions = array<i32: 1>} : vector<128x1024xi32>
      %eq3A = vector.broadcast %broadcast_in_dim3A_98 : vector<128x1xf32> to vector<128x1024xf32>
      %eq3A_99 = arith.cmpf oeq, %dot_general3A_96, %eq3A : vector<128x1024xf32>
      %jit3A = arith.constant 1073741824 : i32
      %broadcast_in_dim3A_100 = vector.broadcast %jit3A : i32 to vector<128x1024xi32>
      %select_n3A = arith.select %eq3A_99, %iota3A, %broadcast_in_dim3A_100 : vector<128x1024xi1>, vector<128x1024xi32>
      %reduce_min3A = arith.constant dense<2147483647> : vector<128xi32>
      %reduce_min3A_101 = vector.multi_reduction <minsi>, %select_n3A, %reduce_min3A [1] : vector<128x1024xi32> to vector<128xi32>
      %broadcast_in_dim3A_102 = vector.shape_cast %reduce_min3A_101 : vector<128xi32> to vector<128x1xi32>
      %gt3A = arith.cmpf ogt, %broadcast_in_dim3A_98, %scan3A_89 : vector<128x1xf32>
      %select_n3A_103 = arith.select %gt3A, %broadcast_in_dim3A_98, %scan3A_89 : vector<128x1xi1>, vector<128x1xf32>
      %mul3A_104 = arith.constant 1024 : i32
      %mul3A_105 = arith.muli %scan3A_88, %mul3A_104 : i32
      %add3A = vector.broadcast %mul3A_105 : i32 to vector<128x1xi32>
      %add3A_106 = arith.addi %broadcast_in_dim3A_102, %add3A : vector<128x1xi32>
      %select_n3A_107 = arith.select %gt3A, %add3A_106, %scan3A_90 : vector<128x1xi1>, vector<128x1xi32>
      scf.yield %select_n3A_103, %select_n3A_107 : vector<128x1xf32>, vector<128x1xi32>
    }
    %scan3A_84 = arith.constant 8 : i32
    %swap3A_85 = arith.constant 512 : index
    %swap3A_86 = arith.constant 0 : index
    %swap3A_87 = vector.load %arg16[%swap3A_85, %swap3A_86] : memref<640x1xi32, #tpu.memory_space<vmem>>, vector<128x1xi32>
    tpu.vector_store %arg16[%swap3A_85, %swap3A_86], %scan3A_83#1 {strides = array<i32>} : memref<640x1xi32, #tpu.memory_space<vmem>>, vector<128x1xi32>,
    return
  }
}

module attributes {stable_mosaic.version = 14 : i64} {
  func.func @body(%arg0: memref<4096x256xf32, #tpu.memory_space<vmem>>, %arg1: memref<4096x256xf32, #tpu.memory_space<vmem>>, %arg2: memref<4096x256xf32, #tpu.memory_space<vmem>>, %arg3: memref<640x256xf32, #tpu.memory_space<vmem>>, %arg4: memref<256x8192xbf16, #tpu.memory_space<vmem>>, %arg5: memref<256x96xf32, #tpu.memory_space<vmem>>, %arg6: memref<256x96xf32, #tpu.memory_space<vmem>>, %arg7: memref<256x96xf32, #tpu.memory_space<vmem>>, %arg8: memref<96x40xf32, #tpu.memory_space<vmem>>, %arg9: memref<9x256x256xf32, #tpu.memory_space<vmem>>, %arg10: memref<1x256xf32, #tpu.memory_space<vmem>>, %arg11: memref<4096x9xf32, #tpu.memory_space<vmem>>, %arg12: memref<64x128xf32, #tpu.memory_space<vmem>>, %arg13: memref<128x256xf32, #tpu.memory_space<vmem>>, %arg14: memref<4096x256xf32, #tpu.memory_space<vmem>>, %arg15: memref<4096x256xf32, #tpu.memory_space<vmem>>, %arg16: memref<1024x1xi32, #tpu.memory_space<vmem>>, %arg17: memref<1x1xf32, #tpu.memory_space<vmem>>, %arg18: memref<4144x256xf32, #tpu.memory_space<vmem>>, %arg19: memref<4144x256xf32, #tpu.memory_space<vmem>>, %arg20: memref<4144x256xf32, #tpu.memory_space<vmem>>, %arg21: memref<1024x256xf32, #tpu.memory_space<vmem>>, %arg22: memref<1xf32, #tpu.memory_space<smem>>) attributes {dimension_semantics = [], scalar_prefetch = 0 : i64, scratch_operands = 5 : i64, tpu.core_type = #tpu.core_type<tc>} {
    %broadcast_in_dim3A = arith.constant 0.000000e+00 : f32
    %broadcast_in_dim3A_0 = vector.broadcast %broadcast_in_dim3A : f32 to vector<24x256xf32>
    %swap3A = arith.constant 0 : index
    %swap3A_1 = arith.constant 0 : index
    %swap3A_2 = vector.load %arg18[%swap3A, %swap3A_1] : memref<4144x256xf32, #tpu.memory_space<vmem>>, vector<24x256xf32>
    tpu.vector_store %arg18[%swap3A, %swap3A_1], %broadcast_in_dim3A_0 {strides = array<i32>} : memref<4144x256xf32, #tpu.memory_space<vmem>>, vector<24x256xf32>,
    %swap3A_3 = arith.constant 4120 : index
    %swap3A_4 = arith.constant 0 : index
    %swap3A_5 = vector.load %arg18[%swap3A_3, %swap3A_4] : memref<4144x256xf32, #tpu.memory_space<vmem>>, vector<24x256xf32>
    tpu.vector_store %arg18[%swap3A_3, %swap3A_4], %broadcast_in_dim3A_0 {strides = array<i32>} : memref<4144x256xf32, #tpu.memory_space<vmem>>, vector<24x256xf32>,
    %swap3A_6 = arith.constant 0 : index
    %swap3A_7 = arith.constant 0 : index
    %swap3A_8 = vector.load %arg19[%swap3A_6, %swap3A_7] : memref<4144x256xf32, #tpu.memory_space<vmem>>, vector<24x256xf32>
    tpu.vector_store %arg19[%swap3A_6, %swap3A_7], %broadcast_in_dim3A_0 {strides = array<i32>} : memref<4144x256xf32, #tpu.memory_space<vmem>>, vector<24x256xf32>,
    %swap3A_9 = arith.constant 4120 : index
    %swap3A_10 = arith.constant 0 : index
    %swap3A_11 = vector.load %arg19[%swap3A_9, %swap3A_10] : memref<4144x256xf32, #tpu.memory_space<vmem>>, vector<24x256xf32>
    tpu.vector_store %arg19[%swap3A_9, %swap3A_10], %broadcast_in_dim3A_0 {strides = array<i32>} : memref<4144x256xf32, #tpu.memory_space<vmem>>, vector<24x256xf32>,
    %swap3A_12 = arith.constant 0 : index
    %swap3A_13 = arith.constant 0 : index
    %swap3A_14 = vector.load %arg20[%swap3A_12, %swap3A_13] : memref<4144x256xf32, #tpu.memory_space<vmem>>, vector<24x256xf32>
    tpu.vector_store %arg20[%swap3A_12, %swap3A_13], %broadcast_in_dim3A_0 {strides = array<i32>} : memref<4144x256xf32, #tpu.memory_space<vmem>>, vector<24x256xf32>,
    %swap3A_15 = arith.constant 4120 : index
    %swap3A_16 = arith.constant 0 : index
    %swap3A_17 = vector.load %arg20[%swap3A_15, %swap3A_16] : memref<4144x256xf32, #tpu.memory_space<vmem>>, vector<24x256xf32>
    tpu.vector_store %arg20[%swap3A_15, %swap3A_16], %broadcast_in_dim3A_0 {strides = array<i32>} : memref<4144x256xf32, #tpu.memory_space<vmem>>, vector<24x256xf32>,
    %scan3A = arith.constant 0 : i32
    %scan3A_18 = arith.constant 16 : i32
    %scan3A_19 = arith.addi %scan3A, %scan3A_18 : i32
    %scan3A_20 = arith.constant 1 : i32
    scf.for %scan3A_88 = %scan3A to %scan3A_19 step %scan3A_20  : i32 {
      %mul3A_89 = arith.constant 40 : i32
      %mul3A_90 = arith.muli %scan3A_88, %mul3A_89 : i32
      %get3A_91 = arith.index_cast %mul3A_90 : i32 to index
      %get3A_92 = arith.constant 0 : index
      %get3A_93 = vector.load %arg3[%get3A_91, %get3A_92] : memref<640x256xf32, #tpu.memory_space<vmem>>, vector<40x256xf32>
      %get3A_94 = arith.constant 0 : index
      %get3A_95 = arith.constant 0 : index
      %get3A_96 = vector.load %arg8[%get3A_94, %get3A_95] : memref<96x40xf32, #tpu.memory_space<vmem>>, vector<96x40xf32>
      %dot_general3A = arith.constant dense<0.000000e+00> : vector<96x256xf32>
      %dot_general3A_97 = tpu.matmul %get3A_96, %get3A_93, %dot_general3A {dimension_numbers = #tpu.dot_dimension_numbers<[1], [0], [0], [1], [0, 0, 1, 1], [], []>, transpose_lhs_hint = false} : vector<96x40xf32>, vector<40x256xf32>, vector<96x256xf32> -> vector<96x256xf32>
      %mul3A_98 = arith.constant 256 : i32
      %mul3A_99 = arith.muli %scan3A_88, %mul3A_98 : i32
      %add3A = arith.constant 24 : i32
      %add3A_100 = arith.addi %add3A, %mul3A_99 : i32
      %get3A_101 = arith.constant 0 : index
      %get3A_102 = arith.constant 0 : index
      %get3A_103 = vector.load %arg5[%get3A_101, %get3A_102] : memref<256x96xf32, #tpu.memory_space<vmem>>, vector<256x96xf32>
      %dot_general3A_104 = arith.constant dense<0.000000e+00> : vector<256x256xf32>
      %dot_general3A_105 = tpu.matmul %get3A_103, %dot_general3A_97, %dot_general3A_104 {dimension_numbers = #tpu.dot_dimension_numbers<[1], [0], [0], [1], [0, 0, 1, 1], [], []>, transpose_lhs_hint = false} : vector<256x96xf32>, vector<96x256xf32>, vector<256x256xf32> -> vector<256x256xf32>
      %swap3A_106 = arith.index_cast %add3A_100 : i32 to index
      %swap3A_107 = arith.constant 0 : index
      %swap3A_108 = vector.load %arg18[%swap3A_106, %swap3A_107] : memref<4144x256xf32, #tpu.memory_space<vmem>>, vector<256x256xf32>
      tpu.vector_store %arg18[%swap3A_106, %swap3A_107], %dot_general3A_105 {strides = array<i32>} : memref<4144x256xf32, #tpu.memory_space<vmem>>, vector<256x256xf32>,
      %get3A_109 = arith.constant 0 : index
      %get3A_110 = arith.constant 0 : index
      %get3A_111 = vector.load %arg6[%get3A_109, %get3A_110] : memref<256x96xf32, #tpu.memory_space<vmem>>, vector<256x96xf32>
      %dot_general3A_112 = arith.constant dense<0.000000e+00> : vector<256x256xf32>
      %dot_general3A_113 = tpu.matmul %get3A_111, %dot_general3A_97, %dot_general3A_112 {dimension_numbers = #tpu.dot_dimension_numbers<[1], [0], [0], [1], [0, 0, 1, 1], [], []>, transpose_lhs_hint = false} : vector<256x96xf32>, vector<96x256xf32>, vector<256x256xf32> -> vector<256x256xf32>
      %swap3A_114 = arith.index_cast %add3A_100 : i32 to index
      %swap3A_115 = arith.constant 0 : index
      %swap3A_116 = vector.load %arg19[%swap3A_114, %swap3A_115] : memref<4144x256xf32, #tpu.memory_space<vmem>>, vector<256x256xf32>
      tpu.vector_store %arg19[%swap3A_114, %swap3A_115], %dot_general3A_113 {strides = array<i32>} : memref<4144x256xf32, #tpu.memory_space<vmem>>, vector<256x256xf32>,
      %get3A_117 = arith.constant 0 : index
      %get3A_118 = arith.constant 0 : index
      %get3A_119 = vector.load %arg7[%get3A_117, %get3A_118] : memref<256x96xf32, #tpu.memory_space<vmem>>, vector<256x96xf32>
      %dot_general3A_120 = arith.constant dense<0.000000e+00> : vector<256x256xf32>
      %dot_general3A_121 = tpu.matmul %get3A_119, %dot_general3A_97, %dot_general3A_120 {dimension_numbers = #tpu.dot_dimension_numbers<[1], [0], [0], [1], [0, 0, 1, 1], [], []>, transpose_lhs_hint = false} : vector<256x96xf32>, vector<96x256xf32>, vector<256x256xf32> -> vector<256x256xf32>
      %swap3A_122 = arith.index_cast %add3A_100 : i32 to index
      %swap3A_123 = arith.constant 0 : index
      %swap3A_124 = vector.load %arg20[%swap3A_122, %swap3A_123] : memref<4144x256xf32, #tpu.memory_space<vmem>>, vector<256x256xf32>
      tpu.vector_store %arg20[%swap3A_122, %swap3A_123], %dot_general3A_121 {strides = array<i32>} : memref<4144x256xf32, #tpu.memory_space<vmem>>, vector<256x256xf32>,
    }
    %scan3A_21 = arith.constant 16 : i32
    %swap3A_22 = arith.constant 0.000000e+00 : f32
    %swap3A_23 = arith.constant 0 : index
    %swap3A_24 = memref.load %arg22[%swap3A_23] : memref<1xf32, #tpu.memory_space<smem>>
    memref.store %swap3A_22, %arg22[%swap3A_23] : memref<1xf32, #tpu.memory_space<smem>>
    %scan3A_25 = arith.constant 0 : i32
    %scan3A_26 = arith.constant 8 : i32
    %scan3A_27 = arith.addi %scan3A_25, %scan3A_26 : i32
    %scan3A_28 = arith.constant 1 : i32
    scf.for %scan3A_88 = %scan3A_25 to %scan3A_27 step %scan3A_28  : i32 {
      %mul3A_89 = arith.constant 512 : i32
      %mul3A_90 = arith.muli %scan3A_88, %mul3A_89 : i32
      %add3A = arith.constant 8 : i32
      %add3A_91 = arith.addi %mul3A_90, %add3A : i32
      %get3A_92 = arith.index_cast %add3A_91 : i32 to index
      %get3A_93 = arith.constant 0 : index
      %get3A_94 = vector.load %arg20[%get3A_92, %get3A_93] : memref<4144x256xf32, #tpu.memory_space<vmem>>, vector<512x256xf32>
      %get3A_95 = arith.index_cast %mul3A_90 : i32 to index
      %get3A_96 = arith.constant 0 : index
      %get3A_97 = vector.load %arg11[%get3A_95, %get3A_96] : memref<4096x9xf32, #tpu.memory_space<vmem>>, vector<512x1xf32>
      %mul3A_98 = vector.broadcast %get3A_97 : vector<512x1xf32> to vector<512x256xf32>
      %mul3A_99 = arith.mulf %get3A_94, %mul3A_98 : vector<512x256xf32>
      %get3A_100 = arith.constant 0 : index
      %get3A_101 = arith.constant 0 : index
      %get3A_102 = arith.constant 0 : index
      %get3A_103 = vector.load %arg9[%get3A_100, %get3A_101, %get3A_102] : memref<9x256x256xf32, #tpu.memory_space<vmem>>, vector<1x256x256xf32>
      %get3A_104 = vector.shape_cast %get3A_103 : vector<1x256x256xf32> to vector<256x256xf32>
      %dot_general3A = arith.constant dense<0.000000e+00> : vector<512x256xf32>
      %dot_general3A_105 = tpu.matmul %mul3A_99, %get3A_104, %dot_general3A {dimension_numbers = #tpu.dot_dimension_numbers<[1], [0], [0], [1], [0, 0, 1, 1], [], []>, transpose_lhs_hint = false} : vector<512x256xf32>, vector<256x256xf32>, vector<512x256xf32> -> vector<512x256xf32>
      %add3A_106 = arith.constant 8 : i32
      %add3A_107 = arith.addi %mul3A_90, %add3A_106 : i32
      %get3A_108 = arith.index_cast %add3A_107 : i32 to index
      %get3A_109 = arith.constant 0 : index
      %get3A_110 = vector.load %arg18[%get3A_108, %get3A_109] : memref<4144x256xf32, #tpu.memory_space<vmem>>, vector<512x256xf32>
      %get3A_111 = arith.index_cast %mul3A_90 : i32 to index
      %get3A_112 = arith.constant 1 : index
      %get3A_113 = vector.load %arg11[%get3A_111, %get3A_112] : memref<4096x9xf32, #tpu.memory_space<vmem>>, vector<512x1xf32>
      %mul3A_114 = vector.broadcast %get3A_113 : vector<512x1xf32> to vector<512x256xf32>
      %mul3A_115 = arith.mulf %get3A_110, %mul3A_114 : vector<512x256xf32>
      %get3A_116 = arith.constant 1 : index
      %get3A_117 = arith.constant 0 : index
      %get3A_118 = arith.constant 0 : index
      %get3A_119 = vector.load %arg9[%get3A_116, %get3A_117, %get3A_118] : memref<9x256x256xf32, #tpu.memory_space<vmem>>, vector<1x256x256xf32>
      %get3A_120 = vector.shape_cast %get3A_119 : vector<1x256x256xf32> to vector<256x256xf32>
      %dot_general3A_121 = arith.constant dense<0.000000e+00> : vector<512x256xf32>
      %dot_general3A_122 = tpu.matmul %mul3A_115, %get3A_120, %dot_general3A_121 {dimension_numbers = #tpu.dot_dimension_numbers<[1], [0], [0], [1], [0, 0, 1, 1], [], []>, transpose_lhs_hint = false} : vector<512x256xf32>, vector<256x256xf32>, vector<512x256xf32> -> vector<512x256xf32>
      %add3A_123 = arith.addf %dot_general3A_105, %dot_general3A_122 : vector<512x256xf32>
      %add3A_124 = arith.constant 8 : i32
      %add3A_125 = arith.addi %mul3A_90, %add3A_124 : i32
      %get3A_126 = arith.index_cast %add3A_125 : i32 to index
      %get3A_127 = arith.constant 0 : index
      %get3A_128 = vector.load %arg19[%get3A_126, %get3A_127] : memref<4144x256xf32, #tpu.memory_space<vmem>>, vector<512x256xf32>
      %get3A_129 = arith.index_cast %mul3A_90 : i32 to index
      %get3A_130 = arith.constant 2 : index
      %get3A_131 = vector.load %arg11[%get3A_129, %get3A_130] : memref<4096x9xf32, #tpu.memory_space<vmem>>, vector<512x1xf32>
      %mul3A_132 = vector.broadcast %get3A_131 : vector<512x1xf32> to vector<512x256xf32>
      %mul3A_133 = arith.mulf %get3A_128, %mul3A_132 : vector<512x256xf32>
      %get3A_134 = arith.constant 2 : index
      %get3A_135 = arith.constant 0 : index
      %get3A_136 = arith.constant 0 : index
      %get3A_137 = vector.load %arg9[%get3A_134, %get3A_135, %get3A_136] : memref<9x256x256xf32, #tpu.memory_space<vmem>>, vector<1x256x256xf32>
      %get3A_138 = vector.shape_cast %get3A_137 : vector<1x256x256xf32> to vector<256x256xf32>
      %dot_general3A_139 = arith.constant dense<0.000000e+00> : vector<512x256xf32>
      %dot_general3A_140 = tpu.matmul %mul3A_133, %get3A_138, %dot_general3A_139 {dimension_numbers = #tpu.dot_dimension_numbers<[1], [0], [0], [1], [0, 0, 1, 1], [], []>, transpose_lhs_hint = false} : vector<512x256xf32>, vector<256x256xf32>, vector<512x256xf32> -> vector<512x256xf32>
      %add3A_141 = arith.addf %add3A_123, %dot_general3A_140 : vector<512x256xf32>
      %add3A_142 = arith.constant 24 : i32
      %add3A_143 = arith.addi %mul3A_90, %add3A_142 : i32
      %get3A_144 = arith.index_cast %add3A_143 : i32 to index
      %get3A_145 = arith.constant 0 : index
      %get3A_146 = vector.load %arg20[%get3A_144, %get3A_145] : memref<4144x256xf32, #tpu.memory_space<vmem>>, vector<512x256xf32>
      %get3A_147 = arith.index_cast %mul3A_90 : i32 to index
      %get3A_148 = arith.constant 3 : index
      %get3A_149 = vector.load %arg11[%get3A_147, %get3A_148] : memref<4096x9xf32, #tpu.memory_space<vmem>>, vector<512x1xf32>
      %mul3A_150 = vector.broadcast %get3A_149 : vector<512x1xf32> to vector<512x256xf32>
      %mul3A_151 = arith.mulf %get3A_146, %mul3A_150 : vector<512x256xf32>
      %get3A_152 = arith.constant 3 : index
      %get3A_153 = arith.constant 0 : index
      %get3A_154 = arith.constant 0 : index
      %get3A_155 = vector.load %arg9[%get3A_152, %get3A_153, %get3A_154] : memref<9x256x256xf32, #tpu.memory_space<vmem>>, vector<1x256x256xf32>
      %get3A_156 = vector.shape_cast %get3A_155 : vector<1x256x256xf32> to vector<256x256xf32>
      %dot_general3A_157 = arith.constant dense<0.000000e+00> : vector<512x256xf32>
      %dot_general3A_158 = tpu.matmul %mul3A_151, %get3A_156, %dot_general3A_157 {dimension_numbers = #tpu.dot_dimension_numbers<[1], [0], [0], [1], [0, 0, 1, 1], [], []>, transpose_lhs_hint = false} : vector<512x256xf32>, vector<256x256xf32>, vector<512x256xf32> -> vector<512x256xf32>
      %add3A_159 = arith.addf %add3A_141, %dot_general3A_158 : vector<512x256xf32>
      %add3A_160 = arith.constant 24 : i32
      %add3A_161 = arith.addi %mul3A_90, %add3A_160 : i32
      %get3A_162 = arith.index_cast %add3A_161 : i32 to index
      %get3A_163 = arith.constant 0 : index
      %get3A_164 = vector.load %arg18[%get3A_162, %get3A_163] : memref<4144x256xf32, #tpu.memory_space<vmem>>, vector<512x256xf32>
      %get3A_165 = arith.index_cast %mul3A_90 : i32 to index
      %get3A_166 = arith.constant 4 : index
      %get3A_167 = vector.load %arg11[%get3A_165, %get3A_166] : memref<4096x9xf32, #tpu.memory_space<vmem>>, vector<512x1xf32>
      %mul3A_168 = vector.broadcast %get3A_167 : vector<512x1xf32> to vector<512x256xf32>
      %mul3A_169 = arith.mulf %get3A_164, %mul3A_168 : vector<512x256xf32>
      %get3A_170 = arith.constant 4 : index
      %get3A_171 = arith.constant 0 : index
      %get3A_172 = arith.constant 0 : index
      %get3A_173 = vector.load %arg9[%get3A_170, %get3A_171, %get3A_172] : memref<9x256x256xf32, #tpu.memory_space<vmem>>, vector<1x256x256xf32>
      %get3A_174 = vector.shape_cast %get3A_173 : vector<1x256x256xf32> to vector<256x256xf32>
      %dot_general3A_175 = arith.constant dense<0.000000e+00> : vector<512x256xf32>
      %dot_general3A_176 = tpu.matmul %mul3A_169, %get3A_174, %dot_general3A_175 {dimension_numbers = #tpu.dot_dimension_numbers<[1], [0], [0], [1], [0, 0, 1, 1], [], []>, transpose_lhs_hint = false} : vector<512x256xf32>, vector<256x256xf32>, vector<512x256xf32> -> vector<512x256xf32>
      %add3A_177 = arith.addf %add3A_159, %dot_general3A_176 : vector<512x256xf32>
      %add3A_178 = arith.constant 24 : i32
      %add3A_179 = arith.addi %mul3A_90, %add3A_178 : i32
      %get3A_180 = arith.index_cast %add3A_179 : i32 to index
      %get3A_181 = arith.constant 0 : index
      %get3A_182 = vector.load %arg19[%get3A_180, %get3A_181] : memref<4144x256xf32, #tpu.memory_space<vmem>>, vector<512x256xf32>
      %get3A_183 = arith.index_cast %mul3A_90 : i32 to index
      %get3A_184 = arith.constant 5 : index
      %get3A_185 = vector.load %arg11[%get3A_183, %get3A_184] : memref<4096x9xf32, #tpu.memory_space<vmem>>, vector<512x1xf32>
      %mul3A_186 = vector.broadcast %get3A_185 : vector<512x1xf32> to vector<512x256xf32>
      %mul3A_187 = arith.mulf %get3A_182, %mul3A_186 : vector<512x256xf32>
      %get3A_188 = arith.constant 5 : index
      %get3A_189 = arith.constant 0 : index
      %get3A_190 = arith.constant 0 : index
      %get3A_191 = vector.load %arg9[%get3A_188, %get3A_189, %get3A_190] : memref<9x256x256xf32, #tpu.memory_space<vmem>>, vector<1x256x256xf32>
      %get3A_192 = vector.shape_cast %get3A_191 : vector<1x256x256xf32> to vector<256x256xf32>
      %dot_general3A_193 = arith.constant dense<0.000000e+00> : vector<512x256xf32>
      %dot_general3A_194 = tpu.matmul %mul3A_187, %get3A_192, %dot_general3A_193 {dimension_numbers = #tpu.dot_dimension_numbers<[1], [0], [0], [1], [0, 0, 1, 1], [], []>, transpose_lhs_hint = false} : vector<512x256xf32>, vector<256x256xf32>, vector<512x256xf32> -> vector<512x256xf32>
      %add3A_195 = arith.addf %add3A_177, %dot_general3A_194 : vector<512x256xf32>
      %add3A_196 = arith.constant 40 : i32
      %add3A_197 = arith.addi %mul3A_90, %add3A_196 : i32
      %get3A_198 = arith.index_cast %add3A_197 : i32 to index
      %get3A_199 = arith.constant 0 : index
      %get3A_200 = vector.load %arg20[%get3A_198, %get3A_199] : memref<4144x256xf32, #tpu.memory_space<vmem>>, vector<512x256xf32>
      %get3A_201 = arith.index_cast %mul3A_90 : i32 to index
      %get3A_202 = arith.constant 6 : index
      %get3A_203 = vector.load %arg11[%get3A_201, %get3A_202] : memref<4096x9xf32, #tpu.memory_space<vmem>>, vector<512x1xf32>
      %mul3A_204 = vector.broadcast %get3A_203 : vector<512x1xf32> to vector<512x256xf32>
      %mul3A_205 = arith.mulf %get3A_200, %mul3A_204 : vector<512x256xf32>
      %get3A_206 = arith.constant 6 : index
      %get3A_207 = arith.constant 0 : index
      %get3A_208 = arith.constant 0 : index
      %get3A_209 = vector.load %arg9[%get3A_206, %get3A_207, %get3A_208] : memref<9x256x256xf32, #tpu.memory_space<vmem>>, vector<1x256x256xf32>
      %get3A_210 = vector.shape_cast %get3A_209 : vector<1x256x256xf32> to vector<256x256xf32>
      %dot_general3A_211 = arith.constant dense<0.000000e+00> : vector<512x256xf32>
      %dot_general3A_212 = tpu.matmul %mul3A_205, %get3A_210, %dot_general3A_211 {dimension_numbers = #tpu.dot_dimension_numbers<[1], [0], [0], [1], [0, 0, 1, 1], [], []>, transpose_lhs_hint = false} : vector<512x256xf32>, vector<256x256xf32>, vector<512x256xf32> -> vector<512x256xf32>
      %add3A_213 = arith.addf %add3A_195, %dot_general3A_212 : vector<512x256xf32>
      %add3A_214 = arith.constant 40 : i32
      %add3A_215 = arith.addi %mul3A_90, %add3A_214 : i32
      %get3A_216 = arith.index_cast %add3A_215 : i32 to index
      %get3A_217 = arith.constant 0 : index
      %get3A_218 = vector.load %arg18[%get3A_216, %get3A_217] : memref<4144x256xf32, #tpu.memory_space<vmem>>, vector<512x256xf32>
      %get3A_219 = arith.index_cast %mul3A_90 : i32 to index
      %get3A_220 = arith.constant 7 : index
      %get3A_221 = vector.load %arg11[%get3A_219, %get3A_220] : memref<4096x9xf32, #tpu.memory_space<vmem>>, vector<512x1xf32>
      %mul3A_222 = vector.broadcast %get3A_221 : vector<512x1xf32> to vector<512x256xf32>
      %mul3A_223 = arith.mulf %get3A_218, %mul3A_222 : vector<512x256xf32>
      %get3A_224 = arith.constant 7 : index
      %get3A_225 = arith.constant 0 : index
      %get3A_226 = arith.constant 0 : index
      %get3A_227 = vector.load %arg9[%get3A_224, %get3A_225, %get3A_226] : memref<9x256x256xf32, #tpu.memory_space<vmem>>, vector<1x256x256xf32>
      %get3A_228 = vector.shape_cast %get3A_227 : vector<1x256x256xf32> to vector<256x256xf32>
      %dot_general3A_229 = arith.constant dense<0.000000e+00> : vector<512x256xf32>
      %dot_general3A_230 = tpu.matmul %mul3A_223, %get3A_228, %dot_general3A_229 {dimension_numbers = #tpu.dot_dimension_numbers<[1], [0], [0], [1], [0, 0, 1, 1], [], []>, transpose_lhs_hint = false} : vector<512x256xf32>, vector<256x256xf32>, vector<512x256xf32> -> vector<512x256xf32>
      %add3A_231 = arith.addf %add3A_213, %dot_general3A_230 : vector<512x256xf32>
      %add3A_232 = arith.constant 40 : i32
      %add3A_233 = arith.addi %mul3A_90, %add3A_232 : i32
      %get3A_234 = arith.index_cast %add3A_233 : i32 to index
      %get3A_235 = arith.constant 0 : index
      %get3A_236 = vector.load %arg19[%get3A_234, %get3A_235] : memref<4144x256xf32, #tpu.memory_space<vmem>>, vector<512x256xf32>
      %get3A_237 = arith.index_cast %mul3A_90 : i32 to index
      %get3A_238 = arith.constant 8 : index
      %get3A_239 = vector.load %arg11[%get3A_237, %get3A_238] : memref<4096x9xf32, #tpu.memory_space<vmem>>, vector<512x1xf32>
      %mul3A_240 = vector.broadcast %get3A_239 : vector<512x1xf32> to vector<512x256xf32>
      %mul3A_241 = arith.mulf %get3A_236, %mul3A_240 : vector<512x256xf32>
      %get3A_242 = arith.constant 8 : index
      %get3A_243 = arith.constant 0 : index
      %get3A_244 = arith.constant 0 : index
      %get3A_245 = vector.load %arg9[%get3A_242, %get3A_243, %get3A_244] : memref<9x256x256xf32, #tpu.memory_space<vmem>>, vector<1x256x256xf32>
      %get3A_246 = vector.shape_cast %get3A_245 : vector<1x256x256xf32> to vector<256x256xf32>
      %dot_general3A_247 = arith.constant dense<0.000000e+00> : vector<512x256xf32>
      %dot_general3A_248 = tpu.matmul %mul3A_241, %get3A_246, %dot_general3A_247 {dimension_numbers = #tpu.dot_dimension_numbers<[1], [0], [0], [1], [0, 0, 1, 1], [], []>, transpose_lhs_hint = false} : vector<512x256xf32>, vector<256x256xf32>, vector<512x256xf32> -> vector<512x256xf32>
      %add3A_249 = arith.addf %add3A_231, %dot_general3A_248 : vector<512x256xf32>
      %get3A_250 = arith.constant 0 : index
      %get3A_251 = arith.constant 0 : index
      %get3A_252 = vector.load %arg10[%get3A_250, %get3A_251] : memref<1x256xf32, #tpu.memory_space<vmem>>, vector<1x256xf32>
      %broadcast_in_dim3A_253 = vector.shape_cast %get3A_252 : vector<1x256xf32> to vector<1x256xf32>
      %broadcast_in_dim3A_254 = vector.broadcast %broadcast_in_dim3A_253 : vector<1x256xf32> to vector<512x256xf32>
      %add3A_255 = arith.addf %add3A_249, %broadcast_in_dim3A_254 : vector<512x256xf32>
      %add3A_256 = arith.constant 24 : i32
      %add3A_257 = arith.addi %mul3A_90, %add3A_256 : i32
      %get3A_258 = arith.index_cast %add3A_257 : i32 to index
      %get3A_259 = arith.constant 0 : index
      %get3A_260 = vector.load %arg18[%get3A_258, %get3A_259] : memref<4144x256xf32, #tpu.memory_space<vmem>>, vector<512x256xf32>
      %mul3A_261 = arith.constant 5.000000e-01 : f32
      %mul3A_262 = vector.broadcast %mul3A_261 : f32 to vector<512x256xf32>
      %mul3A_263 = arith.mulf %get3A_260, %mul3A_262 : vector<512x256xf32>
      %mul3A_264 = arith.constant 5.000000e-01 : f32
      %mul3A_265 = vector.broadcast %mul3A_264 : f32 to vector<512x256xf32>
      %mul3A_266 = arith.mulf %add3A_255, %mul3A_265 : vector<512x256xf32>
      %add3A_267 = arith.addf %mul3A_263, %mul3A_266 : vector<512x256xf32>
      %get3A_268 = arith.index_cast %mul3A_90 : i32 to index
      %get3A_269 = arith.constant 0 : index
      %get3A_270 = vector.load %arg1[%get3A_268, %get3A_269] : memref<4096x256xf32, #tpu.memory_space<vmem>>, vector<512x256xf32>
      %add3A_271 = arith.addf %get3A_270, %add3A_267 : vector<512x256xf32>
      %swap3A_272 = arith.index_cast %mul3A_90 : i32 to index
      %swap3A_273 = arith.constant 0 : index
      %swap3A_274 = vector.load %arg15[%swap3A_272, %swap3A_273] : memref<4096x256xf32, #tpu.memory_space<vmem>>, vector<512x256xf32>
      tpu.vector_store %arg15[%swap3A_272, %swap3A_273], %add3A_271 {strides = array<i32>} : memref<4096x256xf32, #tpu.memory_space<vmem>>, vector<512x256xf32>,
      %get3A_275 = arith.index_cast %mul3A_90 : i32 to index
      %get3A_276 = arith.constant 0 : index
      %get3A_277 = vector.load %arg0[%get3A_275, %get3A_276] : memref<4096x256xf32, #tpu.memory_space<vmem>>, vector<512x256xf32>
      %sub3A = arith.subf %get3A_277, %add3A_267 : vector<512x256xf32>
      %swap3A_278 = arith.index_cast %mul3A_90 : i32 to index
      %swap3A_279 = arith.constant 0 : index
      %swap3A_280 = vector.load %arg14[%swap3A_278, %swap3A_279] : memref<4096x256xf32, #tpu.memory_space<vmem>>, vector<512x256xf32>
      tpu.vector_store %arg14[%swap3A_278, %swap3A_279], %sub3A {strides = array<i32>} : memref<4096x256xf32, #tpu.memory_space<vmem>>, vector<512x256xf32>,
      %get3A_281 = arith.index_cast %mul3A_90 : i32 to index
      %get3A_282 = arith.constant 0 : index
      %get3A_283 = vector.load %arg2[%get3A_281, %get3A_282] : memref<4096x256xf32, #tpu.memory_space<vmem>>, vector<512x256xf32>
      %sub3A_284 = arith.subf %add3A_271, %get3A_283 : vector<512x256xf32>
      %get3A_285 = arith.constant 0 : index
      %get3A_286 = memref.load %arg22[%get3A_285] : memref<1xf32, #tpu.memory_space<smem>>
      %mul3A_287 = arith.mulf %sub3A_284, %sub3A_284 : vector<512x256xf32>
      %reduce_sum3A_288 = vector.shape_cast %mul3A_287 : vector<512x256xf32> to vector<1x512x256xf32>
      %reduce_sum3A_289 = arith.constant dense<0.000000e+00> : vector<1xf32>
      %reduce_sum3A_290 = vector.multi_reduction <add>, %reduce_sum3A_288, %reduce_sum3A_289 [1, 2] : vector<1x512x256xf32> to vector<1xf32>
      %reduce_sum3A_291 = vector.shape_cast %reduce_sum3A_290 : vector<1xf32> to vector<1x1x1xf32>
      %reduce_sum3A_292 = vector.extract %reduce_sum3A_291[0, 0, 0] : f32 from vector<1x1x1xf32>
      %add3A_293 = arith.addf %get3A_286, %reduce_sum3A_292 : f32
      %swap3A_294 = arith.constant 0 : index
      %swap3A_295 = memref.load %arg22[%swap3A_294] : memref<1xf32, #tpu.memory_space<smem>>
      memref.store %add3A_293, %arg22[%swap3A_294] : memref<1xf32, #tpu.memory_space<smem>>
    }
    %scan3A_29 = arith.constant 8 : i32
    %get3A = arith.constant 0 : index
    %get3A_30 = memref.load %arg22[%get3A] : memref<1xf32, #tpu.memory_space<smem>>
    %broadcast_in_dim3A_31 = vector.broadcast %get3A_30 : f32 to vector<1x1xf32>
    %swap3A_32 = arith.constant 0 : index
    %swap3A_33 = arith.constant 0 : index
    %swap3A_34 = vector.load %arg17[%swap3A_32, %swap3A_33] : memref<1x1xf32, #tpu.memory_space<vmem>>, vector<1x1xf32>
    tpu.vector_store %arg17[%swap3A_32, %swap3A_33], %broadcast_in_dim3A_31 {strides = array<i32>} : memref<1x1xf32, #tpu.memory_space<vmem>>, vector<1x1xf32>,
    %scan3A_35 = arith.constant 0 : i32
    %scan3A_36 = arith.constant 16 : i32
    %scan3A_37 = arith.addi %scan3A_35, %scan3A_36 : i32
    %scan3A_38 = arith.constant 1 : i32
    scf.for %scan3A_88 = %scan3A_35 to %scan3A_37 step %scan3A_38  : i32 {
      %mul3A_89 = arith.constant 256 : i32
      %mul3A_90 = arith.muli %scan3A_88, %mul3A_89 : i32
      %get3A_91 = arith.index_cast %mul3A_90 : i32 to index
      %get3A_92 = arith.constant 0 : index
      %get3A_93 = vector.load %arg14[%get3A_91, %get3A_92] : memref<4096x256xf32, #tpu.memory_space<vmem>>, vector<256x256xf32>
      %get3A_94 = arith.constant 0 : index
      %get3A_95 = arith.constant 0 : index
      %get3A_96 = vector.load %arg13[%get3A_94, %get3A_95] : memref<128x256xf32, #tpu.memory_space<vmem>>, vector<128x256xf32>
      %dot_general3A = arith.constant dense<0.000000e+00> : vector<128x256xf32>
      %dot_general3A_97 = tpu.matmul %get3A_96, %get3A_93, %dot_general3A {dimension_numbers = #tpu.dot_dimension_numbers<[1], [0], [0], [1], [0, 0, 1, 1], [], []>, transpose_lhs_hint = false} : vector<128x256xf32>, vector<256x256xf32>, vector<128x256xf32> -> vector<128x256xf32>
      %get3A_98 = arith.constant 0 : index
      %get3A_99 = arith.constant 0 : index
      %get3A_100 = vector.load %arg12[%get3A_98, %get3A_99] : memref<64x128xf32, #tpu.memory_space<vmem>>, vector<64x128xf32>
      %dot_general3A_101 = arith.constant dense<0.000000e+00> : vector<64x256xf32>
      %dot_general3A_102 = tpu.matmul %get3A_100, %dot_general3A_97, %dot_general3A_101 {dimension_numbers = #tpu.dot_dimension_numbers<[1], [0], [0], [1], [0, 0, 1, 1], [], []>, transpose_lhs_hint = false} : vector<64x128xf32>, vector<128x256xf32>, vector<64x256xf32> -> vector<64x256xf32>
      %mul3A_103 = arith.constant 64 : i32
      %mul3A_104 = arith.muli %scan3A_88, %mul3A_103 : i32
      %swap3A_105 = arith.index_cast %mul3A_104 : i32 to index
      %swap3A_106 = arith.constant 0 : index
      %swap3A_107 = vector.load %arg21[%swap3A_105, %swap3A_106] : memref<1024x256xf32, #tpu.memory_space<vmem>>, vector<64x256xf32>
      tpu.vector_store %arg21[%swap3A_105, %swap3A_106], %dot_general3A_102 {strides = array<i32>} : memref<1024x256xf32, #tpu.memory_space<vmem>>, vector<64x256xf32>,
    }
    %scan3A_39 = arith.constant 16 : i32
    %get3A_40 = arith.constant 0 : index
    %get3A_41 = arith.constant 0 : index
    %get3A_42 = vector.load %arg21[%get3A_40, %get3A_41] : memref<1024x256xf32, #tpu.memory_space<vmem>>, vector<512x256xf32>
    %mul3A = arith.mulf %get3A_42, %get3A_42 : vector<512x256xf32>
    %reduce_sum3A = arith.constant dense<0.000000e+00> : vector<512xf32>
    %reduce_sum3A_43 = vector.multi_reduction <add>, %mul3A, %reduce_sum3A [1] : vector<512x256xf32> to vector<512xf32>
    %broadcast_in_dim3A_44 = vector.shape_cast %reduce_sum3A_43 : vector<512xf32> to vector<512x1xf32>
    %sqrt3A = math.sqrt %broadcast_in_dim3A_44 : vector<512x1xf32>
    %max3A = arith.constant 9.99999996E-13 : f32
    %max3A_45 = vector.broadcast %max3A : f32 to vector<512x1xf32>
    %max3A_46 = arith.maximumf %sqrt3A, %max3A_45 : vector<512x1xf32>
    %div3A = vector.broadcast %max3A_46 : vector<512x1xf32> to vector<512x256xf32>
    %div3A_47 = arith.divf %get3A_42, %div3A : vector<512x256xf32>
    %convert_element_type3A = arith.truncf %div3A_47 : vector<512x256xf32> to vector<512x256xbf16>
    %broadcast_in_dim3A_48 = arith.constant 0xFF800000 : f32
    %broadcast_in_dim3A_49 = vector.broadcast %broadcast_in_dim3A_48 : f32 to vector<512x1xf32>
    %broadcast_in_dim3A_50 = arith.constant 0 : i32
    %broadcast_in_dim3A_51 = vector.broadcast %broadcast_in_dim3A_50 : i32 to vector<512x1xi32>
    %scan3A_52 = arith.constant 0 : i32
    %scan3A_53 = arith.constant 8 : i32
    %scan3A_54 = arith.addi %scan3A_52, %scan3A_53 : i32
    %scan3A_55 = arith.constant 1 : i32
    %scan3A_56:2 = scf.for %scan3A_88 = %scan3A_52 to %scan3A_54 step %scan3A_55 iter_args(%scan3A_89 = %broadcast_in_dim3A_49, %scan3A_90 = %broadcast_in_dim3A_51) -> (vector<512x1xf32>, vector<512x1xi32>)  : i32 {
      %mul3A_91 = arith.constant 1024 : i32
      %mul3A_92 = arith.muli %scan3A_88, %mul3A_91 : i32
      %get3A_93 = arith.constant 0 : index
      %get3A_94 = arith.index_cast %mul3A_92 : i32 to index
      %get3A_95 = vector.load %arg4[%get3A_93, %get3A_94] : memref<256x8192xbf16, #tpu.memory_space<vmem>>, vector<256x1024xbf16>
      %dot_general3A = arith.constant dense<0.000000e+00> : vector<512x1024xf32>
      %dot_general3A_96 = tpu.matmul %convert_element_type3A, %get3A_95, %dot_general3A {dimension_numbers = #tpu.dot_dimension_numbers<[1], [0], [0], [1], [0, 0, 1, 1], [], []>, transpose_lhs_hint = false} : vector<512x256xbf16>, vector<256x1024xbf16>, vector<512x1024xf32> -> vector<512x1024xf32>
      %reduce_max3A = arith.constant dense<0xFF800000> : vector<512xf32>
      %reduce_max3A_97 = vector.multi_reduction <maximumf>, %dot_general3A_96, %reduce_max3A [1] : vector<512x1024xf32> to vector<512xf32>
      %broadcast_in_dim3A_98 = vector.shape_cast %reduce_max3A_97 : vector<512xf32> to vector<512x1xf32>
      %iota3A = tpu.iota {dimensions = array<i32: 1>} : vector<512x1024xi32>
      %eq3A = vector.broadcast %broadcast_in_dim3A_98 : vector<512x1xf32> to vector<512x1024xf32>
      %eq3A_99 = arith.cmpf oeq, %dot_general3A_96, %eq3A : vector<512x1024xf32>
      %jit3A = arith.constant 1073741824 : i32
      %broadcast_in_dim3A_100 = vector.broadcast %jit3A : i32 to vector<512x1024xi32>
      %select_n3A = arith.select %eq3A_99, %iota3A, %broadcast_in_dim3A_100 : vector<512x1024xi1>, vector<512x1024xi32>
      %reduce_min3A = arith.constant dense<2147483647> : vector<512xi32>
      %reduce_min3A_101 = vector.multi_reduction <minsi>, %select_n3A, %reduce_min3A [1] : vector<512x1024xi32> to vector<512xi32>
      %broadcast_in_dim3A_102 = vector.shape_cast %reduce_min3A_101 : vector<512xi32> to vector<512x1xi32>
      %gt3A = arith.cmpf ogt, %broadcast_in_dim3A_98, %scan3A_89 : vector<512x1xf32>
      %select_n3A_103 = arith.select %gt3A, %broadcast_in_dim3A_98, %scan3A_89 : vector<512x1xi1>, vector<512x1xf32>
      %mul3A_104 = arith.constant 1024 : i32
      %mul3A_105 = arith.muli %scan3A_88, %mul3A_104 : i32
      %add3A = vector.broadcast %mul3A_105 : i32 to vector<512x1xi32>
      %add3A_106 = arith.addi %broadcast_in_dim3A_102, %add3A : vector<512x1xi32>
      %select_n3A_107 = arith.select %gt3A, %add3A_106, %scan3A_90 : vector<512x1xi1>, vector<512x1xi32>
      scf.yield %select_n3A_103, %select_n3A_107 : vector<512x1xf32>, vector<512x1xi32>
    }
    %scan3A_57 = arith.constant 8 : i32
    %swap3A_58 = arith.constant 0 : index
    %swap3A_59 = arith.constant 0 : index
    %swap3A_60 = vector.load %arg16[%swap3A_58, %swap3A_59] : memref<1024x1xi32, #tpu.memory_space<vmem>>, vector<512x1xi32>
    tpu.vector_store %arg16[%swap3A_58, %swap3A_59], %scan3A_56#1 {strides = array<i32>} : memref<1024x1xi32, #tpu.memory_space<vmem>>, vector<512x1xi32>,
    %get3A_61 = arith.constant 512 : index
    %get3A_62 = arith.constant 0 : index
    %get3A_63 = vector.load %arg21[%get3A_61, %get3A_62] : memref<1024x256xf32, #tpu.memory_space<vmem>>, vector<512x256xf32>
    %mul3A_64 = arith.mulf %get3A_63, %get3A_63 : vector<512x256xf32>
    %reduce_sum3A_65 = arith.constant dense<0.000000e+00> : vector<512xf32>
    %reduce_sum3A_66 = vector.multi_reduction <add>, %mul3A_64, %reduce_sum3A_65 [1] : vector<512x256xf32> to vector<512xf32>
    %broadcast_in_dim3A_67 = vector.shape_cast %reduce_sum3A_66 : vector<512xf32> to vector<512x1xf32>
    %sqrt3A_68 = math.sqrt %broadcast_in_dim3A_67 : vector<512x1xf32>
    %max3A_69 = arith.constant 9.99999996E-13 : f32
    %max3A_70 = vector.broadcast %max3A_69 : f32 to vector<512x1xf32>
    %max3A_71 = arith.maximumf %sqrt3A_68, %max3A_70 : vector<512x1xf32>
    %div3A_72 = vector.broadcast %max3A_71 : vector<512x1xf32> to vector<512x256xf32>
    %div3A_73 = arith.divf %get3A_63, %div3A_72 : vector<512x256xf32>
    %convert_element_type3A_74 = arith.truncf %div3A_73 : vector<512x256xf32> to vector<512x256xbf16>
    %broadcast_in_dim3A_75 = arith.constant 0xFF800000 : f32
    %broadcast_in_dim3A_76 = vector.broadcast %broadcast_in_dim3A_75 : f32 to vector<512x1xf32>
    %broadcast_in_dim3A_77 = arith.constant 0 : i32
    %broadcast_in_dim3A_78 = vector.broadcast %broadcast_in_dim3A_77 : i32 to vector<512x1xi32>
    %scan3A_79 = arith.constant 0 : i32
    %scan3A_80 = arith.constant 8 : i32
    %scan3A_81 = arith.addi %scan3A_79, %scan3A_80 : i32
    %scan3A_82 = arith.constant 1 : i32
    %scan3A_83:2 = scf.for %scan3A_88 = %scan3A_79 to %scan3A_81 step %scan3A_82 iter_args(%scan3A_89 = %broadcast_in_dim3A_76, %scan3A_90 = %broadcast_in_dim3A_78) -> (vector<512x1xf32>, vector<512x1xi32>)  : i32 {
      %mul3A_91 = arith.constant 1024 : i32
      %mul3A_92 = arith.muli %scan3A_88, %mul3A_91 : i32
      %get3A_93 = arith.constant 0 : index
      %get3A_94 = arith.index_cast %mul3A_92 : i32 to index
      %get3A_95 = vector.load %arg4[%get3A_93, %get3A_94] : memref<256x8192xbf16, #tpu.memory_space<vmem>>, vector<256x1024xbf16>
      %dot_general3A = arith.constant dense<0.000000e+00> : vector<512x1024xf32>
      %dot_general3A_96 = tpu.matmul %convert_element_type3A_74, %get3A_95, %dot_general3A {dimension_numbers = #tpu.dot_dimension_numbers<[1], [0], [0], [1], [0, 0, 1, 1], [], []>, transpose_lhs_hint = false} : vector<512x256xbf16>, vector<256x1024xbf16>, vector<512x1024xf32> -> vector<512x1024xf32>
      %reduce_max3A = arith.constant dense<0xFF800000> : vector<512xf32>
      %reduce_max3A_97 = vector.multi_reduction <maximumf>, %dot_general3A_96, %reduce_max3A [1] : vector<512x1024xf32> to vector<512xf32>
      %broadcast_in_dim3A_98 = vector.shape_cast %reduce_max3A_97 : vector<512xf32> to vector<512x1xf32>
      %iota3A = tpu.iota {dimensions = array<i32: 1>} : vector<512x1024xi32>
      %eq3A = vector.broadcast %broadcast_in_dim3A_98 : vector<512x1xf32> to vector<512x1024xf32>
      %eq3A_99 = arith.cmpf oeq, %dot_general3A_96, %eq3A : vector<512x1024xf32>
      %jit3A = arith.constant 1073741824 : i32
      %broadcast_in_dim3A_100 = vector.broadcast %jit3A : i32 to vector<512x1024xi32>
      %select_n3A = arith.select %eq3A_99, %iota3A, %broadcast_in_dim3A_100 : vector<512x1024xi1>, vector<512x1024xi32>
      %reduce_min3A = arith.constant dense<2147483647> : vector<512xi32>
      %reduce_min3A_101 = vector.multi_reduction <minsi>, %select_n3A, %reduce_min3A [1] : vector<512x1024xi32> to vector<512xi32>
      %broadcast_in_dim3A_102 = vector.shape_cast %reduce_min3A_101 : vector<512xi32> to vector<512x1xi32>
      %gt3A = arith.cmpf ogt, %broadcast_in_dim3A_98, %scan3A_89 : vector<512x1xf32>
      %select_n3A_103 = arith.select %gt3A, %broadcast_in_dim3A_98, %scan3A_89 : vector<512x1xi1>, vector<512x1xf32>
      %mul3A_104 = arith.constant 1024 : i32
      %mul3A_105 = arith.muli %scan3A_88, %mul3A_104 : i32
      %add3A = vector.broadcast %mul3A_105 : i32 to vector<512x1xi32>
      %add3A_106 = arith.addi %broadcast_in_dim3A_102, %add3A : vector<512x1xi32>
      %select_n3A_107 = arith.select %gt3A, %add3A_106, %scan3A_90 : vector<512x1xi1>, vector<512x1xi32>
      scf.yield %select_n3A_103, %select_n3A_107 : vector<512x1xf32>, vector<512x1xi32>
    }
    %scan3A_84 = arith.constant 8 : i32
    %swap3A_85 = arith.constant 512 : index
    %swap3A_86 = arith.constant 0 : index
    %swap3A_87 = vector.load %arg16[%swap3A_85, %swap3A_86] : memref<1024x1xi32, #tpu.memory_space<vmem>>, vector<512x1xi32>
    tpu.vector_store %arg16[%swap3A_85, %swap3A_86], %scan3A_83#1 {strides = array<i32>} : memref<1024x1xi32, #tpu.memory_space<vmem>>, vector<512x1xi32>,
    return
  }
}

module attributes {stable_mosaic.version = 14 : i64} {
  func.func @body(%arg0: memref<4096x256xf32, #tpu.memory_space<vmem>>, %arg1: memref<4096x256xf32, #tpu.memory_space<vmem>>, %arg2: memref<4096x256xf32, #tpu.memory_space<vmem>>, %arg3: memref<1024x256xf32, #tpu.memory_space<vmem>>, %arg4: memref<256x8192xbf16, #tpu.memory_space<vmem>>, %arg5: memref<256x128xf32, #tpu.memory_space<vmem>>, %arg6: memref<256x128xf32, #tpu.memory_space<vmem>>, %arg7: memref<256x128xf32, #tpu.memory_space<vmem>>, %arg8: memref<128x64xf32, #tpu.memory_space<vmem>>, %arg9: memref<9x256x256xf32, #tpu.memory_space<vmem>>, %arg10: memref<1x256xf32, #tpu.memory_space<vmem>>, %arg11: memref<4096x9xf32, #tpu.memory_space<vmem>>, %arg12: memref<104x160xf32, #tpu.memory_space<vmem>>, %arg13: memref<160x256xf32, #tpu.memory_space<vmem>>, %arg14: memref<4096x256xf32, #tpu.memory_space<vmem>>, %arg15: memref<4096x256xf32, #tpu.memory_space<vmem>>, %arg16: memref<1664x1xi32, #tpu.memory_space<vmem>>, %arg17: memref<1x1xf32, #tpu.memory_space<vmem>>, %arg18: memref<4144x256xf32, #tpu.memory_space<vmem>>, %arg19: memref<4144x256xf32, #tpu.memory_space<vmem>>, %arg20: memref<4144x256xf32, #tpu.memory_space<vmem>>, %arg21: memref<1664x256xf32, #tpu.memory_space<vmem>>, %arg22: memref<1xf32, #tpu.memory_space<smem>>) attributes {dimension_semantics = [], scalar_prefetch = 0 : i64, scratch_operands = 5 : i64, tpu.core_type = #tpu.core_type<tc>} {
    %broadcast_in_dim3A = arith.constant 0.000000e+00 : f32
    %broadcast_in_dim3A_0 = vector.broadcast %broadcast_in_dim3A : f32 to vector<24x256xf32>
    %swap3A = arith.constant 0 : index
    %swap3A_1 = arith.constant 0 : index
    %swap3A_2 = vector.load %arg18[%swap3A, %swap3A_1] : memref<4144x256xf32, #tpu.memory_space<vmem>>, vector<24x256xf32>
    tpu.vector_store %arg18[%swap3A, %swap3A_1], %broadcast_in_dim3A_0 {strides = array<i32>} : memref<4144x256xf32, #tpu.memory_space<vmem>>, vector<24x256xf32>,
    %swap3A_3 = arith.constant 4120 : index
    %swap3A_4 = arith.constant 0 : index
    %swap3A_5 = vector.load %arg18[%swap3A_3, %swap3A_4] : memref<4144x256xf32, #tpu.memory_space<vmem>>, vector<24x256xf32>
    tpu.vector_store %arg18[%swap3A_3, %swap3A_4], %broadcast_in_dim3A_0 {strides = array<i32>} : memref<4144x256xf32, #tpu.memory_space<vmem>>, vector<24x256xf32>,
    %swap3A_6 = arith.constant 0 : index
    %swap3A_7 = arith.constant 0 : index
    %swap3A_8 = vector.load %arg19[%swap3A_6, %swap3A_7] : memref<4144x256xf32, #tpu.memory_space<vmem>>, vector<24x256xf32>
    tpu.vector_store %arg19[%swap3A_6, %swap3A_7], %broadcast_in_dim3A_0 {strides = array<i32>} : memref<4144x256xf32, #tpu.memory_space<vmem>>, vector<24x256xf32>,
    %swap3A_9 = arith.constant 4120 : index
    %swap3A_10 = arith.constant 0 : index
    %swap3A_11 = vector.load %arg19[%swap3A_9, %swap3A_10] : memref<4144x256xf32, #tpu.memory_space<vmem>>, vector<24x256xf32>
    tpu.vector_store %arg19[%swap3A_9, %swap3A_10], %broadcast_in_dim3A_0 {strides = array<i32>} : memref<4144x256xf32, #tpu.memory_space<vmem>>, vector<24x256xf32>,
    %swap3A_12 = arith.constant 0 : index
    %swap3A_13 = arith.constant 0 : index
    %swap3A_14 = vector.load %arg20[%swap3A_12, %swap3A_13] : memref<4144x256xf32, #tpu.memory_space<vmem>>, vector<24x256xf32>
    tpu.vector_store %arg20[%swap3A_12, %swap3A_13], %broadcast_in_dim3A_0 {strides = array<i32>} : memref<4144x256xf32, #tpu.memory_space<vmem>>, vector<24x256xf32>,
    %swap3A_15 = arith.constant 4120 : index
    %swap3A_16 = arith.constant 0 : index
    %swap3A_17 = vector.load %arg20[%swap3A_15, %swap3A_16] : memref<4144x256xf32, #tpu.memory_space<vmem>>, vector<24x256xf32>
    tpu.vector_store %arg20[%swap3A_15, %swap3A_16], %broadcast_in_dim3A_0 {strides = array<i32>} : memref<4144x256xf32, #tpu.memory_space<vmem>>, vector<24x256xf32>,
    %scan3A = arith.constant 0 : i32
    %scan3A_18 = arith.constant 16 : i32
    %scan3A_19 = arith.addi %scan3A, %scan3A_18 : i32
    %scan3A_20 = arith.constant 1 : i32
    scf.for %scan3A_142 = %scan3A to %scan3A_19 step %scan3A_20  : i32 {
      %mul3A_143 = arith.constant 64 : i32
      %mul3A_144 = arith.muli %scan3A_142, %mul3A_143 : i32
      %get3A_145 = arith.index_cast %mul3A_144 : i32 to index
      %get3A_146 = arith.constant 0 : index
      %get3A_147 = vector.load %arg3[%get3A_145, %get3A_146] : memref<1024x256xf32, #tpu.memory_space<vmem>>, vector<64x256xf32>
      %get3A_148 = arith.constant 0 : index
      %get3A_149 = arith.constant 0 : index
      %get3A_150 = vector.load %arg8[%get3A_148, %get3A_149] : memref<128x64xf32, #tpu.memory_space<vmem>>, vector<128x64xf32>
      %dot_general3A = arith.constant dense<0.000000e+00> : vector<128x256xf32>
      %dot_general3A_151 = tpu.matmul %get3A_150, %get3A_147, %dot_general3A {dimension_numbers = #tpu.dot_dimension_numbers<[1], [0], [0], [1], [0, 0, 1, 1], [], []>, transpose_lhs_hint = false} : vector<128x64xf32>, vector<64x256xf32>, vector<128x256xf32> -> vector<128x256xf32>
      %mul3A_152 = arith.constant 256 : i32
      %mul3A_153 = arith.muli %scan3A_142, %mul3A_152 : i32
      %add3A = arith.constant 24 : i32
      %add3A_154 = arith.addi %add3A, %mul3A_153 : i32
      %get3A_155 = arith.constant 0 : index
      %get3A_156 = arith.constant 0 : index
      %get3A_157 = vector.load %arg5[%get3A_155, %get3A_156] : memref<256x128xf32, #tpu.memory_space<vmem>>, vector<256x128xf32>
      %dot_general3A_158 = arith.constant dense<0.000000e+00> : vector<256x256xf32>
      %dot_general3A_159 = tpu.matmul %get3A_157, %dot_general3A_151, %dot_general3A_158 {dimension_numbers = #tpu.dot_dimension_numbers<[1], [0], [0], [1], [0, 0, 1, 1], [], []>, transpose_lhs_hint = false} : vector<256x128xf32>, vector<128x256xf32>, vector<256x256xf32> -> vector<256x256xf32>
      %swap3A_160 = arith.index_cast %add3A_154 : i32 to index
      %swap3A_161 = arith.constant 0 : index
      %swap3A_162 = vector.load %arg18[%swap3A_160, %swap3A_161] : memref<4144x256xf32, #tpu.memory_space<vmem>>, vector<256x256xf32>
      tpu.vector_store %arg18[%swap3A_160, %swap3A_161], %dot_general3A_159 {strides = array<i32>} : memref<4144x256xf32, #tpu.memory_space<vmem>>, vector<256x256xf32>,
      %get3A_163 = arith.constant 0 : index
      %get3A_164 = arith.constant 0 : index
      %get3A_165 = vector.load %arg6[%get3A_163, %get3A_164] : memref<256x128xf32, #tpu.memory_space<vmem>>, vector<256x128xf32>
      %dot_general3A_166 = arith.constant dense<0.000000e+00> : vector<256x256xf32>
      %dot_general3A_167 = tpu.matmul %get3A_165, %dot_general3A_151, %dot_general3A_166 {dimension_numbers = #tpu.dot_dimension_numbers<[1], [0], [0], [1], [0, 0, 1, 1], [], []>, transpose_lhs_hint = false} : vector<256x128xf32>, vector<128x256xf32>, vector<256x256xf32> -> vector<256x256xf32>
      %swap3A_168 = arith.index_cast %add3A_154 : i32 to index
      %swap3A_169 = arith.constant 0 : index
      %swap3A_170 = vector.load %arg19[%swap3A_168, %swap3A_169] : memref<4144x256xf32, #tpu.memory_space<vmem>>, vector<256x256xf32>
      tpu.vector_store %arg19[%swap3A_168, %swap3A_169], %dot_general3A_167 {strides = array<i32>} : memref<4144x256xf32, #tpu.memory_space<vmem>>, vector<256x256xf32>,
      %get3A_171 = arith.constant 0 : index
      %get3A_172 = arith.constant 0 : index
      %get3A_173 = vector.load %arg7[%get3A_171, %get3A_172] : memref<256x128xf32, #tpu.memory_space<vmem>>, vector<256x128xf32>
      %dot_general3A_174 = arith.constant dense<0.000000e+00> : vector<256x256xf32>
      %dot_general3A_175 = tpu.matmul %get3A_173, %dot_general3A_151, %dot_general3A_174 {dimension_numbers = #tpu.dot_dimension_numbers<[1], [0], [0], [1], [0, 0, 1, 1], [], []>, transpose_lhs_hint = false} : vector<256x128xf32>, vector<128x256xf32>, vector<256x256xf32> -> vector<256x256xf32>
      %swap3A_176 = arith.index_cast %add3A_154 : i32 to index
      %swap3A_177 = arith.constant 0 : index
      %swap3A_178 = vector.load %arg20[%swap3A_176, %swap3A_177] : memref<4144x256xf32, #tpu.memory_space<vmem>>, vector<256x256xf32>
      tpu.vector_store %arg20[%swap3A_176, %swap3A_177], %dot_general3A_175 {strides = array<i32>} : memref<4144x256xf32, #tpu.memory_space<vmem>>, vector<256x256xf32>,
    }
    %scan3A_21 = arith.constant 16 : i32
    %swap3A_22 = arith.constant 0.000000e+00 : f32
    %swap3A_23 = arith.constant 0 : index
    %swap3A_24 = memref.load %arg22[%swap3A_23] : memref<1xf32, #tpu.memory_space<smem>>
    memref.store %swap3A_22, %arg22[%swap3A_23] : memref<1xf32, #tpu.memory_space<smem>>
    %scan3A_25 = arith.constant 0 : i32
    %scan3A_26 = arith.constant 8 : i32
    %scan3A_27 = arith.addi %scan3A_25, %scan3A_26 : i32
    %scan3A_28 = arith.constant 1 : i32
    scf.for %scan3A_142 = %scan3A_25 to %scan3A_27 step %scan3A_28  : i32 {
      %mul3A_143 = arith.constant 512 : i32
      %mul3A_144 = arith.muli %scan3A_142, %mul3A_143 : i32
      %add3A = arith.constant 8 : i32
      %add3A_145 = arith.addi %mul3A_144, %add3A : i32
      %get3A_146 = arith.index_cast %add3A_145 : i32 to index
      %get3A_147 = arith.constant 0 : index
      %get3A_148 = vector.load %arg20[%get3A_146, %get3A_147] : memref<4144x256xf32, #tpu.memory_space<vmem>>, vector<512x256xf32>
      %get3A_149 = arith.index_cast %mul3A_144 : i32 to index
      %get3A_150 = arith.constant 0 : index
      %get3A_151 = vector.load %arg11[%get3A_149, %get3A_150] : memref<4096x9xf32, #tpu.memory_space<vmem>>, vector<512x1xf32>
      %mul3A_152 = vector.broadcast %get3A_151 : vector<512x1xf32> to vector<512x256xf32>
      %mul3A_153 = arith.mulf %get3A_148, %mul3A_152 : vector<512x256xf32>
      %get3A_154 = arith.constant 0 : index
      %get3A_155 = arith.constant 0 : index
      %get3A_156 = arith.constant 0 : index
      %get3A_157 = vector.load %arg9[%get3A_154, %get3A_155, %get3A_156] : memref<9x256x256xf32, #tpu.memory_space<vmem>>, vector<1x256x256xf32>
      %get3A_158 = vector.shape_cast %get3A_157 : vector<1x256x256xf32> to vector<256x256xf32>
      %dot_general3A = arith.constant dense<0.000000e+00> : vector<512x256xf32>
      %dot_general3A_159 = tpu.matmul %mul3A_153, %get3A_158, %dot_general3A {dimension_numbers = #tpu.dot_dimension_numbers<[1], [0], [0], [1], [0, 0, 1, 1], [], []>, transpose_lhs_hint = false} : vector<512x256xf32>, vector<256x256xf32>, vector<512x256xf32> -> vector<512x256xf32>
      %add3A_160 = arith.constant 8 : i32
      %add3A_161 = arith.addi %mul3A_144, %add3A_160 : i32
      %get3A_162 = arith.index_cast %add3A_161 : i32 to index
      %get3A_163 = arith.constant 0 : index
      %get3A_164 = vector.load %arg18[%get3A_162, %get3A_163] : memref<4144x256xf32, #tpu.memory_space<vmem>>, vector<512x256xf32>
      %get3A_165 = arith.index_cast %mul3A_144 : i32 to index
      %get3A_166 = arith.constant 1 : index
      %get3A_167 = vector.load %arg11[%get3A_165, %get3A_166] : memref<4096x9xf32, #tpu.memory_space<vmem>>, vector<512x1xf32>
      %mul3A_168 = vector.broadcast %get3A_167 : vector<512x1xf32> to vector<512x256xf32>
      %mul3A_169 = arith.mulf %get3A_164, %mul3A_168 : vector<512x256xf32>
      %get3A_170 = arith.constant 1 : index
      %get3A_171 = arith.constant 0 : index
      %get3A_172 = arith.constant 0 : index
      %get3A_173 = vector.load %arg9[%get3A_170, %get3A_171, %get3A_172] : memref<9x256x256xf32, #tpu.memory_space<vmem>>, vector<1x256x256xf32>
      %get3A_174 = vector.shape_cast %get3A_173 : vector<1x256x256xf32> to vector<256x256xf32>
      %dot_general3A_175 = arith.constant dense<0.000000e+00> : vector<512x256xf32>
      %dot_general3A_176 = tpu.matmul %mul3A_169, %get3A_174, %dot_general3A_175 {dimension_numbers = #tpu.dot_dimension_numbers<[1], [0], [0], [1], [0, 0, 1, 1], [], []>, transpose_lhs_hint = false} : vector<512x256xf32>, vector<256x256xf32>, vector<512x256xf32> -> vector<512x256xf32>
      %add3A_177 = arith.addf %dot_general3A_159, %dot_general3A_176 : vector<512x256xf32>
      %add3A_178 = arith.constant 8 : i32
      %add3A_179 = arith.addi %mul3A_144, %add3A_178 : i32
      %get3A_180 = arith.index_cast %add3A_179 : i32 to index
      %get3A_181 = arith.constant 0 : index
      %get3A_182 = vector.load %arg19[%get3A_180, %get3A_181] : memref<4144x256xf32, #tpu.memory_space<vmem>>, vector<512x256xf32>
      %get3A_183 = arith.index_cast %mul3A_144 : i32 to index
      %get3A_184 = arith.constant 2 : index
      %get3A_185 = vector.load %arg11[%get3A_183, %get3A_184] : memref<4096x9xf32, #tpu.memory_space<vmem>>, vector<512x1xf32>
      %mul3A_186 = vector.broadcast %get3A_185 : vector<512x1xf32> to vector<512x256xf32>
      %mul3A_187 = arith.mulf %get3A_182, %mul3A_186 : vector<512x256xf32>
      %get3A_188 = arith.constant 2 : index
      %get3A_189 = arith.constant 0 : index
      %get3A_190 = arith.constant 0 : index
      %get3A_191 = vector.load %arg9[%get3A_188, %get3A_189, %get3A_190] : memref<9x256x256xf32, #tpu.memory_space<vmem>>, vector<1x256x256xf32>
      %get3A_192 = vector.shape_cast %get3A_191 : vector<1x256x256xf32> to vector<256x256xf32>
      %dot_general3A_193 = arith.constant dense<0.000000e+00> : vector<512x256xf32>
      %dot_general3A_194 = tpu.matmul %mul3A_187, %get3A_192, %dot_general3A_193 {dimension_numbers = #tpu.dot_dimension_numbers<[1], [0], [0], [1], [0, 0, 1, 1], [], []>, transpose_lhs_hint = false} : vector<512x256xf32>, vector<256x256xf32>, vector<512x256xf32> -> vector<512x256xf32>
      %add3A_195 = arith.addf %add3A_177, %dot_general3A_194 : vector<512x256xf32>
      %add3A_196 = arith.constant 24 : i32
      %add3A_197 = arith.addi %mul3A_144, %add3A_196 : i32
      %get3A_198 = arith.index_cast %add3A_197 : i32 to index
      %get3A_199 = arith.constant 0 : index
      %get3A_200 = vector.load %arg20[%get3A_198, %get3A_199] : memref<4144x256xf32, #tpu.memory_space<vmem>>, vector<512x256xf32>
      %get3A_201 = arith.index_cast %mul3A_144 : i32 to index
      %get3A_202 = arith.constant 3 : index
      %get3A_203 = vector.load %arg11[%get3A_201, %get3A_202] : memref<4096x9xf32, #tpu.memory_space<vmem>>, vector<512x1xf32>
      %mul3A_204 = vector.broadcast %get3A_203 : vector<512x1xf32> to vector<512x256xf32>
      %mul3A_205 = arith.mulf %get3A_200, %mul3A_204 : vector<512x256xf32>
      %get3A_206 = arith.constant 3 : index
      %get3A_207 = arith.constant 0 : index
      %get3A_208 = arith.constant 0 : index
      %get3A_209 = vector.load %arg9[%get3A_206, %get3A_207, %get3A_208] : memref<9x256x256xf32, #tpu.memory_space<vmem>>, vector<1x256x256xf32>
      %get3A_210 = vector.shape_cast %get3A_209 : vector<1x256x256xf32> to vector<256x256xf32>
      %dot_general3A_211 = arith.constant dense<0.000000e+00> : vector<512x256xf32>
      %dot_general3A_212 = tpu.matmul %mul3A_205, %get3A_210, %dot_general3A_211 {dimension_numbers = #tpu.dot_dimension_numbers<[1], [0], [0], [1], [0, 0, 1, 1], [], []>, transpose_lhs_hint = false} : vector<512x256xf32>, vector<256x256xf32>, vector<512x256xf32> -> vector<512x256xf32>
      %add3A_213 = arith.addf %add3A_195, %dot_general3A_212 : vector<512x256xf32>
      %add3A_214 = arith.constant 24 : i32
      %add3A_215 = arith.addi %mul3A_144, %add3A_214 : i32
      %get3A_216 = arith.index_cast %add3A_215 : i32 to index
      %get3A_217 = arith.constant 0 : index
      %get3A_218 = vector.load %arg18[%get3A_216, %get3A_217] : memref<4144x256xf32, #tpu.memory_space<vmem>>, vector<512x256xf32>
      %get3A_219 = arith.index_cast %mul3A_144 : i32 to index
      %get3A_220 = arith.constant 4 : index
      %get3A_221 = vector.load %arg11[%get3A_219, %get3A_220] : memref<4096x9xf32, #tpu.memory_space<vmem>>, vector<512x1xf32>
      %mul3A_222 = vector.broadcast %get3A_221 : vector<512x1xf32> to vector<512x256xf32>
      %mul3A_223 = arith.mulf %get3A_218, %mul3A_222 : vector<512x256xf32>
      %get3A_224 = arith.constant 4 : index
      %get3A_225 = arith.constant 0 : index
      %get3A_226 = arith.constant 0 : index
      %get3A_227 = vector.load %arg9[%get3A_224, %get3A_225, %get3A_226] : memref<9x256x256xf32, #tpu.memory_space<vmem>>, vector<1x256x256xf32>
      %get3A_228 = vector.shape_cast %get3A_227 : vector<1x256x256xf32> to vector<256x256xf32>
      %dot_general3A_229 = arith.constant dense<0.000000e+00> : vector<512x256xf32>
      %dot_general3A_230 = tpu.matmul %mul3A_223, %get3A_228, %dot_general3A_229 {dimension_numbers = #tpu.dot_dimension_numbers<[1], [0], [0], [1], [0, 0, 1, 1], [], []>, transpose_lhs_hint = false} : vector<512x256xf32>, vector<256x256xf32>, vector<512x256xf32> -> vector<512x256xf32>
      %add3A_231 = arith.addf %add3A_213, %dot_general3A_230 : vector<512x256xf32>
      %add3A_232 = arith.constant 24 : i32
      %add3A_233 = arith.addi %mul3A_144, %add3A_232 : i32
      %get3A_234 = arith.index_cast %add3A_233 : i32 to index
      %get3A_235 = arith.constant 0 : index
      %get3A_236 = vector.load %arg19[%get3A_234, %get3A_235] : memref<4144x256xf32, #tpu.memory_space<vmem>>, vector<512x256xf32>
      %get3A_237 = arith.index_cast %mul3A_144 : i32 to index
      %get3A_238 = arith.constant 5 : index
      %get3A_239 = vector.load %arg11[%get3A_237, %get3A_238] : memref<4096x9xf32, #tpu.memory_space<vmem>>, vector<512x1xf32>
      %mul3A_240 = vector.broadcast %get3A_239 : vector<512x1xf32> to vector<512x256xf32>
      %mul3A_241 = arith.mulf %get3A_236, %mul3A_240 : vector<512x256xf32>
      %get3A_242 = arith.constant 5 : index
      %get3A_243 = arith.constant 0 : index
      %get3A_244 = arith.constant 0 : index
      %get3A_245 = vector.load %arg9[%get3A_242, %get3A_243, %get3A_244] : memref<9x256x256xf32, #tpu.memory_space<vmem>>, vector<1x256x256xf32>
      %get3A_246 = vector.shape_cast %get3A_245 : vector<1x256x256xf32> to vector<256x256xf32>
      %dot_general3A_247 = arith.constant dense<0.000000e+00> : vector<512x256xf32>
      %dot_general3A_248 = tpu.matmul %mul3A_241, %get3A_246, %dot_general3A_247 {dimension_numbers = #tpu.dot_dimension_numbers<[1], [0], [0], [1], [0, 0, 1, 1], [], []>, transpose_lhs_hint = false} : vector<512x256xf32>, vector<256x256xf32>, vector<512x256xf32> -> vector<512x256xf32>
      %add3A_249 = arith.addf %add3A_231, %dot_general3A_248 : vector<512x256xf32>
      %add3A_250 = arith.constant 40 : i32
      %add3A_251 = arith.addi %mul3A_144, %add3A_250 : i32
      %get3A_252 = arith.index_cast %add3A_251 : i32 to index
      %get3A_253 = arith.constant 0 : index
      %get3A_254 = vector.load %arg20[%get3A_252, %get3A_253] : memref<4144x256xf32, #tpu.memory_space<vmem>>, vector<512x256xf32>
      %get3A_255 = arith.index_cast %mul3A_144 : i32 to index
      %get3A_256 = arith.constant 6 : index
      %get3A_257 = vector.load %arg11[%get3A_255, %get3A_256] : memref<4096x9xf32, #tpu.memory_space<vmem>>, vector<512x1xf32>
      %mul3A_258 = vector.broadcast %get3A_257 : vector<512x1xf32> to vector<512x256xf32>
      %mul3A_259 = arith.mulf %get3A_254, %mul3A_258 : vector<512x256xf32>
      %get3A_260 = arith.constant 6 : index
      %get3A_261 = arith.constant 0 : index
      %get3A_262 = arith.constant 0 : index
      %get3A_263 = vector.load %arg9[%get3A_260, %get3A_261, %get3A_262] : memref<9x256x256xf32, #tpu.memory_space<vmem>>, vector<1x256x256xf32>
      %get3A_264 = vector.shape_cast %get3A_263 : vector<1x256x256xf32> to vector<256x256xf32>
      %dot_general3A_265 = arith.constant dense<0.000000e+00> : vector<512x256xf32>
      %dot_general3A_266 = tpu.matmul %mul3A_259, %get3A_264, %dot_general3A_265 {dimension_numbers = #tpu.dot_dimension_numbers<[1], [0], [0], [1], [0, 0, 1, 1], [], []>, transpose_lhs_hint = false} : vector<512x256xf32>, vector<256x256xf32>, vector<512x256xf32> -> vector<512x256xf32>
      %add3A_267 = arith.addf %add3A_249, %dot_general3A_266 : vector<512x256xf32>
      %add3A_268 = arith.constant 40 : i32
      %add3A_269 = arith.addi %mul3A_144, %add3A_268 : i32
      %get3A_270 = arith.index_cast %add3A_269 : i32 to index
      %get3A_271 = arith.constant 0 : index
      %get3A_272 = vector.load %arg18[%get3A_270, %get3A_271] : memref<4144x256xf32, #tpu.memory_space<vmem>>, vector<512x256xf32>
      %get3A_273 = arith.index_cast %mul3A_144 : i32 to index
      %get3A_274 = arith.constant 7 : index
      %get3A_275 = vector.load %arg11[%get3A_273, %get3A_274] : memref<4096x9xf32, #tpu.memory_space<vmem>>, vector<512x1xf32>
      %mul3A_276 = vector.broadcast %get3A_275 : vector<512x1xf32> to vector<512x256xf32>
      %mul3A_277 = arith.mulf %get3A_272, %mul3A_276 : vector<512x256xf32>
      %get3A_278 = arith.constant 7 : index
      %get3A_279 = arith.constant 0 : index
      %get3A_280 = arith.constant 0 : index
      %get3A_281 = vector.load %arg9[%get3A_278, %get3A_279, %get3A_280] : memref<9x256x256xf32, #tpu.memory_space<vmem>>, vector<1x256x256xf32>
      %get3A_282 = vector.shape_cast %get3A_281 : vector<1x256x256xf32> to vector<256x256xf32>
      %dot_general3A_283 = arith.constant dense<0.000000e+00> : vector<512x256xf32>
      %dot_general3A_284 = tpu.matmul %mul3A_277, %get3A_282, %dot_general3A_283 {dimension_numbers = #tpu.dot_dimension_numbers<[1], [0], [0], [1], [0, 0, 1, 1], [], []>, transpose_lhs_hint = false} : vector<512x256xf32>, vector<256x256xf32>, vector<512x256xf32> -> vector<512x256xf32>
      %add3A_285 = arith.addf %add3A_267, %dot_general3A_284 : vector<512x256xf32>
      %add3A_286 = arith.constant 40 : i32
      %add3A_287 = arith.addi %mul3A_144, %add3A_286 : i32
      %get3A_288 = arith.index_cast %add3A_287 : i32 to index
      %get3A_289 = arith.constant 0 : index
      %get3A_290 = vector.load %arg19[%get3A_288, %get3A_289] : memref<4144x256xf32, #tpu.memory_space<vmem>>, vector<512x256xf32>
      %get3A_291 = arith.index_cast %mul3A_144 : i32 to index
      %get3A_292 = arith.constant 8 : index
      %get3A_293 = vector.load %arg11[%get3A_291, %get3A_292] : memref<4096x9xf32, #tpu.memory_space<vmem>>, vector<512x1xf32>
      %mul3A_294 = vector.broadcast %get3A_293 : vector<512x1xf32> to vector<512x256xf32>
      %mul3A_295 = arith.mulf %get3A_290, %mul3A_294 : vector<512x256xf32>
      %get3A_296 = arith.constant 8 : index
      %get3A_297 = arith.constant 0 : index
      %get3A_298 = arith.constant 0 : index
      %get3A_299 = vector.load %arg9[%get3A_296, %get3A_297, %get3A_298] : memref<9x256x256xf32, #tpu.memory_space<vmem>>, vector<1x256x256xf32>
      %get3A_300 = vector.shape_cast %get3A_299 : vector<1x256x256xf32> to vector<256x256xf32>
      %dot_general3A_301 = arith.constant dense<0.000000e+00> : vector<512x256xf32>
      %dot_general3A_302 = tpu.matmul %mul3A_295, %get3A_300, %dot_general3A_301 {dimension_numbers = #tpu.dot_dimension_numbers<[1], [0], [0], [1], [0, 0, 1, 1], [], []>, transpose_lhs_hint = false} : vector<512x256xf32>, vector<256x256xf32>, vector<512x256xf32> -> vector<512x256xf32>
      %add3A_303 = arith.addf %add3A_285, %dot_general3A_302 : vector<512x256xf32>
      %get3A_304 = arith.constant 0 : index
      %get3A_305 = arith.constant 0 : index
      %get3A_306 = vector.load %arg10[%get3A_304, %get3A_305] : memref<1x256xf32, #tpu.memory_space<vmem>>, vector<1x256xf32>
      %broadcast_in_dim3A_307 = vector.shape_cast %get3A_306 : vector<1x256xf32> to vector<1x256xf32>
      %broadcast_in_dim3A_308 = vector.broadcast %broadcast_in_dim3A_307 : vector<1x256xf32> to vector<512x256xf32>
      %add3A_309 = arith.addf %add3A_303, %broadcast_in_dim3A_308 : vector<512x256xf32>
      %add3A_310 = arith.constant 24 : i32
      %add3A_311 = arith.addi %mul3A_144, %add3A_310 : i32
      %get3A_312 = arith.index_cast %add3A_311 : i32 to index
      %get3A_313 = arith.constant 0 : index
      %get3A_314 = vector.load %arg18[%get3A_312, %get3A_313] : memref<4144x256xf32, #tpu.memory_space<vmem>>, vector<512x256xf32>
      %mul3A_315 = arith.constant 5.000000e-01 : f32
      %mul3A_316 = vector.broadcast %mul3A_315 : f32 to vector<512x256xf32>
      %mul3A_317 = arith.mulf %get3A_314, %mul3A_316 : vector<512x256xf32>
      %mul3A_318 = arith.constant 5.000000e-01 : f32
      %mul3A_319 = vector.broadcast %mul3A_318 : f32 to vector<512x256xf32>
      %mul3A_320 = arith.mulf %add3A_309, %mul3A_319 : vector<512x256xf32>
      %add3A_321 = arith.addf %mul3A_317, %mul3A_320 : vector<512x256xf32>
      %get3A_322 = arith.index_cast %mul3A_144 : i32 to index
      %get3A_323 = arith.constant 0 : index
      %get3A_324 = vector.load %arg1[%get3A_322, %get3A_323] : memref<4096x256xf32, #tpu.memory_space<vmem>>, vector<512x256xf32>
      %add3A_325 = arith.addf %get3A_324, %add3A_321 : vector<512x256xf32>
      %swap3A_326 = arith.index_cast %mul3A_144 : i32 to index
      %swap3A_327 = arith.constant 0 : index
      %swap3A_328 = vector.load %arg15[%swap3A_326, %swap3A_327] : memref<4096x256xf32, #tpu.memory_space<vmem>>, vector<512x256xf32>
      tpu.vector_store %arg15[%swap3A_326, %swap3A_327], %add3A_325 {strides = array<i32>} : memref<4096x256xf32, #tpu.memory_space<vmem>>, vector<512x256xf32>,
      %get3A_329 = arith.index_cast %mul3A_144 : i32 to index
      %get3A_330 = arith.constant 0 : index
      %get3A_331 = vector.load %arg0[%get3A_329, %get3A_330] : memref<4096x256xf32, #tpu.memory_space<vmem>>, vector<512x256xf32>
      %sub3A = arith.subf %get3A_331, %add3A_321 : vector<512x256xf32>
      %swap3A_332 = arith.index_cast %mul3A_144 : i32 to index
      %swap3A_333 = arith.constant 0 : index
      %swap3A_334 = vector.load %arg14[%swap3A_332, %swap3A_333] : memref<4096x256xf32, #tpu.memory_space<vmem>>, vector<512x256xf32>
      tpu.vector_store %arg14[%swap3A_332, %swap3A_333], %sub3A {strides = array<i32>} : memref<4096x256xf32, #tpu.memory_space<vmem>>, vector<512x256xf32>,
      %get3A_335 = arith.index_cast %mul3A_144 : i32 to index
      %get3A_336 = arith.constant 0 : index
      %get3A_337 = vector.load %arg2[%get3A_335, %get3A_336] : memref<4096x256xf32, #tpu.memory_space<vmem>>, vector<512x256xf32>
      %sub3A_338 = arith.subf %add3A_325, %get3A_337 : vector<512x256xf32>
      %get3A_339 = arith.constant 0 : index
      %get3A_340 = memref.load %arg22[%get3A_339] : memref<1xf32, #tpu.memory_space<smem>>
      %mul3A_341 = arith.mulf %sub3A_338, %sub3A_338 : vector<512x256xf32>
      %reduce_sum3A_342 = vector.shape_cast %mul3A_341 : vector<512x256xf32> to vector<1x512x256xf32>
      %reduce_sum3A_343 = arith.constant dense<0.000000e+00> : vector<1xf32>
      %reduce_sum3A_344 = vector.multi_reduction <add>, %reduce_sum3A_342, %reduce_sum3A_343 [1, 2] : vector<1x512x256xf32> to vector<1xf32>
      %reduce_sum3A_345 = vector.shape_cast %reduce_sum3A_344 : vector<1xf32> to vector<1x1x1xf32>
      %reduce_sum3A_346 = vector.extract %reduce_sum3A_345[0, 0, 0] : f32 from vector<1x1x1xf32>
      %add3A_347 = arith.addf %get3A_340, %reduce_sum3A_346 : f32
      %swap3A_348 = arith.constant 0 : index
      %swap3A_349 = memref.load %arg22[%swap3A_348] : memref<1xf32, #tpu.memory_space<smem>>
      memref.store %add3A_347, %arg22[%swap3A_348] : memref<1xf32, #tpu.memory_space<smem>>
    }
    %scan3A_29 = arith.constant 8 : i32
    %get3A = arith.constant 0 : index
    %get3A_30 = memref.load %arg22[%get3A] : memref<1xf32, #tpu.memory_space<smem>>
    %broadcast_in_dim3A_31 = vector.broadcast %get3A_30 : f32 to vector<1x1xf32>
    %swap3A_32 = arith.constant 0 : index
    %swap3A_33 = arith.constant 0 : index
    %swap3A_34 = vector.load %arg17[%swap3A_32, %swap3A_33] : memref<1x1xf32, #tpu.memory_space<vmem>>, vector<1x1xf32>
    tpu.vector_store %arg17[%swap3A_32, %swap3A_33], %broadcast_in_dim3A_31 {strides = array<i32>} : memref<1x1xf32, #tpu.memory_space<vmem>>, vector<1x1xf32>,
    %scan3A_35 = arith.constant 0 : i32
    %scan3A_36 = arith.constant 16 : i32
    %scan3A_37 = arith.addi %scan3A_35, %scan3A_36 : i32
    %scan3A_38 = arith.constant 1 : i32
    scf.for %scan3A_142 = %scan3A_35 to %scan3A_37 step %scan3A_38  : i32 {
      %mul3A_143 = arith.constant 256 : i32
      %mul3A_144 = arith.muli %scan3A_142, %mul3A_143 : i32
      %get3A_145 = arith.index_cast %mul3A_144 : i32 to index
      %get3A_146 = arith.constant 0 : index
      %get3A_147 = vector.load %arg14[%get3A_145, %get3A_146] : memref<4096x256xf32, #tpu.memory_space<vmem>>, vector<256x256xf32>
      %get3A_148 = arith.constant 0 : index
      %get3A_149 = arith.constant 0 : index
      %get3A_150 = vector.load %arg13[%get3A_148, %get3A_149] : memref<160x256xf32, #tpu.memory_space<vmem>>, vector<160x256xf32>
      %dot_general3A = arith.constant dense<0.000000e+00> : vector<160x256xf32>
      %dot_general3A_151 = tpu.matmul %get3A_150, %get3A_147, %dot_general3A {dimension_numbers = #tpu.dot_dimension_numbers<[1], [0], [0], [1], [0, 0, 1, 1], [], []>, transpose_lhs_hint = false} : vector<160x256xf32>, vector<256x256xf32>, vector<160x256xf32> -> vector<160x256xf32>
      %get3A_152 = arith.constant 0 : index
      %get3A_153 = arith.constant 0 : index
      %get3A_154 = vector.load %arg12[%get3A_152, %get3A_153] : memref<104x160xf32, #tpu.memory_space<vmem>>, vector<104x160xf32>
      %dot_general3A_155 = arith.constant dense<0.000000e+00> : vector<104x256xf32>
      %dot_general3A_156 = tpu.matmul %get3A_154, %dot_general3A_151, %dot_general3A_155 {dimension_numbers = #tpu.dot_dimension_numbers<[1], [0], [0], [1], [0, 0, 1, 1], [], []>, transpose_lhs_hint = false} : vector<104x160xf32>, vector<160x256xf32>, vector<104x256xf32> -> vector<104x256xf32>
      %mul3A_157 = arith.constant 104 : i32
      %mul3A_158 = arith.muli %scan3A_142, %mul3A_157 : i32
      %swap3A_159 = arith.index_cast %mul3A_158 : i32 to index
      %swap3A_160 = arith.constant 0 : index
      %swap3A_161 = vector.load %arg21[%swap3A_159, %swap3A_160] : memref<1664x256xf32, #tpu.memory_space<vmem>>, vector<104x256xf32>
      tpu.vector_store %arg21[%swap3A_159, %swap3A_160], %dot_general3A_156 {strides = array<i32>} : memref<1664x256xf32, #tpu.memory_space<vmem>>, vector<104x256xf32>,
    }
    %scan3A_39 = arith.constant 16 : i32
    %get3A_40 = arith.constant 0 : index
    %get3A_41 = arith.constant 0 : index
    %get3A_42 = vector.load %arg21[%get3A_40, %get3A_41] : memref<1664x256xf32, #tpu.memory_space<vmem>>, vector<512x256xf32>
    %mul3A = arith.mulf %get3A_42, %get3A_42 : vector<512x256xf32>
    %reduce_sum3A = arith.constant dense<0.000000e+00> : vector<512xf32>
    %reduce_sum3A_43 = vector.multi_reduction <add>, %mul3A, %reduce_sum3A [1] : vector<512x256xf32> to vector<512xf32>
    %broadcast_in_dim3A_44 = vector.shape_cast %reduce_sum3A_43 : vector<512xf32> to vector<512x1xf32>
    %sqrt3A = math.sqrt %broadcast_in_dim3A_44 : vector<512x1xf32>
    %max3A = arith.constant 9.99999996E-13 : f32
    %max3A_45 = vector.broadcast %max3A : f32 to vector<512x1xf32>
    %max3A_46 = arith.maximumf %sqrt3A, %max3A_45 : vector<512x1xf32>
    %div3A = vector.broadcast %max3A_46 : vector<512x1xf32> to vector<512x256xf32>
    %div3A_47 = arith.divf %get3A_42, %div3A : vector<512x256xf32>
    %convert_element_type3A = arith.truncf %div3A_47 : vector<512x256xf32> to vector<512x256xbf16>
    %broadcast_in_dim3A_48 = arith.constant 0xFF800000 : f32
    %broadcast_in_dim3A_49 = vector.broadcast %broadcast_in_dim3A_48 : f32 to vector<512x1xf32>
    %broadcast_in_dim3A_50 = arith.constant 0 : i32
    %broadcast_in_dim3A_51 = vector.broadcast %broadcast_in_dim3A_50 : i32 to vector<512x1xi32>
    %scan3A_52 = arith.constant 0 : i32
    %scan3A_53 = arith.constant 8 : i32
    %scan3A_54 = arith.addi %scan3A_52, %scan3A_53 : i32
    %scan3A_55 = arith.constant 1 : i32
    %scan3A_56:2 = scf.for %scan3A_142 = %scan3A_52 to %scan3A_54 step %scan3A_55 iter_args(%scan3A_143 = %broadcast_in_dim3A_49, %scan3A_144 = %broadcast_in_dim3A_51) -> (vector<512x1xf32>, vector<512x1xi32>)  : i32 {
      %mul3A_145 = arith.constant 1024 : i32
      %mul3A_146 = arith.muli %scan3A_142, %mul3A_145 : i32
      %get3A_147 = arith.constant 0 : index
      %get3A_148 = arith.index_cast %mul3A_146 : i32 to index
      %get3A_149 = vector.load %arg4[%get3A_147, %get3A_148] : memref<256x8192xbf16, #tpu.memory_space<vmem>>, vector<256x1024xbf16>
      %dot_general3A = arith.constant dense<0.000000e+00> : vector<512x1024xf32>
      %dot_general3A_150 = tpu.matmul %convert_element_type3A, %get3A_149, %dot_general3A {dimension_numbers = #tpu.dot_dimension_numbers<[1], [0], [0], [1], [0, 0, 1, 1], [], []>, transpose_lhs_hint = false} : vector<512x256xbf16>, vector<256x1024xbf16>, vector<512x1024xf32> -> vector<512x1024xf32>
      %reduce_max3A = arith.constant dense<0xFF800000> : vector<512xf32>
      %reduce_max3A_151 = vector.multi_reduction <maximumf>, %dot_general3A_150, %reduce_max3A [1] : vector<512x1024xf32> to vector<512xf32>
      %broadcast_in_dim3A_152 = vector.shape_cast %reduce_max3A_151 : vector<512xf32> to vector<512x1xf32>
      %iota3A = tpu.iota {dimensions = array<i32: 1>} : vector<512x1024xi32>
      %eq3A = vector.broadcast %broadcast_in_dim3A_152 : vector<512x1xf32> to vector<512x1024xf32>
      %eq3A_153 = arith.cmpf oeq, %dot_general3A_150, %eq3A : vector<512x1024xf32>
      %jit3A = arith.constant 1073741824 : i32
      %broadcast_in_dim3A_154 = vector.broadcast %jit3A : i32 to vector<512x1024xi32>
      %select_n3A = arith.select %eq3A_153, %iota3A, %broadcast_in_dim3A_154 : vector<512x1024xi1>, vector<512x1024xi32>
      %reduce_min3A = arith.constant dense<2147483647> : vector<512xi32>
      %reduce_min3A_155 = vector.multi_reduction <minsi>, %select_n3A, %reduce_min3A [1] : vector<512x1024xi32> to vector<512xi32>
      %broadcast_in_dim3A_156 = vector.shape_cast %reduce_min3A_155 : vector<512xi32> to vector<512x1xi32>
      %gt3A = arith.cmpf ogt, %broadcast_in_dim3A_152, %scan3A_143 : vector<512x1xf32>
      %select_n3A_157 = arith.select %gt3A, %broadcast_in_dim3A_152, %scan3A_143 : vector<512x1xi1>, vector<512x1xf32>
      %mul3A_158 = arith.constant 1024 : i32
      %mul3A_159 = arith.muli %scan3A_142, %mul3A_158 : i32
      %add3A = vector.broadcast %mul3A_159 : i32 to vector<512x1xi32>
      %add3A_160 = arith.addi %broadcast_in_dim3A_156, %add3A : vector<512x1xi32>
      %select_n3A_161 = arith.select %gt3A, %add3A_160, %scan3A_144 : vector<512x1xi1>, vector<512x1xi32>
      scf.yield %select_n3A_157, %select_n3A_161 : vector<512x1xf32>, vector<512x1xi32>
    }
    %scan3A_57 = arith.constant 8 : i32
    %swap3A_58 = arith.constant 0 : index
    %swap3A_59 = arith.constant 0 : index
    %swap3A_60 = vector.load %arg16[%swap3A_58, %swap3A_59] : memref<1664x1xi32, #tpu.memory_space<vmem>>, vector<512x1xi32>
    tpu.vector_store %arg16[%swap3A_58, %swap3A_59], %scan3A_56#1 {strides = array<i32>} : memref<1664x1xi32, #tpu.memory_space<vmem>>, vector<512x1xi32>,
    %get3A_61 = arith.constant 512 : index
    %get3A_62 = arith.constant 0 : index
    %get3A_63 = vector.load %arg21[%get3A_61, %get3A_62] : memref<1664x256xf32, #tpu.memory_space<vmem>>, vector<512x256xf32>
    %mul3A_64 = arith.mulf %get3A_63, %get3A_63 : vector<512x256xf32>
    %reduce_sum3A_65 = arith.constant dense<0.000000e+00> : vector<512xf32>
    %reduce_sum3A_66 = vector.multi_reduction <add>, %mul3A_64, %reduce_sum3A_65 [1] : vector<512x256xf32> to vector<512xf32>
    %broadcast_in_dim3A_67 = vector.shape_cast %reduce_sum3A_66 : vector<512xf32> to vector<512x1xf32>
    %sqrt3A_68 = math.sqrt %broadcast_in_dim3A_67 : vector<512x1xf32>
    %max3A_69 = arith.constant 9.99999996E-13 : f32
    %max3A_70 = vector.broadcast %max3A_69 : f32 to vector<512x1xf32>
    %max3A_71 = arith.maximumf %sqrt3A_68, %max3A_70 : vector<512x1xf32>
    %div3A_72 = vector.broadcast %max3A_71 : vector<512x1xf32> to vector<512x256xf32>
    %div3A_73 = arith.divf %get3A_63, %div3A_72 : vector<512x256xf32>
    %convert_element_type3A_74 = arith.truncf %div3A_73 : vector<512x256xf32> to vector<512x256xbf16>
    %broadcast_in_dim3A_75 = arith.constant 0xFF800000 : f32
    %broadcast_in_dim3A_76 = vector.broadcast %broadcast_in_dim3A_75 : f32 to vector<512x1xf32>
    %broadcast_in_dim3A_77 = arith.constant 0 : i32
    %broadcast_in_dim3A_78 = vector.broadcast %broadcast_in_dim3A_77 : i32 to vector<512x1xi32>
    %scan3A_79 = arith.constant 0 : i32
    %scan3A_80 = arith.constant 8 : i32
    %scan3A_81 = arith.addi %scan3A_79, %scan3A_80 : i32
    %scan3A_82 = arith.constant 1 : i32
    %scan3A_83:2 = scf.for %scan3A_142 = %scan3A_79 to %scan3A_81 step %scan3A_82 iter_args(%scan3A_143 = %broadcast_in_dim3A_76, %scan3A_144 = %broadcast_in_dim3A_78) -> (vector<512x1xf32>, vector<512x1xi32>)  : i32 {
      %mul3A_145 = arith.constant 1024 : i32
      %mul3A_146 = arith.muli %scan3A_142, %mul3A_145 : i32
      %get3A_147 = arith.constant 0 : index
      %get3A_148 = arith.index_cast %mul3A_146 : i32 to index
      %get3A_149 = vector.load %arg4[%get3A_147, %get3A_148] : memref<256x8192xbf16, #tpu.memory_space<vmem>>, vector<256x1024xbf16>
      %dot_general3A = arith.constant dense<0.000000e+00> : vector<512x1024xf32>
      %dot_general3A_150 = tpu.matmul %convert_element_type3A_74, %get3A_149, %dot_general3A {dimension_numbers = #tpu.dot_dimension_numbers<[1], [0], [0], [1], [0, 0, 1, 1], [], []>, transpose_lhs_hint = false} : vector<512x256xbf16>, vector<256x1024xbf16>, vector<512x1024xf32> -> vector<512x1024xf32>
      %reduce_max3A = arith.constant dense<0xFF800000> : vector<512xf32>
      %reduce_max3A_151 = vector.multi_reduction <maximumf>, %dot_general3A_150, %reduce_max3A [1] : vector<512x1024xf32> to vector<512xf32>
      %broadcast_in_dim3A_152 = vector.shape_cast %reduce_max3A_151 : vector<512xf32> to vector<512x1xf32>
      %iota3A = tpu.iota {dimensions = array<i32: 1>} : vector<512x1024xi32>
      %eq3A = vector.broadcast %broadcast_in_dim3A_152 : vector<512x1xf32> to vector<512x1024xf32>
      %eq3A_153 = arith.cmpf oeq, %dot_general3A_150, %eq3A : vector<512x1024xf32>
      %jit3A = arith.constant 1073741824 : i32
      %broadcast_in_dim3A_154 = vector.broadcast %jit3A : i32 to vector<512x1024xi32>
      %select_n3A = arith.select %eq3A_153, %iota3A, %broadcast_in_dim3A_154 : vector<512x1024xi1>, vector<512x1024xi32>
      %reduce_min3A = arith.constant dense<2147483647> : vector<512xi32>
      %reduce_min3A_155 = vector.multi_reduction <minsi>, %select_n3A, %reduce_min3A [1] : vector<512x1024xi32> to vector<512xi32>
      %broadcast_in_dim3A_156 = vector.shape_cast %reduce_min3A_155 : vector<512xi32> to vector<512x1xi32>
      %gt3A = arith.cmpf ogt, %broadcast_in_dim3A_152, %scan3A_143 : vector<512x1xf32>
      %select_n3A_157 = arith.select %gt3A, %broadcast_in_dim3A_152, %scan3A_143 : vector<512x1xi1>, vector<512x1xf32>
      %mul3A_158 = arith.constant 1024 : i32
      %mul3A_159 = arith.muli %scan3A_142, %mul3A_158 : i32
      %add3A = vector.broadcast %mul3A_159 : i32 to vector<512x1xi32>
      %add3A_160 = arith.addi %broadcast_in_dim3A_156, %add3A : vector<512x1xi32>
      %select_n3A_161 = arith.select %gt3A, %add3A_160, %scan3A_144 : vector<512x1xi1>, vector<512x1xi32>
      scf.yield %select_n3A_157, %select_n3A_161 : vector<512x1xf32>, vector<512x1xi32>
    }
    %scan3A_84 = arith.constant 8 : i32
    %swap3A_85 = arith.constant 512 : index
    %swap3A_86 = arith.constant 0 : index
    %swap3A_87 = vector.load %arg16[%swap3A_85, %swap3A_86] : memref<1664x1xi32, #tpu.memory_space<vmem>>, vector<512x1xi32>
    tpu.vector_store %arg16[%swap3A_85, %swap3A_86], %scan3A_83#1 {strides = array<i32>} : memref<1664x1xi32, #tpu.memory_space<vmem>>, vector<512x1xi32>,
    %get3A_88 = arith.constant 1024 : index
    %get3A_89 = arith.constant 0 : index
    %get3A_90 = vector.load %arg21[%get3A_88, %get3A_89] : memref<1664x256xf32, #tpu.memory_space<vmem>>, vector<512x256xf32>
    %mul3A_91 = arith.mulf %get3A_90, %get3A_90 : vector<512x256xf32>
    %reduce_sum3A_92 = arith.constant dense<0.000000e+00> : vector<512xf32>
    %reduce_sum3A_93 = vector.multi_reduction <add>, %mul3A_91, %reduce_sum3A_92 [1] : vector<512x256xf32> to vector<512xf32>
    %broadcast_in_dim3A_94 = vector.shape_cast %reduce_sum3A_93 : vector<512xf32> to vector<512x1xf32>
    %sqrt3A_95 = math.sqrt %broadcast_in_dim3A_94 : vector<512x1xf32>
    %max3A_96 = arith.constant 9.99999996E-13 : f32
    %max3A_97 = vector.broadcast %max3A_96 : f32 to vector<512x1xf32>
    %max3A_98 = arith.maximumf %sqrt3A_95, %max3A_97 : vector<512x1xf32>
    %div3A_99 = vector.broadcast %max3A_98 : vector<512x1xf32> to vector<512x256xf32>
    %div3A_100 = arith.divf %get3A_90, %div3A_99 : vector<512x256xf32>
    %convert_element_type3A_101 = arith.truncf %div3A_100 : vector<512x256xf32> to vector<512x256xbf16>
    %broadcast_in_dim3A_102 = arith.constant 0xFF800000 : f32
    %broadcast_in_dim3A_103 = vector.broadcast %broadcast_in_dim3A_102 : f32 to vector<512x1xf32>
    %broadcast_in_dim3A_104 = arith.constant 0 : i32
    %broadcast_in_dim3A_105 = vector.broadcast %broadcast_in_dim3A_104 : i32 to vector<512x1xi32>
    %scan3A_106 = arith.constant 0 : i32
    %scan3A_107 = arith.constant 8 : i32
    %scan3A_108 = arith.addi %scan3A_106, %scan3A_107 : i32
    %scan3A_109 = arith.constant 1 : i32
    %scan3A_110:2 = scf.for %scan3A_142 = %scan3A_106 to %scan3A_108 step %scan3A_109 iter_args(%scan3A_143 = %broadcast_in_dim3A_103, %scan3A_144 = %broadcast_in_dim3A_105) -> (vector<512x1xf32>, vector<512x1xi32>)  : i32 {
      %mul3A_145 = arith.constant 1024 : i32
      %mul3A_146 = arith.muli %scan3A_142, %mul3A_145 : i32
      %get3A_147 = arith.constant 0 : index
      %get3A_148 = arith.index_cast %mul3A_146 : i32 to index
      %get3A_149 = vector.load %arg4[%get3A_147, %get3A_148] : memref<256x8192xbf16, #tpu.memory_space<vmem>>, vector<256x1024xbf16>
      %dot_general3A = arith.constant dense<0.000000e+00> : vector<512x1024xf32>
      %dot_general3A_150 = tpu.matmul %convert_element_type3A_101, %get3A_149, %dot_general3A {dimension_numbers = #tpu.dot_dimension_numbers<[1], [0], [0], [1], [0, 0, 1, 1], [], []>, transpose_lhs_hint = false} : vector<512x256xbf16>, vector<256x1024xbf16>, vector<512x1024xf32> -> vector<512x1024xf32>
      %reduce_max3A = arith.constant dense<0xFF800000> : vector<512xf32>
      %reduce_max3A_151 = vector.multi_reduction <maximumf>, %dot_general3A_150, %reduce_max3A [1] : vector<512x1024xf32> to vector<512xf32>
      %broadcast_in_dim3A_152 = vector.shape_cast %reduce_max3A_151 : vector<512xf32> to vector<512x1xf32>
      %iota3A = tpu.iota {dimensions = array<i32: 1>} : vector<512x1024xi32>
      %eq3A = vector.broadcast %broadcast_in_dim3A_152 : vector<512x1xf32> to vector<512x1024xf32>
      %eq3A_153 = arith.cmpf oeq, %dot_general3A_150, %eq3A : vector<512x1024xf32>
      %jit3A = arith.constant 1073741824 : i32
      %broadcast_in_dim3A_154 = vector.broadcast %jit3A : i32 to vector<512x1024xi32>
      %select_n3A = arith.select %eq3A_153, %iota3A, %broadcast_in_dim3A_154 : vector<512x1024xi1>, vector<512x1024xi32>
      %reduce_min3A = arith.constant dense<2147483647> : vector<512xi32>
      %reduce_min3A_155 = vector.multi_reduction <minsi>, %select_n3A, %reduce_min3A [1] : vector<512x1024xi32> to vector<512xi32>
      %broadcast_in_dim3A_156 = vector.shape_cast %reduce_min3A_155 : vector<512xi32> to vector<512x1xi32>
      %gt3A = arith.cmpf ogt, %broadcast_in_dim3A_152, %scan3A_143 : vector<512x1xf32>
      %select_n3A_157 = arith.select %gt3A, %broadcast_in_dim3A_152, %scan3A_143 : vector<512x1xi1>, vector<512x1xf32>
      %mul3A_158 = arith.constant 1024 : i32
      %mul3A_159 = arith.muli %scan3A_142, %mul3A_158 : i32
      %add3A = vector.broadcast %mul3A_159 : i32 to vector<512x1xi32>
      %add3A_160 = arith.addi %broadcast_in_dim3A_156, %add3A : vector<512x1xi32>
      %select_n3A_161 = arith.select %gt3A, %add3A_160, %scan3A_144 : vector<512x1xi1>, vector<512x1xi32>
      scf.yield %select_n3A_157, %select_n3A_161 : vector<512x1xf32>, vector<512x1xi32>
    }
    %scan3A_111 = arith.constant 8 : i32
    %swap3A_112 = arith.constant 1024 : index
    %swap3A_113 = arith.constant 0 : index
    %swap3A_114 = vector.load %arg16[%swap3A_112, %swap3A_113] : memref<1664x1xi32, #tpu.memory_space<vmem>>, vector<512x1xi32>
    tpu.vector_store %arg16[%swap3A_112, %swap3A_113], %scan3A_110#1 {strides = array<i32>} : memref<1664x1xi32, #tpu.memory_space<vmem>>, vector<512x1xi32>,
    %get3A_115 = arith.constant 1536 : index
    %get3A_116 = arith.constant 0 : index
    %get3A_117 = vector.load %arg21[%get3A_115, %get3A_116] : memref<1664x256xf32, #tpu.memory_space<vmem>>, vector<128x256xf32>
    %mul3A_118 = arith.mulf %get3A_117, %get3A_117 : vector<128x256xf32>
    %reduce_sum3A_119 = arith.constant dense<0.000000e+00> : vector<128xf32>
    %reduce_sum3A_120 = vector.multi_reduction <add>, %mul3A_118, %reduce_sum3A_119 [1] : vector<128x256xf32> to vector<128xf32>
    %broadcast_in_dim3A_121 = vector.shape_cast %reduce_sum3A_120 : vector<128xf32> to vector<128x1xf32>
    %sqrt3A_122 = math.sqrt %broadcast_in_dim3A_121 : vector<128x1xf32>
    %max3A_123 = arith.constant 9.99999996E-13 : f32
    %max3A_124 = vector.broadcast %max3A_123 : f32 to vector<128x1xf32>
    %max3A_125 = arith.maximumf %sqrt3A_122, %max3A_124 : vector<128x1xf32>
    %div3A_126 = vector.broadcast %max3A_125 : vector<128x1xf32> to vector<128x256xf32>
    %div3A_127 = arith.divf %get3A_117, %div3A_126 : vector<128x256xf32>
    %convert_element_type3A_128 = arith.truncf %div3A_127 : vector<128x256xf32> to vector<128x256xbf16>
    %broadcast_in_dim3A_129 = arith.constant 0xFF800000 : f32
    %broadcast_in_dim3A_130 = vector.broadcast %broadcast_in_dim3A_129 : f32 to vector<128x1xf32>
    %broadcast_in_dim3A_131 = arith.constant 0 : i32
    %broadcast_in_dim3A_132 = vector.broadcast %broadcast_in_dim3A_131 : i32 to vector<128x1xi32>
    %scan3A_133 = arith.constant 0 : i32
    %scan3A_134 = arith.constant 8 : i32
    %scan3A_135 = arith.addi %scan3A_133, %scan3A_134 : i32
    %scan3A_136 = arith.constant 1 : i32
    %scan3A_137:2 = scf.for %scan3A_142 = %scan3A_133 to %scan3A_135 step %scan3A_136 iter_args(%scan3A_143 = %broadcast_in_dim3A_130, %scan3A_144 = %broadcast_in_dim3A_132) -> (vector<128x1xf32>, vector<128x1xi32>)  : i32 {
      %mul3A_145 = arith.constant 1024 : i32
      %mul3A_146 = arith.muli %scan3A_142, %mul3A_145 : i32
      %get3A_147 = arith.constant 0 : index
      %get3A_148 = arith.index_cast %mul3A_146 : i32 to index
      %get3A_149 = vector.load %arg4[%get3A_147, %get3A_148] : memref<256x8192xbf16, #tpu.memory_space<vmem>>, vector<256x1024xbf16>
      %dot_general3A = arith.constant dense<0.000000e+00> : vector<128x1024xf32>
      %dot_general3A_150 = tpu.matmul %convert_element_type3A_128, %get3A_149, %dot_general3A {dimension_numbers = #tpu.dot_dimension_numbers<[1], [0], [0], [1], [0, 0, 1, 1], [], []>, transpose_lhs_hint = false} : vector<128x256xbf16>, vector<256x1024xbf16>, vector<128x1024xf32> -> vector<128x1024xf32>
      %reduce_max3A = arith.constant dense<0xFF800000> : vector<128xf32>
      %reduce_max3A_151 = vector.multi_reduction <maximumf>, %dot_general3A_150, %reduce_max3A [1] : vector<128x1024xf32> to vector<128xf32>
      %broadcast_in_dim3A_152 = vector.shape_cast %reduce_max3A_151 : vector<128xf32> to vector<128x1xf32>
      %iota3A = tpu.iota {dimensions = array<i32: 1>} : vector<128x1024xi32>
      %eq3A = vector.broadcast %broadcast_in_dim3A_152 : vector<128x1xf32> to vector<128x1024xf32>
      %eq3A_153 = arith.cmpf oeq, %dot_general3A_150, %eq3A : vector<128x1024xf32>
      %jit3A = arith.constant 1073741824 : i32
      %broadcast_in_dim3A_154 = vector.broadcast %jit3A : i32 to vector<128x1024xi32>
      %select_n3A = arith.select %eq3A_153, %iota3A, %broadcast_in_dim3A_154 : vector<128x1024xi1>, vector<128x1024xi32>
      %reduce_min3A = arith.constant dense<2147483647> : vector<128xi32>
      %reduce_min3A_155 = vector.multi_reduction <minsi>, %select_n3A, %reduce_min3A [1] : vector<128x1024xi32> to vector<128xi32>
      %broadcast_in_dim3A_156 = vector.shape_cast %reduce_min3A_155 : vector<128xi32> to vector<128x1xi32>
      %gt3A = arith.cmpf ogt, %broadcast_in_dim3A_152, %scan3A_143 : vector<128x1xf32>
      %select_n3A_157 = arith.select %gt3A, %broadcast_in_dim3A_152, %scan3A_143 : vector<128x1xi1>, vector<128x1xf32>
      %mul3A_158 = arith.constant 1024 : i32
      %mul3A_159 = arith.muli %scan3A_142, %mul3A_158 : i32
      %add3A = vector.broadcast %mul3A_159 : i32 to vector<128x1xi32>
      %add3A_160 = arith.addi %broadcast_in_dim3A_156, %add3A : vector<128x1xi32>
      %select_n3A_161 = arith.select %gt3A, %add3A_160, %scan3A_144 : vector<128x1xi1>, vector<128x1xi32>
      scf.yield %select_n3A_157, %select_n3A_161 : vector<128x1xf32>, vector<128x1xi32>
    }
    %scan3A_138 = arith.constant 8 : i32
    %swap3A_139 = arith.constant 1536 : index
    %swap3A_140 = arith.constant 0 : index
    %swap3A_141 = vector.load %arg16[%swap3A_139, %swap3A_140] : memref<1664x1xi32, #tpu.memory_space<vmem>>, vector<128x1xi32>
    tpu.vector_store %arg16[%swap3A_139, %swap3A_140], %scan3A_137#1 {strides = array<i32>} : memref<1664x1xi32, #tpu.memory_space<vmem>>, vector<128x1xi32>,
    return
  }
}

module attributes {stable_mosaic.version = 14 : i64} {
  func.func @body(%arg0: memref<4096x256xf32, #tpu.memory_space<vmem>>, %arg1: memref<4096x256xf32, #tpu.memory_space<vmem>>, %arg2: memref<4096x256xf32, #tpu.memory_space<vmem>>, %arg3: memref<1664x256xf32, #tpu.memory_space<vmem>>, %arg4: memref<256x8192xbf16, #tpu.memory_space<vmem>>, %arg5: memref<256x160xf32, #tpu.memory_space<vmem>>, %arg6: memref<256x160xf32, #tpu.memory_space<vmem>>, %arg7: memref<256x160xf32, #tpu.memory_space<vmem>>, %arg8: memref<160x104xf32, #tpu.memory_space<vmem>>, %arg9: memref<9x256x256xf32, #tpu.memory_space<vmem>>, %arg10: memref<1x256xf32, #tpu.memory_space<vmem>>, %arg11: memref<4096x9xf32, #tpu.memory_space<vmem>>, %arg12: memref<176x208xf32, #tpu.memory_space<vmem>>, %arg13: memref<208x256xf32, #tpu.memory_space<vmem>>, %arg14: memref<4096x256xf32, #tpu.memory_space<vmem>>, %arg15: memref<4096x256xf32, #tpu.memory_space<vmem>>, %arg16: memref<2816x1xi32, #tpu.memory_space<vmem>>, %arg17: memref<1x1xf32, #tpu.memory_space<vmem>>, %arg18: memref<4144x256xf32, #tpu.memory_space<vmem>>, %arg19: memref<4144x256xf32, #tpu.memory_space<vmem>>, %arg20: memref<4144x256xf32, #tpu.memory_space<vmem>>, %arg21: memref<2816x256xf32, #tpu.memory_space<vmem>>, %arg22: memref<1xf32, #tpu.memory_space<smem>>) attributes {dimension_semantics = [], scalar_prefetch = 0 : i64, scratch_operands = 5 : i64, tpu.core_type = #tpu.core_type<tc>} {
    %broadcast_in_dim3A = arith.constant 0.000000e+00 : f32
    %broadcast_in_dim3A_0 = vector.broadcast %broadcast_in_dim3A : f32 to vector<24x256xf32>
    %swap3A = arith.constant 0 : index
    %swap3A_1 = arith.constant 0 : index
    %swap3A_2 = vector.load %arg18[%swap3A, %swap3A_1] : memref<4144x256xf32, #tpu.memory_space<vmem>>, vector<24x256xf32>
    tpu.vector_store %arg18[%swap3A, %swap3A_1], %broadcast_in_dim3A_0 {strides = array<i32>} : memref<4144x256xf32, #tpu.memory_space<vmem>>, vector<24x256xf32>,
    %swap3A_3 = arith.constant 4120 : index
    %swap3A_4 = arith.constant 0 : index
    %swap3A_5 = vector.load %arg18[%swap3A_3, %swap3A_4] : memref<4144x256xf32, #tpu.memory_space<vmem>>, vector<24x256xf32>
    tpu.vector_store %arg18[%swap3A_3, %swap3A_4], %broadcast_in_dim3A_0 {strides = array<i32>} : memref<4144x256xf32, #tpu.memory_space<vmem>>, vector<24x256xf32>,
    %swap3A_6 = arith.constant 0 : index
    %swap3A_7 = arith.constant 0 : index
    %swap3A_8 = vector.load %arg19[%swap3A_6, %swap3A_7] : memref<4144x256xf32, #tpu.memory_space<vmem>>, vector<24x256xf32>
    tpu.vector_store %arg19[%swap3A_6, %swap3A_7], %broadcast_in_dim3A_0 {strides = array<i32>} : memref<4144x256xf32, #tpu.memory_space<vmem>>, vector<24x256xf32>,
    %swap3A_9 = arith.constant 4120 : index
    %swap3A_10 = arith.constant 0 : index
    %swap3A_11 = vector.load %arg19[%swap3A_9, %swap3A_10] : memref<4144x256xf32, #tpu.memory_space<vmem>>, vector<24x256xf32>
    tpu.vector_store %arg19[%swap3A_9, %swap3A_10], %broadcast_in_dim3A_0 {strides = array<i32>} : memref<4144x256xf32, #tpu.memory_space<vmem>>, vector<24x256xf32>,
    %swap3A_12 = arith.constant 0 : index
    %swap3A_13 = arith.constant 0 : index
    %swap3A_14 = vector.load %arg20[%swap3A_12, %swap3A_13] : memref<4144x256xf32, #tpu.memory_space<vmem>>, vector<24x256xf32>
    tpu.vector_store %arg20[%swap3A_12, %swap3A_13], %broadcast_in_dim3A_0 {strides = array<i32>} : memref<4144x256xf32, #tpu.memory_space<vmem>>, vector<24x256xf32>,
    %swap3A_15 = arith.constant 4120 : index
    %swap3A_16 = arith.constant 0 : index
    %swap3A_17 = vector.load %arg20[%swap3A_15, %swap3A_16] : memref<4144x256xf32, #tpu.memory_space<vmem>>, vector<24x256xf32>
    tpu.vector_store %arg20[%swap3A_15, %swap3A_16], %broadcast_in_dim3A_0 {strides = array<i32>} : memref<4144x256xf32, #tpu.memory_space<vmem>>, vector<24x256xf32>,
    %scan3A = arith.constant 0 : i32
    %scan3A_18 = arith.constant 16 : i32
    %scan3A_19 = arith.addi %scan3A, %scan3A_18 : i32
    %scan3A_20 = arith.constant 1 : i32
    scf.for %scan3A_196 = %scan3A to %scan3A_19 step %scan3A_20  : i32 {
      %mul3A_197 = arith.constant 104 : i32
      %mul3A_198 = arith.muli %scan3A_196, %mul3A_197 : i32
      %get3A_199 = arith.index_cast %mul3A_198 : i32 to index
      %get3A_200 = arith.constant 0 : index
      %get3A_201 = vector.load %arg3[%get3A_199, %get3A_200] : memref<1664x256xf32, #tpu.memory_space<vmem>>, vector<104x256xf32>
      %get3A_202 = arith.constant 0 : index
      %get3A_203 = arith.constant 0 : index
      %get3A_204 = vector.load %arg8[%get3A_202, %get3A_203] : memref<160x104xf32, #tpu.memory_space<vmem>>, vector<160x104xf32>
      %dot_general3A = arith.constant dense<0.000000e+00> : vector<160x256xf32>
      %dot_general3A_205 = tpu.matmul %get3A_204, %get3A_201, %dot_general3A {dimension_numbers = #tpu.dot_dimension_numbers<[1], [0], [0], [1], [0, 0, 1, 1], [], []>, transpose_lhs_hint = false} : vector<160x104xf32>, vector<104x256xf32>, vector<160x256xf32> -> vector<160x256xf32>
      %mul3A_206 = arith.constant 256 : i32
      %mul3A_207 = arith.muli %scan3A_196, %mul3A_206 : i32
      %add3A = arith.constant 24 : i32
      %add3A_208 = arith.addi %add3A, %mul3A_207 : i32
      %get3A_209 = arith.constant 0 : index
      %get3A_210 = arith.constant 0 : index
      %get3A_211 = vector.load %arg5[%get3A_209, %get3A_210] : memref<256x160xf32, #tpu.memory_space<vmem>>, vector<256x160xf32>
      %dot_general3A_212 = arith.constant dense<0.000000e+00> : vector<256x256xf32>
      %dot_general3A_213 = tpu.matmul %get3A_211, %dot_general3A_205, %dot_general3A_212 {dimension_numbers = #tpu.dot_dimension_numbers<[1], [0], [0], [1], [0, 0, 1, 1], [], []>, transpose_lhs_hint = false} : vector<256x160xf32>, vector<160x256xf32>, vector<256x256xf32> -> vector<256x256xf32>
      %swap3A_214 = arith.index_cast %add3A_208 : i32 to index
      %swap3A_215 = arith.constant 0 : index
      %swap3A_216 = vector.load %arg18[%swap3A_214, %swap3A_215] : memref<4144x256xf32, #tpu.memory_space<vmem>>, vector<256x256xf32>
      tpu.vector_store %arg18[%swap3A_214, %swap3A_215], %dot_general3A_213 {strides = array<i32>} : memref<4144x256xf32, #tpu.memory_space<vmem>>, vector<256x256xf32>,
      %get3A_217 = arith.constant 0 : index
      %get3A_218 = arith.constant 0 : index
      %get3A_219 = vector.load %arg6[%get3A_217, %get3A_218] : memref<256x160xf32, #tpu.memory_space<vmem>>, vector<256x160xf32>
      %dot_general3A_220 = arith.constant dense<0.000000e+00> : vector<256x256xf32>
      %dot_general3A_221 = tpu.matmul %get3A_219, %dot_general3A_205, %dot_general3A_220 {dimension_numbers = #tpu.dot_dimension_numbers<[1], [0], [0], [1], [0, 0, 1, 1], [], []>, transpose_lhs_hint = false} : vector<256x160xf32>, vector<160x256xf32>, vector<256x256xf32> -> vector<256x256xf32>
      %swap3A_222 = arith.index_cast %add3A_208 : i32 to index
      %swap3A_223 = arith.constant 0 : index
      %swap3A_224 = vector.load %arg19[%swap3A_222, %swap3A_223] : memref<4144x256xf32, #tpu.memory_space<vmem>>, vector<256x256xf32>
      tpu.vector_store %arg19[%swap3A_222, %swap3A_223], %dot_general3A_221 {strides = array<i32>} : memref<4144x256xf32, #tpu.memory_space<vmem>>, vector<256x256xf32>,
      %get3A_225 = arith.constant 0 : index
      %get3A_226 = arith.constant 0 : index
      %get3A_227 = vector.load %arg7[%get3A_225, %get3A_226] : memref<256x160xf32, #tpu.memory_space<vmem>>, vector<256x160xf32>
      %dot_general3A_228 = arith.constant dense<0.000000e+00> : vector<256x256xf32>
      %dot_general3A_229 = tpu.matmul %get3A_227, %dot_general3A_205, %dot_general3A_228 {dimension_numbers = #tpu.dot_dimension_numbers<[1], [0], [0], [1], [0, 0, 1, 1], [], []>, transpose_lhs_hint = false} : vector<256x160xf32>, vector<160x256xf32>, vector<256x256xf32> -> vector<256x256xf32>
      %swap3A_230 = arith.index_cast %add3A_208 : i32 to index
      %swap3A_231 = arith.constant 0 : index
      %swap3A_232 = vector.load %arg20[%swap3A_230, %swap3A_231] : memref<4144x256xf32, #tpu.memory_space<vmem>>, vector<256x256xf32>
      tpu.vector_store %arg20[%swap3A_230, %swap3A_231], %dot_general3A_229 {strides = array<i32>} : memref<4144x256xf32, #tpu.memory_space<vmem>>, vector<256x256xf32>,
    }
    %scan3A_21 = arith.constant 16 : i32
    %swap3A_22 = arith.constant 0.000000e+00 : f32
    %swap3A_23 = arith.constant 0 : index
    %swap3A_24 = memref.load %arg22[%swap3A_23] : memref<1xf32, #tpu.memory_space<smem>>
    memref.store %swap3A_22, %arg22[%swap3A_23] : memref<1xf32, #tpu.memory_space<smem>>
    %scan3A_25 = arith.constant 0 : i32
    %scan3A_26 = arith.constant 8 : i32
    %scan3A_27 = arith.addi %scan3A_25, %scan3A_26 : i32
    %scan3A_28 = arith.constant 1 : i32
    scf.for %scan3A_196 = %scan3A_25 to %scan3A_27 step %scan3A_28  : i32 {
      %mul3A_197 = arith.constant 512 : i32
      %mul3A_198 = arith.muli %scan3A_196, %mul3A_197 : i32
      %add3A = arith.constant 8 : i32
      %add3A_199 = arith.addi %mul3A_198, %add3A : i32
      %get3A_200 = arith.index_cast %add3A_199 : i32 to index
      %get3A_201 = arith.constant 0 : index
      %get3A_202 = vector.load %arg20[%get3A_200, %get3A_201] : memref<4144x256xf32, #tpu.memory_space<vmem>>, vector<512x256xf32>
      %get3A_203 = arith.index_cast %mul3A_198 : i32 to index
      %get3A_204 = arith.constant 0 : index
      %get3A_205 = vector.load %arg11[%get3A_203, %get3A_204] : memref<4096x9xf32, #tpu.memory_space<vmem>>, vector<512x1xf32>
      %mul3A_206 = vector.broadcast %get3A_205 : vector<512x1xf32> to vector<512x256xf32>
      %mul3A_207 = arith.mulf %get3A_202, %mul3A_206 : vector<512x256xf32>
      %get3A_208 = arith.constant 0 : index
      %get3A_209 = arith.constant 0 : index
      %get3A_210 = arith.constant 0 : index
      %get3A_211 = vector.load %arg9[%get3A_208, %get3A_209, %get3A_210] : memref<9x256x256xf32, #tpu.memory_space<vmem>>, vector<1x256x256xf32>
      %get3A_212 = vector.shape_cast %get3A_211 : vector<1x256x256xf32> to vector<256x256xf32>
      %dot_general3A = arith.constant dense<0.000000e+00> : vector<512x256xf32>
      %dot_general3A_213 = tpu.matmul %mul3A_207, %get3A_212, %dot_general3A {dimension_numbers = #tpu.dot_dimension_numbers<[1], [0], [0], [1], [0, 0, 1, 1], [], []>, transpose_lhs_hint = false} : vector<512x256xf32>, vector<256x256xf32>, vector<512x256xf32> -> vector<512x256xf32>
      %add3A_214 = arith.constant 8 : i32
      %add3A_215 = arith.addi %mul3A_198, %add3A_214 : i32
      %get3A_216 = arith.index_cast %add3A_215 : i32 to index
      %get3A_217 = arith.constant 0 : index
      %get3A_218 = vector.load %arg18[%get3A_216, %get3A_217] : memref<4144x256xf32, #tpu.memory_space<vmem>>, vector<512x256xf32>
      %get3A_219 = arith.index_cast %mul3A_198 : i32 to index
      %get3A_220 = arith.constant 1 : index
      %get3A_221 = vector.load %arg11[%get3A_219, %get3A_220] : memref<4096x9xf32, #tpu.memory_space<vmem>>, vector<512x1xf32>
      %mul3A_222 = vector.broadcast %get3A_221 : vector<512x1xf32> to vector<512x256xf32>
      %mul3A_223 = arith.mulf %get3A_218, %mul3A_222 : vector<512x256xf32>
      %get3A_224 = arith.constant 1 : index
      %get3A_225 = arith.constant 0 : index
      %get3A_226 = arith.constant 0 : index
      %get3A_227 = vector.load %arg9[%get3A_224, %get3A_225, %get3A_226] : memref<9x256x256xf32, #tpu.memory_space<vmem>>, vector<1x256x256xf32>
      %get3A_228 = vector.shape_cast %get3A_227 : vector<1x256x256xf32> to vector<256x256xf32>
      %dot_general3A_229 = arith.constant dense<0.000000e+00> : vector<512x256xf32>
      %dot_general3A_230 = tpu.matmul %mul3A_223, %get3A_228, %dot_general3A_229 {dimension_numbers = #tpu.dot_dimension_numbers<[1], [0], [0], [1], [0, 0, 1, 1], [], []>, transpose_lhs_hint = false} : vector<512x256xf32>, vector<256x256xf32>, vector<512x256xf32> -> vector<512x256xf32>
      %add3A_231 = arith.addf %dot_general3A_213, %dot_general3A_230 : vector<512x256xf32>
      %add3A_232 = arith.constant 8 : i32
      %add3A_233 = arith.addi %mul3A_198, %add3A_232 : i32
      %get3A_234 = arith.index_cast %add3A_233 : i32 to index
      %get3A_235 = arith.constant 0 : index
      %get3A_236 = vector.load %arg19[%get3A_234, %get3A_235] : memref<4144x256xf32, #tpu.memory_space<vmem>>, vector<512x256xf32>
      %get3A_237 = arith.index_cast %mul3A_198 : i32 to index
      %get3A_238 = arith.constant 2 : index
      %get3A_239 = vector.load %arg11[%get3A_237, %get3A_238] : memref<4096x9xf32, #tpu.memory_space<vmem>>, vector<512x1xf32>
      %mul3A_240 = vector.broadcast %get3A_239 : vector<512x1xf32> to vector<512x256xf32>
      %mul3A_241 = arith.mulf %get3A_236, %mul3A_240 : vector<512x256xf32>
      %get3A_242 = arith.constant 2 : index
      %get3A_243 = arith.constant 0 : index
      %get3A_244 = arith.constant 0 : index
      %get3A_245 = vector.load %arg9[%get3A_242, %get3A_243, %get3A_244] : memref<9x256x256xf32, #tpu.memory_space<vmem>>, vector<1x256x256xf32>
      %get3A_246 = vector.shape_cast %get3A_245 : vector<1x256x256xf32> to vector<256x256xf32>
      %dot_general3A_247 = arith.constant dense<0.000000e+00> : vector<512x256xf32>
      %dot_general3A_248 = tpu.matmul %mul3A_241, %get3A_246, %dot_general3A_247 {dimension_numbers = #tpu.dot_dimension_numbers<[1], [0], [0], [1], [0, 0, 1, 1], [], []>, transpose_lhs_hint = false} : vector<512x256xf32>, vector<256x256xf32>, vector<512x256xf32> -> vector<512x256xf32>
      %add3A_249 = arith.addf %add3A_231, %dot_general3A_248 : vector<512x256xf32>
      %add3A_250 = arith.constant 24 : i32
      %add3A_251 = arith.addi %mul3A_198, %add3A_250 : i32
      %get3A_252 = arith.index_cast %add3A_251 : i32 to index
      %get3A_253 = arith.constant 0 : index
      %get3A_254 = vector.load %arg20[%get3A_252, %get3A_253] : memref<4144x256xf32, #tpu.memory_space<vmem>>, vector<512x256xf32>
      %get3A_255 = arith.index_cast %mul3A_198 : i32 to index
      %get3A_256 = arith.constant 3 : index
      %get3A_257 = vector.load %arg11[%get3A_255, %get3A_256] : memref<4096x9xf32, #tpu.memory_space<vmem>>, vector<512x1xf32>
      %mul3A_258 = vector.broadcast %get3A_257 : vector<512x1xf32> to vector<512x256xf32>
      %mul3A_259 = arith.mulf %get3A_254, %mul3A_258 : vector<512x256xf32>
      %get3A_260 = arith.constant 3 : index
      %get3A_261 = arith.constant 0 : index
      %get3A_262 = arith.constant 0 : index
      %get3A_263 = vector.load %arg9[%get3A_260, %get3A_261, %get3A_262] : memref<9x256x256xf32, #tpu.memory_space<vmem>>, vector<1x256x256xf32>
      %get3A_264 = vector.shape_cast %get3A_263 : vector<1x256x256xf32> to vector<256x256xf32>
      %dot_general3A_265 = arith.constant dense<0.000000e+00> : vector<512x256xf32>
      %dot_general3A_266 = tpu.matmul %mul3A_259, %get3A_264, %dot_general3A_265 {dimension_numbers = #tpu.dot_dimension_numbers<[1], [0], [0], [1], [0, 0, 1, 1], [], []>, transpose_lhs_hint = false} : vector<512x256xf32>, vector<256x256xf32>, vector<512x256xf32> -> vector<512x256xf32>
      %add3A_267 = arith.addf %add3A_249, %dot_general3A_266 : vector<512x256xf32>
      %add3A_268 = arith.constant 24 : i32
      %add3A_269 = arith.addi %mul3A_198, %add3A_268 : i32
      %get3A_270 = arith.index_cast %add3A_269 : i32 to index
      %get3A_271 = arith.constant 0 : index
      %get3A_272 = vector.load %arg18[%get3A_270, %get3A_271] : memref<4144x256xf32, #tpu.memory_space<vmem>>, vector<512x256xf32>
      %get3A_273 = arith.index_cast %mul3A_198 : i32 to index
      %get3A_274 = arith.constant 4 : index
      %get3A_275 = vector.load %arg11[%get3A_273, %get3A_274] : memref<4096x9xf32, #tpu.memory_space<vmem>>, vector<512x1xf32>
      %mul3A_276 = vector.broadcast %get3A_275 : vector<512x1xf32> to vector<512x256xf32>
      %mul3A_277 = arith.mulf %get3A_272, %mul3A_276 : vector<512x256xf32>
      %get3A_278 = arith.constant 4 : index
      %get3A_279 = arith.constant 0 : index
      %get3A_280 = arith.constant 0 : index
      %get3A_281 = vector.load %arg9[%get3A_278, %get3A_279, %get3A_280] : memref<9x256x256xf32, #tpu.memory_space<vmem>>, vector<1x256x256xf32>
      %get3A_282 = vector.shape_cast %get3A_281 : vector<1x256x256xf32> to vector<256x256xf32>
      %dot_general3A_283 = arith.constant dense<0.000000e+00> : vector<512x256xf32>
      %dot_general3A_284 = tpu.matmul %mul3A_277, %get3A_282, %dot_general3A_283 {dimension_numbers = #tpu.dot_dimension_numbers<[1], [0], [0], [1], [0, 0, 1, 1], [], []>, transpose_lhs_hint = false} : vector<512x256xf32>, vector<256x256xf32>, vector<512x256xf32> -> vector<512x256xf32>
      %add3A_285 = arith.addf %add3A_267, %dot_general3A_284 : vector<512x256xf32>
      %add3A_286 = arith.constant 24 : i32
      %add3A_287 = arith.addi %mul3A_198, %add3A_286 : i32
      %get3A_288 = arith.index_cast %add3A_287 : i32 to index
      %get3A_289 = arith.constant 0 : index
      %get3A_290 = vector.load %arg19[%get3A_288, %get3A_289] : memref<4144x256xf32, #tpu.memory_space<vmem>>, vector<512x256xf32>
      %get3A_291 = arith.index_cast %mul3A_198 : i32 to index
      %get3A_292 = arith.constant 5 : index
      %get3A_293 = vector.load %arg11[%get3A_291, %get3A_292] : memref<4096x9xf32, #tpu.memory_space<vmem>>, vector<512x1xf32>
      %mul3A_294 = vector.broadcast %get3A_293 : vector<512x1xf32> to vector<512x256xf32>
      %mul3A_295 = arith.mulf %get3A_290, %mul3A_294 : vector<512x256xf32>
      %get3A_296 = arith.constant 5 : index
      %get3A_297 = arith.constant 0 : index
      %get3A_298 = arith.constant 0 : index
      %get3A_299 = vector.load %arg9[%get3A_296, %get3A_297, %get3A_298] : memref<9x256x256xf32, #tpu.memory_space<vmem>>, vector<1x256x256xf32>
      %get3A_300 = vector.shape_cast %get3A_299 : vector<1x256x256xf32> to vector<256x256xf32>
      %dot_general3A_301 = arith.constant dense<0.000000e+00> : vector<512x256xf32>
      %dot_general3A_302 = tpu.matmul %mul3A_295, %get3A_300, %dot_general3A_301 {dimension_numbers = #tpu.dot_dimension_numbers<[1], [0], [0], [1], [0, 0, 1, 1], [], []>, transpose_lhs_hint = false} : vector<512x256xf32>, vector<256x256xf32>, vector<512x256xf32> -> vector<512x256xf32>
      %add3A_303 = arith.addf %add3A_285, %dot_general3A_302 : vector<512x256xf32>
      %add3A_304 = arith.constant 40 : i32
      %add3A_305 = arith.addi %mul3A_198, %add3A_304 : i32
      %get3A_306 = arith.index_cast %add3A_305 : i32 to index
      %get3A_307 = arith.constant 0 : index
      %get3A_308 = vector.load %arg20[%get3A_306, %get3A_307] : memref<4144x256xf32, #tpu.memory_space<vmem>>, vector<512x256xf32>
      %get3A_309 = arith.index_cast %mul3A_198 : i32 to index
      %get3A_310 = arith.constant 6 : index
      %get3A_311 = vector.load %arg11[%get3A_309, %get3A_310] : memref<4096x9xf32, #tpu.memory_space<vmem>>, vector<512x1xf32>
      %mul3A_312 = vector.broadcast %get3A_311 : vector<512x1xf32> to vector<512x256xf32>
      %mul3A_313 = arith.mulf %get3A_308, %mul3A_312 : vector<512x256xf32>
      %get3A_314 = arith.constant 6 : index
      %get3A_315 = arith.constant 0 : index
      %get3A_316 = arith.constant 0 : index
      %get3A_317 = vector.load %arg9[%get3A_314, %get3A_315, %get3A_316] : memref<9x256x256xf32, #tpu.memory_space<vmem>>, vector<1x256x256xf32>
      %get3A_318 = vector.shape_cast %get3A_317 : vector<1x256x256xf32> to vector<256x256xf32>
      %dot_general3A_319 = arith.constant dense<0.000000e+00> : vector<512x256xf32>
      %dot_general3A_320 = tpu.matmul %mul3A_313, %get3A_318, %dot_general3A_319 {dimension_numbers = #tpu.dot_dimension_numbers<[1], [0], [0], [1], [0, 0, 1, 1], [], []>, transpose_lhs_hint = false} : vector<512x256xf32>, vector<256x256xf32>, vector<512x256xf32> -> vector<512x256xf32>
      %add3A_321 = arith.addf %add3A_303, %dot_general3A_320 : vector<512x256xf32>
      %add3A_322 = arith.constant 40 : i32
      %add3A_323 = arith.addi %mul3A_198, %add3A_322 : i32
      %get3A_324 = arith.index_cast %add3A_323 : i32 to index
      %get3A_325 = arith.constant 0 : index
      %get3A_326 = vector.load %arg18[%get3A_324, %get3A_325] : memref<4144x256xf32, #tpu.memory_space<vmem>>, vector<512x256xf32>
      %get3A_327 = arith.index_cast %mul3A_198 : i32 to index
      %get3A_328 = arith.constant 7 : index
      %get3A_329 = vector.load %arg11[%get3A_327, %get3A_328] : memref<4096x9xf32, #tpu.memory_space<vmem>>, vector<512x1xf32>
      %mul3A_330 = vector.broadcast %get3A_329 : vector<512x1xf32> to vector<512x256xf32>
      %mul3A_331 = arith.mulf %get3A_326, %mul3A_330 : vector<512x256xf32>
      %get3A_332 = arith.constant 7 : index
      %get3A_333 = arith.constant 0 : index
      %get3A_334 = arith.constant 0 : index
      %get3A_335 = vector.load %arg9[%get3A_332, %get3A_333, %get3A_334] : memref<9x256x256xf32, #tpu.memory_space<vmem>>, vector<1x256x256xf32>
      %get3A_336 = vector.shape_cast %get3A_335 : vector<1x256x256xf32> to vector<256x256xf32>
      %dot_general3A_337 = arith.constant dense<0.000000e+00> : vector<512x256xf32>
      %dot_general3A_338 = tpu.matmul %mul3A_331, %get3A_336, %dot_general3A_337 {dimension_numbers = #tpu.dot_dimension_numbers<[1], [0], [0], [1], [0, 0, 1, 1], [], []>, transpose_lhs_hint = false} : vector<512x256xf32>, vector<256x256xf32>, vector<512x256xf32> -> vector<512x256xf32>
      %add3A_339 = arith.addf %add3A_321, %dot_general3A_338 : vector<512x256xf32>
      %add3A_340 = arith.constant 40 : i32
      %add3A_341 = arith.addi %mul3A_198, %add3A_340 : i32
      %get3A_342 = arith.index_cast %add3A_341 : i32 to index
      %get3A_343 = arith.constant 0 : index
      %get3A_344 = vector.load %arg19[%get3A_342, %get3A_343] : memref<4144x256xf32, #tpu.memory_space<vmem>>, vector<512x256xf32>
      %get3A_345 = arith.index_cast %mul3A_198 : i32 to index
      %get3A_346 = arith.constant 8 : index
      %get3A_347 = vector.load %arg11[%get3A_345, %get3A_346] : memref<4096x9xf32, #tpu.memory_space<vmem>>, vector<512x1xf32>
      %mul3A_348 = vector.broadcast %get3A_347 : vector<512x1xf32> to vector<512x256xf32>
      %mul3A_349 = arith.mulf %get3A_344, %mul3A_348 : vector<512x256xf32>
      %get3A_350 = arith.constant 8 : index
      %get3A_351 = arith.constant 0 : index
      %get3A_352 = arith.constant 0 : index
      %get3A_353 = vector.load %arg9[%get3A_350, %get3A_351, %get3A_352] : memref<9x256x256xf32, #tpu.memory_space<vmem>>, vector<1x256x256xf32>
      %get3A_354 = vector.shape_cast %get3A_353 : vector<1x256x256xf32> to vector<256x256xf32>
      %dot_general3A_355 = arith.constant dense<0.000000e+00> : vector<512x256xf32>
      %dot_general3A_356 = tpu.matmul %mul3A_349, %get3A_354, %dot_general3A_355 {dimension_numbers = #tpu.dot_dimension_numbers<[1], [0], [0], [1], [0, 0, 1, 1], [], []>, transpose_lhs_hint = false} : vector<512x256xf32>, vector<256x256xf32>, vector<512x256xf32> -> vector<512x256xf32>
      %add3A_357 = arith.addf %add3A_339, %dot_general3A_356 : vector<512x256xf32>
      %get3A_358 = arith.constant 0 : index
      %get3A_359 = arith.constant 0 : index
      %get3A_360 = vector.load %arg10[%get3A_358, %get3A_359] : memref<1x256xf32, #tpu.memory_space<vmem>>, vector<1x256xf32>
      %broadcast_in_dim3A_361 = vector.shape_cast %get3A_360 : vector<1x256xf32> to vector<1x256xf32>
      %broadcast_in_dim3A_362 = vector.broadcast %broadcast_in_dim3A_361 : vector<1x256xf32> to vector<512x256xf32>
      %add3A_363 = arith.addf %add3A_357, %broadcast_in_dim3A_362 : vector<512x256xf32>
      %add3A_364 = arith.constant 24 : i32
      %add3A_365 = arith.addi %mul3A_198, %add3A_364 : i32
      %get3A_366 = arith.index_cast %add3A_365 : i32 to index
      %get3A_367 = arith.constant 0 : index
      %get3A_368 = vector.load %arg18[%get3A_366, %get3A_367] : memref<4144x256xf32, #tpu.memory_space<vmem>>, vector<512x256xf32>
      %mul3A_369 = arith.constant 5.000000e-01 : f32
      %mul3A_370 = vector.broadcast %mul3A_369 : f32 to vector<512x256xf32>
      %mul3A_371 = arith.mulf %get3A_368, %mul3A_370 : vector<512x256xf32>
      %mul3A_372 = arith.constant 5.000000e-01 : f32
      %mul3A_373 = vector.broadcast %mul3A_372 : f32 to vector<512x256xf32>
      %mul3A_374 = arith.mulf %add3A_363, %mul3A_373 : vector<512x256xf32>
      %add3A_375 = arith.addf %mul3A_371, %mul3A_374 : vector<512x256xf32>
      %get3A_376 = arith.index_cast %mul3A_198 : i32 to index
      %get3A_377 = arith.constant 0 : index
      %get3A_378 = vector.load %arg1[%get3A_376, %get3A_377] : memref<4096x256xf32, #tpu.memory_space<vmem>>, vector<512x256xf32>
      %add3A_379 = arith.addf %get3A_378, %add3A_375 : vector<512x256xf32>
      %swap3A_380 = arith.index_cast %mul3A_198 : i32 to index
      %swap3A_381 = arith.constant 0 : index
      %swap3A_382 = vector.load %arg15[%swap3A_380, %swap3A_381] : memref<4096x256xf32, #tpu.memory_space<vmem>>, vector<512x256xf32>
      tpu.vector_store %arg15[%swap3A_380, %swap3A_381], %add3A_379 {strides = array<i32>} : memref<4096x256xf32, #tpu.memory_space<vmem>>, vector<512x256xf32>,
      %get3A_383 = arith.index_cast %mul3A_198 : i32 to index
      %get3A_384 = arith.constant 0 : index
      %get3A_385 = vector.load %arg0[%get3A_383, %get3A_384] : memref<4096x256xf32, #tpu.memory_space<vmem>>, vector<512x256xf32>
      %sub3A = arith.subf %get3A_385, %add3A_375 : vector<512x256xf32>
      %swap3A_386 = arith.index_cast %mul3A_198 : i32 to index
      %swap3A_387 = arith.constant 0 : index
      %swap3A_388 = vector.load %arg14[%swap3A_386, %swap3A_387] : memref<4096x256xf32, #tpu.memory_space<vmem>>, vector<512x256xf32>
      tpu.vector_store %arg14[%swap3A_386, %swap3A_387], %sub3A {strides = array<i32>} : memref<4096x256xf32, #tpu.memory_space<vmem>>, vector<512x256xf32>,
      %get3A_389 = arith.index_cast %mul3A_198 : i32 to index
      %get3A_390 = arith.constant 0 : index
      %get3A_391 = vector.load %arg2[%get3A_389, %get3A_390] : memref<4096x256xf32, #tpu.memory_space<vmem>>, vector<512x256xf32>
      %sub3A_392 = arith.subf %add3A_379, %get3A_391 : vector<512x256xf32>
      %get3A_393 = arith.constant 0 : index
      %get3A_394 = memref.load %arg22[%get3A_393] : memref<1xf32, #tpu.memory_space<smem>>
      %mul3A_395 = arith.mulf %sub3A_392, %sub3A_392 : vector<512x256xf32>
      %reduce_sum3A_396 = vector.shape_cast %mul3A_395 : vector<512x256xf32> to vector<1x512x256xf32>
      %reduce_sum3A_397 = arith.constant dense<0.000000e+00> : vector<1xf32>
      %reduce_sum3A_398 = vector.multi_reduction <add>, %reduce_sum3A_396, %reduce_sum3A_397 [1, 2] : vector<1x512x256xf32> to vector<1xf32>
      %reduce_sum3A_399 = vector.shape_cast %reduce_sum3A_398 : vector<1xf32> to vector<1x1x1xf32>
      %reduce_sum3A_400 = vector.extract %reduce_sum3A_399[0, 0, 0] : f32 from vector<1x1x1xf32>
      %add3A_401 = arith.addf %get3A_394, %reduce_sum3A_400 : f32
      %swap3A_402 = arith.constant 0 : index
      %swap3A_403 = memref.load %arg22[%swap3A_402] : memref<1xf32, #tpu.memory_space<smem>>
      memref.store %add3A_401, %arg22[%swap3A_402] : memref<1xf32, #tpu.memory_space<smem>>
    }
    %scan3A_29 = arith.constant 8 : i32
    %get3A = arith.constant 0 : index
    %get3A_30 = memref.load %arg22[%get3A] : memref<1xf32, #tpu.memory_space<smem>>
    %broadcast_in_dim3A_31 = vector.broadcast %get3A_30 : f32 to vector<1x1xf32>
    %swap3A_32 = arith.constant 0 : index
    %swap3A_33 = arith.constant 0 : index
    %swap3A_34 = vector.load %arg17[%swap3A_32, %swap3A_33] : memref<1x1xf32, #tpu.memory_space<vmem>>, vector<1x1xf32>
    tpu.vector_store %arg17[%swap3A_32, %swap3A_33], %broadcast_in_dim3A_31 {strides = array<i32>} : memref<1x1xf32, #tpu.memory_space<vmem>>, vector<1x1xf32>,
    %scan3A_35 = arith.constant 0 : i32
    %scan3A_36 = arith.constant 16 : i32
    %scan3A_37 = arith.addi %scan3A_35, %scan3A_36 : i32
    %scan3A_38 = arith.constant 1 : i32
    scf.for %scan3A_196 = %scan3A_35 to %scan3A_37 step %scan3A_38  : i32 {
      %mul3A_197 = arith.constant 256 : i32
      %mul3A_198 = arith.muli %scan3A_196, %mul3A_197 : i32
      %get3A_199 = arith.index_cast %mul3A_198 : i32 to index
      %get3A_200 = arith.constant 0 : index
      %get3A_201 = vector.load %arg14[%get3A_199, %get3A_200] : memref<4096x256xf32, #tpu.memory_space<vmem>>, vector<256x256xf32>
      %get3A_202 = arith.constant 0 : index
      %get3A_203 = arith.constant 0 : index
      %get3A_204 = vector.load %arg13[%get3A_202, %get3A_203] : memref<208x256xf32, #tpu.memory_space<vmem>>, vector<208x256xf32>
      %dot_general3A = arith.constant dense<0.000000e+00> : vector<208x256xf32>
      %dot_general3A_205 = tpu.matmul %get3A_204, %get3A_201, %dot_general3A {dimension_numbers = #tpu.dot_dimension_numbers<[1], [0], [0], [1], [0, 0, 1, 1], [], []>, transpose_lhs_hint = false} : vector<208x256xf32>, vector<256x256xf32>, vector<208x256xf32> -> vector<208x256xf32>
      %get3A_206 = arith.constant 0 : index
      %get3A_207 = arith.constant 0 : index
      %get3A_208 = vector.load %arg12[%get3A_206, %get3A_207] : memref<176x208xf32, #tpu.memory_space<vmem>>, vector<176x208xf32>
      %dot_general3A_209 = arith.constant dense<0.000000e+00> : vector<176x256xf32>
      %dot_general3A_210 = tpu.matmul %get3A_208, %dot_general3A_205, %dot_general3A_209 {dimension_numbers = #tpu.dot_dimension_numbers<[1], [0], [0], [1], [0, 0, 1, 1], [], []>, transpose_lhs_hint = false} : vector<176x208xf32>, vector<208x256xf32>, vector<176x256xf32> -> vector<176x256xf32>
      %mul3A_211 = arith.constant 176 : i32
      %mul3A_212 = arith.muli %scan3A_196, %mul3A_211 : i32
      %swap3A_213 = arith.index_cast %mul3A_212 : i32 to index
      %swap3A_214 = arith.constant 0 : index
      %swap3A_215 = vector.load %arg21[%swap3A_213, %swap3A_214] : memref<2816x256xf32, #tpu.memory_space<vmem>>, vector<176x256xf32>
      tpu.vector_store %arg21[%swap3A_213, %swap3A_214], %dot_general3A_210 {strides = array<i32>} : memref<2816x256xf32, #tpu.memory_space<vmem>>, vector<176x256xf32>,
    }
    %scan3A_39 = arith.constant 16 : i32
    %get3A_40 = arith.constant 0 : index
    %get3A_41 = arith.constant 0 : index
    %get3A_42 = vector.load %arg21[%get3A_40, %get3A_41] : memref<2816x256xf32, #tpu.memory_space<vmem>>, vector<512x256xf32>
    %mul3A = arith.mulf %get3A_42, %get3A_42 : vector<512x256xf32>
    %reduce_sum3A = arith.constant dense<0.000000e+00> : vector<512xf32>
    %reduce_sum3A_43 = vector.multi_reduction <add>, %mul3A, %reduce_sum3A [1] : vector<512x256xf32> to vector<512xf32>
    %broadcast_in_dim3A_44 = vector.shape_cast %reduce_sum3A_43 : vector<512xf32> to vector<512x1xf32>
    %sqrt3A = math.sqrt %broadcast_in_dim3A_44 : vector<512x1xf32>
    %max3A = arith.constant 9.99999996E-13 : f32
    %max3A_45 = vector.broadcast %max3A : f32 to vector<512x1xf32>
    %max3A_46 = arith.maximumf %sqrt3A, %max3A_45 : vector<512x1xf32>
    %div3A = vector.broadcast %max3A_46 : vector<512x1xf32> to vector<512x256xf32>
    %div3A_47 = arith.divf %get3A_42, %div3A : vector<512x256xf32>
    %convert_element_type3A = arith.truncf %div3A_47 : vector<512x256xf32> to vector<512x256xbf16>
    %broadcast_in_dim3A_48 = arith.constant 0xFF800000 : f32
    %broadcast_in_dim3A_49 = vector.broadcast %broadcast_in_dim3A_48 : f32 to vector<512x1xf32>
    %broadcast_in_dim3A_50 = arith.constant 0 : i32
    %broadcast_in_dim3A_51 = vector.broadcast %broadcast_in_dim3A_50 : i32 to vector<512x1xi32>
    %scan3A_52 = arith.constant 0 : i32
    %scan3A_53 = arith.constant 8 : i32
    %scan3A_54 = arith.addi %scan3A_52, %scan3A_53 : i32
    %scan3A_55 = arith.constant 1 : i32
    %scan3A_56:2 = scf.for %scan3A_196 = %scan3A_52 to %scan3A_54 step %scan3A_55 iter_args(%scan3A_197 = %broadcast_in_dim3A_49, %scan3A_198 = %broadcast_in_dim3A_51) -> (vector<512x1xf32>, vector<512x1xi32>)  : i32 {
      %mul3A_199 = arith.constant 1024 : i32
      %mul3A_200 = arith.muli %scan3A_196, %mul3A_199 : i32
      %get3A_201 = arith.constant 0 : index
      %get3A_202 = arith.index_cast %mul3A_200 : i32 to index
      %get3A_203 = vector.load %arg4[%get3A_201, %get3A_202] : memref<256x8192xbf16, #tpu.memory_space<vmem>>, vector<256x1024xbf16>
      %dot_general3A = arith.constant dense<0.000000e+00> : vector<512x1024xf32>
      %dot_general3A_204 = tpu.matmul %convert_element_type3A, %get3A_203, %dot_general3A {dimension_numbers = #tpu.dot_dimension_numbers<[1], [0], [0], [1], [0, 0, 1, 1], [], []>, transpose_lhs_hint = false} : vector<512x256xbf16>, vector<256x1024xbf16>, vector<512x1024xf32> -> vector<512x1024xf32>
      %reduce_max3A = arith.constant dense<0xFF800000> : vector<512xf32>
      %reduce_max3A_205 = vector.multi_reduction <maximumf>, %dot_general3A_204, %reduce_max3A [1] : vector<512x1024xf32> to vector<512xf32>
      %broadcast_in_dim3A_206 = vector.shape_cast %reduce_max3A_205 : vector<512xf32> to vector<512x1xf32>
      %iota3A = tpu.iota {dimensions = array<i32: 1>} : vector<512x1024xi32>
      %eq3A = vector.broadcast %broadcast_in_dim3A_206 : vector<512x1xf32> to vector<512x1024xf32>
      %eq3A_207 = arith.cmpf oeq, %dot_general3A_204, %eq3A : vector<512x1024xf32>
      %jit3A = arith.constant 1073741824 : i32
      %broadcast_in_dim3A_208 = vector.broadcast %jit3A : i32 to vector<512x1024xi32>
      %select_n3A = arith.select %eq3A_207, %iota3A, %broadcast_in_dim3A_208 : vector<512x1024xi1>, vector<512x1024xi32>
      %reduce_min3A = arith.constant dense<2147483647> : vector<512xi32>
      %reduce_min3A_209 = vector.multi_reduction <minsi>, %select_n3A, %reduce_min3A [1] : vector<512x1024xi32> to vector<512xi32>
      %broadcast_in_dim3A_210 = vector.shape_cast %reduce_min3A_209 : vector<512xi32> to vector<512x1xi32>
      %gt3A = arith.cmpf ogt, %broadcast_in_dim3A_206, %scan3A_197 : vector<512x1xf32>
      %select_n3A_211 = arith.select %gt3A, %broadcast_in_dim3A_206, %scan3A_197 : vector<512x1xi1>, vector<512x1xf32>
      %mul3A_212 = arith.constant 1024 : i32
      %mul3A_213 = arith.muli %scan3A_196, %mul3A_212 : i32
      %add3A = vector.broadcast %mul3A_213 : i32 to vector<512x1xi32>
      %add3A_214 = arith.addi %broadcast_in_dim3A_210, %add3A : vector<512x1xi32>
      %select_n3A_215 = arith.select %gt3A, %add3A_214, %scan3A_198 : vector<512x1xi1>, vector<512x1xi32>
      scf.yield %select_n3A_211, %select_n3A_215 : vector<512x1xf32>, vector<512x1xi32>
    }
    %scan3A_57 = arith.constant 8 : i32
    %swap3A_58 = arith.constant 0 : index
    %swap3A_59 = arith.constant 0 : index
    %swap3A_60 = vector.load %arg16[%swap3A_58, %swap3A_59] : memref<2816x1xi32, #tpu.memory_space<vmem>>, vector<512x1xi32>
    tpu.vector_store %arg16[%swap3A_58, %swap3A_59], %scan3A_56#1 {strides = array<i32>} : memref<2816x1xi32, #tpu.memory_space<vmem>>, vector<512x1xi32>,
    %get3A_61 = arith.constant 512 : index
    %get3A_62 = arith.constant 0 : index
    %get3A_63 = vector.load %arg21[%get3A_61, %get3A_62] : memref<2816x256xf32, #tpu.memory_space<vmem>>, vector<512x256xf32>
    %mul3A_64 = arith.mulf %get3A_63, %get3A_63 : vector<512x256xf32>
    %reduce_sum3A_65 = arith.constant dense<0.000000e+00> : vector<512xf32>
    %reduce_sum3A_66 = vector.multi_reduction <add>, %mul3A_64, %reduce_sum3A_65 [1] : vector<512x256xf32> to vector<512xf32>
    %broadcast_in_dim3A_67 = vector.shape_cast %reduce_sum3A_66 : vector<512xf32> to vector<512x1xf32>
    %sqrt3A_68 = math.sqrt %broadcast_in_dim3A_67 : vector<512x1xf32>
    %max3A_69 = arith.constant 9.99999996E-13 : f32
    %max3A_70 = vector.broadcast %max3A_69 : f32 to vector<512x1xf32>
    %max3A_71 = arith.maximumf %sqrt3A_68, %max3A_70 : vector<512x1xf32>
    %div3A_72 = vector.broadcast %max3A_71 : vector<512x1xf32> to vector<512x256xf32>
    %div3A_73 = arith.divf %get3A_63, %div3A_72 : vector<512x256xf32>
    %convert_element_type3A_74 = arith.truncf %div3A_73 : vector<512x256xf32> to vector<512x256xbf16>
    %broadcast_in_dim3A_75 = arith.constant 0xFF800000 : f32
    %broadcast_in_dim3A_76 = vector.broadcast %broadcast_in_dim3A_75 : f32 to vector<512x1xf32>
    %broadcast_in_dim3A_77 = arith.constant 0 : i32
    %broadcast_in_dim3A_78 = vector.broadcast %broadcast_in_dim3A_77 : i32 to vector<512x1xi32>
    %scan3A_79 = arith.constant 0 : i32
    %scan3A_80 = arith.constant 8 : i32
    %scan3A_81 = arith.addi %scan3A_79, %scan3A_80 : i32
    %scan3A_82 = arith.constant 1 : i32
    %scan3A_83:2 = scf.for %scan3A_196 = %scan3A_79 to %scan3A_81 step %scan3A_82 iter_args(%scan3A_197 = %broadcast_in_dim3A_76, %scan3A_198 = %broadcast_in_dim3A_78) -> (vector<512x1xf32>, vector<512x1xi32>)  : i32 {
      %mul3A_199 = arith.constant 1024 : i32
      %mul3A_200 = arith.muli %scan3A_196, %mul3A_199 : i32
      %get3A_201 = arith.constant 0 : index
      %get3A_202 = arith.index_cast %mul3A_200 : i32 to index
      %get3A_203 = vector.load %arg4[%get3A_201, %get3A_202] : memref<256x8192xbf16, #tpu.memory_space<vmem>>, vector<256x1024xbf16>
      %dot_general3A = arith.constant dense<0.000000e+00> : vector<512x1024xf32>
      %dot_general3A_204 = tpu.matmul %convert_element_type3A_74, %get3A_203, %dot_general3A {dimension_numbers = #tpu.dot_dimension_numbers<[1], [0], [0], [1], [0, 0, 1, 1], [], []>, transpose_lhs_hint = false} : vector<512x256xbf16>, vector<256x1024xbf16>, vector<512x1024xf32> -> vector<512x1024xf32>
      %reduce_max3A = arith.constant dense<0xFF800000> : vector<512xf32>
      %reduce_max3A_205 = vector.multi_reduction <maximumf>, %dot_general3A_204, %reduce_max3A [1] : vector<512x1024xf32> to vector<512xf32>
      %broadcast_in_dim3A_206 = vector.shape_cast %reduce_max3A_205 : vector<512xf32> to vector<512x1xf32>
      %iota3A = tpu.iota {dimensions = array<i32: 1>} : vector<512x1024xi32>
      %eq3A = vector.broadcast %broadcast_in_dim3A_206 : vector<512x1xf32> to vector<512x1024xf32>
      %eq3A_207 = arith.cmpf oeq, %dot_general3A_204, %eq3A : vector<512x1024xf32>
      %jit3A = arith.constant 1073741824 : i32
      %broadcast_in_dim3A_208 = vector.broadcast %jit3A : i32 to vector<512x1024xi32>
      %select_n3A = arith.select %eq3A_207, %iota3A, %broadcast_in_dim3A_208 : vector<512x1024xi1>, vector<512x1024xi32>
      %reduce_min3A = arith.constant dense<2147483647> : vector<512xi32>
      %reduce_min3A_209 = vector.multi_reduction <minsi>, %select_n3A, %reduce_min3A [1] : vector<512x1024xi32> to vector<512xi32>
      %broadcast_in_dim3A_210 = vector.shape_cast %reduce_min3A_209 : vector<512xi32> to vector<512x1xi32>
      %gt3A = arith.cmpf ogt, %broadcast_in_dim3A_206, %scan3A_197 : vector<512x1xf32>
      %select_n3A_211 = arith.select %gt3A, %broadcast_in_dim3A_206, %scan3A_197 : vector<512x1xi1>, vector<512x1xf32>
      %mul3A_212 = arith.constant 1024 : i32
      %mul3A_213 = arith.muli %scan3A_196, %mul3A_212 : i32
      %add3A = vector.broadcast %mul3A_213 : i32 to vector<512x1xi32>
      %add3A_214 = arith.addi %broadcast_in_dim3A_210, %add3A : vector<512x1xi32>
      %select_n3A_215 = arith.select %gt3A, %add3A_214, %scan3A_198 : vector<512x1xi1>, vector<512x1xi32>
      scf.yield %select_n3A_211, %select_n3A_215 : vector<512x1xf32>, vector<512x1xi32>
    }
    %scan3A_84 = arith.constant 8 : i32
    %swap3A_85 = arith.constant 512 : index
    %swap3A_86 = arith.constant 0 : index
    %swap3A_87 = vector.load %arg16[%swap3A_85, %swap3A_86] : memref<2816x1xi32, #tpu.memory_space<vmem>>, vector<512x1xi32>
    tpu.vector_store %arg16[%swap3A_85, %swap3A_86], %scan3A_83#1 {strides = array<i32>} : memref<2816x1xi32, #tpu.memory_space<vmem>>, vector<512x1xi32>,
    %get3A_88 = arith.constant 1024 : index
    %get3A_89 = arith.constant 0 : index
    %get3A_90 = vector.load %arg21[%get3A_88, %get3A_89] : memref<2816x256xf32, #tpu.memory_space<vmem>>, vector<512x256xf32>
    %mul3A_91 = arith.mulf %get3A_90, %get3A_90 : vector<512x256xf32>
    %reduce_sum3A_92 = arith.constant dense<0.000000e+00> : vector<512xf32>
    %reduce_sum3A_93 = vector.multi_reduction <add>, %mul3A_91, %reduce_sum3A_92 [1] : vector<512x256xf32> to vector<512xf32>
    %broadcast_in_dim3A_94 = vector.shape_cast %reduce_sum3A_93 : vector<512xf32> to vector<512x1xf32>
    %sqrt3A_95 = math.sqrt %broadcast_in_dim3A_94 : vector<512x1xf32>
    %max3A_96 = arith.constant 9.99999996E-13 : f32
    %max3A_97 = vector.broadcast %max3A_96 : f32 to vector<512x1xf32>
    %max3A_98 = arith.maximumf %sqrt3A_95, %max3A_97 : vector<512x1xf32>
    %div3A_99 = vector.broadcast %max3A_98 : vector<512x1xf32> to vector<512x256xf32>
    %div3A_100 = arith.divf %get3A_90, %div3A_99 : vector<512x256xf32>
    %convert_element_type3A_101 = arith.truncf %div3A_100 : vector<512x256xf32> to vector<512x256xbf16>
    %broadcast_in_dim3A_102 = arith.constant 0xFF800000 : f32
    %broadcast_in_dim3A_103 = vector.broadcast %broadcast_in_dim3A_102 : f32 to vector<512x1xf32>
    %broadcast_in_dim3A_104 = arith.constant 0 : i32
    %broadcast_in_dim3A_105 = vector.broadcast %broadcast_in_dim3A_104 : i32 to vector<512x1xi32>
    %scan3A_106 = arith.constant 0 : i32
    %scan3A_107 = arith.constant 8 : i32
    %scan3A_108 = arith.addi %scan3A_106, %scan3A_107 : i32
    %scan3A_109 = arith.constant 1 : i32
    %scan3A_110:2 = scf.for %scan3A_196 = %scan3A_106 to %scan3A_108 step %scan3A_109 iter_args(%scan3A_197 = %broadcast_in_dim3A_103, %scan3A_198 = %broadcast_in_dim3A_105) -> (vector<512x1xf32>, vector<512x1xi32>)  : i32 {
      %mul3A_199 = arith.constant 1024 : i32
      %mul3A_200 = arith.muli %scan3A_196, %mul3A_199 : i32
      %get3A_201 = arith.constant 0 : index
      %get3A_202 = arith.index_cast %mul3A_200 : i32 to index
      %get3A_203 = vector.load %arg4[%get3A_201, %get3A_202] : memref<256x8192xbf16, #tpu.memory_space<vmem>>, vector<256x1024xbf16>
      %dot_general3A = arith.constant dense<0.000000e+00> : vector<512x1024xf32>
      %dot_general3A_204 = tpu.matmul %convert_element_type3A_101, %get3A_203, %dot_general3A {dimension_numbers = #tpu.dot_dimension_numbers<[1], [0], [0], [1], [0, 0, 1, 1], [], []>, transpose_lhs_hint = false} : vector<512x256xbf16>, vector<256x1024xbf16>, vector<512x1024xf32> -> vector<512x1024xf32>
      %reduce_max3A = arith.constant dense<0xFF800000> : vector<512xf32>
      %reduce_max3A_205 = vector.multi_reduction <maximumf>, %dot_general3A_204, %reduce_max3A [1] : vector<512x1024xf32> to vector<512xf32>
      %broadcast_in_dim3A_206 = vector.shape_cast %reduce_max3A_205 : vector<512xf32> to vector<512x1xf32>
      %iota3A = tpu.iota {dimensions = array<i32: 1>} : vector<512x1024xi32>
      %eq3A = vector.broadcast %broadcast_in_dim3A_206 : vector<512x1xf32> to vector<512x1024xf32>
      %eq3A_207 = arith.cmpf oeq, %dot_general3A_204, %eq3A : vector<512x1024xf32>
      %jit3A = arith.constant 1073741824 : i32
      %broadcast_in_dim3A_208 = vector.broadcast %jit3A : i32 to vector<512x1024xi32>
      %select_n3A = arith.select %eq3A_207, %iota3A, %broadcast_in_dim3A_208 : vector<512x1024xi1>, vector<512x1024xi32>
      %reduce_min3A = arith.constant dense<2147483647> : vector<512xi32>
      %reduce_min3A_209 = vector.multi_reduction <minsi>, %select_n3A, %reduce_min3A [1] : vector<512x1024xi32> to vector<512xi32>
      %broadcast_in_dim3A_210 = vector.shape_cast %reduce_min3A_209 : vector<512xi32> to vector<512x1xi32>
      %gt3A = arith.cmpf ogt, %broadcast_in_dim3A_206, %scan3A_197 : vector<512x1xf32>
      %select_n3A_211 = arith.select %gt3A, %broadcast_in_dim3A_206, %scan3A_197 : vector<512x1xi1>, vector<512x1xf32>
      %mul3A_212 = arith.constant 1024 : i32
      %mul3A_213 = arith.muli %scan3A_196, %mul3A_212 : i32
      %add3A = vector.broadcast %mul3A_213 : i32 to vector<512x1xi32>
      %add3A_214 = arith.addi %broadcast_in_dim3A_210, %add3A : vector<512x1xi32>
      %select_n3A_215 = arith.select %gt3A, %add3A_214, %scan3A_198 : vector<512x1xi1>, vector<512x1xi32>
      scf.yield %select_n3A_211, %select_n3A_215 : vector<512x1xf32>, vector<512x1xi32>
    }
    %scan3A_111 = arith.constant 8 : i32
    %swap3A_112 = arith.constant 1024 : index
    %swap3A_113 = arith.constant 0 : index
    %swap3A_114 = vector.load %arg16[%swap3A_112, %swap3A_113] : memref<2816x1xi32, #tpu.memory_space<vmem>>, vector<512x1xi32>
    tpu.vector_store %arg16[%swap3A_112, %swap3A_113], %scan3A_110#1 {strides = array<i32>} : memref<2816x1xi32, #tpu.memory_space<vmem>>, vector<512x1xi32>,
    %get3A_115 = arith.constant 1536 : index
    %get3A_116 = arith.constant 0 : index
    %get3A_117 = vector.load %arg21[%get3A_115, %get3A_116] : memref<2816x256xf32, #tpu.memory_space<vmem>>, vector<512x256xf32>
    %mul3A_118 = arith.mulf %get3A_117, %get3A_117 : vector<512x256xf32>
    %reduce_sum3A_119 = arith.constant dense<0.000000e+00> : vector<512xf32>
    %reduce_sum3A_120 = vector.multi_reduction <add>, %mul3A_118, %reduce_sum3A_119 [1] : vector<512x256xf32> to vector<512xf32>
    %broadcast_in_dim3A_121 = vector.shape_cast %reduce_sum3A_120 : vector<512xf32> to vector<512x1xf32>
    %sqrt3A_122 = math.sqrt %broadcast_in_dim3A_121 : vector<512x1xf32>
    %max3A_123 = arith.constant 9.99999996E-13 : f32
    %max3A_124 = vector.broadcast %max3A_123 : f32 to vector<512x1xf32>
    %max3A_125 = arith.maximumf %sqrt3A_122, %max3A_124 : vector<512x1xf32>
    %div3A_126 = vector.broadcast %max3A_125 : vector<512x1xf32> to vector<512x256xf32>
    %div3A_127 = arith.divf %get3A_117, %div3A_126 : vector<512x256xf32>
    %convert_element_type3A_128 = arith.truncf %div3A_127 : vector<512x256xf32> to vector<512x256xbf16>
    %broadcast_in_dim3A_129 = arith.constant 0xFF800000 : f32
    %broadcast_in_dim3A_130 = vector.broadcast %broadcast_in_dim3A_129 : f32 to vector<512x1xf32>
    %broadcast_in_dim3A_131 = arith.constant 0 : i32
    %broadcast_in_dim3A_132 = vector.broadcast %broadcast_in_dim3A_131 : i32 to vector<512x1xi32>
    %scan3A_133 = arith.constant 0 : i32
    %scan3A_134 = arith.constant 8 : i32
    %scan3A_135 = arith.addi %scan3A_133, %scan3A_134 : i32
    %scan3A_136 = arith.constant 1 : i32
    %scan3A_137:2 = scf.for %scan3A_196 = %scan3A_133 to %scan3A_135 step %scan3A_136 iter_args(%scan3A_197 = %broadcast_in_dim3A_130, %scan3A_198 = %broadcast_in_dim3A_132) -> (vector<512x1xf32>, vector<512x1xi32>)  : i32 {
      %mul3A_199 = arith.constant 1024 : i32
      %mul3A_200 = arith.muli %scan3A_196, %mul3A_199 : i32
      %get3A_201 = arith.constant 0 : index
      %get3A_202 = arith.index_cast %mul3A_200 : i32 to index
      %get3A_203 = vector.load %arg4[%get3A_201, %get3A_202] : memref<256x8192xbf16, #tpu.memory_space<vmem>>, vector<256x1024xbf16>
      %dot_general3A = arith.constant dense<0.000000e+00> : vector<512x1024xf32>
      %dot_general3A_204 = tpu.matmul %convert_element_type3A_128, %get3A_203, %dot_general3A {dimension_numbers = #tpu.dot_dimension_numbers<[1], [0], [0], [1], [0, 0, 1, 1], [], []>, transpose_lhs_hint = false} : vector<512x256xbf16>, vector<256x1024xbf16>, vector<512x1024xf32> -> vector<512x1024xf32>
      %reduce_max3A = arith.constant dense<0xFF800000> : vector<512xf32>
      %reduce_max3A_205 = vector.multi_reduction <maximumf>, %dot_general3A_204, %reduce_max3A [1] : vector<512x1024xf32> to vector<512xf32>
      %broadcast_in_dim3A_206 = vector.shape_cast %reduce_max3A_205 : vector<512xf32> to vector<512x1xf32>
      %iota3A = tpu.iota {dimensions = array<i32: 1>} : vector<512x1024xi32>
      %eq3A = vector.broadcast %broadcast_in_dim3A_206 : vector<512x1xf32> to vector<512x1024xf32>
      %eq3A_207 = arith.cmpf oeq, %dot_general3A_204, %eq3A : vector<512x1024xf32>
      %jit3A = arith.constant 1073741824 : i32
      %broadcast_in_dim3A_208 = vector.broadcast %jit3A : i32 to vector<512x1024xi32>
      %select_n3A = arith.select %eq3A_207, %iota3A, %broadcast_in_dim3A_208 : vector<512x1024xi1>, vector<512x1024xi32>
      %reduce_min3A = arith.constant dense<2147483647> : vector<512xi32>
      %reduce_min3A_209 = vector.multi_reduction <minsi>, %select_n3A, %reduce_min3A [1] : vector<512x1024xi32> to vector<512xi32>
      %broadcast_in_dim3A_210 = vector.shape_cast %reduce_min3A_209 : vector<512xi32> to vector<512x1xi32>
      %gt3A = arith.cmpf ogt, %broadcast_in_dim3A_206, %scan3A_197 : vector<512x1xf32>
      %select_n3A_211 = arith.select %gt3A, %broadcast_in_dim3A_206, %scan3A_197 : vector<512x1xi1>, vector<512x1xf32>
      %mul3A_212 = arith.constant 1024 : i32
      %mul3A_213 = arith.muli %scan3A_196, %mul3A_212 : i32
      %add3A = vector.broadcast %mul3A_213 : i32 to vector<512x1xi32>
      %add3A_214 = arith.addi %broadcast_in_dim3A_210, %add3A : vector<512x1xi32>
      %select_n3A_215 = arith.select %gt3A, %add3A_214, %scan3A_198 : vector<512x1xi1>, vector<512x1xi32>
      scf.yield %select_n3A_211, %select_n3A_215 : vector<512x1xf32>, vector<512x1xi32>
    }
    %scan3A_138 = arith.constant 8 : i32
    %swap3A_139 = arith.constant 1536 : index
    %swap3A_140 = arith.constant 0 : index
    %swap3A_141 = vector.load %arg16[%swap3A_139, %swap3A_140] : memref<2816x1xi32, #tpu.memory_space<vmem>>, vector<512x1xi32>
    tpu.vector_store %arg16[%swap3A_139, %swap3A_140], %scan3A_137#1 {strides = array<i32>} : memref<2816x1xi32, #tpu.memory_space<vmem>>, vector<512x1xi32>,
    %get3A_142 = arith.constant 2048 : index
    %get3A_143 = arith.constant 0 : index
    %get3A_144 = vector.load %arg21[%get3A_142, %get3A_143] : memref<2816x256xf32, #tpu.memory_space<vmem>>, vector<512x256xf32>
    %mul3A_145 = arith.mulf %get3A_144, %get3A_144 : vector<512x256xf32>
    %reduce_sum3A_146 = arith.constant dense<0.000000e+00> : vector<512xf32>
    %reduce_sum3A_147 = vector.multi_reduction <add>, %mul3A_145, %reduce_sum3A_146 [1] : vector<512x256xf32> to vector<512xf32>
    %broadcast_in_dim3A_148 = vector.shape_cast %reduce_sum3A_147 : vector<512xf32> to vector<512x1xf32>
    %sqrt3A_149 = math.sqrt %broadcast_in_dim3A_148 : vector<512x1xf32>
    %max3A_150 = arith.constant 9.99999996E-13 : f32
    %max3A_151 = vector.broadcast %max3A_150 : f32 to vector<512x1xf32>
    %max3A_152 = arith.maximumf %sqrt3A_149, %max3A_151 : vector<512x1xf32>
    %div3A_153 = vector.broadcast %max3A_152 : vector<512x1xf32> to vector<512x256xf32>
    %div3A_154 = arith.divf %get3A_144, %div3A_153 : vector<512x256xf32>
    %convert_element_type3A_155 = arith.truncf %div3A_154 : vector<512x256xf32> to vector<512x256xbf16>
    %broadcast_in_dim3A_156 = arith.constant 0xFF800000 : f32
    %broadcast_in_dim3A_157 = vector.broadcast %broadcast_in_dim3A_156 : f32 to vector<512x1xf32>
    %broadcast_in_dim3A_158 = arith.constant 0 : i32
    %broadcast_in_dim3A_159 = vector.broadcast %broadcast_in_dim3A_158 : i32 to vector<512x1xi32>
    %scan3A_160 = arith.constant 0 : i32
    %scan3A_161 = arith.constant 8 : i32
    %scan3A_162 = arith.addi %scan3A_160, %scan3A_161 : i32
    %scan3A_163 = arith.constant 1 : i32
    %scan3A_164:2 = scf.for %scan3A_196 = %scan3A_160 to %scan3A_162 step %scan3A_163 iter_args(%scan3A_197 = %broadcast_in_dim3A_157, %scan3A_198 = %broadcast_in_dim3A_159) -> (vector<512x1xf32>, vector<512x1xi32>)  : i32 {
      %mul3A_199 = arith.constant 1024 : i32
      %mul3A_200 = arith.muli %scan3A_196, %mul3A_199 : i32
      %get3A_201 = arith.constant 0 : index
      %get3A_202 = arith.index_cast %mul3A_200 : i32 to index
      %get3A_203 = vector.load %arg4[%get3A_201, %get3A_202] : memref<256x8192xbf16, #tpu.memory_space<vmem>>, vector<256x1024xbf16>
      %dot_general3A = arith.constant dense<0.000000e+00> : vector<512x1024xf32>
      %dot_general3A_204 = tpu.matmul %convert_element_type3A_155, %get3A_203, %dot_general3A {dimension_numbers = #tpu.dot_dimension_numbers<[1], [0], [0], [1], [0, 0, 1, 1], [], []>, transpose_lhs_hint = false} : vector<512x256xbf16>, vector<256x1024xbf16>, vector<512x1024xf32> -> vector<512x1024xf32>
      %reduce_max3A = arith.constant dense<0xFF800000> : vector<512xf32>
      %reduce_max3A_205 = vector.multi_reduction <maximumf>, %dot_general3A_204, %reduce_max3A [1] : vector<512x1024xf32> to vector<512xf32>
      %broadcast_in_dim3A_206 = vector.shape_cast %reduce_max3A_205 : vector<512xf32> to vector<512x1xf32>
      %iota3A = tpu.iota {dimensions = array<i32: 1>} : vector<512x1024xi32>
      %eq3A = vector.broadcast %broadcast_in_dim3A_206 : vector<512x1xf32> to vector<512x1024xf32>
      %eq3A_207 = arith.cmpf oeq, %dot_general3A_204, %eq3A : vector<512x1024xf32>
      %jit3A = arith.constant 1073741824 : i32
      %broadcast_in_dim3A_208 = vector.broadcast %jit3A : i32 to vector<512x1024xi32>
      %select_n3A = arith.select %eq3A_207, %iota3A, %broadcast_in_dim3A_208 : vector<512x1024xi1>, vector<512x1024xi32>
      %reduce_min3A = arith.constant dense<2147483647> : vector<512xi32>
      %reduce_min3A_209 = vector.multi_reduction <minsi>, %select_n3A, %reduce_min3A [1] : vector<512x1024xi32> to vector<512xi32>
      %broadcast_in_dim3A_210 = vector.shape_cast %reduce_min3A_209 : vector<512xi32> to vector<512x1xi32>
      %gt3A = arith.cmpf ogt, %broadcast_in_dim3A_206, %scan3A_197 : vector<512x1xf32>
      %select_n3A_211 = arith.select %gt3A, %broadcast_in_dim3A_206, %scan3A_197 : vector<512x1xi1>, vector<512x1xf32>
      %mul3A_212 = arith.constant 1024 : i32
      %mul3A_213 = arith.muli %scan3A_196, %mul3A_212 : i32
      %add3A = vector.broadcast %mul3A_213 : i32 to vector<512x1xi32>
      %add3A_214 = arith.addi %broadcast_in_dim3A_210, %add3A : vector<512x1xi32>
      %select_n3A_215 = arith.select %gt3A, %add3A_214, %scan3A_198 : vector<512x1xi1>, vector<512x1xi32>
      scf.yield %select_n3A_211, %select_n3A_215 : vector<512x1xf32>, vector<512x1xi32>
    }
    %scan3A_165 = arith.constant 8 : i32
    %swap3A_166 = arith.constant 2048 : index
    %swap3A_167 = arith.constant 0 : index
    %swap3A_168 = vector.load %arg16[%swap3A_166, %swap3A_167] : memref<2816x1xi32, #tpu.memory_space<vmem>>, vector<512x1xi32>
    tpu.vector_store %arg16[%swap3A_166, %swap3A_167], %scan3A_164#1 {strides = array<i32>} : memref<2816x1xi32, #tpu.memory_space<vmem>>, vector<512x1xi32>,
    %get3A_169 = arith.constant 2560 : index
    %get3A_170 = arith.constant 0 : index
    %get3A_171 = vector.load %arg21[%get3A_169, %get3A_170] : memref<2816x256xf32, #tpu.memory_space<vmem>>, vector<256x256xf32>
    %mul3A_172 = arith.mulf %get3A_171, %get3A_171 : vector<256x256xf32>
    %reduce_sum3A_173 = arith.constant dense<0.000000e+00> : vector<256xf32>
    %reduce_sum3A_174 = vector.multi_reduction <add>, %mul3A_172, %reduce_sum3A_173 [1] : vector<256x256xf32> to vector<256xf32>
    %broadcast_in_dim3A_175 = vector.shape_cast %reduce_sum3A_174 : vector<256xf32> to vector<256x1xf32>
    %sqrt3A_176 = math.sqrt %broadcast_in_dim3A_175 : vector<256x1xf32>
    %max3A_177 = arith.constant 9.99999996E-13 : f32
    %max3A_178 = vector.broadcast %max3A_177 : f32 to vector<256x1xf32>
    %max3A_179 = arith.maximumf %sqrt3A_176, %max3A_178 : vector<256x1xf32>
    %div3A_180 = vector.broadcast %max3A_179 : vector<256x1xf32> to vector<256x256xf32>
    %div3A_181 = arith.divf %get3A_171, %div3A_180 : vector<256x256xf32>
    %convert_element_type3A_182 = arith.truncf %div3A_181 : vector<256x256xf32> to vector<256x256xbf16>
    %broadcast_in_dim3A_183 = arith.constant 0xFF800000 : f32
    %broadcast_in_dim3A_184 = vector.broadcast %broadcast_in_dim3A_183 : f32 to vector<256x1xf32>
    %broadcast_in_dim3A_185 = arith.constant 0 : i32
    %broadcast_in_dim3A_186 = vector.broadcast %broadcast_in_dim3A_185 : i32 to vector<256x1xi32>
    %scan3A_187 = arith.constant 0 : i32
    %scan3A_188 = arith.constant 8 : i32
    %scan3A_189 = arith.addi %scan3A_187, %scan3A_188 : i32
    %scan3A_190 = arith.constant 1 : i32
    %scan3A_191:2 = scf.for %scan3A_196 = %scan3A_187 to %scan3A_189 step %scan3A_190 iter_args(%scan3A_197 = %broadcast_in_dim3A_184, %scan3A_198 = %broadcast_in_dim3A_186) -> (vector<256x1xf32>, vector<256x1xi32>)  : i32 {
      %mul3A_199 = arith.constant 1024 : i32
      %mul3A_200 = arith.muli %scan3A_196, %mul3A_199 : i32
      %get3A_201 = arith.constant 0 : index
      %get3A_202 = arith.index_cast %mul3A_200 : i32 to index
      %get3A_203 = vector.load %arg4[%get3A_201, %get3A_202] : memref<256x8192xbf16, #tpu.memory_space<vmem>>, vector<256x1024xbf16>
      %dot_general3A = arith.constant dense<0.000000e+00> : vector<256x1024xf32>
      %dot_general3A_204 = tpu.matmul %convert_element_type3A_182, %get3A_203, %dot_general3A {dimension_numbers = #tpu.dot_dimension_numbers<[1], [0], [0], [1], [0, 0, 1, 1], [], []>, transpose_lhs_hint = false} : vector<256x256xbf16>, vector<256x1024xbf16>, vector<256x1024xf32> -> vector<256x1024xf32>
      %reduce_max3A = arith.constant dense<0xFF800000> : vector<256xf32>
      %reduce_max3A_205 = vector.multi_reduction <maximumf>, %dot_general3A_204, %reduce_max3A [1] : vector<256x1024xf32> to vector<256xf32>
      %broadcast_in_dim3A_206 = vector.shape_cast %reduce_max3A_205 : vector<256xf32> to vector<256x1xf32>
      %iota3A = tpu.iota {dimensions = array<i32: 1>} : vector<256x1024xi32>
      %eq3A = vector.broadcast %broadcast_in_dim3A_206 : vector<256x1xf32> to vector<256x1024xf32>
      %eq3A_207 = arith.cmpf oeq, %dot_general3A_204, %eq3A : vector<256x1024xf32>
      %jit3A = arith.constant 1073741824 : i32
      %broadcast_in_dim3A_208 = vector.broadcast %jit3A : i32 to vector<256x1024xi32>
      %select_n3A = arith.select %eq3A_207, %iota3A, %broadcast_in_dim3A_208 : vector<256x1024xi1>, vector<256x1024xi32>
      %reduce_min3A = arith.constant dense<2147483647> : vector<256xi32>
      %reduce_min3A_209 = vector.multi_reduction <minsi>, %select_n3A, %reduce_min3A [1] : vector<256x1024xi32> to vector<256xi32>
      %broadcast_in_dim3A_210 = vector.shape_cast %reduce_min3A_209 : vector<256xi32> to vector<256x1xi32>
      %gt3A = arith.cmpf ogt, %broadcast_in_dim3A_206, %scan3A_197 : vector<256x1xf32>
      %select_n3A_211 = arith.select %gt3A, %broadcast_in_dim3A_206, %scan3A_197 : vector<256x1xi1>, vector<256x1xf32>
      %mul3A_212 = arith.constant 1024 : i32
      %mul3A_213 = arith.muli %scan3A_196, %mul3A_212 : i32
      %add3A = vector.broadcast %mul3A_213 : i32 to vector<256x1xi32>
      %add3A_214 = arith.addi %broadcast_in_dim3A_210, %add3A : vector<256x1xi32>
      %select_n3A_215 = arith.select %gt3A, %add3A_214, %scan3A_198 : vector<256x1xi1>, vector<256x1xi32>
      scf.yield %select_n3A_211, %select_n3A_215 : vector<256x1xf32>, vector<256x1xi32>
    }
    %scan3A_192 = arith.constant 8 : i32
    %swap3A_193 = arith.constant 2560 : index
    %swap3A_194 = arith.constant 0 : index
    %swap3A_195 = vector.load %arg16[%swap3A_193, %swap3A_194] : memref<2816x1xi32, #tpu.memory_space<vmem>>, vector<256x1xi32>
    tpu.vector_store %arg16[%swap3A_193, %swap3A_194], %scan3A_191#1 {strides = array<i32>} : memref<2816x1xi32, #tpu.memory_space<vmem>>, vector<256x1xi32>,
    return
  }
}

module attributes {stable_mosaic.version = 14 : i64} {
  func.func @body(%arg0: memref<4096x256xf32, #tpu.memory_space<vmem>>, %arg1: memref<4096x256xf32, #tpu.memory_space<vmem>>, %arg2: memref<4096x256xf32, #tpu.memory_space<vmem>>, %arg3: memref<2816x256xf32, #tpu.memory_space<vmem>>, %arg4: memref<256x8192xbf16, #tpu.memory_space<vmem>>, %arg5: memref<256x208xf32, #tpu.memory_space<vmem>>, %arg6: memref<256x208xf32, #tpu.memory_space<vmem>>, %arg7: memref<256x208xf32, #tpu.memory_space<vmem>>, %arg8: memref<208x176xf32, #tpu.memory_space<vmem>>, %arg9: memref<9x256x256xf32, #tpu.memory_space<vmem>>, %arg10: memref<1x256xf32, #tpu.memory_space<vmem>>, %arg11: memref<4096x9xf32, #tpu.memory_space<vmem>>, %arg12: memref<4096x256xf32, #tpu.memory_space<vmem>>, %arg13: memref<4096x256xf32, #tpu.memory_space<vmem>>, %arg14: memref<4096x1xi32, #tpu.memory_space<vmem>>, %arg15: memref<1x1xf32, #tpu.memory_space<vmem>>, %arg16: memref<4144x256xf32, #tpu.memory_space<vmem>>, %arg17: memref<4144x256xf32, #tpu.memory_space<vmem>>, %arg18: memref<4144x256xf32, #tpu.memory_space<vmem>>, %arg19: memref<4096x256xf32, #tpu.memory_space<vmem>>, %arg20: memref<1xf32, #tpu.memory_space<smem>>) attributes {dimension_semantics = [], scalar_prefetch = 0 : i64, scratch_operands = 5 : i64, tpu.core_type = #tpu.core_type<tc>} {
    %broadcast_in_dim3A = arith.constant 0.000000e+00 : f32
    %broadcast_in_dim3A_0 = vector.broadcast %broadcast_in_dim3A : f32 to vector<24x256xf32>
    %swap3A = arith.constant 0 : index
    %swap3A_1 = arith.constant 0 : index
    %swap3A_2 = vector.load %arg16[%swap3A, %swap3A_1] : memref<4144x256xf32, #tpu.memory_space<vmem>>, vector<24x256xf32>
    tpu.vector_store %arg16[%swap3A, %swap3A_1], %broadcast_in_dim3A_0 {strides = array<i32>} : memref<4144x256xf32, #tpu.memory_space<vmem>>, vector<24x256xf32>,
    %swap3A_3 = arith.constant 4120 : index
    %swap3A_4 = arith.constant 0 : index
    %swap3A_5 = vector.load %arg16[%swap3A_3, %swap3A_4] : memref<4144x256xf32, #tpu.memory_space<vmem>>, vector<24x256xf32>
    tpu.vector_store %arg16[%swap3A_3, %swap3A_4], %broadcast_in_dim3A_0 {strides = array<i32>} : memref<4144x256xf32, #tpu.memory_space<vmem>>, vector<24x256xf32>,
    %swap3A_6 = arith.constant 0 : index
    %swap3A_7 = arith.constant 0 : index
    %swap3A_8 = vector.load %arg17[%swap3A_6, %swap3A_7] : memref<4144x256xf32, #tpu.memory_space<vmem>>, vector<24x256xf32>
    tpu.vector_store %arg17[%swap3A_6, %swap3A_7], %broadcast_in_dim3A_0 {strides = array<i32>} : memref<4144x256xf32, #tpu.memory_space<vmem>>, vector<24x256xf32>,
    %swap3A_9 = arith.constant 4120 : index
    %swap3A_10 = arith.constant 0 : index
    %swap3A_11 = vector.load %arg17[%swap3A_9, %swap3A_10] : memref<4144x256xf32, #tpu.memory_space<vmem>>, vector<24x256xf32>
    tpu.vector_store %arg17[%swap3A_9, %swap3A_10], %broadcast_in_dim3A_0 {strides = array<i32>} : memref<4144x256xf32, #tpu.memory_space<vmem>>, vector<24x256xf32>,
    %swap3A_12 = arith.constant 0 : index
    %swap3A_13 = arith.constant 0 : index
    %swap3A_14 = vector.load %arg18[%swap3A_12, %swap3A_13] : memref<4144x256xf32, #tpu.memory_space<vmem>>, vector<24x256xf32>
    tpu.vector_store %arg18[%swap3A_12, %swap3A_13], %broadcast_in_dim3A_0 {strides = array<i32>} : memref<4144x256xf32, #tpu.memory_space<vmem>>, vector<24x256xf32>,
    %swap3A_15 = arith.constant 4120 : index
    %swap3A_16 = arith.constant 0 : index
    %swap3A_17 = vector.load %arg18[%swap3A_15, %swap3A_16] : memref<4144x256xf32, #tpu.memory_space<vmem>>, vector<24x256xf32>
    tpu.vector_store %arg18[%swap3A_15, %swap3A_16], %broadcast_in_dim3A_0 {strides = array<i32>} : memref<4144x256xf32, #tpu.memory_space<vmem>>, vector<24x256xf32>,
    %scan3A = arith.constant 0 : i32
    %scan3A_18 = arith.constant 16 : i32
    %scan3A_19 = arith.addi %scan3A, %scan3A_18 : i32
    %scan3A_20 = arith.constant 1 : i32
    scf.for %scan3A_245 = %scan3A to %scan3A_19 step %scan3A_20  : i32 {
      %mul3A_246 = arith.constant 176 : i32
      %mul3A_247 = arith.muli %scan3A_245, %mul3A_246 : i32
      %get3A_248 = arith.index_cast %mul3A_247 : i32 to index
      %get3A_249 = arith.constant 0 : index
      %get3A_250 = vector.load %arg3[%get3A_248, %get3A_249] : memref<2816x256xf32, #tpu.memory_space<vmem>>, vector<176x256xf32>
      %get3A_251 = arith.constant 0 : index
      %get3A_252 = arith.constant 0 : index
      %get3A_253 = vector.load %arg8[%get3A_251, %get3A_252] : memref<208x176xf32, #tpu.memory_space<vmem>>, vector<208x176xf32>
      %dot_general3A = arith.constant dense<0.000000e+00> : vector<208x256xf32>
      %dot_general3A_254 = tpu.matmul %get3A_253, %get3A_250, %dot_general3A {dimension_numbers = #tpu.dot_dimension_numbers<[1], [0], [0], [1], [0, 0, 1, 1], [], []>, transpose_lhs_hint = false} : vector<208x176xf32>, vector<176x256xf32>, vector<208x256xf32> -> vector<208x256xf32>
      %mul3A_255 = arith.constant 256 : i32
      %mul3A_256 = arith.muli %scan3A_245, %mul3A_255 : i32
      %add3A = arith.constant 24 : i32
      %add3A_257 = arith.addi %add3A, %mul3A_256 : i32
      %get3A_258 = arith.constant 0 : index
      %get3A_259 = arith.constant 0 : index
      %get3A_260 = vector.load %arg5[%get3A_258, %get3A_259] : memref<256x208xf32, #tpu.memory_space<vmem>>, vector<256x208xf32>
      %dot_general3A_261 = arith.constant dense<0.000000e+00> : vector<256x256xf32>
      %dot_general3A_262 = tpu.matmul %get3A_260, %dot_general3A_254, %dot_general3A_261 {dimension_numbers = #tpu.dot_dimension_numbers<[1], [0], [0], [1], [0, 0, 1, 1], [], []>, transpose_lhs_hint = false} : vector<256x208xf32>, vector<208x256xf32>, vector<256x256xf32> -> vector<256x256xf32>
      %swap3A_263 = arith.index_cast %add3A_257 : i32 to index
      %swap3A_264 = arith.constant 0 : index
      %swap3A_265 = vector.load %arg16[%swap3A_263, %swap3A_264] : memref<4144x256xf32, #tpu.memory_space<vmem>>, vector<256x256xf32>
      tpu.vector_store %arg16[%swap3A_263, %swap3A_264], %dot_general3A_262 {strides = array<i32>} : memref<4144x256xf32, #tpu.memory_space<vmem>>, vector<256x256xf32>,
      %get3A_266 = arith.constant 0 : index
      %get3A_267 = arith.constant 0 : index
      %get3A_268 = vector.load %arg6[%get3A_266, %get3A_267] : memref<256x208xf32, #tpu.memory_space<vmem>>, vector<256x208xf32>
      %dot_general3A_269 = arith.constant dense<0.000000e+00> : vector<256x256xf32>
      %dot_general3A_270 = tpu.matmul %get3A_268, %dot_general3A_254, %dot_general3A_269 {dimension_numbers = #tpu.dot_dimension_numbers<[1], [0], [0], [1], [0, 0, 1, 1], [], []>, transpose_lhs_hint = false} : vector<256x208xf32>, vector<208x256xf32>, vector<256x256xf32> -> vector<256x256xf32>
      %swap3A_271 = arith.index_cast %add3A_257 : i32 to index
      %swap3A_272 = arith.constant 0 : index
      %swap3A_273 = vector.load %arg17[%swap3A_271, %swap3A_272] : memref<4144x256xf32, #tpu.memory_space<vmem>>, vector<256x256xf32>
      tpu.vector_store %arg17[%swap3A_271, %swap3A_272], %dot_general3A_270 {strides = array<i32>} : memref<4144x256xf32, #tpu.memory_space<vmem>>, vector<256x256xf32>,
      %get3A_274 = arith.constant 0 : index
      %get3A_275 = arith.constant 0 : index
      %get3A_276 = vector.load %arg7[%get3A_274, %get3A_275] : memref<256x208xf32, #tpu.memory_space<vmem>>, vector<256x208xf32>
      %dot_general3A_277 = arith.constant dense<0.000000e+00> : vector<256x256xf32>
      %dot_general3A_278 = tpu.matmul %get3A_276, %dot_general3A_254, %dot_general3A_277 {dimension_numbers = #tpu.dot_dimension_numbers<[1], [0], [0], [1], [0, 0, 1, 1], [], []>, transpose_lhs_hint = false} : vector<256x208xf32>, vector<208x256xf32>, vector<256x256xf32> -> vector<256x256xf32>
      %swap3A_279 = arith.index_cast %add3A_257 : i32 to index
      %swap3A_280 = arith.constant 0 : index
      %swap3A_281 = vector.load %arg18[%swap3A_279, %swap3A_280] : memref<4144x256xf32, #tpu.memory_space<vmem>>, vector<256x256xf32>
      tpu.vector_store %arg18[%swap3A_279, %swap3A_280], %dot_general3A_278 {strides = array<i32>} : memref<4144x256xf32, #tpu.memory_space<vmem>>, vector<256x256xf32>,
    }
    %scan3A_21 = arith.constant 16 : i32
    %swap3A_22 = arith.constant 0.000000e+00 : f32
    %swap3A_23 = arith.constant 0 : index
    %swap3A_24 = memref.load %arg20[%swap3A_23] : memref<1xf32, #tpu.memory_space<smem>>
    memref.store %swap3A_22, %arg20[%swap3A_23] : memref<1xf32, #tpu.memory_space<smem>>
    %scan3A_25 = arith.constant 0 : i32
    %scan3A_26 = arith.constant 8 : i32
    %scan3A_27 = arith.addi %scan3A_25, %scan3A_26 : i32
    %scan3A_28 = arith.constant 1 : i32
    scf.for %scan3A_245 = %scan3A_25 to %scan3A_27 step %scan3A_28  : i32 {
      %mul3A_246 = arith.constant 512 : i32
      %mul3A_247 = arith.muli %scan3A_245, %mul3A_246 : i32
      %add3A = arith.constant 8 : i32
      %add3A_248 = arith.addi %mul3A_247, %add3A : i32
      %get3A_249 = arith.index_cast %add3A_248 : i32 to index
      %get3A_250 = arith.constant 0 : index
      %get3A_251 = vector.load %arg18[%get3A_249, %get3A_250] : memref<4144x256xf32, #tpu.memory_space<vmem>>, vector<512x256xf32>
      %get3A_252 = arith.index_cast %mul3A_247 : i32 to index
      %get3A_253 = arith.constant 0 : index
      %get3A_254 = vector.load %arg11[%get3A_252, %get3A_253] : memref<4096x9xf32, #tpu.memory_space<vmem>>, vector<512x1xf32>
      %mul3A_255 = vector.broadcast %get3A_254 : vector<512x1xf32> to vector<512x256xf32>
      %mul3A_256 = arith.mulf %get3A_251, %mul3A_255 : vector<512x256xf32>
      %get3A_257 = arith.constant 0 : index
      %get3A_258 = arith.constant 0 : index
      %get3A_259 = arith.constant 0 : index
      %get3A_260 = vector.load %arg9[%get3A_257, %get3A_258, %get3A_259] : memref<9x256x256xf32, #tpu.memory_space<vmem>>, vector<1x256x256xf32>
      %get3A_261 = vector.shape_cast %get3A_260 : vector<1x256x256xf32> to vector<256x256xf32>
      %dot_general3A = arith.constant dense<0.000000e+00> : vector<512x256xf32>
      %dot_general3A_262 = tpu.matmul %mul3A_256, %get3A_261, %dot_general3A {dimension_numbers = #tpu.dot_dimension_numbers<[1], [0], [0], [1], [0, 0, 1, 1], [], []>, transpose_lhs_hint = false} : vector<512x256xf32>, vector<256x256xf32>, vector<512x256xf32> -> vector<512x256xf32>
      %add3A_263 = arith.constant 8 : i32
      %add3A_264 = arith.addi %mul3A_247, %add3A_263 : i32
      %get3A_265 = arith.index_cast %add3A_264 : i32 to index
      %get3A_266 = arith.constant 0 : index
      %get3A_267 = vector.load %arg16[%get3A_265, %get3A_266] : memref<4144x256xf32, #tpu.memory_space<vmem>>, vector<512x256xf32>
      %get3A_268 = arith.index_cast %mul3A_247 : i32 to index
      %get3A_269 = arith.constant 1 : index
      %get3A_270 = vector.load %arg11[%get3A_268, %get3A_269] : memref<4096x9xf32, #tpu.memory_space<vmem>>, vector<512x1xf32>
      %mul3A_271 = vector.broadcast %get3A_270 : vector<512x1xf32> to vector<512x256xf32>
      %mul3A_272 = arith.mulf %get3A_267, %mul3A_271 : vector<512x256xf32>
      %get3A_273 = arith.constant 1 : index
      %get3A_274 = arith.constant 0 : index
      %get3A_275 = arith.constant 0 : index
      %get3A_276 = vector.load %arg9[%get3A_273, %get3A_274, %get3A_275] : memref<9x256x256xf32, #tpu.memory_space<vmem>>, vector<1x256x256xf32>
      %get3A_277 = vector.shape_cast %get3A_276 : vector<1x256x256xf32> to vector<256x256xf32>
      %dot_general3A_278 = arith.constant dense<0.000000e+00> : vector<512x256xf32>
      %dot_general3A_279 = tpu.matmul %mul3A_272, %get3A_277, %dot_general3A_278 {dimension_numbers = #tpu.dot_dimension_numbers<[1], [0], [0], [1], [0, 0, 1, 1], [], []>, transpose_lhs_hint = false} : vector<512x256xf32>, vector<256x256xf32>, vector<512x256xf32> -> vector<512x256xf32>
      %add3A_280 = arith.addf %dot_general3A_262, %dot_general3A_279 : vector<512x256xf32>
      %add3A_281 = arith.constant 8 : i32
      %add3A_282 = arith.addi %mul3A_247, %add3A_281 : i32
      %get3A_283 = arith.index_cast %add3A_282 : i32 to index
      %get3A_284 = arith.constant 0 : index
      %get3A_285 = vector.load %arg17[%get3A_283, %get3A_284] : memref<4144x256xf32, #tpu.memory_space<vmem>>, vector<512x256xf32>
      %get3A_286 = arith.index_cast %mul3A_247 : i32 to index
      %get3A_287 = arith.constant 2 : index
      %get3A_288 = vector.load %arg11[%get3A_286, %get3A_287] : memref<4096x9xf32, #tpu.memory_space<vmem>>, vector<512x1xf32>
      %mul3A_289 = vector.broadcast %get3A_288 : vector<512x1xf32> to vector<512x256xf32>
      %mul3A_290 = arith.mulf %get3A_285, %mul3A_289 : vector<512x256xf32>
      %get3A_291 = arith.constant 2 : index
      %get3A_292 = arith.constant 0 : index
      %get3A_293 = arith.constant 0 : index
      %get3A_294 = vector.load %arg9[%get3A_291, %get3A_292, %get3A_293] : memref<9x256x256xf32, #tpu.memory_space<vmem>>, vector<1x256x256xf32>
      %get3A_295 = vector.shape_cast %get3A_294 : vector<1x256x256xf32> to vector<256x256xf32>
      %dot_general3A_296 = arith.constant dense<0.000000e+00> : vector<512x256xf32>
      %dot_general3A_297 = tpu.matmul %mul3A_290, %get3A_295, %dot_general3A_296 {dimension_numbers = #tpu.dot_dimension_numbers<[1], [0], [0], [1], [0, 0, 1, 1], [], []>, transpose_lhs_hint = false} : vector<512x256xf32>, vector<256x256xf32>, vector<512x256xf32> -> vector<512x256xf32>
      %add3A_298 = arith.addf %add3A_280, %dot_general3A_297 : vector<512x256xf32>
      %add3A_299 = arith.constant 24 : i32
      %add3A_300 = arith.addi %mul3A_247, %add3A_299 : i32
      %get3A_301 = arith.index_cast %add3A_300 : i32 to index
      %get3A_302 = arith.constant 0 : index
      %get3A_303 = vector.load %arg18[%get3A_301, %get3A_302] : memref<4144x256xf32, #tpu.memory_space<vmem>>, vector<512x256xf32>
      %get3A_304 = arith.index_cast %mul3A_247 : i32 to index
      %get3A_305 = arith.constant 3 : index
      %get3A_306 = vector.load %arg11[%get3A_304, %get3A_305] : memref<4096x9xf32, #tpu.memory_space<vmem>>, vector<512x1xf32>
      %mul3A_307 = vector.broadcast %get3A_306 : vector<512x1xf32> to vector<512x256xf32>
      %mul3A_308 = arith.mulf %get3A_303, %mul3A_307 : vector<512x256xf32>
      %get3A_309 = arith.constant 3 : index
      %get3A_310 = arith.constant 0 : index
      %get3A_311 = arith.constant 0 : index
      %get3A_312 = vector.load %arg9[%get3A_309, %get3A_310, %get3A_311] : memref<9x256x256xf32, #tpu.memory_space<vmem>>, vector<1x256x256xf32>
      %get3A_313 = vector.shape_cast %get3A_312 : vector<1x256x256xf32> to vector<256x256xf32>
      %dot_general3A_314 = arith.constant dense<0.000000e+00> : vector<512x256xf32>
      %dot_general3A_315 = tpu.matmul %mul3A_308, %get3A_313, %dot_general3A_314 {dimension_numbers = #tpu.dot_dimension_numbers<[1], [0], [0], [1], [0, 0, 1, 1], [], []>, transpose_lhs_hint = false} : vector<512x256xf32>, vector<256x256xf32>, vector<512x256xf32> -> vector<512x256xf32>
      %add3A_316 = arith.addf %add3A_298, %dot_general3A_315 : vector<512x256xf32>
      %add3A_317 = arith.constant 24 : i32
      %add3A_318 = arith.addi %mul3A_247, %add3A_317 : i32
      %get3A_319 = arith.index_cast %add3A_318 : i32 to index
      %get3A_320 = arith.constant 0 : index
      %get3A_321 = vector.load %arg16[%get3A_319, %get3A_320] : memref<4144x256xf32, #tpu.memory_space<vmem>>, vector<512x256xf32>
      %get3A_322 = arith.index_cast %mul3A_247 : i32 to index
      %get3A_323 = arith.constant 4 : index
      %get3A_324 = vector.load %arg11[%get3A_322, %get3A_323] : memref<4096x9xf32, #tpu.memory_space<vmem>>, vector<512x1xf32>
      %mul3A_325 = vector.broadcast %get3A_324 : vector<512x1xf32> to vector<512x256xf32>
      %mul3A_326 = arith.mulf %get3A_321, %mul3A_325 : vector<512x256xf32>
      %get3A_327 = arith.constant 4 : index
      %get3A_328 = arith.constant 0 : index
      %get3A_329 = arith.constant 0 : index
      %get3A_330 = vector.load %arg9[%get3A_327, %get3A_328, %get3A_329] : memref<9x256x256xf32, #tpu.memory_space<vmem>>, vector<1x256x256xf32>
      %get3A_331 = vector.shape_cast %get3A_330 : vector<1x256x256xf32> to vector<256x256xf32>
      %dot_general3A_332 = arith.constant dense<0.000000e+00> : vector<512x256xf32>
      %dot_general3A_333 = tpu.matmul %mul3A_326, %get3A_331, %dot_general3A_332 {dimension_numbers = #tpu.dot_dimension_numbers<[1], [0], [0], [1], [0, 0, 1, 1], [], []>, transpose_lhs_hint = false} : vector<512x256xf32>, vector<256x256xf32>, vector<512x256xf32> -> vector<512x256xf32>
      %add3A_334 = arith.addf %add3A_316, %dot_general3A_333 : vector<512x256xf32>
      %add3A_335 = arith.constant 24 : i32
      %add3A_336 = arith.addi %mul3A_247, %add3A_335 : i32
      %get3A_337 = arith.index_cast %add3A_336 : i32 to index
      %get3A_338 = arith.constant 0 : index
      %get3A_339 = vector.load %arg17[%get3A_337, %get3A_338] : memref<4144x256xf32, #tpu.memory_space<vmem>>, vector<512x256xf32>
      %get3A_340 = arith.index_cast %mul3A_247 : i32 to index
      %get3A_341 = arith.constant 5 : index
      %get3A_342 = vector.load %arg11[%get3A_340, %get3A_341] : memref<4096x9xf32, #tpu.memory_space<vmem>>, vector<512x1xf32>
      %mul3A_343 = vector.broadcast %get3A_342 : vector<512x1xf32> to vector<512x256xf32>
      %mul3A_344 = arith.mulf %get3A_339, %mul3A_343 : vector<512x256xf32>
      %get3A_345 = arith.constant 5 : index
      %get3A_346 = arith.constant 0 : index
      %get3A_347 = arith.constant 0 : index
      %get3A_348 = vector.load %arg9[%get3A_345, %get3A_346, %get3A_347] : memref<9x256x256xf32, #tpu.memory_space<vmem>>, vector<1x256x256xf32>
      %get3A_349 = vector.shape_cast %get3A_348 : vector<1x256x256xf32> to vector<256x256xf32>
      %dot_general3A_350 = arith.constant dense<0.000000e+00> : vector<512x256xf32>
      %dot_general3A_351 = tpu.matmul %mul3A_344, %get3A_349, %dot_general3A_350 {dimension_numbers = #tpu.dot_dimension_numbers<[1], [0], [0], [1], [0, 0, 1, 1], [], []>, transpose_lhs_hint = false} : vector<512x256xf32>, vector<256x256xf32>, vector<512x256xf32> -> vector<512x256xf32>
      %add3A_352 = arith.addf %add3A_334, %dot_general3A_351 : vector<512x256xf32>
      %add3A_353 = arith.constant 40 : i32
      %add3A_354 = arith.addi %mul3A_247, %add3A_353 : i32
      %get3A_355 = arith.index_cast %add3A_354 : i32 to index
      %get3A_356 = arith.constant 0 : index
      %get3A_357 = vector.load %arg18[%get3A_355, %get3A_356] : memref<4144x256xf32, #tpu.memory_space<vmem>>, vector<512x256xf32>
      %get3A_358 = arith.index_cast %mul3A_247 : i32 to index
      %get3A_359 = arith.constant 6 : index
      %get3A_360 = vector.load %arg11[%get3A_358, %get3A_359] : memref<4096x9xf32, #tpu.memory_space<vmem>>, vector<512x1xf32>
      %mul3A_361 = vector.broadcast %get3A_360 : vector<512x1xf32> to vector<512x256xf32>
      %mul3A_362 = arith.mulf %get3A_357, %mul3A_361 : vector<512x256xf32>
      %get3A_363 = arith.constant 6 : index
      %get3A_364 = arith.constant 0 : index
      %get3A_365 = arith.constant 0 : index
      %get3A_366 = vector.load %arg9[%get3A_363, %get3A_364, %get3A_365] : memref<9x256x256xf32, #tpu.memory_space<vmem>>, vector<1x256x256xf32>
      %get3A_367 = vector.shape_cast %get3A_366 : vector<1x256x256xf32> to vector<256x256xf32>
      %dot_general3A_368 = arith.constant dense<0.000000e+00> : vector<512x256xf32>
      %dot_general3A_369 = tpu.matmul %mul3A_362, %get3A_367, %dot_general3A_368 {dimension_numbers = #tpu.dot_dimension_numbers<[1], [0], [0], [1], [0, 0, 1, 1], [], []>, transpose_lhs_hint = false} : vector<512x256xf32>, vector<256x256xf32>, vector<512x256xf32> -> vector<512x256xf32>
      %add3A_370 = arith.addf %add3A_352, %dot_general3A_369 : vector<512x256xf32>
      %add3A_371 = arith.constant 40 : i32
      %add3A_372 = arith.addi %mul3A_247, %add3A_371 : i32
      %get3A_373 = arith.index_cast %add3A_372 : i32 to index
      %get3A_374 = arith.constant 0 : index
      %get3A_375 = vector.load %arg16[%get3A_373, %get3A_374] : memref<4144x256xf32, #tpu.memory_space<vmem>>, vector<512x256xf32>
      %get3A_376 = arith.index_cast %mul3A_247 : i32 to index
      %get3A_377 = arith.constant 7 : index
      %get3A_378 = vector.load %arg11[%get3A_376, %get3A_377] : memref<4096x9xf32, #tpu.memory_space<vmem>>, vector<512x1xf32>
      %mul3A_379 = vector.broadcast %get3A_378 : vector<512x1xf32> to vector<512x256xf32>
      %mul3A_380 = arith.mulf %get3A_375, %mul3A_379 : vector<512x256xf32>
      %get3A_381 = arith.constant 7 : index
      %get3A_382 = arith.constant 0 : index
      %get3A_383 = arith.constant 0 : index
      %get3A_384 = vector.load %arg9[%get3A_381, %get3A_382, %get3A_383] : memref<9x256x256xf32, #tpu.memory_space<vmem>>, vector<1x256x256xf32>
      %get3A_385 = vector.shape_cast %get3A_384 : vector<1x256x256xf32> to vector<256x256xf32>
      %dot_general3A_386 = arith.constant dense<0.000000e+00> : vector<512x256xf32>
      %dot_general3A_387 = tpu.matmul %mul3A_380, %get3A_385, %dot_general3A_386 {dimension_numbers = #tpu.dot_dimension_numbers<[1], [0], [0], [1], [0, 0, 1, 1], [], []>, transpose_lhs_hint = false} : vector<512x256xf32>, vector<256x256xf32>, vector<512x256xf32> -> vector<512x256xf32>
      %add3A_388 = arith.addf %add3A_370, %dot_general3A_387 : vector<512x256xf32>
      %add3A_389 = arith.constant 40 : i32
      %add3A_390 = arith.addi %mul3A_247, %add3A_389 : i32
      %get3A_391 = arith.index_cast %add3A_390 : i32 to index
      %get3A_392 = arith.constant 0 : index
      %get3A_393 = vector.load %arg17[%get3A_391, %get3A_392] : memref<4144x256xf32, #tpu.memory_space<vmem>>, vector<512x256xf32>
      %get3A_394 = arith.index_cast %mul3A_247 : i32 to index
      %get3A_395 = arith.constant 8 : index
      %get3A_396 = vector.load %arg11[%get3A_394, %get3A_395] : memref<4096x9xf32, #tpu.memory_space<vmem>>, vector<512x1xf32>
      %mul3A_397 = vector.broadcast %get3A_396 : vector<512x1xf32> to vector<512x256xf32>
      %mul3A_398 = arith.mulf %get3A_393, %mul3A_397 : vector<512x256xf32>
      %get3A_399 = arith.constant 8 : index
      %get3A_400 = arith.constant 0 : index
      %get3A_401 = arith.constant 0 : index
      %get3A_402 = vector.load %arg9[%get3A_399, %get3A_400, %get3A_401] : memref<9x256x256xf32, #tpu.memory_space<vmem>>, vector<1x256x256xf32>
      %get3A_403 = vector.shape_cast %get3A_402 : vector<1x256x256xf32> to vector<256x256xf32>
      %dot_general3A_404 = arith.constant dense<0.000000e+00> : vector<512x256xf32>
      %dot_general3A_405 = tpu.matmul %mul3A_398, %get3A_403, %dot_general3A_404 {dimension_numbers = #tpu.dot_dimension_numbers<[1], [0], [0], [1], [0, 0, 1, 1], [], []>, transpose_lhs_hint = false} : vector<512x256xf32>, vector<256x256xf32>, vector<512x256xf32> -> vector<512x256xf32>
      %add3A_406 = arith.addf %add3A_388, %dot_general3A_405 : vector<512x256xf32>
      %get3A_407 = arith.constant 0 : index
      %get3A_408 = arith.constant 0 : index
      %get3A_409 = vector.load %arg10[%get3A_407, %get3A_408] : memref<1x256xf32, #tpu.memory_space<vmem>>, vector<1x256xf32>
      %broadcast_in_dim3A_410 = vector.shape_cast %get3A_409 : vector<1x256xf32> to vector<1x256xf32>
      %broadcast_in_dim3A_411 = vector.broadcast %broadcast_in_dim3A_410 : vector<1x256xf32> to vector<512x256xf32>
      %add3A_412 = arith.addf %add3A_406, %broadcast_in_dim3A_411 : vector<512x256xf32>
      %add3A_413 = arith.constant 24 : i32
      %add3A_414 = arith.addi %mul3A_247, %add3A_413 : i32
      %get3A_415 = arith.index_cast %add3A_414 : i32 to index
      %get3A_416 = arith.constant 0 : index
      %get3A_417 = vector.load %arg16[%get3A_415, %get3A_416] : memref<4144x256xf32, #tpu.memory_space<vmem>>, vector<512x256xf32>
      %mul3A_418 = arith.constant 5.000000e-01 : f32
      %mul3A_419 = vector.broadcast %mul3A_418 : f32 to vector<512x256xf32>
      %mul3A_420 = arith.mulf %get3A_417, %mul3A_419 : vector<512x256xf32>
      %mul3A_421 = arith.constant 5.000000e-01 : f32
      %mul3A_422 = vector.broadcast %mul3A_421 : f32 to vector<512x256xf32>
      %mul3A_423 = arith.mulf %add3A_412, %mul3A_422 : vector<512x256xf32>
      %add3A_424 = arith.addf %mul3A_420, %mul3A_423 : vector<512x256xf32>
      %get3A_425 = arith.index_cast %mul3A_247 : i32 to index
      %get3A_426 = arith.constant 0 : index
      %get3A_427 = vector.load %arg1[%get3A_425, %get3A_426] : memref<4096x256xf32, #tpu.memory_space<vmem>>, vector<512x256xf32>
      %add3A_428 = arith.addf %get3A_427, %add3A_424 : vector<512x256xf32>
      %swap3A_429 = arith.index_cast %mul3A_247 : i32 to index
      %swap3A_430 = arith.constant 0 : index
      %swap3A_431 = vector.load %arg13[%swap3A_429, %swap3A_430] : memref<4096x256xf32, #tpu.memory_space<vmem>>, vector<512x256xf32>
      tpu.vector_store %arg13[%swap3A_429, %swap3A_430], %add3A_428 {strides = array<i32>} : memref<4096x256xf32, #tpu.memory_space<vmem>>, vector<512x256xf32>,
      %get3A_432 = arith.index_cast %mul3A_247 : i32 to index
      %get3A_433 = arith.constant 0 : index
      %get3A_434 = vector.load %arg0[%get3A_432, %get3A_433] : memref<4096x256xf32, #tpu.memory_space<vmem>>, vector<512x256xf32>
      %sub3A = arith.subf %get3A_434, %add3A_424 : vector<512x256xf32>
      %swap3A_435 = arith.index_cast %mul3A_247 : i32 to index
      %swap3A_436 = arith.constant 0 : index
      %swap3A_437 = vector.load %arg12[%swap3A_435, %swap3A_436] : memref<4096x256xf32, #tpu.memory_space<vmem>>, vector<512x256xf32>
      tpu.vector_store %arg12[%swap3A_435, %swap3A_436], %sub3A {strides = array<i32>} : memref<4096x256xf32, #tpu.memory_space<vmem>>, vector<512x256xf32>,
      %get3A_438 = arith.index_cast %mul3A_247 : i32 to index
      %get3A_439 = arith.constant 0 : index
      %get3A_440 = vector.load %arg2[%get3A_438, %get3A_439] : memref<4096x256xf32, #tpu.memory_space<vmem>>, vector<512x256xf32>
      %sub3A_441 = arith.subf %add3A_428, %get3A_440 : vector<512x256xf32>
      %get3A_442 = arith.constant 0 : index
      %get3A_443 = memref.load %arg20[%get3A_442] : memref<1xf32, #tpu.memory_space<smem>>
      %mul3A_444 = arith.mulf %sub3A_441, %sub3A_441 : vector<512x256xf32>
      %reduce_sum3A_445 = vector.shape_cast %mul3A_444 : vector<512x256xf32> to vector<1x512x256xf32>
      %reduce_sum3A_446 = arith.constant dense<0.000000e+00> : vector<1xf32>
      %reduce_sum3A_447 = vector.multi_reduction <add>, %reduce_sum3A_445, %reduce_sum3A_446 [1, 2] : vector<1x512x256xf32> to vector<1xf32>
      %reduce_sum3A_448 = vector.shape_cast %reduce_sum3A_447 : vector<1xf32> to vector<1x1x1xf32>
      %reduce_sum3A_449 = vector.extract %reduce_sum3A_448[0, 0, 0] : f32 from vector<1x1x1xf32>
      %add3A_450 = arith.addf %get3A_443, %reduce_sum3A_449 : f32
      %swap3A_451 = arith.constant 0 : index
      %swap3A_452 = memref.load %arg20[%swap3A_451] : memref<1xf32, #tpu.memory_space<smem>>
      memref.store %add3A_450, %arg20[%swap3A_451] : memref<1xf32, #tpu.memory_space<smem>>
    }
    %scan3A_29 = arith.constant 8 : i32
    %get3A = arith.constant 0 : index
    %get3A_30 = memref.load %arg20[%get3A] : memref<1xf32, #tpu.memory_space<smem>>
    %broadcast_in_dim3A_31 = vector.broadcast %get3A_30 : f32 to vector<1x1xf32>
    %swap3A_32 = arith.constant 0 : index
    %swap3A_33 = arith.constant 0 : index
    %swap3A_34 = vector.load %arg15[%swap3A_32, %swap3A_33] : memref<1x1xf32, #tpu.memory_space<vmem>>, vector<1x1xf32>
    tpu.vector_store %arg15[%swap3A_32, %swap3A_33], %broadcast_in_dim3A_31 {strides = array<i32>} : memref<1x1xf32, #tpu.memory_space<vmem>>, vector<1x1xf32>,
    %get3A_35 = arith.constant 0 : index
    %get3A_36 = arith.constant 0 : index
    %get3A_37 = vector.load %arg12[%get3A_35, %get3A_36] : memref<4096x256xf32, #tpu.memory_space<vmem>>, vector<512x256xf32>
    %mul3A = arith.mulf %get3A_37, %get3A_37 : vector<512x256xf32>
    %reduce_sum3A = arith.constant dense<0.000000e+00> : vector<512xf32>
    %reduce_sum3A_38 = vector.multi_reduction <add>, %mul3A, %reduce_sum3A [1] : vector<512x256xf32> to vector<512xf32>
    %broadcast_in_dim3A_39 = vector.shape_cast %reduce_sum3A_38 : vector<512xf32> to vector<512x1xf32>
    %sqrt3A = math.sqrt %broadcast_in_dim3A_39 : vector<512x1xf32>
    %max3A = arith.constant 9.99999996E-13 : f32
    %max3A_40 = vector.broadcast %max3A : f32 to vector<512x1xf32>
    %max3A_41 = arith.maximumf %sqrt3A, %max3A_40 : vector<512x1xf32>
    %div3A = vector.broadcast %max3A_41 : vector<512x1xf32> to vector<512x256xf32>
    %div3A_42 = arith.divf %get3A_37, %div3A : vector<512x256xf32>
    %convert_element_type3A = arith.truncf %div3A_42 : vector<512x256xf32> to vector<512x256xbf16>
    %broadcast_in_dim3A_43 = arith.constant 0xFF800000 : f32
    %broadcast_in_dim3A_44 = vector.broadcast %broadcast_in_dim3A_43 : f32 to vector<512x1xf32>
    %broadcast_in_dim3A_45 = arith.constant 0 : i32
    %broadcast_in_dim3A_46 = vector.broadcast %broadcast_in_dim3A_45 : i32 to vector<512x1xi32>
    %scan3A_47 = arith.constant 0 : i32
    %scan3A_48 = arith.constant 8 : i32
    %scan3A_49 = arith.addi %scan3A_47, %scan3A_48 : i32
    %scan3A_50 = arith.constant 1 : i32
    %scan3A_51:2 = scf.for %scan3A_245 = %scan3A_47 to %scan3A_49 step %scan3A_50 iter_args(%scan3A_246 = %broadcast_in_dim3A_44, %scan3A_247 = %broadcast_in_dim3A_46) -> (vector<512x1xf32>, vector<512x1xi32>)  : i32 {
      %mul3A_248 = arith.constant 1024 : i32
      %mul3A_249 = arith.muli %scan3A_245, %mul3A_248 : i32
      %get3A_250 = arith.constant 0 : index
      %get3A_251 = arith.index_cast %mul3A_249 : i32 to index
      %get3A_252 = vector.load %arg4[%get3A_250, %get3A_251] : memref<256x8192xbf16, #tpu.memory_space<vmem>>, vector<256x1024xbf16>
      %dot_general3A = arith.constant dense<0.000000e+00> : vector<512x1024xf32>
      %dot_general3A_253 = tpu.matmul %convert_element_type3A, %get3A_252, %dot_general3A {dimension_numbers = #tpu.dot_dimension_numbers<[1], [0], [0], [1], [0, 0, 1, 1], [], []>, transpose_lhs_hint = false} : vector<512x256xbf16>, vector<256x1024xbf16>, vector<512x1024xf32> -> vector<512x1024xf32>
      %reduce_max3A = arith.constant dense<0xFF800000> : vector<512xf32>
      %reduce_max3A_254 = vector.multi_reduction <maximumf>, %dot_general3A_253, %reduce_max3A [1] : vector<512x1024xf32> to vector<512xf32>
      %broadcast_in_dim3A_255 = vector.shape_cast %reduce_max3A_254 : vector<512xf32> to vector<512x1xf32>
      %iota3A = tpu.iota {dimensions = array<i32: 1>} : vector<512x1024xi32>
      %eq3A = vector.broadcast %broadcast_in_dim3A_255 : vector<512x1xf32> to vector<512x1024xf32>
      %eq3A_256 = arith.cmpf oeq, %dot_general3A_253, %eq3A : vector<512x1024xf32>
      %jit3A = arith.constant 1073741824 : i32
      %broadcast_in_dim3A_257 = vector.broadcast %jit3A : i32 to vector<512x1024xi32>
      %select_n3A = arith.select %eq3A_256, %iota3A, %broadcast_in_dim3A_257 : vector<512x1024xi1>, vector<512x1024xi32>
      %reduce_min3A = arith.constant dense<2147483647> : vector<512xi32>
      %reduce_min3A_258 = vector.multi_reduction <minsi>, %select_n3A, %reduce_min3A [1] : vector<512x1024xi32> to vector<512xi32>
      %broadcast_in_dim3A_259 = vector.shape_cast %reduce_min3A_258 : vector<512xi32> to vector<512x1xi32>
      %gt3A = arith.cmpf ogt, %broadcast_in_dim3A_255, %scan3A_246 : vector<512x1xf32>
      %select_n3A_260 = arith.select %gt3A, %broadcast_in_dim3A_255, %scan3A_246 : vector<512x1xi1>, vector<512x1xf32>
      %mul3A_261 = arith.constant 1024 : i32
      %mul3A_262 = arith.muli %scan3A_245, %mul3A_261 : i32
      %add3A = vector.broadcast %mul3A_262 : i32 to vector<512x1xi32>
      %add3A_263 = arith.addi %broadcast_in_dim3A_259, %add3A : vector<512x1xi32>
      %select_n3A_264 = arith.select %gt3A, %add3A_263, %scan3A_247 : vector<512x1xi1>, vector<512x1xi32>
      scf.yield %select_n3A_260, %select_n3A_264 : vector<512x1xf32>, vector<512x1xi32>
    }
    %scan3A_52 = arith.constant 8 : i32
    %swap3A_53 = arith.constant 0 : index
    %swap3A_54 = arith.constant 0 : index
    %swap3A_55 = vector.load %arg14[%swap3A_53, %swap3A_54] : memref<4096x1xi32, #tpu.memory_space<vmem>>, vector<512x1xi32>
    tpu.vector_store %arg14[%swap3A_53, %swap3A_54], %scan3A_51#1 {strides = array<i32>} : memref<4096x1xi32, #tpu.memory_space<vmem>>, vector<512x1xi32>,
    %get3A_56 = arith.constant 512 : index
    %get3A_57 = arith.constant 0 : index
    %get3A_58 = vector.load %arg12[%get3A_56, %get3A_57] : memref<4096x256xf32, #tpu.memory_space<vmem>>, vector<512x256xf32>
    %mul3A_59 = arith.mulf %get3A_58, %get3A_58 : vector<512x256xf32>
    %reduce_sum3A_60 = arith.constant dense<0.000000e+00> : vector<512xf32>
    %reduce_sum3A_61 = vector.multi_reduction <add>, %mul3A_59, %reduce_sum3A_60 [1] : vector<512x256xf32> to vector<512xf32>
    %broadcast_in_dim3A_62 = vector.shape_cast %reduce_sum3A_61 : vector<512xf32> to vector<512x1xf32>
    %sqrt3A_63 = math.sqrt %broadcast_in_dim3A_62 : vector<512x1xf32>
    %max3A_64 = arith.constant 9.99999996E-13 : f32
    %max3A_65 = vector.broadcast %max3A_64 : f32 to vector<512x1xf32>
    %max3A_66 = arith.maximumf %sqrt3A_63, %max3A_65 : vector<512x1xf32>
    %div3A_67 = vector.broadcast %max3A_66 : vector<512x1xf32> to vector<512x256xf32>
    %div3A_68 = arith.divf %get3A_58, %div3A_67 : vector<512x256xf32>
    %convert_element_type3A_69 = arith.truncf %div3A_68 : vector<512x256xf32> to vector<512x256xbf16>
    %broadcast_in_dim3A_70 = arith.constant 0xFF800000 : f32
    %broadcast_in_dim3A_71 = vector.broadcast %broadcast_in_dim3A_70 : f32 to vector<512x1xf32>
    %broadcast_in_dim3A_72 = arith.constant 0 : i32
    %broadcast_in_dim3A_73 = vector.broadcast %broadcast_in_dim3A_72 : i32 to vector<512x1xi32>
    %scan3A_74 = arith.constant 0 : i32
    %scan3A_75 = arith.constant 8 : i32
    %scan3A_76 = arith.addi %scan3A_74, %scan3A_75 : i32
    %scan3A_77 = arith.constant 1 : i32
    %scan3A_78:2 = scf.for %scan3A_245 = %scan3A_74 to %scan3A_76 step %scan3A_77 iter_args(%scan3A_246 = %broadcast_in_dim3A_71, %scan3A_247 = %broadcast_in_dim3A_73) -> (vector<512x1xf32>, vector<512x1xi32>)  : i32 {
      %mul3A_248 = arith.constant 1024 : i32
      %mul3A_249 = arith.muli %scan3A_245, %mul3A_248 : i32
      %get3A_250 = arith.constant 0 : index
      %get3A_251 = arith.index_cast %mul3A_249 : i32 to index
      %get3A_252 = vector.load %arg4[%get3A_250, %get3A_251] : memref<256x8192xbf16, #tpu.memory_space<vmem>>, vector<256x1024xbf16>
      %dot_general3A = arith.constant dense<0.000000e+00> : vector<512x1024xf32>
      %dot_general3A_253 = tpu.matmul %convert_element_type3A_69, %get3A_252, %dot_general3A {dimension_numbers = #tpu.dot_dimension_numbers<[1], [0], [0], [1], [0, 0, 1, 1], [], []>, transpose_lhs_hint = false} : vector<512x256xbf16>, vector<256x1024xbf16>, vector<512x1024xf32> -> vector<512x1024xf32>
      %reduce_max3A = arith.constant dense<0xFF800000> : vector<512xf32>
      %reduce_max3A_254 = vector.multi_reduction <maximumf>, %dot_general3A_253, %reduce_max3A [1] : vector<512x1024xf32> to vector<512xf32>
      %broadcast_in_dim3A_255 = vector.shape_cast %reduce_max3A_254 : vector<512xf32> to vector<512x1xf32>
      %iota3A = tpu.iota {dimensions = array<i32: 1>} : vector<512x1024xi32>
      %eq3A = vector.broadcast %broadcast_in_dim3A_255 : vector<512x1xf32> to vector<512x1024xf32>
      %eq3A_256 = arith.cmpf oeq, %dot_general3A_253, %eq3A : vector<512x1024xf32>
      %jit3A = arith.constant 1073741824 : i32
      %broadcast_in_dim3A_257 = vector.broadcast %jit3A : i32 to vector<512x1024xi32>
      %select_n3A = arith.select %eq3A_256, %iota3A, %broadcast_in_dim3A_257 : vector<512x1024xi1>, vector<512x1024xi32>
      %reduce_min3A = arith.constant dense<2147483647> : vector<512xi32>
      %reduce_min3A_258 = vector.multi_reduction <minsi>, %select_n3A, %reduce_min3A [1] : vector<512x1024xi32> to vector<512xi32>
      %broadcast_in_dim3A_259 = vector.shape_cast %reduce_min3A_258 : vector<512xi32> to vector<512x1xi32>
      %gt3A = arith.cmpf ogt, %broadcast_in_dim3A_255, %scan3A_246 : vector<512x1xf32>
      %select_n3A_260 = arith.select %gt3A, %broadcast_in_dim3A_255, %scan3A_246 : vector<512x1xi1>, vector<512x1xf32>
      %mul3A_261 = arith.constant 1024 : i32
      %mul3A_262 = arith.muli %scan3A_245, %mul3A_261 : i32
      %add3A = vector.broadcast %mul3A_262 : i32 to vector<512x1xi32>
      %add3A_263 = arith.addi %broadcast_in_dim3A_259, %add3A : vector<512x1xi32>
      %select_n3A_264 = arith.select %gt3A, %add3A_263, %scan3A_247 : vector<512x1xi1>, vector<512x1xi32>
      scf.yield %select_n3A_260, %select_n3A_264 : vector<512x1xf32>, vector<512x1xi32>
    }
    %scan3A_79 = arith.constant 8 : i32
    %swap3A_80 = arith.constant 512 : index
    %swap3A_81 = arith.constant 0 : index
    %swap3A_82 = vector.load %arg14[%swap3A_80, %swap3A_81] : memref<4096x1xi32, #tpu.memory_space<vmem>>, vector<512x1xi32>
    tpu.vector_store %arg14[%swap3A_80, %swap3A_81], %scan3A_78#1 {strides = array<i32>} : memref<4096x1xi32, #tpu.memory_space<vmem>>, vector<512x1xi32>,
    %get3A_83 = arith.constant 1024 : index
    %get3A_84 = arith.constant 0 : index
    %get3A_85 = vector.load %arg12[%get3A_83, %get3A_84] : memref<4096x256xf32, #tpu.memory_space<vmem>>, vector<512x256xf32>
    %mul3A_86 = arith.mulf %get3A_85, %get3A_85 : vector<512x256xf32>
    %reduce_sum3A_87 = arith.constant dense<0.000000e+00> : vector<512xf32>
    %reduce_sum3A_88 = vector.multi_reduction <add>, %mul3A_86, %reduce_sum3A_87 [1] : vector<512x256xf32> to vector<512xf32>
    %broadcast_in_dim3A_89 = vector.shape_cast %reduce_sum3A_88 : vector<512xf32> to vector<512x1xf32>
    %sqrt3A_90 = math.sqrt %broadcast_in_dim3A_89 : vector<512x1xf32>
    %max3A_91 = arith.constant 9.99999996E-13 : f32
    %max3A_92 = vector.broadcast %max3A_91 : f32 to vector<512x1xf32>
    %max3A_93 = arith.maximumf %sqrt3A_90, %max3A_92 : vector<512x1xf32>
    %div3A_94 = vector.broadcast %max3A_93 : vector<512x1xf32> to vector<512x256xf32>
    %div3A_95 = arith.divf %get3A_85, %div3A_94 : vector<512x256xf32>
    %convert_element_type3A_96 = arith.truncf %div3A_95 : vector<512x256xf32> to vector<512x256xbf16>
    %broadcast_in_dim3A_97 = arith.constant 0xFF800000 : f32
    %broadcast_in_dim3A_98 = vector.broadcast %broadcast_in_dim3A_97 : f32 to vector<512x1xf32>
    %broadcast_in_dim3A_99 = arith.constant 0 : i32
    %broadcast_in_dim3A_100 = vector.broadcast %broadcast_in_dim3A_99 : i32 to vector<512x1xi32>
    %scan3A_101 = arith.constant 0 : i32
    %scan3A_102 = arith.constant 8 : i32
    %scan3A_103 = arith.addi %scan3A_101, %scan3A_102 : i32
    %scan3A_104 = arith.constant 1 : i32
    %scan3A_105:2 = scf.for %scan3A_245 = %scan3A_101 to %scan3A_103 step %scan3A_104 iter_args(%scan3A_246 = %broadcast_in_dim3A_98, %scan3A_247 = %broadcast_in_dim3A_100) -> (vector<512x1xf32>, vector<512x1xi32>)  : i32 {
      %mul3A_248 = arith.constant 1024 : i32
      %mul3A_249 = arith.muli %scan3A_245, %mul3A_248 : i32
      %get3A_250 = arith.constant 0 : index
      %get3A_251 = arith.index_cast %mul3A_249 : i32 to index
      %get3A_252 = vector.load %arg4[%get3A_250, %get3A_251] : memref<256x8192xbf16, #tpu.memory_space<vmem>>, vector<256x1024xbf16>
      %dot_general3A = arith.constant dense<0.000000e+00> : vector<512x1024xf32>
      %dot_general3A_253 = tpu.matmul %convert_element_type3A_96, %get3A_252, %dot_general3A {dimension_numbers = #tpu.dot_dimension_numbers<[1], [0], [0], [1], [0, 0, 1, 1], [], []>, transpose_lhs_hint = false} : vector<512x256xbf16>, vector<256x1024xbf16>, vector<512x1024xf32> -> vector<512x1024xf32>
      %reduce_max3A = arith.constant dense<0xFF800000> : vector<512xf32>
      %reduce_max3A_254 = vector.multi_reduction <maximumf>, %dot_general3A_253, %reduce_max3A [1] : vector<512x1024xf32> to vector<512xf32>
      %broadcast_in_dim3A_255 = vector.shape_cast %reduce_max3A_254 : vector<512xf32> to vector<512x1xf32>
      %iota3A = tpu.iota {dimensions = array<i32: 1>} : vector<512x1024xi32>
      %eq3A = vector.broadcast %broadcast_in_dim3A_255 : vector<512x1xf32> to vector<512x1024xf32>
      %eq3A_256 = arith.cmpf oeq, %dot_general3A_253, %eq3A : vector<512x1024xf32>
      %jit3A = arith.constant 1073741824 : i32
      %broadcast_in_dim3A_257 = vector.broadcast %jit3A : i32 to vector<512x1024xi32>
      %select_n3A = arith.select %eq3A_256, %iota3A, %broadcast_in_dim3A_257 : vector<512x1024xi1>, vector<512x1024xi32>
      %reduce_min3A = arith.constant dense<2147483647> : vector<512xi32>
      %reduce_min3A_258 = vector.multi_reduction <minsi>, %select_n3A, %reduce_min3A [1] : vector<512x1024xi32> to vector<512xi32>
      %broadcast_in_dim3A_259 = vector.shape_cast %reduce_min3A_258 : vector<512xi32> to vector<512x1xi32>
      %gt3A = arith.cmpf ogt, %broadcast_in_dim3A_255, %scan3A_246 : vector<512x1xf32>
      %select_n3A_260 = arith.select %gt3A, %broadcast_in_dim3A_255, %scan3A_246 : vector<512x1xi1>, vector<512x1xf32>
      %mul3A_261 = arith.constant 1024 : i32
      %mul3A_262 = arith.muli %scan3A_245, %mul3A_261 : i32
      %add3A = vector.broadcast %mul3A_262 : i32 to vector<512x1xi32>
      %add3A_263 = arith.addi %broadcast_in_dim3A_259, %add3A : vector<512x1xi32>
      %select_n3A_264 = arith.select %gt3A, %add3A_263, %scan3A_247 : vector<512x1xi1>, vector<512x1xi32>
      scf.yield %select_n3A_260, %select_n3A_264 : vector<512x1xf32>, vector<512x1xi32>
    }
    %scan3A_106 = arith.constant 8 : i32
    %swap3A_107 = arith.constant 1024 : index
    %swap3A_108 = arith.constant 0 : index
    %swap3A_109 = vector.load %arg14[%swap3A_107, %swap3A_108] : memref<4096x1xi32, #tpu.memory_space<vmem>>, vector<512x1xi32>
    tpu.vector_store %arg14[%swap3A_107, %swap3A_108], %scan3A_105#1 {strides = array<i32>} : memref<4096x1xi32, #tpu.memory_space<vmem>>, vector<512x1xi32>,
    %get3A_110 = arith.constant 1536 : index
    %get3A_111 = arith.constant 0 : index
    %get3A_112 = vector.load %arg12[%get3A_110, %get3A_111] : memref<4096x256xf32, #tpu.memory_space<vmem>>, vector<512x256xf32>
    %mul3A_113 = arith.mulf %get3A_112, %get3A_112 : vector<512x256xf32>
    %reduce_sum3A_114 = arith.constant dense<0.000000e+00> : vector<512xf32>
    %reduce_sum3A_115 = vector.multi_reduction <add>, %mul3A_113, %reduce_sum3A_114 [1] : vector<512x256xf32> to vector<512xf32>
    %broadcast_in_dim3A_116 = vector.shape_cast %reduce_sum3A_115 : vector<512xf32> to vector<512x1xf32>
    %sqrt3A_117 = math.sqrt %broadcast_in_dim3A_116 : vector<512x1xf32>
    %max3A_118 = arith.constant 9.99999996E-13 : f32
    %max3A_119 = vector.broadcast %max3A_118 : f32 to vector<512x1xf32>
    %max3A_120 = arith.maximumf %sqrt3A_117, %max3A_119 : vector<512x1xf32>
    %div3A_121 = vector.broadcast %max3A_120 : vector<512x1xf32> to vector<512x256xf32>
    %div3A_122 = arith.divf %get3A_112, %div3A_121 : vector<512x256xf32>
    %convert_element_type3A_123 = arith.truncf %div3A_122 : vector<512x256xf32> to vector<512x256xbf16>
    %broadcast_in_dim3A_124 = arith.constant 0xFF800000 : f32
    %broadcast_in_dim3A_125 = vector.broadcast %broadcast_in_dim3A_124 : f32 to vector<512x1xf32>
    %broadcast_in_dim3A_126 = arith.constant 0 : i32
    %broadcast_in_dim3A_127 = vector.broadcast %broadcast_in_dim3A_126 : i32 to vector<512x1xi32>
    %scan3A_128 = arith.constant 0 : i32
    %scan3A_129 = arith.constant 8 : i32
    %scan3A_130 = arith.addi %scan3A_128, %scan3A_129 : i32
    %scan3A_131 = arith.constant 1 : i32
    %scan3A_132:2 = scf.for %scan3A_245 = %scan3A_128 to %scan3A_130 step %scan3A_131 iter_args(%scan3A_246 = %broadcast_in_dim3A_125, %scan3A_247 = %broadcast_in_dim3A_127) -> (vector<512x1xf32>, vector<512x1xi32>)  : i32 {
      %mul3A_248 = arith.constant 1024 : i32
      %mul3A_249 = arith.muli %scan3A_245, %mul3A_248 : i32
      %get3A_250 = arith.constant 0 : index
      %get3A_251 = arith.index_cast %mul3A_249 : i32 to index
      %get3A_252 = vector.load %arg4[%get3A_250, %get3A_251] : memref<256x8192xbf16, #tpu.memory_space<vmem>>, vector<256x1024xbf16>
      %dot_general3A = arith.constant dense<0.000000e+00> : vector<512x1024xf32>
      %dot_general3A_253 = tpu.matmul %convert_element_type3A_123, %get3A_252, %dot_general3A {dimension_numbers = #tpu.dot_dimension_numbers<[1], [0], [0], [1], [0, 0, 1, 1], [], []>, transpose_lhs_hint = false} : vector<512x256xbf16>, vector<256x1024xbf16>, vector<512x1024xf32> -> vector<512x1024xf32>
      %reduce_max3A = arith.constant dense<0xFF800000> : vector<512xf32>
      %reduce_max3A_254 = vector.multi_reduction <maximumf>, %dot_general3A_253, %reduce_max3A [1] : vector<512x1024xf32> to vector<512xf32>
      %broadcast_in_dim3A_255 = vector.shape_cast %reduce_max3A_254 : vector<512xf32> to vector<512x1xf32>
      %iota3A = tpu.iota {dimensions = array<i32: 1>} : vector<512x1024xi32>
      %eq3A = vector.broadcast %broadcast_in_dim3A_255 : vector<512x1xf32> to vector<512x1024xf32>
      %eq3A_256 = arith.cmpf oeq, %dot_general3A_253, %eq3A : vector<512x1024xf32>
      %jit3A = arith.constant 1073741824 : i32
      %broadcast_in_dim3A_257 = vector.broadcast %jit3A : i32 to vector<512x1024xi32>
      %select_n3A = arith.select %eq3A_256, %iota3A, %broadcast_in_dim3A_257 : vector<512x1024xi1>, vector<512x1024xi32>
      %reduce_min3A = arith.constant dense<2147483647> : vector<512xi32>
      %reduce_min3A_258 = vector.multi_reduction <minsi>, %select_n3A, %reduce_min3A [1] : vector<512x1024xi32> to vector<512xi32>
      %broadcast_in_dim3A_259 = vector.shape_cast %reduce_min3A_258 : vector<512xi32> to vector<512x1xi32>
      %gt3A = arith.cmpf ogt, %broadcast_in_dim3A_255, %scan3A_246 : vector<512x1xf32>
      %select_n3A_260 = arith.select %gt3A, %broadcast_in_dim3A_255, %scan3A_246 : vector<512x1xi1>, vector<512x1xf32>
      %mul3A_261 = arith.constant 1024 : i32
      %mul3A_262 = arith.muli %scan3A_245, %mul3A_261 : i32
      %add3A = vector.broadcast %mul3A_262 : i32 to vector<512x1xi32>
      %add3A_263 = arith.addi %broadcast_in_dim3A_259, %add3A : vector<512x1xi32>
      %select_n3A_264 = arith.select %gt3A, %add3A_263, %scan3A_247 : vector<512x1xi1>, vector<512x1xi32>
      scf.yield %select_n3A_260, %select_n3A_264 : vector<512x1xf32>, vector<512x1xi32>
    }
    %scan3A_133 = arith.constant 8 : i32
    %swap3A_134 = arith.constant 1536 : index
    %swap3A_135 = arith.constant 0 : index
    %swap3A_136 = vector.load %arg14[%swap3A_134, %swap3A_135] : memref<4096x1xi32, #tpu.memory_space<vmem>>, vector<512x1xi32>
    tpu.vector_store %arg14[%swap3A_134, %swap3A_135], %scan3A_132#1 {strides = array<i32>} : memref<4096x1xi32, #tpu.memory_space<vmem>>, vector<512x1xi32>,
    %get3A_137 = arith.constant 2048 : index
    %get3A_138 = arith.constant 0 : index
    %get3A_139 = vector.load %arg12[%get3A_137, %get3A_138] : memref<4096x256xf32, #tpu.memory_space<vmem>>, vector<512x256xf32>
    %mul3A_140 = arith.mulf %get3A_139, %get3A_139 : vector<512x256xf32>
    %reduce_sum3A_141 = arith.constant dense<0.000000e+00> : vector<512xf32>
    %reduce_sum3A_142 = vector.multi_reduction <add>, %mul3A_140, %reduce_sum3A_141 [1] : vector<512x256xf32> to vector<512xf32>
    %broadcast_in_dim3A_143 = vector.shape_cast %reduce_sum3A_142 : vector<512xf32> to vector<512x1xf32>
    %sqrt3A_144 = math.sqrt %broadcast_in_dim3A_143 : vector<512x1xf32>
    %max3A_145 = arith.constant 9.99999996E-13 : f32
    %max3A_146 = vector.broadcast %max3A_145 : f32 to vector<512x1xf32>
    %max3A_147 = arith.maximumf %sqrt3A_144, %max3A_146 : vector<512x1xf32>
    %div3A_148 = vector.broadcast %max3A_147 : vector<512x1xf32> to vector<512x256xf32>
    %div3A_149 = arith.divf %get3A_139, %div3A_148 : vector<512x256xf32>
    %convert_element_type3A_150 = arith.truncf %div3A_149 : vector<512x256xf32> to vector<512x256xbf16>
    %broadcast_in_dim3A_151 = arith.constant 0xFF800000 : f32
    %broadcast_in_dim3A_152 = vector.broadcast %broadcast_in_dim3A_151 : f32 to vector<512x1xf32>
    %broadcast_in_dim3A_153 = arith.constant 0 : i32
    %broadcast_in_dim3A_154 = vector.broadcast %broadcast_in_dim3A_153 : i32 to vector<512x1xi32>
    %scan3A_155 = arith.constant 0 : i32
    %scan3A_156 = arith.constant 8 : i32
    %scan3A_157 = arith.addi %scan3A_155, %scan3A_156 : i32
    %scan3A_158 = arith.constant 1 : i32
    %scan3A_159:2 = scf.for %scan3A_245 = %scan3A_155 to %scan3A_157 step %scan3A_158 iter_args(%scan3A_246 = %broadcast_in_dim3A_152, %scan3A_247 = %broadcast_in_dim3A_154) -> (vector<512x1xf32>, vector<512x1xi32>)  : i32 {
      %mul3A_248 = arith.constant 1024 : i32
      %mul3A_249 = arith.muli %scan3A_245, %mul3A_248 : i32
      %get3A_250 = arith.constant 0 : index
      %get3A_251 = arith.index_cast %mul3A_249 : i32 to index
      %get3A_252 = vector.load %arg4[%get3A_250, %get3A_251] : memref<256x8192xbf16, #tpu.memory_space<vmem>>, vector<256x1024xbf16>
      %dot_general3A = arith.constant dense<0.000000e+00> : vector<512x1024xf32>
      %dot_general3A_253 = tpu.matmul %convert_element_type3A_150, %get3A_252, %dot_general3A {dimension_numbers = #tpu.dot_dimension_numbers<[1], [0], [0], [1], [0, 0, 1, 1], [], []>, transpose_lhs_hint = false} : vector<512x256xbf16>, vector<256x1024xbf16>, vector<512x1024xf32> -> vector<512x1024xf32>
      %reduce_max3A = arith.constant dense<0xFF800000> : vector<512xf32>
      %reduce_max3A_254 = vector.multi_reduction <maximumf>, %dot_general3A_253, %reduce_max3A [1] : vector<512x1024xf32> to vector<512xf32>
      %broadcast_in_dim3A_255 = vector.shape_cast %reduce_max3A_254 : vector<512xf32> to vector<512x1xf32>
      %iota3A = tpu.iota {dimensions = array<i32: 1>} : vector<512x1024xi32>
      %eq3A = vector.broadcast %broadcast_in_dim3A_255 : vector<512x1xf32> to vector<512x1024xf32>
      %eq3A_256 = arith.cmpf oeq, %dot_general3A_253, %eq3A : vector<512x1024xf32>
      %jit3A = arith.constant 1073741824 : i32
      %broadcast_in_dim3A_257 = vector.broadcast %jit3A : i32 to vector<512x1024xi32>
      %select_n3A = arith.select %eq3A_256, %iota3A, %broadcast_in_dim3A_257 : vector<512x1024xi1>, vector<512x1024xi32>
      %reduce_min3A = arith.constant dense<2147483647> : vector<512xi32>
      %reduce_min3A_258 = vector.multi_reduction <minsi>, %select_n3A, %reduce_min3A [1] : vector<512x1024xi32> to vector<512xi32>
      %broadcast_in_dim3A_259 = vector.shape_cast %reduce_min3A_258 : vector<512xi32> to vector<512x1xi32>
      %gt3A = arith.cmpf ogt, %broadcast_in_dim3A_255, %scan3A_246 : vector<512x1xf32>
      %select_n3A_260 = arith.select %gt3A, %broadcast_in_dim3A_255, %scan3A_246 : vector<512x1xi1>, vector<512x1xf32>
      %mul3A_261 = arith.constant 1024 : i32
      %mul3A_262 = arith.muli %scan3A_245, %mul3A_261 : i32
      %add3A = vector.broadcast %mul3A_262 : i32 to vector<512x1xi32>
      %add3A_263 = arith.addi %broadcast_in_dim3A_259, %add3A : vector<512x1xi32>
      %select_n3A_264 = arith.select %gt3A, %add3A_263, %scan3A_247 : vector<512x1xi1>, vector<512x1xi32>
      scf.yield %select_n3A_260, %select_n3A_264 : vector<512x1xf32>, vector<512x1xi32>
    }
    %scan3A_160 = arith.constant 8 : i32
    %swap3A_161 = arith.constant 2048 : index
    %swap3A_162 = arith.constant 0 : index
    %swap3A_163 = vector.load %arg14[%swap3A_161, %swap3A_162] : memref<4096x1xi32, #tpu.memory_space<vmem>>, vector<512x1xi32>
    tpu.vector_store %arg14[%swap3A_161, %swap3A_162], %scan3A_159#1 {strides = array<i32>} : memref<4096x1xi32, #tpu.memory_space<vmem>>, vector<512x1xi32>,
    %get3A_164 = arith.constant 2560 : index
    %get3A_165 = arith.constant 0 : index
    %get3A_166 = vector.load %arg12[%get3A_164, %get3A_165] : memref<4096x256xf32, #tpu.memory_space<vmem>>, vector<512x256xf32>
    %mul3A_167 = arith.mulf %get3A_166, %get3A_166 : vector<512x256xf32>
    %reduce_sum3A_168 = arith.constant dense<0.000000e+00> : vector<512xf32>
    %reduce_sum3A_169 = vector.multi_reduction <add>, %mul3A_167, %reduce_sum3A_168 [1] : vector<512x256xf32> to vector<512xf32>
    %broadcast_in_dim3A_170 = vector.shape_cast %reduce_sum3A_169 : vector<512xf32> to vector<512x1xf32>
    %sqrt3A_171 = math.sqrt %broadcast_in_dim3A_170 : vector<512x1xf32>
    %max3A_172 = arith.constant 9.99999996E-13 : f32
    %max3A_173 = vector.broadcast %max3A_172 : f32 to vector<512x1xf32>
    %max3A_174 = arith.maximumf %sqrt3A_171, %max3A_173 : vector<512x1xf32>
    %div3A_175 = vector.broadcast %max3A_174 : vector<512x1xf32> to vector<512x256xf32>
    %div3A_176 = arith.divf %get3A_166, %div3A_175 : vector<512x256xf32>
    %convert_element_type3A_177 = arith.truncf %div3A_176 : vector<512x256xf32> to vector<512x256xbf16>
    %broadcast_in_dim3A_178 = arith.constant 0xFF800000 : f32
    %broadcast_in_dim3A_179 = vector.broadcast %broadcast_in_dim3A_178 : f32 to vector<512x1xf32>
    %broadcast_in_dim3A_180 = arith.constant 0 : i32
    %broadcast_in_dim3A_181 = vector.broadcast %broadcast_in_dim3A_180 : i32 to vector<512x1xi32>
    %scan3A_182 = arith.constant 0 : i32
    %scan3A_183 = arith.constant 8 : i32
    %scan3A_184 = arith.addi %scan3A_182, %scan3A_183 : i32
    %scan3A_185 = arith.constant 1 : i32
    %scan3A_186:2 = scf.for %scan3A_245 = %scan3A_182 to %scan3A_184 step %scan3A_185 iter_args(%scan3A_246 = %broadcast_in_dim3A_179, %scan3A_247 = %broadcast_in_dim3A_181) -> (vector<512x1xf32>, vector<512x1xi32>)  : i32 {
      %mul3A_248 = arith.constant 1024 : i32
      %mul3A_249 = arith.muli %scan3A_245, %mul3A_248 : i32
      %get3A_250 = arith.constant 0 : index
      %get3A_251 = arith.index_cast %mul3A_249 : i32 to index
      %get3A_252 = vector.load %arg4[%get3A_250, %get3A_251] : memref<256x8192xbf16, #tpu.memory_space<vmem>>, vector<256x1024xbf16>
      %dot_general3A = arith.constant dense<0.000000e+00> : vector<512x1024xf32>
      %dot_general3A_253 = tpu.matmul %convert_element_type3A_177, %get3A_252, %dot_general3A {dimension_numbers = #tpu.dot_dimension_numbers<[1], [0], [0], [1], [0, 0, 1, 1], [], []>, transpose_lhs_hint = false} : vector<512x256xbf16>, vector<256x1024xbf16>, vector<512x1024xf32> -> vector<512x1024xf32>
      %reduce_max3A = arith.constant dense<0xFF800000> : vector<512xf32>
      %reduce_max3A_254 = vector.multi_reduction <maximumf>, %dot_general3A_253, %reduce_max3A [1] : vector<512x1024xf32> to vector<512xf32>
      %broadcast_in_dim3A_255 = vector.shape_cast %reduce_max3A_254 : vector<512xf32> to vector<512x1xf32>
      %iota3A = tpu.iota {dimensions = array<i32: 1>} : vector<512x1024xi32>
      %eq3A = vector.broadcast %broadcast_in_dim3A_255 : vector<512x1xf32> to vector<512x1024xf32>
      %eq3A_256 = arith.cmpf oeq, %dot_general3A_253, %eq3A : vector<512x1024xf32>
      %jit3A = arith.constant 1073741824 : i32
      %broadcast_in_dim3A_257 = vector.broadcast %jit3A : i32 to vector<512x1024xi32>
      %select_n3A = arith.select %eq3A_256, %iota3A, %broadcast_in_dim3A_257 : vector<512x1024xi1>, vector<512x1024xi32>
      %reduce_min3A = arith.constant dense<2147483647> : vector<512xi32>
      %reduce_min3A_258 = vector.multi_reduction <minsi>, %select_n3A, %reduce_min3A [1] : vector<512x1024xi32> to vector<512xi32>
      %broadcast_in_dim3A_259 = vector.shape_cast %reduce_min3A_258 : vector<512xi32> to vector<512x1xi32>
      %gt3A = arith.cmpf ogt, %broadcast_in_dim3A_255, %scan3A_246 : vector<512x1xf32>
      %select_n3A_260 = arith.select %gt3A, %broadcast_in_dim3A_255, %scan3A_246 : vector<512x1xi1>, vector<512x1xf32>
      %mul3A_261 = arith.constant 1024 : i32
      %mul3A_262 = arith.muli %scan3A_245, %mul3A_261 : i32
      %add3A = vector.broadcast %mul3A_262 : i32 to vector<512x1xi32>
      %add3A_263 = arith.addi %broadcast_in_dim3A_259, %add3A : vector<512x1xi32>
      %select_n3A_264 = arith.select %gt3A, %add3A_263, %scan3A_247 : vector<512x1xi1>, vector<512x1xi32>
      scf.yield %select_n3A_260, %select_n3A_264 : vector<512x1xf32>, vector<512x1xi32>
    }
    %scan3A_187 = arith.constant 8 : i32
    %swap3A_188 = arith.constant 2560 : index
    %swap3A_189 = arith.constant 0 : index
    %swap3A_190 = vector.load %arg14[%swap3A_188, %swap3A_189] : memref<4096x1xi32, #tpu.memory_space<vmem>>, vector<512x1xi32>
    tpu.vector_store %arg14[%swap3A_188, %swap3A_189], %scan3A_186#1 {strides = array<i32>} : memref<4096x1xi32, #tpu.memory_space<vmem>>, vector<512x1xi32>,
    %get3A_191 = arith.constant 3072 : index
    %get3A_192 = arith.constant 0 : index
    %get3A_193 = vector.load %arg12[%get3A_191, %get3A_192] : memref<4096x256xf32, #tpu.memory_space<vmem>>, vector<512x256xf32>
    %mul3A_194 = arith.mulf %get3A_193, %get3A_193 : vector<512x256xf32>
    %reduce_sum3A_195 = arith.constant dense<0.000000e+00> : vector<512xf32>
    %reduce_sum3A_196 = vector.multi_reduction <add>, %mul3A_194, %reduce_sum3A_195 [1] : vector<512x256xf32> to vector<512xf32>
    %broadcast_in_dim3A_197 = vector.shape_cast %reduce_sum3A_196 : vector<512xf32> to vector<512x1xf32>
    %sqrt3A_198 = math.sqrt %broadcast_in_dim3A_197 : vector<512x1xf32>
    %max3A_199 = arith.constant 9.99999996E-13 : f32
    %max3A_200 = vector.broadcast %max3A_199 : f32 to vector<512x1xf32>
    %max3A_201 = arith.maximumf %sqrt3A_198, %max3A_200 : vector<512x1xf32>
    %div3A_202 = vector.broadcast %max3A_201 : vector<512x1xf32> to vector<512x256xf32>
    %div3A_203 = arith.divf %get3A_193, %div3A_202 : vector<512x256xf32>
    %convert_element_type3A_204 = arith.truncf %div3A_203 : vector<512x256xf32> to vector<512x256xbf16>
    %broadcast_in_dim3A_205 = arith.constant 0xFF800000 : f32
    %broadcast_in_dim3A_206 = vector.broadcast %broadcast_in_dim3A_205 : f32 to vector<512x1xf32>
    %broadcast_in_dim3A_207 = arith.constant 0 : i32
    %broadcast_in_dim3A_208 = vector.broadcast %broadcast_in_dim3A_207 : i32 to vector<512x1xi32>
    %scan3A_209 = arith.constant 0 : i32
    %scan3A_210 = arith.constant 8 : i32
    %scan3A_211 = arith.addi %scan3A_209, %scan3A_210 : i32
    %scan3A_212 = arith.constant 1 : i32
    %scan3A_213:2 = scf.for %scan3A_245 = %scan3A_209 to %scan3A_211 step %scan3A_212 iter_args(%scan3A_246 = %broadcast_in_dim3A_206, %scan3A_247 = %broadcast_in_dim3A_208) -> (vector<512x1xf32>, vector<512x1xi32>)  : i32 {
      %mul3A_248 = arith.constant 1024 : i32
      %mul3A_249 = arith.muli %scan3A_245, %mul3A_248 : i32
      %get3A_250 = arith.constant 0 : index
      %get3A_251 = arith.index_cast %mul3A_249 : i32 to index
      %get3A_252 = vector.load %arg4[%get3A_250, %get3A_251] : memref<256x8192xbf16, #tpu.memory_space<vmem>>, vector<256x1024xbf16>
      %dot_general3A = arith.constant dense<0.000000e+00> : vector<512x1024xf32>
      %dot_general3A_253 = tpu.matmul %convert_element_type3A_204, %get3A_252, %dot_general3A {dimension_numbers = #tpu.dot_dimension_numbers<[1], [0], [0], [1], [0, 0, 1, 1], [], []>, transpose_lhs_hint = false} : vector<512x256xbf16>, vector<256x1024xbf16>, vector<512x1024xf32> -> vector<512x1024xf32>
      %reduce_max3A = arith.constant dense<0xFF800000> : vector<512xf32>
      %reduce_max3A_254 = vector.multi_reduction <maximumf>, %dot_general3A_253, %reduce_max3A [1] : vector<512x1024xf32> to vector<512xf32>
      %broadcast_in_dim3A_255 = vector.shape_cast %reduce_max3A_254 : vector<512xf32> to vector<512x1xf32>
      %iota3A = tpu.iota {dimensions = array<i32: 1>} : vector<512x1024xi32>
      %eq3A = vector.broadcast %broadcast_in_dim3A_255 : vector<512x1xf32> to vector<512x1024xf32>
      %eq3A_256 = arith.cmpf oeq, %dot_general3A_253, %eq3A : vector<512x1024xf32>
      %jit3A = arith.constant 1073741824 : i32
      %broadcast_in_dim3A_257 = vector.broadcast %jit3A : i32 to vector<512x1024xi32>
      %select_n3A = arith.select %eq3A_256, %iota3A, %broadcast_in_dim3A_257 : vector<512x1024xi1>, vector<512x1024xi32>
      %reduce_min3A = arith.constant dense<2147483647> : vector<512xi32>
      %reduce_min3A_258 = vector.multi_reduction <minsi>, %select_n3A, %reduce_min3A [1] : vector<512x1024xi32> to vector<512xi32>
      %broadcast_in_dim3A_259 = vector.shape_cast %reduce_min3A_258 : vector<512xi32> to vector<512x1xi32>
      %gt3A = arith.cmpf ogt, %broadcast_in_dim3A_255, %scan3A_246 : vector<512x1xf32>
      %select_n3A_260 = arith.select %gt3A, %broadcast_in_dim3A_255, %scan3A_246 : vector<512x1xi1>, vector<512x1xf32>
      %mul3A_261 = arith.constant 1024 : i32
      %mul3A_262 = arith.muli %scan3A_245, %mul3A_261 : i32
      %add3A = vector.broadcast %mul3A_262 : i32 to vector<512x1xi32>
      %add3A_263 = arith.addi %broadcast_in_dim3A_259, %add3A : vector<512x1xi32>
      %select_n3A_264 = arith.select %gt3A, %add3A_263, %scan3A_247 : vector<512x1xi1>, vector<512x1xi32>
      scf.yield %select_n3A_260, %select_n3A_264 : vector<512x1xf32>, vector<512x1xi32>
    }
    %scan3A_214 = arith.constant 8 : i32
    %swap3A_215 = arith.constant 3072 : index
    %swap3A_216 = arith.constant 0 : index
    %swap3A_217 = vector.load %arg14[%swap3A_215, %swap3A_216] : memref<4096x1xi32, #tpu.memory_space<vmem>>, vector<512x1xi32>
    tpu.vector_store %arg14[%swap3A_215, %swap3A_216], %scan3A_213#1 {strides = array<i32>} : memref<4096x1xi32, #tpu.memory_space<vmem>>, vector<512x1xi32>,
    %get3A_218 = arith.constant 3584 : index
    %get3A_219 = arith.constant 0 : index
    %get3A_220 = vector.load %arg12[%get3A_218, %get3A_219] : memref<4096x256xf32, #tpu.memory_space<vmem>>, vector<512x256xf32>
    %mul3A_221 = arith.mulf %get3A_220, %get3A_220 : vector<512x256xf32>
    %reduce_sum3A_222 = arith.constant dense<0.000000e+00> : vector<512xf32>
    %reduce_sum3A_223 = vector.multi_reduction <add>, %mul3A_221, %reduce_sum3A_222 [1] : vector<512x256xf32> to vector<512xf32>
    %broadcast_in_dim3A_224 = vector.shape_cast %reduce_sum3A_223 : vector<512xf32> to vector<512x1xf32>
    %sqrt3A_225 = math.sqrt %broadcast_in_dim3A_224 : vector<512x1xf32>
    %max3A_226 = arith.constant 9.99999996E-13 : f32
    %max3A_227 = vector.broadcast %max3A_226 : f32 to vector<512x1xf32>
    %max3A_228 = arith.maximumf %sqrt3A_225, %max3A_227 : vector<512x1xf32>
    %div3A_229 = vector.broadcast %max3A_228 : vector<512x1xf32> to vector<512x256xf32>
    %div3A_230 = arith.divf %get3A_220, %div3A_229 : vector<512x256xf32>
    %convert_element_type3A_231 = arith.truncf %div3A_230 : vector<512x256xf32> to vector<512x256xbf16>
    %broadcast_in_dim3A_232 = arith.constant 0xFF800000 : f32
    %broadcast_in_dim3A_233 = vector.broadcast %broadcast_in_dim3A_232 : f32 to vector<512x1xf32>
    %broadcast_in_dim3A_234 = arith.constant 0 : i32
    %broadcast_in_dim3A_235 = vector.broadcast %broadcast_in_dim3A_234 : i32 to vector<512x1xi32>
    %scan3A_236 = arith.constant 0 : i32
    %scan3A_237 = arith.constant 8 : i32
    %scan3A_238 = arith.addi %scan3A_236, %scan3A_237 : i32
    %scan3A_239 = arith.constant 1 : i32
    %scan3A_240:2 = scf.for %scan3A_245 = %scan3A_236 to %scan3A_238 step %scan3A_239 iter_args(%scan3A_246 = %broadcast_in_dim3A_233, %scan3A_247 = %broadcast_in_dim3A_235) -> (vector<512x1xf32>, vector<512x1xi32>)  : i32 {
      %mul3A_248 = arith.constant 1024 : i32
      %mul3A_249 = arith.muli %scan3A_245, %mul3A_248 : i32
      %get3A_250 = arith.constant 0 : index
      %get3A_251 = arith.index_cast %mul3A_249 : i32 to index
      %get3A_252 = vector.load %arg4[%get3A_250, %get3A_251] : memref<256x8192xbf16, #tpu.memory_space<vmem>>, vector<256x1024xbf16>
      %dot_general3A = arith.constant dense<0.000000e+00> : vector<512x1024xf32>
      %dot_general3A_253 = tpu.matmul %convert_element_type3A_231, %get3A_252, %dot_general3A {dimension_numbers = #tpu.dot_dimension_numbers<[1], [0], [0], [1], [0, 0, 1, 1], [], []>, transpose_lhs_hint = false} : vector<512x256xbf16>, vector<256x1024xbf16>, vector<512x1024xf32> -> vector<512x1024xf32>
      %reduce_max3A = arith.constant dense<0xFF800000> : vector<512xf32>
      %reduce_max3A_254 = vector.multi_reduction <maximumf>, %dot_general3A_253, %reduce_max3A [1] : vector<512x1024xf32> to vector<512xf32>
      %broadcast_in_dim3A_255 = vector.shape_cast %reduce_max3A_254 : vector<512xf32> to vector<512x1xf32>
      %iota3A = tpu.iota {dimensions = array<i32: 1>} : vector<512x1024xi32>
      %eq3A = vector.broadcast %broadcast_in_dim3A_255 : vector<512x1xf32> to vector<512x1024xf32>
      %eq3A_256 = arith.cmpf oeq, %dot_general3A_253, %eq3A : vector<512x1024xf32>
      %jit3A = arith.constant 1073741824 : i32
      %broadcast_in_dim3A_257 = vector.broadcast %jit3A : i32 to vector<512x1024xi32>
      %select_n3A = arith.select %eq3A_256, %iota3A, %broadcast_in_dim3A_257 : vector<512x1024xi1>, vector<512x1024xi32>
      %reduce_min3A = arith.constant dense<2147483647> : vector<512xi32>
      %reduce_min3A_258 = vector.multi_reduction <minsi>, %select_n3A, %reduce_min3A [1] : vector<512x1024xi32> to vector<512xi32>
      %broadcast_in_dim3A_259 = vector.shape_cast %reduce_min3A_258 : vector<512xi32> to vector<512x1xi32>
      %gt3A = arith.cmpf ogt, %broadcast_in_dim3A_255, %scan3A_246 : vector<512x1xf32>
      %select_n3A_260 = arith.select %gt3A, %broadcast_in_dim3A_255, %scan3A_246 : vector<512x1xi1>, vector<512x1xf32>
      %mul3A_261 = arith.constant 1024 : i32
      %mul3A_262 = arith.muli %scan3A_245, %mul3A_261 : i32
      %add3A = vector.broadcast %mul3A_262 : i32 to vector<512x1xi32>
      %add3A_263 = arith.addi %broadcast_in_dim3A_259, %add3A : vector<512x1xi32>
      %select_n3A_264 = arith.select %gt3A, %add3A_263, %scan3A_247 : vector<512x1xi1>, vector<512x1xi32>
      scf.yield %select_n3A_260, %select_n3A_264 : vector<512x1xf32>, vector<512x1xi32>
    }
    %scan3A_241 = arith.constant 8 : i32
    %swap3A_242 = arith.constant 3584 : index
    %swap3A_243 = arith.constant 0 : index
    %swap3A_244 = vector.load %arg14[%swap3A_242, %swap3A_243] : memref<4096x1xi32, #tpu.memory_space<vmem>>, vector<512x1xi32>
    tpu.vector_store %arg14[%swap3A_242, %swap3A_243], %scan3A_240#1 {strides = array<i32>} : memref<4096x1xi32, #tpu.memory_space<vmem>>, vector<512x1xi32>,
    return
  }
}

module attributes {stable_mosaic.version = 14 : i64} {
  func.func @_enc_kernel(%arg0: i32, %arg1: memref<256x1xi32, #tpu.memory_space<vmem>>, %arg2: memref<256x8192xf32, #tpu.memory_space<vmem>>, %arg3: memref<1x1xf32, #tpu.memory_space<vmem>>, %arg4: memref<1x8192xf32, #tpu.memory_space<vmem>>) attributes {dimension_semantics = [#tpu.dimension_semantics<arbitrary>], iteration_bounds = array<i64: 16>, scalar_prefetch = 0 : i64, scratch_operands = 1 : i64, tpu.core_type = #tpu.core_type<tc>, window_params = [{transform_indices = @transform_0, window_bounds = array<i64: 256, 1>}, {transform_indices = @transform_1, window_bounds = array<i64: 256, 8192>}, {pipeline_mode = #tpu.pipeline_mode<synchronous>, transform_indices = @transform_2, window_bounds = array<i64: 1, 1>}]} {
    %eq3A = arith.constant 0 : i32
    %eq3A_0 = arith.cmpi eq, %arg0, %eq3A : i32
    %convert_element_type3A = arith.extui %eq3A_0 : i1 to i32
    %cond3A = arith.constant 0 : i32
    %cond3A_1 = arith.cmpi ne, %convert_element_type3A, %cond3A : i32
    scf.if %cond3A_1 {
      %broadcast_in_dim3A_22 = arith.constant 0.000000e+00 : f32
      %broadcast_in_dim3A_23 = vector.broadcast %broadcast_in_dim3A_22 : f32 to vector<1x8192xf32>
      %swap3A_24 = arith.constant 0 : index
      %swap3A_25 = arith.constant 0 : index
      %swap3A_26 = vector.load %arg4[%swap3A_24, %swap3A_25] : memref<1x8192xf32, #tpu.memory_space<vmem>>, vector<1x8192xf32>
      tpu.vector_store %arg4[%swap3A_24, %swap3A_25], %broadcast_in_dim3A_23 {strides = array<i32>} : memref<1x8192xf32, #tpu.memory_space<vmem>>, vector<1x8192xf32>,
    } else {
    }
    %iota3A = tpu.iota {dimensions = array<i32: 1>} : vector<256x8192xi32>
    %get3A = arith.constant 0 : index
    %get3A_2 = arith.constant 0 : index
    %get3A_3 = vector.load %arg1[%get3A, %get3A_2] : memref<256x1xi32, #tpu.memory_space<vmem>>, vector<256x1xi32>
    %eq3A_4 = vector.broadcast %get3A_3 : vector<256x1xi32> to vector<256x8192xi32>
    %eq3A_5 = arith.cmpi eq, %iota3A, %eq3A_4 : vector<256x8192xi32>
    %convert_element_type3A_6 = arith.extui %eq3A_5 : vector<256x8192xi1> to vector<256x8192xi32>
    %convert_element_type3A_7 = arith.sitofp %convert_element_type3A_6 : vector<256x8192xi32> to vector<256x8192xf32>
    %swap3A = arith.constant 0 : index
    %swap3A_8 = arith.constant 0 : index
    %swap3A_9 = vector.load %arg2[%swap3A, %swap3A_8] : memref<256x8192xf32, #tpu.memory_space<vmem>>, vector<256x8192xf32>
    tpu.vector_store %arg2[%swap3A, %swap3A_8], %convert_element_type3A_7 {strides = array<i32>} : memref<256x8192xf32, #tpu.memory_space<vmem>>, vector<256x8192xf32>,
    %get3A_10 = arith.constant 0 : index
    %get3A_11 = arith.constant 0 : index
    %get3A_12 = vector.load %arg4[%get3A_10, %get3A_11] : memref<1x8192xf32, #tpu.memory_space<vmem>>, vector<1x8192xf32>
    %reduce_sum3A = arith.constant dense<0.000000e+00> : vector<8192xf32>
    %reduce_sum3A_13 = vector.multi_reduction <add>, %convert_element_type3A_7, %reduce_sum3A [0] : vector<256x8192xf32> to vector<8192xf32>
    %broadcast_in_dim3A = vector.shape_cast %reduce_sum3A_13 : vector<8192xf32> to vector<1x8192xf32>
    %add3A = arith.addf %get3A_12, %broadcast_in_dim3A : vector<1x8192xf32>
    %swap3A_14 = arith.constant 0 : index
    %swap3A_15 = arith.constant 0 : index
    %swap3A_16 = vector.load %arg4[%swap3A_14, %swap3A_15] : memref<1x8192xf32, #tpu.memory_space<vmem>>, vector<1x8192xf32>
    tpu.vector_store %arg4[%swap3A_14, %swap3A_15], %add3A {strides = array<i32>} : memref<1x8192xf32, #tpu.memory_space<vmem>>, vector<1x8192xf32>,
    %eq3A_17 = arith.constant 15 : i32
    %eq3A_18 = arith.cmpi eq, %arg0, %eq3A_17 : i32
    %convert_element_type3A_19 = arith.extui %eq3A_18 : i1 to i32
    %cond3A_20 = arith.constant 0 : i32
    %cond3A_21 = arith.cmpi ne, %convert_element_type3A_19, %cond3A_20 : i32
    scf.if %cond3A_21 {
      %get3A_22 = arith.constant 0 : index
      %get3A_23 = arith.constant 0 : index
      %get3A_24 = vector.load %arg4[%get3A_22, %get3A_23] : memref<1x8192xf32, #tpu.memory_space<vmem>>, vector<1x8192xf32>
      %mul3A = arith.constant 2.44140625E-4 : f32
      %mul3A_25 = vector.broadcast %mul3A : f32 to vector<1x8192xf32>
      %mul3A_26 = arith.mulf %get3A_24, %mul3A_25 : vector<1x8192xf32>
      %add3A_27 = arith.constant 1.000000e-10 : f32
      %add3A_28 = vector.broadcast %add3A_27 : f32 to vector<1x8192xf32>
      %add3A_29 = arith.addf %mul3A_26, %add3A_28 : vector<1x8192xf32>
      %log3A = math.log %add3A_29 : vector<1x8192xf32>
      %mul3A_30 = arith.mulf %mul3A_26, %log3A : vector<1x8192xf32>
      %reduce_sum3A_31 = vector.shape_cast %mul3A_30 : vector<1x8192xf32> to vector<1x1x8192xf32>
      %reduce_sum3A_32 = arith.constant dense<0.000000e+00> : vector<1xf32>
      %reduce_sum3A_33 = vector.multi_reduction <add>, %reduce_sum3A_31, %reduce_sum3A_32 [1, 2] : vector<1x1x8192xf32> to vector<1xf32>
      %reduce_sum3A_34 = vector.shape_cast %reduce_sum3A_33 : vector<1xf32> to vector<1x1x1xf32>
      %reduce_sum3A_35 = vector.extract %reduce_sum3A_34[0, 0, 0] : f32 from vector<1x1x1xf32>
      %neg3A = arith.constant 0.000000e+00 : f32
      %neg3A_36 = arith.subf %neg3A, %reduce_sum3A_35 : f32
      %exp3A = math.exp %neg3A_36 : f32
      %broadcast_in_dim3A_37 = vector.broadcast %exp3A : f32 to vector<1x1xf32>
      %swap3A_38 = arith.constant 0 : index
      %swap3A_39 = arith.constant 0 : index
      %swap3A_40 = vector.load %arg3[%swap3A_38, %swap3A_39] : memref<1x1xf32, #tpu.memory_space<vmem>>, vector<1x1xf32>
      tpu.vector_store %arg3[%swap3A_38, %swap3A_39], %broadcast_in_dim3A_37 {strides = array<i32>} : memref<1x1xf32, #tpu.memory_space<vmem>>, vector<1x1xf32>,
    } else {
    }
    return
  }
  func.func @transform_0(%arg0: i32) -> (i32, i32) {
    %c0_i32 = arith.constant 0 : i32
    %c0_i32_0 = arith.constant 0 : i32
    return %arg0, %c0_i32 : i32, i32
  }
  func.func @transform_1(%arg0: i32) -> (i32, i32) {
    %c0_i32 = arith.constant 0 : i32
    %c0_i32_0 = arith.constant 0 : i32
    return %arg0, %c0_i32 : i32, i32
  }
  func.func @transform_2(%arg0: i32) -> (i32, i32) {
    %c0_i32 = arith.constant 0 : i32
    %c0_i32_0 = arith.constant 0 : i32
    %c0_i32_1 = arith.constant 0 : i32
    return %c0_i32, %c0_i32_0 : i32, i32
  }
}

module attributes {stable_mosaic.version = 14 : i64} {
  func.func @_final_body(%arg0: memref<4096x256xf32, #tpu.memory_space<vmem>>, %arg1: memref<4096x256xf32, #tpu.memory_space<vmem>>, %arg2: memref<4096x256xf32, #tpu.memory_space<vmem>>, %arg3: memref<9x256x256xf32, #tpu.memory_space<vmem>>, %arg4: memref<1x256xf32, #tpu.memory_space<vmem>>, %arg5: memref<4096x9xf32, #tpu.memory_space<vmem>>, %arg6: memref<4096x256xf32, #tpu.memory_space<vmem>>, %arg7: memref<1x1xf32, #tpu.memory_space<vmem>>, %arg8: memref<4144x256xf32, #tpu.memory_space<vmem>>, %arg9: memref<4144x256xf32, #tpu.memory_space<vmem>>, %arg10: memref<4144x256xf32, #tpu.memory_space<vmem>>, %arg11: memref<1xf32, #tpu.memory_space<smem>>) attributes {dimension_semantics = [], scalar_prefetch = 0 : i64, scratch_operands = 4 : i64, tpu.core_type = #tpu.core_type<tc>} {
    %broadcast_in_dim3A = arith.constant 0.000000e+00 : f32
    %broadcast_in_dim3A_0 = vector.broadcast %broadcast_in_dim3A : f32 to vector<24x256xf32>
    %swap3A = arith.constant 0 : index
    %swap3A_1 = arith.constant 0 : index
    %swap3A_2 = vector.load %arg8[%swap3A, %swap3A_1] : memref<4144x256xf32, #tpu.memory_space<vmem>>, vector<24x256xf32>
    tpu.vector_store %arg8[%swap3A, %swap3A_1], %broadcast_in_dim3A_0 {strides = array<i32>} : memref<4144x256xf32, #tpu.memory_space<vmem>>, vector<24x256xf32>,
    %swap3A_3 = arith.constant 4120 : index
    %swap3A_4 = arith.constant 0 : index
    %swap3A_5 = vector.load %arg8[%swap3A_3, %swap3A_4] : memref<4144x256xf32, #tpu.memory_space<vmem>>, vector<24x256xf32>
    tpu.vector_store %arg8[%swap3A_3, %swap3A_4], %broadcast_in_dim3A_0 {strides = array<i32>} : memref<4144x256xf32, #tpu.memory_space<vmem>>, vector<24x256xf32>,
    %swap3A_6 = arith.constant 0 : index
    %swap3A_7 = arith.constant 0 : index
    %swap3A_8 = vector.load %arg9[%swap3A_6, %swap3A_7] : memref<4144x256xf32, #tpu.memory_space<vmem>>, vector<24x256xf32>
    tpu.vector_store %arg9[%swap3A_6, %swap3A_7], %broadcast_in_dim3A_0 {strides = array<i32>} : memref<4144x256xf32, #tpu.memory_space<vmem>>, vector<24x256xf32>,
    %swap3A_9 = arith.constant 4120 : index
    %swap3A_10 = arith.constant 0 : index
    %swap3A_11 = vector.load %arg9[%swap3A_9, %swap3A_10] : memref<4144x256xf32, #tpu.memory_space<vmem>>, vector<24x256xf32>
    tpu.vector_store %arg9[%swap3A_9, %swap3A_10], %broadcast_in_dim3A_0 {strides = array<i32>} : memref<4144x256xf32, #tpu.memory_space<vmem>>, vector<24x256xf32>,
    %swap3A_12 = arith.constant 0 : index
    %swap3A_13 = arith.constant 0 : index
    %swap3A_14 = vector.load %arg10[%swap3A_12, %swap3A_13] : memref<4144x256xf32, #tpu.memory_space<vmem>>, vector<24x256xf32>
    tpu.vector_store %arg10[%swap3A_12, %swap3A_13], %broadcast_in_dim3A_0 {strides = array<i32>} : memref<4144x256xf32, #tpu.memory_space<vmem>>, vector<24x256xf32>,
    %swap3A_15 = arith.constant 4120 : index
    %swap3A_16 = arith.constant 0 : index
    %swap3A_17 = vector.load %arg10[%swap3A_15, %swap3A_16] : memref<4144x256xf32, #tpu.memory_space<vmem>>, vector<24x256xf32>
    tpu.vector_store %arg10[%swap3A_15, %swap3A_16], %broadcast_in_dim3A_0 {strides = array<i32>} : memref<4144x256xf32, #tpu.memory_space<vmem>>, vector<24x256xf32>,
    %get3A = arith.constant 0 : index
    %get3A_18 = arith.constant 0 : index
    %get3A_19 = vector.load %arg2[%get3A, %get3A_18] : memref<4096x256xf32, #tpu.memory_space<vmem>>, vector<512x256xf32>
    %swap3A_20 = arith.constant 24 : index
    %swap3A_21 = arith.constant 0 : index
    %swap3A_22 = vector.load %arg8[%swap3A_20, %swap3A_21] : memref<4144x256xf32, #tpu.memory_space<vmem>>, vector<512x256xf32>
    tpu.vector_store %arg8[%swap3A_20, %swap3A_21], %get3A_19 {strides = array<i32>} : memref<4144x256xf32, #tpu.memory_space<vmem>>, vector<512x256xf32>,
    %get3A_23 = arith.constant 512 : index
    %get3A_24 = arith.constant 0 : index
    %get3A_25 = vector.load %arg2[%get3A_23, %get3A_24] : memref<4096x256xf32, #tpu.memory_space<vmem>>, vector<512x256xf32>
    %swap3A_26 = arith.constant 536 : index
    %swap3A_27 = arith.constant 0 : index
    %swap3A_28 = vector.load %arg8[%swap3A_26, %swap3A_27] : memref<4144x256xf32, #tpu.memory_space<vmem>>, vector<512x256xf32>
    tpu.vector_store %arg8[%swap3A_26, %swap3A_27], %get3A_25 {strides = array<i32>} : memref<4144x256xf32, #tpu.memory_space<vmem>>, vector<512x256xf32>,
    %get3A_29 = arith.constant 1024 : index
    %get3A_30 = arith.constant 0 : index
    %get3A_31 = vector.load %arg2[%get3A_29, %get3A_30] : memref<4096x256xf32, #tpu.memory_space<vmem>>, vector<512x256xf32>
    %swap3A_32 = arith.constant 1048 : index
    %swap3A_33 = arith.constant 0 : index
    %swap3A_34 = vector.load %arg8[%swap3A_32, %swap3A_33] : memref<4144x256xf32, #tpu.memory_space<vmem>>, vector<512x256xf32>
    tpu.vector_store %arg8[%swap3A_32, %swap3A_33], %get3A_31 {strides = array<i32>} : memref<4144x256xf32, #tpu.memory_space<vmem>>, vector<512x256xf32>,
    %get3A_35 = arith.constant 1536 : index
    %get3A_36 = arith.constant 0 : index
    %get3A_37 = vector.load %arg2[%get3A_35, %get3A_36] : memref<4096x256xf32, #tpu.memory_space<vmem>>, vector<512x256xf32>
    %swap3A_38 = arith.constant 1560 : index
    %swap3A_39 = arith.constant 0 : index
    %swap3A_40 = vector.load %arg8[%swap3A_38, %swap3A_39] : memref<4144x256xf32, #tpu.memory_space<vmem>>, vector<512x256xf32>
    tpu.vector_store %arg8[%swap3A_38, %swap3A_39], %get3A_37 {strides = array<i32>} : memref<4144x256xf32, #tpu.memory_space<vmem>>, vector<512x256xf32>,
    %get3A_41 = arith.constant 2048 : index
    %get3A_42 = arith.constant 0 : index
    %get3A_43 = vector.load %arg2[%get3A_41, %get3A_42] : memref<4096x256xf32, #tpu.memory_space<vmem>>, vector<512x256xf32>
    %swap3A_44 = arith.constant 2072 : index
    %swap3A_45 = arith.constant 0 : index
    %swap3A_46 = vector.load %arg8[%swap3A_44, %swap3A_45] : memref<4144x256xf32, #tpu.memory_space<vmem>>, vector<512x256xf32>
    tpu.vector_store %arg8[%swap3A_44, %swap3A_45], %get3A_43 {strides = array<i32>} : memref<4144x256xf32, #tpu.memory_space<vmem>>, vector<512x256xf32>,
    %get3A_47 = arith.constant 2560 : index
    %get3A_48 = arith.constant 0 : index
    %get3A_49 = vector.load %arg2[%get3A_47, %get3A_48] : memref<4096x256xf32, #tpu.memory_space<vmem>>, vector<512x256xf32>
    %swap3A_50 = arith.constant 2584 : index
    %swap3A_51 = arith.constant 0 : index
    %swap3A_52 = vector.load %arg8[%swap3A_50, %swap3A_51] : memref<4144x256xf32, #tpu.memory_space<vmem>>, vector<512x256xf32>
    tpu.vector_store %arg8[%swap3A_50, %swap3A_51], %get3A_49 {strides = array<i32>} : memref<4144x256xf32, #tpu.memory_space<vmem>>, vector<512x256xf32>,
    %get3A_53 = arith.constant 3072 : index
    %get3A_54 = arith.constant 0 : index
    %get3A_55 = vector.load %arg2[%get3A_53, %get3A_54] : memref<4096x256xf32, #tpu.memory_space<vmem>>, vector<512x256xf32>
    %swap3A_56 = arith.constant 3096 : index
    %swap3A_57 = arith.constant 0 : index
    %swap3A_58 = vector.load %arg8[%swap3A_56, %swap3A_57] : memref<4144x256xf32, #tpu.memory_space<vmem>>, vector<512x256xf32>
    tpu.vector_store %arg8[%swap3A_56, %swap3A_57], %get3A_55 {strides = array<i32>} : memref<4144x256xf32, #tpu.memory_space<vmem>>, vector<512x256xf32>,
    %get3A_59 = arith.constant 3584 : index
    %get3A_60 = arith.constant 0 : index
    %get3A_61 = vector.load %arg2[%get3A_59, %get3A_60] : memref<4096x256xf32, #tpu.memory_space<vmem>>, vector<512x256xf32>
    %swap3A_62 = arith.constant 3608 : index
    %swap3A_63 = arith.constant 0 : index
    %swap3A_64 = vector.load %arg8[%swap3A_62, %swap3A_63] : memref<4144x256xf32, #tpu.memory_space<vmem>>, vector<512x256xf32>
    tpu.vector_store %arg8[%swap3A_62, %swap3A_63], %get3A_61 {strides = array<i32>} : memref<4144x256xf32, #tpu.memory_space<vmem>>, vector<512x256xf32>,
    %get3A_65 = arith.constant 25 : index
    %get3A_66 = arith.constant 0 : index
    %get3A_67 = vector.load %arg8[%get3A_65, %get3A_66] : memref<4144x256xf32, #tpu.memory_space<vmem>>, vector<512x256xf32>
    %swap3A_68 = arith.constant 24 : index
    %swap3A_69 = arith.constant 0 : index
    %swap3A_70 = vector.load %arg9[%swap3A_68, %swap3A_69] : memref<4144x256xf32, #tpu.memory_space<vmem>>, vector<512x256xf32>
    tpu.vector_store %arg9[%swap3A_68, %swap3A_69], %get3A_67 {strides = array<i32>} : memref<4144x256xf32, #tpu.memory_space<vmem>>, vector<512x256xf32>,
    %get3A_71 = arith.constant 23 : index
    %get3A_72 = arith.constant 0 : index
    %get3A_73 = vector.load %arg8[%get3A_71, %get3A_72] : memref<4144x256xf32, #tpu.memory_space<vmem>>, vector<512x256xf32>
    %swap3A_74 = arith.constant 24 : index
    %swap3A_75 = arith.constant 0 : index
    %swap3A_76 = vector.load %arg10[%swap3A_74, %swap3A_75] : memref<4144x256xf32, #tpu.memory_space<vmem>>, vector<512x256xf32>
    tpu.vector_store %arg10[%swap3A_74, %swap3A_75], %get3A_73 {strides = array<i32>} : memref<4144x256xf32, #tpu.memory_space<vmem>>, vector<512x256xf32>,
    %get3A_77 = arith.constant 537 : index
    %get3A_78 = arith.constant 0 : index
    %get3A_79 = vector.load %arg8[%get3A_77, %get3A_78] : memref<4144x256xf32, #tpu.memory_space<vmem>>, vector<512x256xf32>
    %swap3A_80 = arith.constant 536 : index
    %swap3A_81 = arith.constant 0 : index
    %swap3A_82 = vector.load %arg9[%swap3A_80, %swap3A_81] : memref<4144x256xf32, #tpu.memory_space<vmem>>, vector<512x256xf32>
    tpu.vector_store %arg9[%swap3A_80, %swap3A_81], %get3A_79 {strides = array<i32>} : memref<4144x256xf32, #tpu.memory_space<vmem>>, vector<512x256xf32>,
    %get3A_83 = arith.constant 535 : index
    %get3A_84 = arith.constant 0 : index
    %get3A_85 = vector.load %arg8[%get3A_83, %get3A_84] : memref<4144x256xf32, #tpu.memory_space<vmem>>, vector<512x256xf32>
    %swap3A_86 = arith.constant 536 : index
    %swap3A_87 = arith.constant 0 : index
    %swap3A_88 = vector.load %arg10[%swap3A_86, %swap3A_87] : memref<4144x256xf32, #tpu.memory_space<vmem>>, vector<512x256xf32>
    tpu.vector_store %arg10[%swap3A_86, %swap3A_87], %get3A_85 {strides = array<i32>} : memref<4144x256xf32, #tpu.memory_space<vmem>>, vector<512x256xf32>,
    %get3A_89 = arith.constant 1049 : index
    %get3A_90 = arith.constant 0 : index
    %get3A_91 = vector.load %arg8[%get3A_89, %get3A_90] : memref<4144x256xf32, #tpu.memory_space<vmem>>, vector<512x256xf32>
    %swap3A_92 = arith.constant 1048 : index
    %swap3A_93 = arith.constant 0 : index
    %swap3A_94 = vector.load %arg9[%swap3A_92, %swap3A_93] : memref<4144x256xf32, #tpu.memory_space<vmem>>, vector<512x256xf32>
    tpu.vector_store %arg9[%swap3A_92, %swap3A_93], %get3A_91 {strides = array<i32>} : memref<4144x256xf32, #tpu.memory_space<vmem>>, vector<512x256xf32>,
    %get3A_95 = arith.constant 1047 : index
    %get3A_96 = arith.constant 0 : index
    %get3A_97 = vector.load %arg8[%get3A_95, %get3A_96] : memref<4144x256xf32, #tpu.memory_space<vmem>>, vector<512x256xf32>
    %swap3A_98 = arith.constant 1048 : index
    %swap3A_99 = arith.constant 0 : index
    %swap3A_100 = vector.load %arg10[%swap3A_98, %swap3A_99] : memref<4144x256xf32, #tpu.memory_space<vmem>>, vector<512x256xf32>
    tpu.vector_store %arg10[%swap3A_98, %swap3A_99], %get3A_97 {strides = array<i32>} : memref<4144x256xf32, #tpu.memory_space<vmem>>, vector<512x256xf32>,
    %get3A_101 = arith.constant 1561 : index
    %get3A_102 = arith.constant 0 : index
    %get3A_103 = vector.load %arg8[%get3A_101, %get3A_102] : memref<4144x256xf32, #tpu.memory_space<vmem>>, vector<512x256xf32>
    %swap3A_104 = arith.constant 1560 : index
    %swap3A_105 = arith.constant 0 : index
    %swap3A_106 = vector.load %arg9[%swap3A_104, %swap3A_105] : memref<4144x256xf32, #tpu.memory_space<vmem>>, vector<512x256xf32>
    tpu.vector_store %arg9[%swap3A_104, %swap3A_105], %get3A_103 {strides = array<i32>} : memref<4144x256xf32, #tpu.memory_space<vmem>>, vector<512x256xf32>,
    %get3A_107 = arith.constant 1559 : index
    %get3A_108 = arith.constant 0 : index
    %get3A_109 = vector.load %arg8[%get3A_107, %get3A_108] : memref<4144x256xf32, #tpu.memory_space<vmem>>, vector<512x256xf32>
    %swap3A_110 = arith.constant 1560 : index
    %swap3A_111 = arith.constant 0 : index
    %swap3A_112 = vector.load %arg10[%swap3A_110, %swap3A_111] : memref<4144x256xf32, #tpu.memory_space<vmem>>, vector<512x256xf32>
    tpu.vector_store %arg10[%swap3A_110, %swap3A_111], %get3A_109 {strides = array<i32>} : memref<4144x256xf32, #tpu.memory_space<vmem>>, vector<512x256xf32>,
    %get3A_113 = arith.constant 2073 : index
    %get3A_114 = arith.constant 0 : index
    %get3A_115 = vector.load %arg8[%get3A_113, %get3A_114] : memref<4144x256xf32, #tpu.memory_space<vmem>>, vector<512x256xf32>
    %swap3A_116 = arith.constant 2072 : index
    %swap3A_117 = arith.constant 0 : index
    %swap3A_118 = vector.load %arg9[%swap3A_116, %swap3A_117] : memref<4144x256xf32, #tpu.memory_space<vmem>>, vector<512x256xf32>
    tpu.vector_store %arg9[%swap3A_116, %swap3A_117], %get3A_115 {strides = array<i32>} : memref<4144x256xf32, #tpu.memory_space<vmem>>, vector<512x256xf32>,
    %get3A_119 = arith.constant 2071 : index
    %get3A_120 = arith.constant 0 : index
    %get3A_121 = vector.load %arg8[%get3A_119, %get3A_120] : memref<4144x256xf32, #tpu.memory_space<vmem>>, vector<512x256xf32>
    %swap3A_122 = arith.constant 2072 : index
    %swap3A_123 = arith.constant 0 : index
    %swap3A_124 = vector.load %arg10[%swap3A_122, %swap3A_123] : memref<4144x256xf32, #tpu.memory_space<vmem>>, vector<512x256xf32>
    tpu.vector_store %arg10[%swap3A_122, %swap3A_123], %get3A_121 {strides = array<i32>} : memref<4144x256xf32, #tpu.memory_space<vmem>>, vector<512x256xf32>,
    %get3A_125 = arith.constant 2585 : index
    %get3A_126 = arith.constant 0 : index
    %get3A_127 = vector.load %arg8[%get3A_125, %get3A_126] : memref<4144x256xf32, #tpu.memory_space<vmem>>, vector<512x256xf32>
    %swap3A_128 = arith.constant 2584 : index
    %swap3A_129 = arith.constant 0 : index
    %swap3A_130 = vector.load %arg9[%swap3A_128, %swap3A_129] : memref<4144x256xf32, #tpu.memory_space<vmem>>, vector<512x256xf32>
    tpu.vector_store %arg9[%swap3A_128, %swap3A_129], %get3A_127 {strides = array<i32>} : memref<4144x256xf32, #tpu.memory_space<vmem>>, vector<512x256xf32>,
    %get3A_131 = arith.constant 2583 : index
    %get3A_132 = arith.constant 0 : index
    %get3A_133 = vector.load %arg8[%get3A_131, %get3A_132] : memref<4144x256xf32, #tpu.memory_space<vmem>>, vector<512x256xf32>
    %swap3A_134 = arith.constant 2584 : index
    %swap3A_135 = arith.constant 0 : index
    %swap3A_136 = vector.load %arg10[%swap3A_134, %swap3A_135] : memref<4144x256xf32, #tpu.memory_space<vmem>>, vector<512x256xf32>
    tpu.vector_store %arg10[%swap3A_134, %swap3A_135], %get3A_133 {strides = array<i32>} : memref<4144x256xf32, #tpu.memory_space<vmem>>, vector<512x256xf32>,
    %get3A_137 = arith.constant 3097 : index
    %get3A_138 = arith.constant 0 : index
    %get3A_139 = vector.load %arg8[%get3A_137, %get3A_138] : memref<4144x256xf32, #tpu.memory_space<vmem>>, vector<512x256xf32>
    %swap3A_140 = arith.constant 3096 : index
    %swap3A_141 = arith.constant 0 : index
    %swap3A_142 = vector.load %arg9[%swap3A_140, %swap3A_141] : memref<4144x256xf32, #tpu.memory_space<vmem>>, vector<512x256xf32>
    tpu.vector_store %arg9[%swap3A_140, %swap3A_141], %get3A_139 {strides = array<i32>} : memref<4144x256xf32, #tpu.memory_space<vmem>>, vector<512x256xf32>,
    %get3A_143 = arith.constant 3095 : index
    %get3A_144 = arith.constant 0 : index
    %get3A_145 = vector.load %arg8[%get3A_143, %get3A_144] : memref<4144x256xf32, #tpu.memory_space<vmem>>, vector<512x256xf32>
    %swap3A_146 = arith.constant 3096 : index
    %swap3A_147 = arith.constant 0 : index
    %swap3A_148 = vector.load %arg10[%swap3A_146, %swap3A_147] : memref<4144x256xf32, #tpu.memory_space<vmem>>, vector<512x256xf32>
    tpu.vector_store %arg10[%swap3A_146, %swap3A_147], %get3A_145 {strides = array<i32>} : memref<4144x256xf32, #tpu.memory_space<vmem>>, vector<512x256xf32>,
    %get3A_149 = arith.constant 3609 : index
    %get3A_150 = arith.constant 0 : index
    %get3A_151 = vector.load %arg8[%get3A_149, %get3A_150] : memref<4144x256xf32, #tpu.memory_space<vmem>>, vector<512x256xf32>
    %swap3A_152 = arith.constant 3608 : index
    %swap3A_153 = arith.constant 0 : index
    %swap3A_154 = vector.load %arg9[%swap3A_152, %swap3A_153] : memref<4144x256xf32, #tpu.memory_space<vmem>>, vector<512x256xf32>
    tpu.vector_store %arg9[%swap3A_152, %swap3A_153], %get3A_151 {strides = array<i32>} : memref<4144x256xf32, #tpu.memory_space<vmem>>, vector<512x256xf32>,
    %get3A_155 = arith.constant 3607 : index
    %get3A_156 = arith.constant 0 : index
    %get3A_157 = vector.load %arg8[%get3A_155, %get3A_156] : memref<4144x256xf32, #tpu.memory_space<vmem>>, vector<512x256xf32>
    %swap3A_158 = arith.constant 3608 : index
    %swap3A_159 = arith.constant 0 : index
    %swap3A_160 = vector.load %arg10[%swap3A_158, %swap3A_159] : memref<4144x256xf32, #tpu.memory_space<vmem>>, vector<512x256xf32>
    tpu.vector_store %arg10[%swap3A_158, %swap3A_159], %get3A_157 {strides = array<i32>} : memref<4144x256xf32, #tpu.memory_space<vmem>>, vector<512x256xf32>,
    %swap3A_161 = arith.constant 0.000000e+00 : f32
    %swap3A_162 = arith.constant 0 : index
    %swap3A_163 = memref.load %arg11[%swap3A_162] : memref<1xf32, #tpu.memory_space<smem>>
    memref.store %swap3A_161, %arg11[%swap3A_162] : memref<1xf32, #tpu.memory_space<smem>>
    %scan3A = arith.constant 0 : i32
    %scan3A_164 = arith.constant 8 : i32
    %scan3A_165 = arith.addi %scan3A, %scan3A_164 : i32
    %scan3A_166 = arith.constant 1 : i32
    scf.for %scan3A_174 = %scan3A to %scan3A_165 step %scan3A_166  : i32 {
      %mul3A = arith.constant 512 : i32
      %mul3A_175 = arith.muli %scan3A_174, %mul3A : i32
      %add3A = arith.constant 8 : i32
      %add3A_176 = arith.addi %mul3A_175, %add3A : i32
      %get3A_177 = arith.index_cast %add3A_176 : i32 to index
      %get3A_178 = arith.constant 0 : index
      %get3A_179 = vector.load %arg10[%get3A_177, %get3A_178] : memref<4144x256xf32, #tpu.memory_space<vmem>>, vector<512x256xf32>
      %get3A_180 = arith.index_cast %mul3A_175 : i32 to index
      %get3A_181 = arith.constant 0 : index
      %get3A_182 = vector.load %arg5[%get3A_180, %get3A_181] : memref<4096x9xf32, #tpu.memory_space<vmem>>, vector<512x1xf32>
      %mul3A_183 = vector.broadcast %get3A_182 : vector<512x1xf32> to vector<512x256xf32>
      %mul3A_184 = arith.mulf %get3A_179, %mul3A_183 : vector<512x256xf32>
      %get3A_185 = arith.constant 0 : index
      %get3A_186 = arith.constant 0 : index
      %get3A_187 = arith.constant 0 : index
      %get3A_188 = vector.load %arg3[%get3A_185, %get3A_186, %get3A_187] : memref<9x256x256xf32, #tpu.memory_space<vmem>>, vector<1x256x256xf32>
      %get3A_189 = vector.shape_cast %get3A_188 : vector<1x256x256xf32> to vector<256x256xf32>
      %dot_general3A = arith.constant dense<0.000000e+00> : vector<512x256xf32>
      %dot_general3A_190 = tpu.matmul %mul3A_184, %get3A_189, %dot_general3A {dimension_numbers = #tpu.dot_dimension_numbers<[1], [0], [0], [1], [0, 0, 1, 1], [], []>, transpose_lhs_hint = false} : vector<512x256xf32>, vector<256x256xf32>, vector<512x256xf32> -> vector<512x256xf32>
      %add3A_191 = arith.constant 8 : i32
      %add3A_192 = arith.addi %mul3A_175, %add3A_191 : i32
      %get3A_193 = arith.index_cast %add3A_192 : i32 to index
      %get3A_194 = arith.constant 0 : index
      %get3A_195 = vector.load %arg8[%get3A_193, %get3A_194] : memref<4144x256xf32, #tpu.memory_space<vmem>>, vector<512x256xf32>
      %get3A_196 = arith.index_cast %mul3A_175 : i32 to index
      %get3A_197 = arith.constant 1 : index
      %get3A_198 = vector.load %arg5[%get3A_196, %get3A_197] : memref<4096x9xf32, #tpu.memory_space<vmem>>, vector<512x1xf32>
      %mul3A_199 = vector.broadcast %get3A_198 : vector<512x1xf32> to vector<512x256xf32>
      %mul3A_200 = arith.mulf %get3A_195, %mul3A_199 : vector<512x256xf32>
      %get3A_201 = arith.constant 1 : index
      %get3A_202 = arith.constant 0 : index
      %get3A_203 = arith.constant 0 : index
      %get3A_204 = vector.load %arg3[%get3A_201, %get3A_202, %get3A_203] : memref<9x256x256xf32, #tpu.memory_space<vmem>>, vector<1x256x256xf32>
      %get3A_205 = vector.shape_cast %get3A_204 : vector<1x256x256xf32> to vector<256x256xf32>
      %dot_general3A_206 = arith.constant dense<0.000000e+00> : vector<512x256xf32>
      %dot_general3A_207 = tpu.matmul %mul3A_200, %get3A_205, %dot_general3A_206 {dimension_numbers = #tpu.dot_dimension_numbers<[1], [0], [0], [1], [0, 0, 1, 1], [], []>, transpose_lhs_hint = false} : vector<512x256xf32>, vector<256x256xf32>, vector<512x256xf32> -> vector<512x256xf32>
      %add3A_208 = arith.addf %dot_general3A_190, %dot_general3A_207 : vector<512x256xf32>
      %add3A_209 = arith.constant 8 : i32
      %add3A_210 = arith.addi %mul3A_175, %add3A_209 : i32
      %get3A_211 = arith.index_cast %add3A_210 : i32 to index
      %get3A_212 = arith.constant 0 : index
      %get3A_213 = vector.load %arg9[%get3A_211, %get3A_212] : memref<4144x256xf32, #tpu.memory_space<vmem>>, vector<512x256xf32>
      %get3A_214 = arith.index_cast %mul3A_175 : i32 to index
      %get3A_215 = arith.constant 2 : index
      %get3A_216 = vector.load %arg5[%get3A_214, %get3A_215] : memref<4096x9xf32, #tpu.memory_space<vmem>>, vector<512x1xf32>
      %mul3A_217 = vector.broadcast %get3A_216 : vector<512x1xf32> to vector<512x256xf32>
      %mul3A_218 = arith.mulf %get3A_213, %mul3A_217 : vector<512x256xf32>
      %get3A_219 = arith.constant 2 : index
      %get3A_220 = arith.constant 0 : index
      %get3A_221 = arith.constant 0 : index
      %get3A_222 = vector.load %arg3[%get3A_219, %get3A_220, %get3A_221] : memref<9x256x256xf32, #tpu.memory_space<vmem>>, vector<1x256x256xf32>
      %get3A_223 = vector.shape_cast %get3A_222 : vector<1x256x256xf32> to vector<256x256xf32>
      %dot_general3A_224 = arith.constant dense<0.000000e+00> : vector<512x256xf32>
      %dot_general3A_225 = tpu.matmul %mul3A_218, %get3A_223, %dot_general3A_224 {dimension_numbers = #tpu.dot_dimension_numbers<[1], [0], [0], [1], [0, 0, 1, 1], [], []>, transpose_lhs_hint = false} : vector<512x256xf32>, vector<256x256xf32>, vector<512x256xf32> -> vector<512x256xf32>
      %add3A_226 = arith.addf %add3A_208, %dot_general3A_225 : vector<512x256xf32>
      %add3A_227 = arith.constant 24 : i32
      %add3A_228 = arith.addi %mul3A_175, %add3A_227 : i32
      %get3A_229 = arith.index_cast %add3A_228 : i32 to index
      %get3A_230 = arith.constant 0 : index
      %get3A_231 = vector.load %arg10[%get3A_229, %get3A_230] : memref<4144x256xf32, #tpu.memory_space<vmem>>, vector<512x256xf32>
      %get3A_232 = arith.index_cast %mul3A_175 : i32 to index
      %get3A_233 = arith.constant 3 : index
      %get3A_234 = vector.load %arg5[%get3A_232, %get3A_233] : memref<4096x9xf32, #tpu.memory_space<vmem>>, vector<512x1xf32>
      %mul3A_235 = vector.broadcast %get3A_234 : vector<512x1xf32> to vector<512x256xf32>
      %mul3A_236 = arith.mulf %get3A_231, %mul3A_235 : vector<512x256xf32>
      %get3A_237 = arith.constant 3 : index
      %get3A_238 = arith.constant 0 : index
      %get3A_239 = arith.constant 0 : index
      %get3A_240 = vector.load %arg3[%get3A_237, %get3A_238, %get3A_239] : memref<9x256x256xf32, #tpu.memory_space<vmem>>, vector<1x256x256xf32>
      %get3A_241 = vector.shape_cast %get3A_240 : vector<1x256x256xf32> to vector<256x256xf32>
      %dot_general3A_242 = arith.constant dense<0.000000e+00> : vector<512x256xf32>
      %dot_general3A_243 = tpu.matmul %mul3A_236, %get3A_241, %dot_general3A_242 {dimension_numbers = #tpu.dot_dimension_numbers<[1], [0], [0], [1], [0, 0, 1, 1], [], []>, transpose_lhs_hint = false} : vector<512x256xf32>, vector<256x256xf32>, vector<512x256xf32> -> vector<512x256xf32>
      %add3A_244 = arith.addf %add3A_226, %dot_general3A_243 : vector<512x256xf32>
      %add3A_245 = arith.constant 24 : i32
      %add3A_246 = arith.addi %mul3A_175, %add3A_245 : i32
      %get3A_247 = arith.index_cast %add3A_246 : i32 to index
      %get3A_248 = arith.constant 0 : index
      %get3A_249 = vector.load %arg8[%get3A_247, %get3A_248] : memref<4144x256xf32, #tpu.memory_space<vmem>>, vector<512x256xf32>
      %get3A_250 = arith.index_cast %mul3A_175 : i32 to index
      %get3A_251 = arith.constant 4 : index
      %get3A_252 = vector.load %arg5[%get3A_250, %get3A_251] : memref<4096x9xf32, #tpu.memory_space<vmem>>, vector<512x1xf32>
      %mul3A_253 = vector.broadcast %get3A_252 : vector<512x1xf32> to vector<512x256xf32>
      %mul3A_254 = arith.mulf %get3A_249, %mul3A_253 : vector<512x256xf32>
      %get3A_255 = arith.constant 4 : index
      %get3A_256 = arith.constant 0 : index
      %get3A_257 = arith.constant 0 : index
      %get3A_258 = vector.load %arg3[%get3A_255, %get3A_256, %get3A_257] : memref<9x256x256xf32, #tpu.memory_space<vmem>>, vector<1x256x256xf32>
      %get3A_259 = vector.shape_cast %get3A_258 : vector<1x256x256xf32> to vector<256x256xf32>
      %dot_general3A_260 = arith.constant dense<0.000000e+00> : vector<512x256xf32>
      %dot_general3A_261 = tpu.matmul %mul3A_254, %get3A_259, %dot_general3A_260 {dimension_numbers = #tpu.dot_dimension_numbers<[1], [0], [0], [1], [0, 0, 1, 1], [], []>, transpose_lhs_hint = false} : vector<512x256xf32>, vector<256x256xf32>, vector<512x256xf32> -> vector<512x256xf32>
      %add3A_262 = arith.addf %add3A_244, %dot_general3A_261 : vector<512x256xf32>
      %add3A_263 = arith.constant 24 : i32
      %add3A_264 = arith.addi %mul3A_175, %add3A_263 : i32
      %get3A_265 = arith.index_cast %add3A_264 : i32 to index
      %get3A_266 = arith.constant 0 : index
      %get3A_267 = vector.load %arg9[%get3A_265, %get3A_266] : memref<4144x256xf32, #tpu.memory_space<vmem>>, vector<512x256xf32>
      %get3A_268 = arith.index_cast %mul3A_175 : i32 to index
      %get3A_269 = arith.constant 5 : index
      %get3A_270 = vector.load %arg5[%get3A_268, %get3A_269] : memref<4096x9xf32, #tpu.memory_space<vmem>>, vector<512x1xf32>
      %mul3A_271 = vector.broadcast %get3A_270 : vector<512x1xf32> to vector<512x256xf32>
      %mul3A_272 = arith.mulf %get3A_267, %mul3A_271 : vector<512x256xf32>
      %get3A_273 = arith.constant 5 : index
      %get3A_274 = arith.constant 0 : index
      %get3A_275 = arith.constant 0 : index
      %get3A_276 = vector.load %arg3[%get3A_273, %get3A_274, %get3A_275] : memref<9x256x256xf32, #tpu.memory_space<vmem>>, vector<1x256x256xf32>
      %get3A_277 = vector.shape_cast %get3A_276 : vector<1x256x256xf32> to vector<256x256xf32>
      %dot_general3A_278 = arith.constant dense<0.000000e+00> : vector<512x256xf32>
      %dot_general3A_279 = tpu.matmul %mul3A_272, %get3A_277, %dot_general3A_278 {dimension_numbers = #tpu.dot_dimension_numbers<[1], [0], [0], [1], [0, 0, 1, 1], [], []>, transpose_lhs_hint = false} : vector<512x256xf32>, vector<256x256xf32>, vector<512x256xf32> -> vector<512x256xf32>
      %add3A_280 = arith.addf %add3A_262, %dot_general3A_279 : vector<512x256xf32>
      %add3A_281 = arith.constant 40 : i32
      %add3A_282 = arith.addi %mul3A_175, %add3A_281 : i32
      %get3A_283 = arith.index_cast %add3A_282 : i32 to index
      %get3A_284 = arith.constant 0 : index
      %get3A_285 = vector.load %arg10[%get3A_283, %get3A_284] : memref<4144x256xf32, #tpu.memory_space<vmem>>, vector<512x256xf32>
      %get3A_286 = arith.index_cast %mul3A_175 : i32 to index
      %get3A_287 = arith.constant 6 : index
      %get3A_288 = vector.load %arg5[%get3A_286, %get3A_287] : memref<4096x9xf32, #tpu.memory_space<vmem>>, vector<512x1xf32>
      %mul3A_289 = vector.broadcast %get3A_288 : vector<512x1xf32> to vector<512x256xf32>
      %mul3A_290 = arith.mulf %get3A_285, %mul3A_289 : vector<512x256xf32>
      %get3A_291 = arith.constant 6 : index
      %get3A_292 = arith.constant 0 : index
      %get3A_293 = arith.constant 0 : index
      %get3A_294 = vector.load %arg3[%get3A_291, %get3A_292, %get3A_293] : memref<9x256x256xf32, #tpu.memory_space<vmem>>, vector<1x256x256xf32>
      %get3A_295 = vector.shape_cast %get3A_294 : vector<1x256x256xf32> to vector<256x256xf32>
      %dot_general3A_296 = arith.constant dense<0.000000e+00> : vector<512x256xf32>
      %dot_general3A_297 = tpu.matmul %mul3A_290, %get3A_295, %dot_general3A_296 {dimension_numbers = #tpu.dot_dimension_numbers<[1], [0], [0], [1], [0, 0, 1, 1], [], []>, transpose_lhs_hint = false} : vector<512x256xf32>, vector<256x256xf32>, vector<512x256xf32> -> vector<512x256xf32>
      %add3A_298 = arith.addf %add3A_280, %dot_general3A_297 : vector<512x256xf32>
      %add3A_299 = arith.constant 40 : i32
      %add3A_300 = arith.addi %mul3A_175, %add3A_299 : i32
      %get3A_301 = arith.index_cast %add3A_300 : i32 to index
      %get3A_302 = arith.constant 0 : index
      %get3A_303 = vector.load %arg8[%get3A_301, %get3A_302] : memref<4144x256xf32, #tpu.memory_space<vmem>>, vector<512x256xf32>
      %get3A_304 = arith.index_cast %mul3A_175 : i32 to index
      %get3A_305 = arith.constant 7 : index
      %get3A_306 = vector.load %arg5[%get3A_304, %get3A_305] : memref<4096x9xf32, #tpu.memory_space<vmem>>, vector<512x1xf32>
      %mul3A_307 = vector.broadcast %get3A_306 : vector<512x1xf32> to vector<512x256xf32>
      %mul3A_308 = arith.mulf %get3A_303, %mul3A_307 : vector<512x256xf32>
      %get3A_309 = arith.constant 7 : index
      %get3A_310 = arith.constant 0 : index
      %get3A_311 = arith.constant 0 : index
      %get3A_312 = vector.load %arg3[%get3A_309, %get3A_310, %get3A_311] : memref<9x256x256xf32, #tpu.memory_space<vmem>>, vector<1x256x256xf32>
      %get3A_313 = vector.shape_cast %get3A_312 : vector<1x256x256xf32> to vector<256x256xf32>
      %dot_general3A_314 = arith.constant dense<0.000000e+00> : vector<512x256xf32>
      %dot_general3A_315 = tpu.matmul %mul3A_308, %get3A_313, %dot_general3A_314 {dimension_numbers = #tpu.dot_dimension_numbers<[1], [0], [0], [1], [0, 0, 1, 1], [], []>, transpose_lhs_hint = false} : vector<512x256xf32>, vector<256x256xf32>, vector<512x256xf32> -> vector<512x256xf32>
      %add3A_316 = arith.addf %add3A_298, %dot_general3A_315 : vector<512x256xf32>
      %add3A_317 = arith.constant 40 : i32
      %add3A_318 = arith.addi %mul3A_175, %add3A_317 : i32
      %get3A_319 = arith.index_cast %add3A_318 : i32 to index
      %get3A_320 = arith.constant 0 : index
      %get3A_321 = vector.load %arg9[%get3A_319, %get3A_320] : memref<4144x256xf32, #tpu.memory_space<vmem>>, vector<512x256xf32>
      %get3A_322 = arith.index_cast %mul3A_175 : i32 to index
      %get3A_323 = arith.constant 8 : index
      %get3A_324 = vector.load %arg5[%get3A_322, %get3A_323] : memref<4096x9xf32, #tpu.memory_space<vmem>>, vector<512x1xf32>
      %mul3A_325 = vector.broadcast %get3A_324 : vector<512x1xf32> to vector<512x256xf32>
      %mul3A_326 = arith.mulf %get3A_321, %mul3A_325 : vector<512x256xf32>
      %get3A_327 = arith.constant 8 : index
      %get3A_328 = arith.constant 0 : index
      %get3A_329 = arith.constant 0 : index
      %get3A_330 = vector.load %arg3[%get3A_327, %get3A_328, %get3A_329] : memref<9x256x256xf32, #tpu.memory_space<vmem>>, vector<1x256x256xf32>
      %get3A_331 = vector.shape_cast %get3A_330 : vector<1x256x256xf32> to vector<256x256xf32>
      %dot_general3A_332 = arith.constant dense<0.000000e+00> : vector<512x256xf32>
      %dot_general3A_333 = tpu.matmul %mul3A_326, %get3A_331, %dot_general3A_332 {dimension_numbers = #tpu.dot_dimension_numbers<[1], [0], [0], [1], [0, 0, 1, 1], [], []>, transpose_lhs_hint = false} : vector<512x256xf32>, vector<256x256xf32>, vector<512x256xf32> -> vector<512x256xf32>
      %add3A_334 = arith.addf %add3A_316, %dot_general3A_333 : vector<512x256xf32>
      %get3A_335 = arith.constant 0 : index
      %get3A_336 = arith.constant 0 : index
      %get3A_337 = vector.load %arg4[%get3A_335, %get3A_336] : memref<1x256xf32, #tpu.memory_space<vmem>>, vector<1x256xf32>
      %broadcast_in_dim3A_338 = vector.shape_cast %get3A_337 : vector<1x256xf32> to vector<1x256xf32>
      %broadcast_in_dim3A_339 = vector.broadcast %broadcast_in_dim3A_338 : vector<1x256xf32> to vector<512x256xf32>
      %add3A_340 = arith.addf %add3A_334, %broadcast_in_dim3A_339 : vector<512x256xf32>
      %add3A_341 = arith.constant 24 : i32
      %add3A_342 = arith.addi %mul3A_175, %add3A_341 : i32
      %get3A_343 = arith.index_cast %add3A_342 : i32 to index
      %get3A_344 = arith.constant 0 : index
      %get3A_345 = vector.load %arg8[%get3A_343, %get3A_344] : memref<4144x256xf32, #tpu.memory_space<vmem>>, vector<512x256xf32>
      %mul3A_346 = arith.constant 5.000000e-01 : f32
      %mul3A_347 = vector.broadcast %mul3A_346 : f32 to vector<512x256xf32>
      %mul3A_348 = arith.mulf %get3A_345, %mul3A_347 : vector<512x256xf32>
      %mul3A_349 = arith.constant 5.000000e-01 : f32
      %mul3A_350 = vector.broadcast %mul3A_349 : f32 to vector<512x256xf32>
      %mul3A_351 = arith.mulf %add3A_340, %mul3A_350 : vector<512x256xf32>
      %add3A_352 = arith.addf %mul3A_348, %mul3A_351 : vector<512x256xf32>
      %get3A_353 = arith.index_cast %mul3A_175 : i32 to index
      %get3A_354 = arith.constant 0 : index
      %get3A_355 = vector.load %arg0[%get3A_353, %get3A_354] : memref<4096x256xf32, #tpu.memory_space<vmem>>, vector<512x256xf32>
      %add3A_356 = arith.addf %get3A_355, %add3A_352 : vector<512x256xf32>
      %swap3A_357 = arith.index_cast %mul3A_175 : i32 to index
      %swap3A_358 = arith.constant 0 : index
      %swap3A_359 = vector.load %arg6[%swap3A_357, %swap3A_358] : memref<4096x256xf32, #tpu.memory_space<vmem>>, vector<512x256xf32>
      tpu.vector_store %arg6[%swap3A_357, %swap3A_358], %add3A_356 {strides = array<i32>} : memref<4096x256xf32, #tpu.memory_space<vmem>>, vector<512x256xf32>,
      %get3A_360 = arith.index_cast %mul3A_175 : i32 to index
      %get3A_361 = arith.constant 0 : index
      %get3A_362 = vector.load %arg1[%get3A_360, %get3A_361] : memref<4096x256xf32, #tpu.memory_space<vmem>>, vector<512x256xf32>
      %sub3A = arith.subf %add3A_356, %get3A_362 : vector<512x256xf32>
      %get3A_363 = arith.constant 0 : index
      %get3A_364 = memref.load %arg11[%get3A_363] : memref<1xf32, #tpu.memory_space<smem>>
      %mul3A_365 = arith.mulf %sub3A, %sub3A : vector<512x256xf32>
      %reduce_sum3A = vector.shape_cast %mul3A_365 : vector<512x256xf32> to vector<1x512x256xf32>
      %reduce_sum3A_366 = arith.constant dense<0.000000e+00> : vector<1xf32>
      %reduce_sum3A_367 = vector.multi_reduction <add>, %reduce_sum3A, %reduce_sum3A_366 [1, 2] : vector<1x512x256xf32> to vector<1xf32>
      %reduce_sum3A_368 = vector.shape_cast %reduce_sum3A_367 : vector<1xf32> to vector<1x1x1xf32>
      %reduce_sum3A_369 = vector.extract %reduce_sum3A_368[0, 0, 0] : f32 from vector<1x1x1xf32>
      %add3A_370 = arith.addf %get3A_364, %reduce_sum3A_369 : f32
      %swap3A_371 = arith.constant 0 : index
      %swap3A_372 = memref.load %arg11[%swap3A_371] : memref<1xf32, #tpu.memory_space<smem>>
      memref.store %add3A_370, %arg11[%swap3A_371] : memref<1xf32, #tpu.memory_space<smem>>
    }
    %scan3A_167 = arith.constant 8 : i32
    %get3A_168 = arith.constant 0 : index
    %get3A_169 = memref.load %arg11[%get3A_168] : memref<1xf32, #tpu.memory_space<smem>>
    %broadcast_in_dim3A_170 = vector.broadcast %get3A_169 : f32 to vector<1x1xf32>
    %swap3A_171 = arith.constant 0 : index
    %swap3A_172 = arith.constant 0 : index
    %swap3A_173 = vector.load %arg7[%swap3A_171, %swap3A_172] : memref<1x1xf32, #tpu.memory_space<vmem>>, vector<1x1xf32>
    tpu.vector_store %arg7[%swap3A_171, %swap3A_172], %broadcast_in_dim3A_170 {strides = array<i32>} : memref<1x1xf32, #tpu.memory_space<vmem>>, vector<1x1xf32>,
    return
  }
}

</mosaic_0001>

<sc_bundles>
// kernel: gather_offload_async_start.1
scs
__scs_entry_jumppad:
0x0: {  	(pc) =	sbr.rel $0x88, $3  }
0x1: {  	(tag) =	ssettag $0x0;
	lr =	simm.s32 $0x1  }
0x2: {  	[smem:$0x3F9D] =	sst lr;
	_ =	strace $0xD0000000  }
0x3: {  	_ = 	snop  }
0x4: {  	_ = 	snop  }
0x5: {  	_ = 	snop  }
0x6: {  	_ = 	snop  }
0x7: {  	_ = 	snop  }
__scs_overlays_trampoline_lowered:
0x8: {  	[smem:$0x3FAC] =	sst s0  }
0x9: {  	[smem:$0x3FAD] =	sst s1  }
0xa: {  	[smem:$0x3FAE] =	sst s2  }
0xb: {  	[smem:$0x3FAF] =	sst s3  }
0xc: {  	[smem:$0x3FB0] =	sst s4  }
0xd: {  	[smem:$0x3FB1] =	sst s5  }
0xe: {  	[smem:$0x3FB2] =	sst s6  }
0xf: {  	[smem:$0x3FB3] =	sst s7  }
0x10: {  	[smem:$0x3FB4] =	sst s8  }
0x11: {  	[smem:$0x3FB5] =	sst s9;
	s0 =	simm.s32 @!p0 $0x0  }
0x12: {  	s1 =	sld [smem:$0x3F9B];
	s0 =	simm.s32 @p0 $0x1  }
0x13: {  	[smem:$0x3FB6] =	sst s0;
	s0 =	simm.s32 @!p1 $0x0  }
0x14: {  	s2 =	sld [smem:$0x3F9A];
	s0 =	simm.s32 @p1 $0x1  }
0x15: {  	[smem:$0x3FB7] =	sst s0;
	s0 =	simm.s32 @!p2 $0x0  }
0x16: {  	s3 =	sld [smem:$0x3FDB];
	s0 =	simm.s32 @p2 $0x1  }
0x17: {  	s4 =	simm.s32 $0x1BF5;
	[smem:$0x3FB9] =	sst s0  }
0x18: {  	s0 =	sld [smem:$0x3F9C];
	_ =	swait.ge [sflag:s4], $0x0  }
0x19: {  	s7 =	sld [smem:$0x3F9D]  }
0x1a: {  	s8 =	sadd.s32 $0xFFFFE003, lr  }
0x1b: {  	s9 =	sadd.s32 $0xFFFFFEF7, lr;
	s5 =	simm.s32 $0xFFFFFFFF;
	p2 =	slt.u32 s8, $0xFFFFF086  }
0x1c: {  	p1 =	slt.u32 s9, $0xF7A;
	s5 =	simm.s32 @!p2 $0x0  }
0x1d: {  	s5 =	simm.s32 @p1 $0x1;
	p0 =	seq.s32 s7, s2  }
0x1e: {  	s7 =	smul.u32 @!p0 $0xF7A, s2;
	p2 =	seq.s32 @!p0 s5, $0x0  }
0x1f: {  	s9 =	smul.u32 $0xF7A, s1;
	s8 =	simm.s32 @!p0 $0x1BF5;
	p2 =	por !p2, p0  }
0x20: {  	[sflag:s8] =	ssyncset.s32 @!p0 $0xFFFFF086;
	s6 =	sadd.s32 @!p0 s3, s7;
	s7 =	simm.s32 @!p0 $0x108  }
0x21: {  	s3 =	sadd.s32 s3, s9;
	s6 =	sadd.s32 @!p0 $0x88, s6;
	s7 =	simm.s32 @p2 $0x1082  }
0x22: {  	[simem:s7], [sflag:s8] =	dma.local @!p0 [hbm:s6], $0xF7A  }
0x23: {  	s9 =	sor.u32 $0xD0000000, s2;
	s6 =	simm.s32 $0x108;
	_ =	swait.ge @!p0 [sflag:s8], $0x0  }
0x24: {  	s3 =	sadd.s32 $0x88, s3;
	s6 =	simm.s32 @!p1 $0x1082;
	[sflag:s4] =	ssyncset.s32 $0xFFFFF086  }
0x25: {  	[simem:s6], [sflag:s4] =	dma.local [hbm:s3], $0xF7A  }
0x26: {  	[smem:$0x3F9D] =	sst s1;
	(tag) =	ssettag s2;
	_ =	strace s9  }
0x27: {  	s1 =	sld [smem:$0x3FAD]  }
0x28: {  	s2 =	sld [smem:$0x3FAE]  }
0x29: {  	s4 =	sld [smem:$0x3FB0]  }
0x2a: {  	p0 =	seq.s32 s5, $0x0;
	s5 =	sld [smem:$0x3FB1]  }
0x2b: {  	s6 =	sld [smem:$0x3FB2]  }
0x2c: {  	s7 =	sld [smem:$0x3FB3]  }
0x2d: {  	s3 =	simm.s32 $0x108;
	s8 =	sld [smem:$0x3FB4]  }
0x2e: {  	s3 =	simm.s32 @!p0 $0x1082;
	s9 =	sld [smem:$0x3FB5]  }
0x2f: {  	lr =	sadd.s32 s0, s3;
	s0 =	sld [smem:$0x3FAC]  }
0x30: {  	s3 =	sld [smem:$0x3FAF]  }
0x31: {  	[smem:$0x3FB8] =	sst s10  }
0x32: {  	s10 =	sld [smem:$0x3FB6];
	_ =	sdelay $0x3  }
0x33: {  	p0 =	seq.s32 s10, $0x1;
	s10 =	sld [smem:$0x3FB8];
	_ =	sdelay $0x3  }
0x34: {  	[smem:$0x3FB8] =	sst s10  }
0x35: {  	s10 =	sld [smem:$0x3FB7];
	_ =	sdelay $0x3  }
0x36: {  	p1 =	seq.s32 s10, $0x1;
	s10 =	sld [smem:$0x3FB8];
	_ =	sdelay $0x3  }
0x37: {  	[smem:$0x3FB8] =	sst s10  }
0x38: {  	s10 =	sld [smem:$0x3FB9]  }
0x39: {  	_ = 	snop;
	(pc) =	sbr.ind lr, $3  }
0x3a: {  	_ = 	snop  }
0x3b: {  	_ = 	snop  }
0x3c: {  	p2 =	seq.s32 s10, $0x1;
	s10 =	sld [smem:$0x3FB8]  }
0x3d: {  	_ =	shalt  }
0x3e: {  	_ =	shalt  }
0x3f: {  	_ =	shalt  }
0x40: {  	_ =	shalt  }
0x41: {  	_ =	shalt  }
0x42: {  	_ =	shalt  }
0x43: {  	_ =	shalt  }
0x44: {  	_ =	shalt  }
0x45: {  	_ =	shalt  }
0x46: {  	_ =	shalt  }
0x47: {  	_ =	shalt  }
0x48: {  	_ =	shalt  }
0x49: {  	_ =	shalt  }
0x4a: {  	_ =	shalt  }
0x4b: {  	_ =	shalt  }
0x4c: {  	_ =	shalt  }
0x4d: {  	_ =	shalt  }
0x4e: {  	_ =	shalt  }
0x4f: {  	_ =	shalt  }
0x50: {  	_ =	shalt  }
0x51: {  	_ =	shalt  }
0x52: {  	_ =	shalt  }
0x53: {  	_ =	shalt  }
0x54: {  	_ =	shalt  }
0x55: {  	_ =	shalt  }
0x56: {  	_ =	shalt  }
0x57: {  	_ =	shalt  }
0x58: {  	_ =	shalt  }
0x59: {  	_ =	shalt  }
0x5a: {  	_ =	shalt  }
0x5b: {  	_ =	shalt  }
0x5c: {  	_ =	shalt  }
0x5d: {  	_ =	shalt  }
0x5e: {  	_ =	shalt  }
0x5f: {  	_ =	shalt  }
0x60: {  	_ =	shalt  }
0x61: {  	_ =	shalt  }
0x62: {  	_ =	shalt  }
0x63: {  	_ =	shalt  }
0x64: {  	_ =	shalt  }
0x65: {  	_ =	shalt  }
0x66: {  	_ =	shalt  }
0x67: {  	_ =	shalt  }
0x68: {  	_ =	shalt  }
0x69: {  	_ =	shalt  }
0x6a: {  	_ =	shalt  }
0x6b: {  	_ =	shalt  }
0x6c: {  	_ =	shalt  }
0x6d: {  	_ =	shalt  }
0x6e: {  	_ =	shalt  }
0x6f: {  	_ =	shalt  }
0x70: {  	_ =	shalt  }
0x71: {  	_ =	shalt  }
0x72: {  	_ =	shalt  }
0x73: {  	_ =	shalt  }
0x74: {  	_ =	shalt  }
0x75: {  	_ =	shalt  }
0x76: {  	_ =	shalt  }
0x77: {  	_ =	shalt  }
0x78: {  	_ =	shalt  }
0x79: {  	_ =	shalt  }
0x7a: {  	_ =	shalt  }
0x7b: {  	_ =	shalt  }
0x7c: {  	_ =	shalt  }
0x7d: {  	_ =	shalt  }
0x7e: {  	_ =	shalt  }
0x7f: {  	_ =	shalt  }
0x80: {  	_ =	shalt  }
0x81: {  	_ =	shalt  }
0x82: {  	_ =	shalt  }
0x83: {  	_ =	shalt  }
0x84: {  	_ =	shalt  }
0x85: {  	_ =	shalt  }
0x86: {  	_ =	shalt  }
0x87: {  	_ =	shalt  }
.Lfunc_end0:
.L_simem_size_0:
called_computation.1_lowered:
.L_overlay_start_0:
0x88: {  	s2 =	sld [smem:$0x3FD9]  }
0x89: {  	s3 =	sld [smem:$0x3FFE];
	_ =	sdelay $0x1  }
0x8a: {  	s1 =	srdreg.scid  }
0x8b: {  	s0 =	sand.u32 $0x1, s1  }
0x8c: {  	s15 =	sshll.u32 s0, $0xA;
	s2 =	sadd.s32 s3, s2  }
0x8d: {  	s2 =	sadd.s32 s2, s15  }
0x8e: {  	[smem:$0x3FC4] =	sst s2  }
0x8f: {  	_ = 	snop  }
0x90: {  	s2 =	sld [smem:$0x3FD0];
	_ =	sdelay $0x2  }
0x91: {  	s4 =	simm.s32 $0xA;
	s5 =	simm.s32 $0x10;
	s16 =	sld [smem:$0x3FC8]  }
0x92: {  	[smem:s5], [sflag:s4] =	dma.local [hbm:s2], $0x1  }
0x93: {  	_ =	swait.eq [sflag:s4], $0x1  }
0x94: {  	[sflag:s4] =	ssyncset.done $0x0  }
0x95: {  	s17 =	sld [smem:$0x13];
	[sflag:s4] =	ssyncadd.s32 $0xFFFFFFFF  }
0x96: {  	s18 =	sld [smem:$0x14];
	(tm) =	ssettm $0x1  }
0x97: {  	s19 =	sld [smem:$0x3FFB];
	_ =	sdelay $0x3  }
0x98: {  	_ =	strace s19  }
0x99: {  	s5 =	sld [smem:$0x3FFC];
	_ =	sdelay $0x3  }
0x9a: {  	_ =	strace s5  }
0x9b: {  	s5 =	sld [smem:$0x3FFD];
	_ =	sdelay $0x3  }
0x9c: {  	_ =	strace s5  }
0x9d: {  	_ =	strace $0x8FFFFFFF  }
0x9e: {  	s20 =	sld [smem:$0x3FDB];
	_ =	sdelay $0x1  }
0x9f: {  	s6 =	simm.s32 $_scs_section_size  }
0xa0: {  	s7 =	simm.s32 $_size__tile_overlayer_lowered;
	s8 =	simm.s32 $_tile_overlayer_lowered  }
0xa1: {  	s23 =	simm.s32 $0x1BFF;
	s22 =	sshll.u32 s8, $0x1;
	s5 =	sadd.s32 s6, s20  }
0xa2: {  	s9 =	simm.s32 $0x0;
	s21 =	sshll.u32 s7, $0x1;
	s7 =	sadd.s32 s22, s5  }
0xa3: {  	[timem:s9], [sflag:s23] =	dma.local [hbm:s7], s21  }
0xa4: {  	_ =	swait.ge [sflag:s23], s21  }
0xa5: {  	s6 =	ssub.s32 $0x0, s21;
	[sflag:s23] =	ssyncset.done $0x0  }
0xa6: {  	[sflag:s23] =	ssyncadd.s32 s6;
	_ =	sdelay $0x1  }
0xa7: {  	s24 =	simm.s32 $0x1B8B  }
0xa8: {  	_ =	swait.ge [sflag:s24], $0x1  }
0xa9: {  	[sflag:s24] =	ssyncset.done $0x0  }
0xaa: {  	s25 =	simm.s32 $0x1B8E;
	[sflag:s24] =	ssyncadd.s32 $0xFFFFFFFF  }
0xab: {  	s26 =	simm.s32 $execute0_lowered;
	[smem:$0x3FD2] =	sst s25  }
0xac: {  	s6 =	sshll.u32 s26, $0x1;
	_ =	strace $0x80000049;
	[dreg:$0x1] =	wrdreg $0xFFFFFFFF  }
0xad: {  	s28 =	simm.s32 $_size_execute0_lowered;
	s5 =	sadd.s32 s5, s6;
	[dreg:$0x0] =	wrdreg $0x0  }
0xae: {  	s6 =	sshll.u32 s28, $0x1;
	[dreg:$0x2] =	wrdreg s5  }
0xaf: {  	[dreg:$0x3] =	wrdreg s6  }
0xb0: {  	[dreg:$0x4] =	wrdreg $0xC0  }
0xb1: {  	_ =	task [dreg:s9], $0x5FFFF  }
0xb2: {  	[dreg:$0x1] =	wrdreg $0xFFFFFFFF  }
0xb3: {  	[dreg:$0x0] =	wrdreg $0x60  }
0xb4: {  	[dreg:$0x2] =	wrdreg s16  }
0xb5: {  	[dreg:$0x3] =	wrdreg s18  }
0xb6: {  	[dreg:$0x4] =	wrdreg s17  }
0xb7: {  	[dreg:$0x5] =	wrdreg $0x9  }
0xb8: {  	_ =	task.clear_ibuf [dreg:s9], $0x6FFFF;
	_ =	strace $0x90000049  }
0xb9: {  	s29 =	simm.s32 $0x9;
	_ =	strace $0x8000004B  }
0xba: {  	_ =	swait.ge [sflag:s29], $0x1  }
0xbb: {  	[sflag:s29] =	ssyncadd.s32 $0xFFFFFFFF  }
0xbc: {  	_ =	strace $0x9000004B  }
0xbd: {  	_ =	sfence  }
0xbe: {  	s30 =	sld [smem:$0x0];
	_ =	sdelay $0x2  }
0xbf: {  	s31 =	sshll.u32 s1, $0xD;
	s1 =	sshrl.u32 s1, $0x2  }
0xc0: {  	s3 =	sand.u32 $0x4000, s31;
	s1 =	sadd.s32 s1, s30  }
0xc1: {  	s0 =	sor.u32 s3, s0;
	s1 =	sshll.u32 s1, $0x11  }
0xc2: {  	s0 =	sor.u32 s1, s0  }
0xc3: {  	s0 =	sadd.s32 $0x8F2B, s0  }
0xc4: {  	[sflag:s0] =	ssyncadd.remote.s32 $0x1  }
0xc5: {  	_ =	sfence.sel $0xFFFF  }
0xc6: {  	[dreg:$0x0] =	wrdreg $0xFFFFFFFF;
	(pc) =	sbr.abs _section_cstart, $3  }
0xc7: {  	[dreg:$0x1] =	wrdreg $0xFFFFFFFF  }
0xc8: {  	_ =	task.clear_ibuf [dreg:s9], $0x2FFFF;
	_ =	strace $0x9FFFFFFF  }
0xc9: {  	(tm) =	ssettm $0x7FFFFFFF  }
tec
execute0_lowered:
.L_overlay_start_1:
0x0: {  	(tag) =	ssettag $0x1  }
0x1: {  	s2 =	rddreg [dreg:$0x0]  }
0x2: {  	s3 =	rddreg [dreg:$0x1];
	s0 =	srdreg.scid  }
0x3: {  	s4 =	rddreg [dreg:$0x2];
	s1 =	stileid.u32;
	s7 =	simm.s32 $0x2  }
0x4: {  	s5 =	sshll.u32 s0, $0x4;
	s0 =	rddreg [dreg:$0x3];
	_ =	strace $0x8000004A  }
.Ltmp0:
0x5: {  	s6 =	sand.u32 $0x10, s5;
	s5 =	simm.s32 $0x1;
	(pc) =	sbr.rel .LBB2_1-.Ltmp0, $4  }
0x6: {  	s9 =	simm.s32 $0x3;
	s6 =	sor.u32 s1, s6;
	[sflag:s5] =	ssyncpa.u1 $0x0  }
0x7: {  	s13 =	simm.s32 $0x0;
	s6 =	smul.u32 $0x58, s6;
	[sflag:s7] =	ssyncpa.u1 $0x0  }
0x8: {  	s10 =	simm.s32 $0xA8;
	s12 =	simm.s32 $0x0;
	[sflag:s9] =	ssyncpa.u1 $0x0  }
0x9: {  	vm0 =	vmmov $0xff;
	vm1 =	vcmask $0x3F20;
	s9 =	simm.s32 $0x58;
	s8 =	sadd.s32 $0x58, s6;
	s11 =	smov.u32 s6  }
.LBB2_13:
0xa: {  	s13 =	sshrl.u32 s11, $0x3  }
0xb: {  	s14 =	sand.u32 $0x7, s11;
	s13 =	sadd.s32 s3, s13  }
0xc: {  	[tilespmem:s9], [sflag:$0x2] =	stream.linear.gather [hbm4b:s13+s14], $0x58, $0x38;
	[tilespmem:$0xB0B0] =	vst v63  }
.LBB2_14:
0xd: {  	s13 =	sadd.s32 $0x58, s11  }
0xe: {  	s14 =	smov.u32 s6;
	s12 =	sadd.s32 $0x1, s12;
	p0 =	slt.s32 s13, s8  }
0xf: {  	s14 =	smov.u32 @p0 s13;
	p0 =	sne.s32 s12, $0x3  }
.Ltmp1:
0x10: {  	_ = 	snop;
	(pc) =	sbr.rel @!p0 .LBB2_15-.Ltmp1, $2  }
0x11: {  	_ =	sdelay $0x2  }
0x12: {  	s13 =	smov.u32 s11;
	s11 =	smov.u32 s14  }
.LBB2_1:
0x13: {  	p0 =	seq.s32 s12, $0x0  }
.Ltmp2:
0x14: {  	_ = 	snop;
	(pc) =	sbr.rel @p0 .LBB2_13-.Ltmp2, $1  }
0x15: {  	_ =	sdelay $0x3  }
0x16: {  	p0 =	seq.s32 s12, $0x1  }
.Ltmp3:
0x17: {  	_ = 	snop;
	(pc) =	sbr.rel @!p0 .LBB2_12-.Ltmp3, $1  }
0x18: {  	_ =	sdelay $0x3  }
0x19: {  	_ =	swait.ge [sflag:s7], $0x58  }
0x1a: {  	[sflag:s7] =	ssyncset.done $0x0  }
0x1b: {  	s14 =	simm.s32 $0x0;
	[sflag:s7] =	ssyncadd.s32 $0xFFFFFFA8  }
.LBB2_4:
0x1c: {  	s15 =	sshll.u32 s14, $0x4  }
0x1d: {  	s15 =	sand.u32 $0x3FFFFFF0, s15  }
0x1e: {  	v0 =	vld.msk [tilespmem:s15+$0x58 ss:$0x1], $0xffff;
	_ =	sdelay $0x4  }
0x1f: {  	vm2 =	vgt.s32 v0, $0x0  }
0x20: {  	v0 =	vnsel vm2, $0x0, v0  }
0x21: {  	v0 =	vmin.u32 v0, $0x1FFF  }
0x22: {  	s31 =	sshll.u32 s14, $0xC;
	v1 =	vshll.u32 v0, $0x5;
	v0 =	vshll.u32 v0, $0x4  }
0x23: {  	s15 =	sand.u32 $0x3FFFF000, s31;
	v1 =	vand.u32 $0x3FF00, v1;
	v0 =	vand.u32 $0x70, v0  }
0x24: {  	p0 =	por $0x1, $0x1;
	s16 =	simm.s32 $0x0;
	s15 =	sadd.s32 $0x58B0, s15;
	v0 =	vor.u32 v0, v1  }
.LBB2_5:
0x25: {  	_ =	sdelay $0x1  }
0x26: {  	s16 =	sshra.s32 s16, $0x2;
	p1 =	por p0, p0  }
.Ltmp4:
0x27: {  	s16 =	sadd.s32 s16, s15;
	(pc) =	sbr.rel @p1 .LBB2_5-.Ltmp4, $4  }
0x28: {  	[tilespmem:s16], [sflag:$0x1] =	stream.indirect_vreg.gather [hbm:s2], $0x80, v0, vm0, $0x38;
	[tilespmem:$0xB0B0] =	vst v63  }
0x29: {  	s16 =	sadd.s32 $0x800, s16  }
0x2a: {  	[tilespmem:s16], [sflag:$0x1] =	stream.indirect_vreg.gather [hbm:s2], $0x80, v0, vm1, $0x38;
	[tilespmem:$0xB0B0] =	vst v63  }
0x2b: {  	p0 =	por $0x0, $0x0;
	v0 =	vadd.s32 $0x80, v0;
	s16 =	simm.s32 $0x1000  }
0x2c: {  	s14 =	sadd.s32 $0x1, s14  }
0x2d: {  	p0 =	sne.s32 s14, $0x5  }
.Ltmp5:
0x2e: {  	_ = 	snop;
	(pc) =	sbr.rel @p0 .LBB2_4-.Ltmp5, $1  }
0x2f: {  	_ =	sdelay $0x3  }
0x30: {  	v0 =	vld.msk [tilespmem:s10+$0x0 ss:$0x1], $0xff;
	_ =	sdelay $0x4  }
0x31: {  	vm2 =	vgt.s32 v0, $0x0  }
0x32: {  	v0 =	vnsel vm2, $0x0, v0  }
0x33: {  	v0 =	vmin.u32 v0, $0x1FFF  }
0x34: {  	v1 =	vshll.u32 v0, $0x5;
	v0 =	vshll.u32 v0, $0x4  }
0x35: {  	v1 =	vand.u32 $0x3FF00, v1;
	v0 =	vand.u32 $0x70, v0  }
0x36: {  	s14 =	simm.s32 $0x0;
	p0 =	por $0x1, $0x1;
	v0 =	vor.u32 v0, v1  }
.LBB2_8:
0x37: {  	p1 =	por p0, p0  }
.Ltmp6:
0x38: {  	_ = 	snop;
	(pc) =	sbr.rel @p1 .LBB2_8-.Ltmp6, $4  }
0x39: {  	s14 =	sshra.s32 s14, $0x2  }
0x3a: {  	s14 =	sadd.s32 $0xA8B0, s14  }
0x3b: {  	[tilespmem:s14], [sflag:$0x1] =	stream.indirect_vreg.gather [hbm:s2], $0x80, v0, vm0, $0x38;
	[tilespmem:$0xB0B0] =	vst v63  }
0x3c: {  	p0 =	por $0x0, $0x0;
	v0 =	vadd.s32 $0x80, v0;
	s14 =	simm.s32 $0x1000  }
0x3d: {  	s14 =	sshll.u32 s13, $0x5  }
0x3e: {  	_ =	swait.ge [sflag:s5], $0x5800;
	s31 =	sshll.u32 s13, $0x4;
	s14 =	sand.u32 $0xFFFFFF00, s14  }
0x3f: {  	s15 =	simm.s32 $0x100;
	s13 =	sand.u32 $0x70, s31;
	s14 =	sadd.s32 s14, s4  }
0x40: {  	s16 =	simm.s32 $0x60B0;
	[sflag:s5] =	ssyncset.done $0x0;
	s13 =	sadd.s32 s13, s14  }
0x41: {  	[sflag:s5] =	ssyncadd.s32 $0xFFFFA800;
	s14 =	simm.s32 $0x58B0;
	s17 =	sadd.s32 $0x0, s13  }
.LBB2_10:
0x42: {  	[hbm:s17] =	stream.linear.scatter [tilespmem:s14], [sflag:$0x3], $0x800, $0x38;
	[tilespmem:$0xB0B0] =	vst v63  }
0x43: {  	s17 =	smov.u32 s15;
	s14 =	smov.u32 s16;
	p0 =	seq.s32 s15, $0xA00  }
.Ltmp7:
0x44: {  	s15 =	sadd.s32 $0x100, s15;
	(pc) =	sbr.rel @!p0 .LBB2_10-.Ltmp7, $2  }
0x45: {  	_ =	sdelay $0x2  }
0x46: {  	s16 =	sadd.s32 $0x800, s16;
	s17 =	sadd.s32 s17, s13  }
.Ltmp8:
0x47: {  	(pc) =	sbr.rel .LBB2_14-.Ltmp8, $2  }
0x48: {  	_ =	sdelay $0x2  }
0x49: {  	[hbm:s17] =	stream.linear.scatter [tilespmem:s14], [sflag:$0x3], $0x800, $0x38;
	[tilespmem:$0xB0B0] =	vst v63  }
.LBB2_12:
0x4a: {  	s2 =	simm.s32 $0x3  }
0x4b: {  	_ =	swait.ge [sflag:s2], $0x5800  }
0x4c: {  	[sflag:s2] =	ssyncset.done $0x0  }
0x4d: {  	[sflag:s2] =	ssyncadd.s32 $0xFFFFA800  }
.LBB2_15:
0x4e: {  	_ =	sfence.sel $0x180000  }
0x4f: {  	s2 =	simm.s32 $0x2;
	[bflag:$0x0] =	sbarrier.arrive $0xFFFF  }
0x50: {  	s30 =	simm.s32 $0x3;
	[sflag:s2] =	ssyncpa.u1 $0x1  }
0x51: {  	s31 =	simm.s32 $0x1;
	[sflag:s30] =	ssyncpa.u1 $0x1  }
0x52: {  	[sflag:s31] =	ssyncpa.u1 $0x1  }
0x53: {  	p0 =	sne.s32 s1, $0x0;
	_ =	strace $0x9000004A  }
0x54: {  	s0 =	sadd.s32 @!p0 $0x100000, s0;
	[bflag:$0x2] =	sbarrier.arrive $0xFFFF  }
0x55: {  	[sflag:s0] =	ssyncadd.tile.s32 @!p0 $0x1;
	_ =	shalt  }
.Lfunc_end2:
_tile_overlayer_lowered:
.L_overlay_start_2:
0x56: {  	(tag) =	ssettag $0x2  }
0x57: {  	s0 =	rddreg [dreg:$0x0];
	s2 =	stileid.u32  }
0x58: {  	s1 =	rddreg [dreg:$0x1];
	p0 =	sne.s32 s2, $0x0  }
0x59: {  	s3 =	rddreg [dreg:$0x2];
	[bflag:$0x3] =	sbarrier.arrive $0xFFFF;
	s2 =	simm.s32 @!p0 $0x1C01  }
0x5a: {  	[timem:s3], [sflag:s2] =	dma.local @!p0 [hbm:s0], s1  }
0x5b: {  	s0 =	simm.s32 @!p0 $0x1  }
0x5c: {  	_ =	swait.ge @!p0 [sflag:s0], s1  }
0x5d: {  	s1 =	ssub.s32 @!p0 $0x0, s1;
	[sflag:s0] =	ssyncset.done @!p0 $0x0  }
0x5e: {  	[sflag:s0] =	ssyncadd.s32 @!p0 s1  }
0x5f: {  	[bflag:$0x3] =	sbarrier.arrive $0xFFFF  }
0x60: {  	_ =	shalt  }

// kernel: gather_offload_async_start.2
scs
__scs_entry_jumppad:
0x0: {  	(pc) =	sbr.rel $0x88, $3  }
0x1: {  	(tag) =	ssettag $0x0;
	lr =	simm.s32 $0x1  }
0x2: {  	[smem:$0x3F9D] =	sst lr;
	_ =	strace $0xD0000000  }
0x3: {  	_ = 	snop  }
0x4: {  	_ = 	snop  }
0x5: {  	_ = 	snop  }
0x6: {  	_ = 	snop  }
0x7: {  	_ = 	snop  }
__scs_overlays_trampoline_lowered:
0x8: {  	[smem:$0x3FAC] =	sst s0  }
0x9: {  	[smem:$0x3FAD] =	sst s1  }
0xa: {  	[smem:$0x3FAE] =	sst s2  }
0xb: {  	[smem:$0x3FAF] =	sst s3  }
0xc: {  	[smem:$0x3FB0] =	sst s4  }
0xd: {  	[smem:$0x3FB1] =	sst s5  }
0xe: {  	[smem:$0x3FB2] =	sst s6  }
0xf: {  	[smem:$0x3FB3] =	sst s7  }
0x10: {  	[smem:$0x3FB4] =	sst s8  }
0x11: {  	[smem:$0x3FB5] =	sst s9;
	s0 =	simm.s32 @!p0 $0x0  }
0x12: {  	s1 =	sld [smem:$0x3F9B];
	s0 =	simm.s32 @p0 $0x1  }
0x13: {  	[smem:$0x3FB6] =	sst s0;
	s0 =	simm.s32 @!p1 $0x0  }
0x14: {  	s2 =	sld [smem:$0x3F9A];
	s0 =	simm.s32 @p1 $0x1  }
0x15: {  	[smem:$0x3FB7] =	sst s0;
	s0 =	simm.s32 @!p2 $0x0  }
0x16: {  	s3 =	sld [smem:$0x3FDB];
	s0 =	simm.s32 @p2 $0x1  }
0x17: {  	s4 =	simm.s32 $0x1BF5;
	[smem:$0x3FB9] =	sst s0  }
0x18: {  	s0 =	sld [smem:$0x3F9C];
	_ =	swait.ge [sflag:s4], $0x0  }
0x19: {  	s7 =	sld [smem:$0x3F9D]  }
0x1a: {  	s8 =	sadd.s32 $0xFFFFE003, lr  }
0x1b: {  	s9 =	sadd.s32 $0xFFFFFEF7, lr;
	s5 =	simm.s32 $0xFFFFFFFF;
	p2 =	slt.u32 s8, $0xFFFFF086  }
0x1c: {  	p1 =	slt.u32 s9, $0xF7A;
	s5 =	simm.s32 @!p2 $0x0  }
0x1d: {  	s5 =	simm.s32 @p1 $0x1;
	p0 =	seq.s32 s7, s2  }
0x1e: {  	s7 =	smul.u32 @!p0 $0xF7A, s2;
	p2 =	seq.s32 @!p0 s5, $0x0  }
0x1f: {  	s9 =	smul.u32 $0xF7A, s1;
	s8 =	simm.s32 @!p0 $0x1BF5;
	p2 =	por !p2, p0  }
0x20: {  	[sflag:s8] =	ssyncset.s32 @!p0 $0xFFFFF086;
	s6 =	sadd.s32 @!p0 s3, s7;
	s7 =	simm.s32 @!p0 $0x108  }
0x21: {  	s3 =	sadd.s32 s3, s9;
	s6 =	sadd.s32 @!p0 $0x88, s6;
	s7 =	simm.s32 @p2 $0x1082  }
0x22: {  	[simem:s7], [sflag:s8] =	dma.local @!p0 [hbm:s6], $0xF7A  }
0x23: {  	s9 =	sor.u32 $0xD0000000, s2;
	s6 =	simm.s32 $0x108;
	_ =	swait.ge @!p0 [sflag:s8], $0x0  }
0x24: {  	s3 =	sadd.s32 $0x88, s3;
	s6 =	simm.s32 @!p1 $0x1082;
	[sflag:s4] =	ssyncset.s32 $0xFFFFF086  }
0x25: {  	[simem:s6], [sflag:s4] =	dma.local [hbm:s3], $0xF7A  }
0x26: {  	[smem:$0x3F9D] =	sst s1;
	(tag) =	ssettag s2;
	_ =	strace s9  }
0x27: {  	s1 =	sld [smem:$0x3FAD]  }
0x28: {  	s2 =	sld [smem:$0x3FAE]  }
0x29: {  	s4 =	sld [smem:$0x3FB0]  }
0x2a: {  	p0 =	seq.s32 s5, $0x0;
	s5 =	sld [smem:$0x3FB1]  }
0x2b: {  	s6 =	sld [smem:$0x3FB2]  }
0x2c: {  	s7 =	sld [smem:$0x3FB3]  }
0x2d: {  	s3 =	simm.s32 $0x108;
	s8 =	sld [smem:$0x3FB4]  }
0x2e: {  	s3 =	simm.s32 @!p0 $0x1082;
	s9 =	sld [smem:$0x3FB5]  }
0x2f: {  	lr =	sadd.s32 s0, s3;
	s0 =	sld [smem:$0x3FAC]  }
0x30: {  	s3 =	sld [smem:$0x3FAF]  }
0x31: {  	[smem:$0x3FB8] =	sst s10  }
0x32: {  	s10 =	sld [smem:$0x3FB6];
	_ =	sdelay $0x3  }
0x33: {  	p0 =	seq.s32 s10, $0x1;
	s10 =	sld [smem:$0x3FB8];
	_ =	sdelay $0x3  }
0x34: {  	[smem:$0x3FB8] =	sst s10  }
0x35: {  	s10 =	sld [smem:$0x3FB7];
	_ =	sdelay $0x3  }
0x36: {  	p1 =	seq.s32 s10, $0x1;
	s10 =	sld [smem:$0x3FB8];
	_ =	sdelay $0x3  }
0x37: {  	[smem:$0x3FB8] =	sst s10  }
0x38: {  	s10 =	sld [smem:$0x3FB9]  }
0x39: {  	_ = 	snop;
	(pc) =	sbr.ind lr, $3  }
0x3a: {  	_ = 	snop  }
0x3b: {  	_ = 	snop  }
0x3c: {  	p2 =	seq.s32 s10, $0x1;
	s10 =	sld [smem:$0x3FB8]  }
0x3d: {  	_ =	shalt  }
0x3e: {  	_ =	shalt  }
0x3f: {  	_ =	shalt  }
0x40: {  	_ =	shalt  }
0x41: {  	_ =	shalt  }
0x42: {  	_ =	shalt  }
0x43: {  	_ =	shalt  }
0x44: {  	_ =	shalt  }
0x45: {  	_ =	shalt  }
0x46: {  	_ =	shalt  }
0x47: {  	_ =	shalt  }
0x48: {  	_ =	shalt  }
0x49: {  	_ =	shalt  }
0x4a: {  	_ =	shalt  }
0x4b: {  	_ =	shalt  }
0x4c: {  	_ =	shalt  }
0x4d: {  	_ =	shalt  }
0x4e: {  	_ =	shalt  }
0x4f: {  	_ =	shalt  }
0x50: {  	_ =	shalt  }
0x51: {  	_ =	shalt  }
0x52: {  	_ =	shalt  }
0x53: {  	_ =	shalt  }
0x54: {  	_ =	shalt  }
0x55: {  	_ =	shalt  }
0x56: {  	_ =	shalt  }
0x57: {  	_ =	shalt  }
0x58: {  	_ =	shalt  }
0x59: {  	_ =	shalt  }
0x5a: {  	_ =	shalt  }
0x5b: {  	_ =	shalt  }
0x5c: {  	_ =	shalt  }
0x5d: {  	_ =	shalt  }
0x5e: {  	_ =	shalt  }
0x5f: {  	_ =	shalt  }
0x60: {  	_ =	shalt  }
0x61: {  	_ =	shalt  }
0x62: {  	_ =	shalt  }
0x63: {  	_ =	shalt  }
0x64: {  	_ =	shalt  }
0x65: {  	_ =	shalt  }
0x66: {  	_ =	shalt  }
0x67: {  	_ =	shalt  }
0x68: {  	_ =	shalt  }
0x69: {  	_ =	shalt  }
0x6a: {  	_ =	shalt  }
0x6b: {  	_ =	shalt  }
0x6c: {  	_ =	shalt  }
0x6d: {  	_ =	shalt  }
0x6e: {  	_ =	shalt  }
0x6f: {  	_ =	shalt  }
0x70: {  	_ =	shalt  }
0x71: {  	_ =	shalt  }
0x72: {  	_ =	shalt  }
0x73: {  	_ =	shalt  }
0x74: {  	_ =	shalt  }
0x75: {  	_ =	shalt  }
0x76: {  	_ =	shalt  }
0x77: {  	_ =	shalt  }
0x78: {  	_ =	shalt  }
0x79: {  	_ =	shalt  }
0x7a: {  	_ =	shalt  }
0x7b: {  	_ =	shalt  }
0x7c: {  	_ =	shalt  }
0x7d: {  	_ =	shalt  }
0x7e: {  	_ =	shalt  }
0x7f: {  	_ =	shalt  }
0x80: {  	_ =	shalt  }
0x81: {  	_ =	shalt  }
0x82: {  	_ =	shalt  }
0x83: {  	_ =	shalt  }
0x84: {  	_ =	shalt  }
0x85: {  	_ =	shalt  }
0x86: {  	_ =	shalt  }
0x87: {  	_ =	shalt  }
.Lfunc_end0:
.L_simem_size_0:
called_computation.2_lowered:
.L_overlay_start_0:
0x88: {  	s2 =	sld [smem:$0x3FD9]  }
0x89: {  	s3 =	sld [smem:$0x3FFE];
	_ =	sdelay $0x1  }
0x8a: {  	s1 =	srdreg.scid  }
0x8b: {  	s0 =	sand.u32 $0x1, s1  }
0x8c: {  	s17 =	sshll.u32 s0, $0xA;
	s2 =	sadd.s32 s3, s2  }
0x8d: {  	s2 =	sadd.s32 s2, s17  }
0x8e: {  	[smem:$0x3FC4] =	sst s2  }
0x8f: {  	_ = 	snop  }
0x90: {  	s2 =	sld [smem:$0x3FC8];
	(tm) =	ssettm $0x1  }
0x91: {  	s18 =	sld [smem:$0x3FFB];
	_ =	sdelay $0x3  }
0x92: {  	_ =	strace s18  }
0x93: {  	s3 =	sld [smem:$0x3FFC];
	_ =	sdelay $0x3  }
0x94: {  	_ =	strace s3  }
0x95: {  	s3 =	sld [smem:$0x3FFD];
	_ =	sdelay $0x3  }
0x96: {  	_ =	strace s3  }
0x97: {  	_ =	strace $0x8FFFFFFF  }
0x98: {  	s19 =	sld [smem:$0x3FDB];
	_ =	sdelay $0x1  }
0x99: {  	s4 =	simm.s32 $_scs_section_size  }
0x9a: {  	s5 =	simm.s32 $_size__tile_overlayer_lowered;
	s6 =	simm.s32 $_tile_overlayer_lowered  }
0x9b: {  	s22 =	simm.s32 $0x1BFF;
	s21 =	sshll.u32 s6, $0x1;
	s3 =	sadd.s32 s4, s19  }
0x9c: {  	s7 =	simm.s32 $0x0;
	s20 =	sshll.u32 s5, $0x1;
	s5 =	sadd.s32 s21, s3  }
0x9d: {  	[timem:s7], [sflag:s22] =	dma.local [hbm:s5], s20  }
0x9e: {  	_ =	swait.ge [sflag:s22], s20  }
0x9f: {  	s4 =	ssub.s32 $0x0, s20;
	[sflag:s22] =	ssyncset.done $0x0  }
0xa0: {  	[sflag:s22] =	ssyncadd.s32 s4;
	_ =	sdelay $0x1  }
0xa1: {  	s23 =	simm.s32 $0x1B8B  }
0xa2: {  	_ =	swait.ge [sflag:s23], $0x1  }
0xa3: {  	[sflag:s23] =	ssyncset.done $0x0  }
0xa4: {  	s25 =	simm.s32 $0x1B8E;
	s24 =	sld [smem:$0x3FFE];
	[sflag:s23] =	ssyncadd.s32 $0xFFFFFFFF  }
0xa5: {  	s26 =	simm.s32 $execute0_lowered;
	[smem:$0x3FD2] =	sst s25  }
0xa6: {  	s5 =	sshll.u32 s26, $0x1;
	_ =	strace $0x8000004C;
	[dreg:$0x1] =	wrdreg $0xFFFFFFFF  }
0xa7: {  	s28 =	simm.s32 $_size_execute0_lowered;
	s3 =	sadd.s32 s3, s5;
	[dreg:$0x0] =	wrdreg $0x0  }
0xa8: {  	s5 =	sshll.u32 s28, $0x1;
	[dreg:$0x2] =	wrdreg s3  }
0xa9: {  	[dreg:$0x3] =	wrdreg s5  }
0xaa: {  	[dreg:$0x4] =	wrdreg $0xC0  }
0xab: {  	_ =	task [dreg:s7], $0x5FFFF  }
0xac: {  	[dreg:$0x1] =	wrdreg $0xFFFFFFFF  }
0xad: {  	[dreg:$0x0] =	wrdreg $0x60  }
0xae: {  	[dreg:$0x2] =	wrdreg s2  }
0xaf: {  	[dreg:$0x3] =	wrdreg s24  }
0xb0: {  	[dreg:$0x4] =	wrdreg $0x9  }
0xb1: {  	_ =	task.clear_ibuf [dreg:s7], $0x5FFFF;
	_ =	strace $0x9000004C  }
0xb2: {  	s29 =	simm.s32 $0x9;
	_ =	strace $0x8000004E  }
0xb3: {  	_ =	swait.ge [sflag:s29], $0x1  }
0xb4: {  	[sflag:s29] =	ssyncadd.s32 $0xFFFFFFFF  }
0xb5: {  	_ =	strace $0x9000004E  }
0xb6: {  	_ =	sfence  }
0xb7: {  	s30 =	sld [smem:$0x0];
	_ =	sdelay $0x2  }
0xb8: {  	s31 =	sshll.u32 s1, $0xD;
	s1 =	sshrl.u32 s1, $0x2  }
0xb9: {  	s3 =	sand.u32 $0x4000, s31;
	s1 =	sadd.s32 s1, s30  }
0xba: {  	s0 =	sor.u32 s3, s0;
	s1 =	sshll.u32 s1, $0x11  }
0xbb: {  	s0 =	sor.u32 s1, s0  }
0xbc: {  	s0 =	sadd.s32 $0x8F2B, s0  }
0xbd: {  	[sflag:s0] =	ssyncadd.remote.s32 $0x1  }
0xbe: {  	_ =	sfence.sel $0xFFFF  }
0xbf: {  	[dreg:$0x0] =	wrdreg $0xFFFFFFFF;
	(pc) =	sbr.abs _section_cstart, $3  }
0xc0: {  	[dreg:$0x1] =	wrdreg $0xFFFFFFFF  }
0xc1: {  	_ =	task.clear_ibuf [dreg:s7], $0x2FFFF;
	_ =	strace $0x9FFFFFFF  }
0xc2: {  	(tm) =	ssettm $0x7FFFFFFF  }
0xc3: {  	_ =	shalt  }
tec
execute0_lowered:
.L_overlay_start_1:
0x0: {  	(tag) =	ssettag $0x1  }
0x1: {  	s2 =	rddreg [dreg:$0x0]  }
0x2: {  	s7 =	rddreg [dreg:$0x1]  }
0x3: {  	s0 =	rddreg [dreg:$0x2]  }
0x4: {  	s1 =	srdreg.scid;
	_ =	strace $0x8000004D;
	s4 =	simm.s32 $0x1  }
0x5: {  	s9 =	simm.s32 $0x3;
	s12 =	simm.s32 $0x0;
	s5 =	sshll.u32 s1, $0x4  }
.Ltmp0:
0x6: {  	s1 =	stileid.u32;
	s5 =	sand.u32 $0x10, s5;
	(pc) =	sbr.rel .LBB2_1-.Ltmp0, $4  }
0x7: {  	s10 =	simm.s32 $0x0;
	s3 =	sadd.s32 $0x2E00, s7;
	s6 =	sor.u32 s1, s5  }
0x8: {  	[sflag:s4] =	ssyncpa.u1 $0x0;
	s5 =	simm.s32 $0x2;
	s6 =	sshll.u32 s6, $0x7  }
0x9: {  	s7 =	sadd.s32 $0x23A00, s7;
	[sflag:s5] =	ssyncpa.u1 $0x0;
	s8 =	sadd.s32 $0x80, s6  }
0xa: {  	vm0 =	vmmov $0xff;
	vm1 =	vcmask $0x3F20;
	[sflag:s9] =	ssyncpa.u1 $0x0;
	s9 =	simm.s32 $0x80;
	s11 =	smov.u32 s6  }
.LBB2_10:
0xb: {  	[hbm:s16] =	stream.linear.scatter [tilespmem:s13], [sflag:$0x3], $0x800, $0x38;
	[tilespmem:$0x10100] =	vst v63  }
.LBB2_11:
0xc: {  	p0 =	seq.s32 s10, $0x2  }
.Ltmp1:
0xd: {  	_ = 	snop;
	(pc) =	sbr.rel @p0 .LBB2_13-.Ltmp1, $1  }
0xe: {  	_ =	sdelay $0x3  }
.LBB2_12:
0xf: {  	s12 =	sadd.s32 $0x80, s11  }
0x10: {  	s13 =	smov.u32 s6;
	p0 =	slt.s32 s12, s8  }
0x11: {  	s13 =	smov.u32 @p0 s12  }
0x12: {  	s10 =	sadd.s32 $0x1, s10;
	s12 =	smov.u32 s11;
	s11 =	smov.u32 s13  }
.LBB2_1:
0x13: {  	p0 =	sne.s32 s10, $0x0  }
.Ltmp2:
0x14: {  	_ = 	snop;
	(pc) =	sbr.rel @!p0 .LBB2_2-.Ltmp2, $1  }
0x15: {  	_ =	sdelay $0x3  }
0x16: {  	s13 =	sand.u32 $0x1, s10  }
0x17: {  	p0 =	seq.s32 s13, $0x0  }
.Ltmp3:
0x18: {  	_ = 	snop;
	(pc) =	sbr.rel @p0 .LBB2_11-.Ltmp3, $1  }
0x19: {  	_ =	sdelay $0x3  }
0x1a: {  	_ =	swait.ge [sflag:s5], $0x80  }
0x1b: {  	[sflag:s5] =	ssyncset.done $0x0  }
0x1c: {  	s13 =	simm.s32 $0x0;
	[sflag:s5] =	ssyncadd.s32 $0xFFFFFF80  }
.LBB2_5:
0x1d: {  	s14 =	sshll.u32 s13, $0x4  }
0x1e: {  	s14 =	sand.u32 $0x3FFFFFF0, s14  }
0x1f: {  	v0 =	vld.msk [tilespmem:s14+$0x80 ss:$0x1], $0xffff;
	_ =	sdelay $0x4  }
0x20: {  	vm2 =	vgt.s32 v0, $0x0  }
0x21: {  	v0 =	vnsel vm2, $0x0, v0  }
0x22: {  	v0 =	vmin.u32 v0, $0x1FFF  }
0x23: {  	s31 =	sshll.u32 s13, $0xC;
	v1 =	vshll.u32 v0, $0x5;
	v0 =	vshll.u32 v0, $0x4  }
0x24: {  	s14 =	sand.u32 $0x3FFFF000, s31;
	v1 =	vand.u32 $0x3FF00, v1;
	v0 =	vand.u32 $0x70, v0  }
0x25: {  	p0 =	por $0x1, $0x1;
	s15 =	simm.s32 $0x0;
	s14 =	sadd.s32 $0x8100, s14;
	v0 =	vor.u32 v0, v1  }
.LBB2_6:
0x26: {  	_ =	sdelay $0x1  }
0x27: {  	s15 =	sshra.s32 s15, $0x2;
	p1 =	por p0, p0  }
.Ltmp4:
0x28: {  	s15 =	sadd.s32 s15, s14;
	(pc) =	sbr.rel @p1 .LBB2_6-.Ltmp4, $4  }
0x29: {  	[tilespmem:s15], [sflag:$0x1] =	stream.indirect_vreg.gather [hbm:s2], $0x80, v0, vm0, $0x38;
	[tilespmem:$0x10100] =	vst v63  }
0x2a: {  	s15 =	sadd.s32 $0x800, s15  }
0x2b: {  	[tilespmem:s15], [sflag:$0x1] =	stream.indirect_vreg.gather [hbm:s2], $0x80, v0, vm1, $0x38;
	[tilespmem:$0x10100] =	vst v63  }
0x2c: {  	p0 =	por $0x0, $0x0;
	v0 =	vadd.s32 $0x80, v0;
	s15 =	simm.s32 $0x1000  }
0x2d: {  	s13 =	sadd.s32 $0x1, s13  }
0x2e: {  	p0 =	sne.s32 s13, $0x8  }
.Ltmp5:
0x2f: {  	_ = 	snop;
	(pc) =	sbr.rel @p0 .LBB2_5-.Ltmp5, $1  }
0x30: {  	_ =	sdelay $0x3  }
0x31: {  	s13 =	sshll.u32 s12, $0x5  }
0x32: {  	_ =	swait.ge [sflag:s4], $0x8000;
	s31 =	sshll.u32 s12, $0x4;
	s13 =	sand.u32 $0xFFFFFF00, s13  }
0x33: {  	s14 =	simm.s32 $0x100;
	s12 =	sand.u32 $0x70, s31;
	s13 =	sadd.s32 s13, s7  }
0x34: {  	s15 =	simm.s32 $0x8900;
	[sflag:s4] =	ssyncset.done $0x0;
	s12 =	sadd.s32 s12, s13  }
0x35: {  	[sflag:s4] =	ssyncadd.s32 $0xFFFF8000;
	s13 =	simm.s32 $0x8100;
	s16 =	sadd.s32 $0x0, s12  }
.LBB2_9:
0x36: {  	[hbm:s16] =	stream.linear.scatter [tilespmem:s13], [sflag:$0x3], $0x800, $0x38;
	[tilespmem:$0x10100] =	vst v63  }
0x37: {  	s16 =	smov.u32 s14;
	s13 =	smov.u32 s15;
	p0 =	sne.s32 s14, $0xF00  }
.Ltmp6:
0x38: {  	s14 =	sadd.s32 $0x100, s14;
	(pc) =	sbr.rel @p0 .LBB2_9-.Ltmp6, $2  }
0x39: {  	_ =	sdelay $0x2  }
0x3a: {  	s15 =	sadd.s32 $0x800, s15;
	s16 =	sadd.s32 s16, s12  }
.Ltmp7:
0x3b: {  	_ = 	snop;
	(pc) =	sbr.rel .LBB2_10-.Ltmp7, $1  }
0x3c: {  	_ =	sdelay $0x3  }
.LBB2_2:
.Ltmp8:
0x3d: {  	(pc) =	sbr.rel .LBB2_12-.Ltmp8, $4  }
0x3e: {  	_ = 	snop  }
0x3f: {  	s12 =	sshrl.u32 s11, $0x3  }
0x40: {  	s13 =	sand.u32 $0x7, s11;
	s12 =	sadd.s32 s3, s12  }
0x41: {  	[tilespmem:s9], [sflag:$0x2] =	stream.linear.gather [hbm4b:s12+s13], $0x80, $0x38;
	[tilespmem:$0x10100] =	vst v63  }
.LBB2_13:
0x42: {  	s2 =	simm.s32 $0x3  }
0x43: {  	_ =	swait.ge [sflag:s2], $0x8000  }
0x44: {  	[sflag:s2] =	ssyncset.done $0x0  }
0x45: {  	[sflag:s2] =	ssyncadd.s32 $0xFFFF8000  }
0x46: {  	_ =	sfence.sel $0x180000  }
0x47: {  	s3 =	simm.s32 $0x2;
	[bflag:$0x0] =	sbarrier.arrive $0xFFFF  }
0x48: {  	[sflag:s3] =	ssyncpa.u1 $0x1  }
0x49: {  	s31 =	simm.s32 $0x1;
	[sflag:s2] =	ssyncpa.u1 $0x1  }
0x4a: {  	[sflag:s31] =	ssyncpa.u1 $0x1  }
0x4b: {  	p0 =	sne.s32 s1, $0x0;
	_ =	strace $0x9000004D  }
0x4c: {  	s0 =	sadd.s32 @!p0 $0x100000, s0;
	[bflag:$0x2] =	sbarrier.arrive $0xFFFF  }
0x4d: {  	[sflag:s0] =	ssyncadd.tile.s32 @!p0 $0x1;
	_ =	shalt  }
.Lfunc_end2:
_tile_overlayer_lowered:
.L_overlay_start_2:
0x4e: {  	(tag) =	ssettag $0x2  }
0x4f: {  	s0 =	rddreg [dreg:$0x0];
	s2 =	stileid.u32  }
0x50: {  	s1 =	rddreg [dreg:$0x1];
	p0 =	sne.s32 s2, $0x0  }
0x51: {  	s3 =	rddreg [dreg:$0x2];
	[bflag:$0x3] =	sbarrier.arrive $0xFFFF;
	s2 =	simm.s32 @!p0 $0x1C01  }
0x52: {  	[timem:s3], [sflag:s2] =	dma.local @!p0 [hbm:s0], s1  }
0x53: {  	s0 =	simm.s32 @!p0 $0x1  }
0x54: {  	_ =	swait.ge @!p0 [sflag:s0], s1  }
0x55: {  	s1 =	ssub.s32 @!p0 $0x0, s1;
	[sflag:s0] =	ssyncset.done @!p0 $0x0  }
0x56: {  	[sflag:s0] =	ssyncadd.s32 @!p0 s1  }
0x57: {  	[bflag:$0x3] =	sbarrier.arrive $0xFFFF  }
0x58: {  	_ =	shalt  }

// kernel: gather_offload_async_start
scs
__scs_entry_jumppad:
0x0: {  	(pc) =	sbr.rel $0x88, $3  }
0x1: {  	(tag) =	ssettag $0x0;
	lr =	simm.s32 $0x1  }
0x2: {  	[smem:$0x3F9D] =	sst lr;
	_ =	strace $0xD0000000  }
0x3: {  	_ = 	snop  }
0x4: {  	_ = 	snop  }
0x5: {  	_ = 	snop  }
0x6: {  	_ = 	snop  }
0x7: {  	_ = 	snop  }
__scs_overlays_trampoline_lowered:
0x8: {  	[smem:$0x3FAC] =	sst s0  }
0x9: {  	[smem:$0x3FAD] =	sst s1  }
0xa: {  	[smem:$0x3FAE] =	sst s2  }
0xb: {  	[smem:$0x3FAF] =	sst s3  }
0xc: {  	[smem:$0x3FB0] =	sst s4  }
0xd: {  	[smem:$0x3FB1] =	sst s5  }
0xe: {  	[smem:$0x3FB2] =	sst s6  }
0xf: {  	[smem:$0x3FB3] =	sst s7  }
0x10: {  	[smem:$0x3FB4] =	sst s8  }
0x11: {  	[smem:$0x3FB5] =	sst s9;
	s0 =	simm.s32 @!p0 $0x0  }
0x12: {  	s1 =	sld [smem:$0x3F9B];
	s0 =	simm.s32 @p0 $0x1  }
0x13: {  	[smem:$0x3FB6] =	sst s0;
	s0 =	simm.s32 @!p1 $0x0  }
0x14: {  	s2 =	sld [smem:$0x3F9A];
	s0 =	simm.s32 @p1 $0x1  }
0x15: {  	[smem:$0x3FB7] =	sst s0;
	s0 =	simm.s32 @!p2 $0x0  }
0x16: {  	s3 =	sld [smem:$0x3FDB];
	s0 =	simm.s32 @p2 $0x1  }
0x17: {  	s4 =	simm.s32 $0x1BF5;
	[smem:$0x3FB9] =	sst s0  }
0x18: {  	s0 =	sld [smem:$0x3F9C];
	_ =	swait.ge [sflag:s4], $0x0  }
0x19: {  	s7 =	sld [smem:$0x3F9D]  }
0x1a: {  	s8 =	sadd.s32 $0xFFFFE003, lr  }
0x1b: {  	s9 =	sadd.s32 $0xFFFFFEF7, lr;
	s5 =	simm.s32 $0xFFFFFFFF;
	p2 =	slt.u32 s8, $0xFFFFF086  }
0x1c: {  	p1 =	slt.u32 s9, $0xF7A;
	s5 =	simm.s32 @!p2 $0x0  }
0x1d: {  	s5 =	simm.s32 @p1 $0x1;
	p0 =	seq.s32 s7, s2  }
0x1e: {  	s7 =	smul.u32 @!p0 $0xF7A, s2;
	p2 =	seq.s32 @!p0 s5, $0x0  }
0x1f: {  	s9 =	smul.u32 $0xF7A, s1;
	s8 =	simm.s32 @!p0 $0x1BF5;
	p2 =	por !p2, p0  }
0x20: {  	[sflag:s8] =	ssyncset.s32 @!p0 $0xFFFFF086;
	s6 =	sadd.s32 @!p0 s3, s7;
	s7 =	simm.s32 @!p0 $0x108  }
0x21: {  	s3 =	sadd.s32 s3, s9;
	s6 =	sadd.s32 @!p0 $0x88, s6;
	s7 =	simm.s32 @p2 $0x1082  }
0x22: {  	[simem:s7], [sflag:s8] =	dma.local @!p0 [hbm:s6], $0xF7A  }
0x23: {  	s9 =	sor.u32 $0xD0000000, s2;
	s6 =	simm.s32 $0x108;
	_ =	swait.ge @!p0 [sflag:s8], $0x0  }
0x24: {  	s3 =	sadd.s32 $0x88, s3;
	s6 =	simm.s32 @!p1 $0x1082;
	[sflag:s4] =	ssyncset.s32 $0xFFFFF086  }
0x25: {  	[simem:s6], [sflag:s4] =	dma.local [hbm:s3], $0xF7A  }
0x26: {  	[smem:$0x3F9D] =	sst s1;
	(tag) =	ssettag s2;
	_ =	strace s9  }
0x27: {  	s1 =	sld [smem:$0x3FAD]  }
0x28: {  	s2 =	sld [smem:$0x3FAE]  }
0x29: {  	s4 =	sld [smem:$0x3FB0]  }
0x2a: {  	p0 =	seq.s32 s5, $0x0;
	s5 =	sld [smem:$0x3FB1]  }
0x2b: {  	s6 =	sld [smem:$0x3FB2]  }
0x2c: {  	s7 =	sld [smem:$0x3FB3]  }
0x2d: {  	s3 =	simm.s32 $0x108;
	s8 =	sld [smem:$0x3FB4]  }
0x2e: {  	s3 =	simm.s32 @!p0 $0x1082;
	s9 =	sld [smem:$0x3FB5]  }
0x2f: {  	lr =	sadd.s32 s0, s3;
	s0 =	sld [smem:$0x3FAC]  }
0x30: {  	s3 =	sld [smem:$0x3FAF]  }
0x31: {  	[smem:$0x3FB8] =	sst s10  }
0x32: {  	s10 =	sld [smem:$0x3FB6];
	_ =	sdelay $0x3  }
0x33: {  	p0 =	seq.s32 s10, $0x1;
	s10 =	sld [smem:$0x3FB8];
	_ =	sdelay $0x3  }
0x34: {  	[smem:$0x3FB8] =	sst s10  }
0x35: {  	s10 =	sld [smem:$0x3FB7];
	_ =	sdelay $0x3  }
0x36: {  	p1 =	seq.s32 s10, $0x1;
	s10 =	sld [smem:$0x3FB8];
	_ =	sdelay $0x3  }
0x37: {  	[smem:$0x3FB8] =	sst s10  }
0x38: {  	s10 =	sld [smem:$0x3FB9]  }
0x39: {  	_ = 	snop;
	(pc) =	sbr.ind lr, $3  }
0x3a: {  	_ = 	snop  }
0x3b: {  	_ = 	snop  }
0x3c: {  	p2 =	seq.s32 s10, $0x1;
	s10 =	sld [smem:$0x3FB8]  }
0x3d: {  	_ =	shalt  }
0x3e: {  	_ =	shalt  }
0x3f: {  	_ =	shalt  }
0x40: {  	_ =	shalt  }
0x41: {  	_ =	shalt  }
0x42: {  	_ =	shalt  }
0x43: {  	_ =	shalt  }
0x44: {  	_ =	shalt  }
0x45: {  	_ =	shalt  }
0x46: {  	_ =	shalt  }
0x47: {  	_ =	shalt  }
0x48: {  	_ =	shalt  }
0x49: {  	_ =	shalt  }
0x4a: {  	_ =	shalt  }
0x4b: {  	_ =	shalt  }
0x4c: {  	_ =	shalt  }
0x4d: {  	_ =	shalt  }
0x4e: {  	_ =	shalt  }
0x4f: {  	_ =	shalt  }
0x50: {  	_ =	shalt  }
0x51: {  	_ =	shalt  }
0x52: {  	_ =	shalt  }
0x53: {  	_ =	shalt  }
0x54: {  	_ =	shalt  }
0x55: {  	_ =	shalt  }
0x56: {  	_ =	shalt  }
0x57: {  	_ =	shalt  }
0x58: {  	_ =	shalt  }
0x59: {  	_ =	shalt  }
0x5a: {  	_ =	shalt  }
0x5b: {  	_ =	shalt  }
0x5c: {  	_ =	shalt  }
0x5d: {  	_ =	shalt  }
0x5e: {  	_ =	shalt  }
0x5f: {  	_ =	shalt  }
0x60: {  	_ =	shalt  }
0x61: {  	_ =	shalt  }
0x62: {  	_ =	shalt  }
0x63: {  	_ =	shalt  }
0x64: {  	_ =	shalt  }
0x65: {  	_ =	shalt  }
0x66: {  	_ =	shalt  }
0x67: {  	_ =	shalt  }
0x68: {  	_ =	shalt  }
0x69: {  	_ =	shalt  }
0x6a: {  	_ =	shalt  }
0x6b: {  	_ =	shalt  }
0x6c: {  	_ =	shalt  }
0x6d: {  	_ =	shalt  }
0x6e: {  	_ =	shalt  }
0x6f: {  	_ =	shalt  }
0x70: {  	_ =	shalt  }
0x71: {  	_ =	shalt  }
0x72: {  	_ =	shalt  }
0x73: {  	_ =	shalt  }
0x74: {  	_ =	shalt  }
0x75: {  	_ =	shalt  }
0x76: {  	_ =	shalt  }
0x77: {  	_ =	shalt  }
0x78: {  	_ =	shalt  }
0x79: {  	_ =	shalt  }
0x7a: {  	_ =	shalt  }
0x7b: {  	_ =	shalt  }
0x7c: {  	_ =	shalt  }
0x7d: {  	_ =	shalt  }
0x7e: {  	_ =	shalt  }
0x7f: {  	_ =	shalt  }
0x80: {  	_ =	shalt  }
0x81: {  	_ =	shalt  }
0x82: {  	_ =	shalt  }
0x83: {  	_ =	shalt  }
0x84: {  	_ =	shalt  }
0x85: {  	_ =	shalt  }
0x86: {  	_ =	shalt  }
0x87: {  	_ =	shalt  }
.Lfunc_end0:
.L_simem_size_0:
called_computation_lowered:
.L_overlay_start_0:
0x88: {  	s2 =	sld [smem:$0x3FD9]  }
0x89: {  	s3 =	sld [smem:$0x3FFE];
	_ =	sdelay $0x1  }
0x8a: {  	s1 =	srdreg.scid  }
0x8b: {  	s0 =	sand.u32 $0x1, s1  }
0x8c: {  	s15 =	sshll.u32 s0, $0xA;
	s2 =	sadd.s32 s3, s2  }
0x8d: {  	s2 =	sadd.s32 s2, s15  }
0x8e: {  	[smem:$0x3FC4] =	sst s2  }
0x8f: {  	_ = 	snop  }
0x90: {  	s2 =	sld [smem:$0x3FD0];
	_ =	sdelay $0x2  }
0x91: {  	s4 =	simm.s32 $0xA;
	s5 =	simm.s32 $0x10;
	s16 =	sld [smem:$0x3FC8]  }
0x92: {  	[smem:s5], [sflag:s4] =	dma.local [hbm:s2], $0x1  }
0x93: {  	_ =	swait.eq [sflag:s4], $0x1  }
0x94: {  	[sflag:s4] =	ssyncset.done $0x0  }
0x95: {  	s17 =	sld [smem:$0x13];
	[sflag:s4] =	ssyncadd.s32 $0xFFFFFFFF  }
0x96: {  	s18 =	sld [smem:$0x14];
	(tm) =	ssettm $0x1  }
0x97: {  	s19 =	sld [smem:$0x3FFB];
	_ =	sdelay $0x3  }
0x98: {  	_ =	strace s19  }
0x99: {  	s5 =	sld [smem:$0x3FFC];
	_ =	sdelay $0x3  }
0x9a: {  	_ =	strace s5  }
0x9b: {  	s5 =	sld [smem:$0x3FFD];
	_ =	sdelay $0x3  }
0x9c: {  	_ =	strace s5  }
0x9d: {  	_ =	strace $0x8FFFFFFF  }
0x9e: {  	s20 =	sld [smem:$0x3FDB];
	_ =	sdelay $0x1  }
0x9f: {  	s6 =	simm.s32 $_scs_section_size  }
0xa0: {  	s7 =	simm.s32 $_size__tile_overlayer_lowered;
	s8 =	simm.s32 $_tile_overlayer_lowered  }
0xa1: {  	s23 =	simm.s32 $0x1BFF;
	s22 =	sshll.u32 s8, $0x1;
	s5 =	sadd.s32 s6, s20  }
0xa2: {  	s9 =	simm.s32 $0x0;
	s21 =	sshll.u32 s7, $0x1;
	s7 =	sadd.s32 s22, s5  }
0xa3: {  	[timem:s9], [sflag:s23] =	dma.local [hbm:s7], s21  }
0xa4: {  	_ =	swait.ge [sflag:s23], s21  }
0xa5: {  	s6 =	ssub.s32 $0x0, s21;
	[sflag:s23] =	ssyncset.done $0x0  }
0xa6: {  	[sflag:s23] =	ssyncadd.s32 s6;
	_ =	sdelay $0x1  }
0xa7: {  	s24 =	simm.s32 $0x1B8B  }
0xa8: {  	_ =	swait.ge [sflag:s24], $0x1  }
0xa9: {  	[sflag:s24] =	ssyncset.done $0x0  }
0xaa: {  	s25 =	simm.s32 $0x1B8E;
	[sflag:s24] =	ssyncadd.s32 $0xFFFFFFFF  }
0xab: {  	s26 =	simm.s32 $execute0_lowered;
	[smem:$0x3FD2] =	sst s25  }
0xac: {  	s6 =	sshll.u32 s26, $0x1;
	_ =	strace $0x80000046;
	[dreg:$0x1] =	wrdreg $0xFFFFFFFF  }
0xad: {  	s28 =	simm.s32 $_size_execute0_lowered;
	s5 =	sadd.s32 s5, s6;
	[dreg:$0x0] =	wrdreg $0x0  }
0xae: {  	s6 =	sshll.u32 s28, $0x1;
	[dreg:$0x2] =	wrdreg s5  }
0xaf: {  	[dreg:$0x3] =	wrdreg s6  }
0xb0: {  	[dreg:$0x4] =	wrdreg $0xC0  }
0xb1: {  	_ =	task [dreg:s9], $0x5FFFF  }
0xb2: {  	[dreg:$0x1] =	wrdreg $0xFFFFFFFF  }
0xb3: {  	[dreg:$0x0] =	wrdreg $0x60  }
0xb4: {  	[dreg:$0x2] =	wrdreg s16  }
0xb5: {  	[dreg:$0x3] =	wrdreg s18  }
0xb6: {  	[dreg:$0x4] =	wrdreg s17  }
0xb7: {  	[dreg:$0x5] =	wrdreg $0x9  }
0xb8: {  	_ =	task.clear_ibuf [dreg:s9], $0x6FFFF;
	_ =	strace $0x90000046  }
0xb9: {  	s29 =	simm.s32 $0x9;
	_ =	strace $0x80000048  }
0xba: {  	_ =	swait.ge [sflag:s29], $0x1  }
0xbb: {  	[sflag:s29] =	ssyncadd.s32 $0xFFFFFFFF  }
0xbc: {  	_ =	strace $0x90000048  }
0xbd: {  	_ =	sfence  }
0xbe: {  	s30 =	sld [smem:$0x0];
	_ =	sdelay $0x2  }
0xbf: {  	s31 =	sshll.u32 s1, $0xD;
	s1 =	sshrl.u32 s1, $0x2  }
0xc0: {  	s3 =	sand.u32 $0x4000, s31;
	s1 =	sadd.s32 s1, s30  }
0xc1: {  	s0 =	sor.u32 s3, s0;
	s1 =	sshll.u32 s1, $0x11  }
0xc2: {  	s0 =	sor.u32 s1, s0  }
0xc3: {  	s0 =	sadd.s32 $0x8F2B, s0  }
0xc4: {  	[sflag:s0] =	ssyncadd.remote.s32 $0x1  }
0xc5: {  	_ =	sfence.sel $0xFFFF  }
0xc6: {  	[dreg:$0x0] =	wrdreg $0xFFFFFFFF;
	(pc) =	sbr.abs _section_cstart, $3  }
0xc7: {  	[dreg:$0x1] =	wrdreg $0xFFFFFFFF  }
0xc8: {  	_ =	task.clear_ibuf [dreg:s9], $0x2FFFF;
	_ =	strace $0x9FFFFFFF  }
0xc9: {  	(tm) =	ssettm $0x7FFFFFFF  }
tec
execute0_lowered:
.L_overlay_start_1:
0x0: {  	(tag) =	ssettag $0x1  }
0x1: {  	s0 =	srdreg.scid  }
0x2: {  	s1 =	sshll.u32 s0, $0x4  }
0x3: {  	s0 =	stileid.u32;
	s1 =	sand.u32 $0x10, s1  }
0x4: {  	s1 =	sor.u32 s0, s1  }
0x5: {  	s4 =	rddreg [dreg:$0x1];
	s2 =	smin.u32 s1, $0x14  }
0x6: {  	p0 =	slt.u32 s1, $0x14;
	s3 =	sadd.s32 s1, s2;
	s1 =	simm.s32 $0x40  }
0x7: {  	s5 =	rddreg [dreg:$0x2];
	s3 =	sshll.u32 s3, $0x5;
	s1 =	simm.s32 @!p0 $0x20  }
0x8: {  	s7 =	simm.s32 $0x1;
	s8 =	simm.s32 $0x2;
	s1 =	sadd.s32 s1, s3  }
0x9: {  	s10 =	simm.s32 $0x3;
	s13 =	simm.s32 $0x0;
	s6 =	smin.u32 s1, $0x680  }
.Ltmp0:
0xa: {  	s2 =	rddreg [dreg:$0x0];
	s9 =	ssub.s32 s6, s3;
	(pc) =	sbr.rel .LBB2_1-.Ltmp0, $4  }
0xb: {  	s1 =	rddreg [dreg:$0x3];
	_ =	strace $0x80000047;
	p0 =	sgt.s32 s9, $0x0  }
0xc: {  	s12 =	simm.s32 $0x0;
	[sflag:s7] =	ssyncpa.u1 $0x0;
	s9 =	simm.s32 @!p0 $0x0  }
0xd: {  	s11 =	smov.u32 s3;
	[sflag:s8] =	ssyncpa.u1 $0x0;
	s9 =	sshrl.u32 s9, $0x5  }
0xe: {  	vm0 =	vmmov $0xff;
	vm1 =	vcmask $0x3F20;
	[sflag:s10] =	ssyncpa.u1 $0x0;
	p0 =	por $0x0, $0x0;
	s10 =	sadd.s32 $0x1, s9  }
.LBB2_8:
0xf: {  	[hbm:s17] =	stream.linear.scatter [tilespmem:s14], [sflag:$0x3], $0x800, $0x38;
	[tilespmem:$0x4040] =	vst v63  }
.LBB2_9:
0x10: {  	s13 =	sadd.s32 $0x20, s11  }
0x11: {  	s15 =	smov.u32 s3;
	p2 =	slt.s32 s13, s6  }
0x12: {  	s15 =	smov.u32 @p2 s13;
	p2 =	sne.s32 s12, s10  }
.Ltmp1:
0x13: {  	p1 =	slt.u32 s12, $0x2;
	(pc) =	sbr.rel @!p2 .LBB2_10-.Ltmp1, $4  }
0x14: {  	s14 =	simm.s32 @!p1 $0x3  }
0x15: {  	s16 =	sadd.s32 $0x1, s12;
	_ =	swait.ge @!p1 [sflag:s14], $0x2000  }
0x16: {  	p0 =	por !p0, !p0;
	s13 =	smov.u32 s11;
	[sflag:s14] =	ssyncset.done @!p1 $0x0  }
0x17: {  	s12 =	smov.u32 s16;
	s11 =	smov.u32 s15;
	[sflag:s14] =	ssyncadd.s32 @!p1 $0xFFFFE000  }
.LBB2_1:
0x18: {  	p1 =	sge.u32 s12, s9  }
0x19: {  	s14 =	sxor.u32 @!p1 $0xFFFFFFFF, s12  }
0x1a: {  	s31 =	sadd.s32 $0xFFFFFFFF, s12;
	s15 =	sshrl.u32 @!p1 s11, $0x3;
	s14 =	sshll.u32 @!p1 s14, $0x5  }
0x1b: {  	s16 =	sand.u32 @!p1 $0x7, s11;
	s15 =	sadd.s32 @!p1 s4, s15;
	s14 =	sand.u32 @!p1 $0x20, s14  }
0x1c: {  	[tilespmem:s14], [sflag:$0x2] =	stream.linear.gather @!p1 [hbm4b:s15+s16], $0x20, $0x38;
	[tilespmem:$0x4040] =	vst v63  }
0x1d: {  	p1 =	sge.u32 s31, s9  }
.Ltmp2:
0x1e: {  	_ = 	snop;
	(pc) =	sbr.rel @p1 .LBB2_9-.Ltmp2, $1  }
0x1f: {  	_ =	sdelay $0x3  }
0x20: {  	s14 =	simm.s32 $0x1  }
0x21: {  	_ =	swait.ge [sflag:s8], $0x20;
	s16 =	sand.u32 $0x1, s12;
	s17 =	simm.s32 $0x0  }
0x22: {  	p2 =	por $0x1, $0x1;
	s14 =	simm.s32 @!p0 $0x0;
	[sflag:s8] =	ssyncset.done $0x0  }
0x23: {  	s15 =	sshll.u32 s16, $0x5;
	s16 =	sshll.u32 s16, $0xD;
	s14 =	sshll.u32 s14, $0xD  }
0x24: {  	[sflag:s8] =	ssyncadd.s32 $0xFFFFFFE0;
	s16 =	sor.u32 $0x40, s16;
	s14 =	sor.u32 $0x40, s14  }
.LBB2_3:
0x25: {  	s18 =	sshll.u32 s17, $0x4  }
0x26: {  	s18 =	sand.u32 $0x3FFFFFF0, s18  }
0x27: {  	s18 =	sadd.s32 s18, s15  }
0x28: {  	v0 =	vld.msk [tilespmem:s18+$0x0 ss:$0x1], $0xffff;
	_ =	sdelay $0x4  }
0x29: {  	vm2 =	vgt.s32 v0, $0x0  }
0x2a: {  	v0 =	vnsel vm2, $0x0, v0  }
0x2b: {  	v0 =	vmin.u32 v0, $0x1FFF  }
0x2c: {  	s31 =	sshll.u32 s17, $0xC;
	v1 =	vshll.u32 v0, $0x5;
	v0 =	vshll.u32 v0, $0x4  }
0x2d: {  	p1 =	por p2, p2;
	s17 =	sand.u32 $0x3FFFF000, s31;
	v1 =	vand.u32 $0x3FF00, v1;
	v0 =	vand.u32 $0x70, v0  }
0x2e: {  	p2 =	por $0x1, $0x1;
	s17 =	sadd.s32 s17, s16;
	s18 =	simm.s32 $0x0;
	v0 =	vor.u32 v0, v1  }
.LBB2_4:
0x2f: {  	_ =	sdelay $0x1  }
0x30: {  	s18 =	sshra.s32 s18, $0x2;
	p3 =	por p2, p2  }
.Ltmp3:
0x31: {  	s18 =	sadd.s32 s18, s17;
	(pc) =	sbr.rel @p3 .LBB2_4-.Ltmp3, $4  }
0x32: {  	[tilespmem:s18], [sflag:$0x1] =	stream.indirect_vreg.gather [hbm:s2], $0x80, v0, vm0, $0x38;
	[tilespmem:$0x4040] =	vst v63  }
0x33: {  	s18 =	sadd.s32 $0x800, s18  }
0x34: {  	[tilespmem:s18], [sflag:$0x1] =	stream.indirect_vreg.gather [hbm:s2], $0x80, v0, vm1, $0x38;
	[tilespmem:$0x4040] =	vst v63  }
0x35: {  	p2 =	por $0x0, $0x0;
	v0 =	vadd.s32 $0x80, v0;
	s18 =	simm.s32 $0x1000  }
.Ltmp4:
0x36: {  	(pc) =	sbr.rel @p1 .LBB2_3-.Ltmp4, $2  }
0x37: {  	_ =	sdelay $0x2  }
0x38: {  	s17 =	simm.s32 $0x1;
	p2 =	por $0x0, $0x0  }
0x39: {  	s15 =	sshll.u32 s13, $0x5  }
0x3a: {  	s31 =	sshll.u32 s13, $0x4;
	s15 =	sand.u32 $0xFFFFFF00, s15  }
0x3b: {  	_ =	swait.ge [sflag:s7], $0x2000;
	s13 =	sand.u32 $0x70, s31;
	s15 =	sadd.s32 s15, s5  }
0x3c: {  	s16 =	sadd.s32 $0x800, s14;
	[sflag:s7] =	ssyncset.done $0x0;
	s13 =	sadd.s32 s13, s15  }
0x3d: {  	[sflag:s7] =	ssyncadd.s32 $0xFFFFE000;
	s15 =	simm.s32 $0x100;
	s17 =	sadd.s32 $0x0, s13  }
.LBB2_7:
0x3e: {  	[hbm:s17] =	stream.linear.scatter [tilespmem:s14], [sflag:$0x3], $0x800, $0x38;
	[tilespmem:$0x4040] =	vst v63  }
0x3f: {  	s17 =	smov.u32 s15;
	s14 =	smov.u32 s16;
	p1 =	sne.s32 s15, $0x300  }
.Ltmp5:
0x40: {  	s15 =	sadd.s32 $0x100, s15;
	(pc) =	sbr.rel @p1 .LBB2_7-.Ltmp5, $2  }
0x41: {  	_ =	sdelay $0x2  }
0x42: {  	s16 =	sadd.s32 $0x800, s16;
	s17 =	sadd.s32 s17, s13  }
.Ltmp6:
0x43: {  	_ = 	snop;
	(pc) =	sbr.rel .LBB2_8-.Ltmp6, $1  }
0x44: {  	_ =	sdelay $0x3  }
.LBB2_10:
0x45: {  	_ =	sfence.sel $0x180000  }
0x46: {  	s2 =	simm.s32 $0x2;
	[bflag:$0x0] =	sbarrier.arrive $0xFFFF  }
0x47: {  	s30 =	simm.s32 $0x3;
	[sflag:s2] =	ssyncpa.u1 $0x1  }
0x48: {  	s31 =	simm.s32 $0x1;
	[sflag:s30] =	ssyncpa.u1 $0x1  }
0x49: {  	[sflag:s31] =	ssyncpa.u1 $0x1  }
0x4a: {  	p0 =	sne.s32 s0, $0x0;
	_ =	strace $0x90000047  }
0x4b: {  	s0 =	sadd.s32 @!p0 $0x100000, s1;
	[bflag:$0x2] =	sbarrier.arrive $0xFFFF  }
0x4c: {  	[sflag:s0] =	ssyncadd.tile.s32 @!p0 $0x1;
	_ =	shalt  }
.Lfunc_end2:
_tile_overlayer_lowered:
.L_overlay_start_2:
0x4d: {  	(tag) =	ssettag $0x2  }
0x4e: {  	s0 =	rddreg [dreg:$0x0];
	s2 =	stileid.u32  }
0x4f: {  	s1 =	rddreg [dreg:$0x1];
	p0 =	sne.s32 s2, $0x0  }
0x50: {  	s3 =	rddreg [dreg:$0x2];
	[bflag:$0x3] =	sbarrier.arrive $0xFFFF;
	s2 =	simm.s32 @!p0 $0x1C01  }
0x51: {  	[timem:s3], [sflag:s2] =	dma.local @!p0 [hbm:s0], s1  }
0x52: {  	s0 =	simm.s32 @!p0 $0x1  }
0x53: {  	_ =	swait.ge @!p0 [sflag:s0], s1  }
0x54: {  	s1 =	ssub.s32 @!p0 $0x0, s1;
	[sflag:s0] =	ssyncset.done @!p0 $0x0  }
0x55: {  	[sflag:s0] =	ssyncadd.s32 @!p0 s1  }
0x56: {  	[bflag:$0x3] =	sbarrier.arrive $0xFFFF  }
0x57: {  	_ =	shalt  }

</sc_bundles>
